<compile_context>
chip_gen: v7x
topology: tpu7x:2x2x1
jax: 0.10.2.dev20260603
libtpu: 0.0.44.dev20260713+nightly
codegen_flags: <defaults>
</compile_context>

<pallas_src>
import functools

import jax
import jax.numpy as jnp
from jax import lax
from jax.experimental import pallas as pl
from jax.experimental.pallas import tpu as pltpu
from jax.experimental.pallas import tpu_sc as plsc

N = 10000
E = 320000
D = 128

NC = 2
NS = 16
NW = NC * NS

E_PAD = 327680
N_PAD = 10240
ACC_PER_TILE = N_PAD // NS

L1 = 128
ROWS1 = E_PAD // L1
R1_C0 = 80
R1_C1 = 80
SEG1 = 8

L2 = 64
ROWS2 = E_PAD // L2
R2_C0 = 160
R2_C1 = 160
SEG2 = 16

_mesh = plsc.VectorSubcoreMesh(
    core_axis_name="c", subcore_axis_name="s", num_cores=NC, num_subcores=NS
)


@functools.partial(
    pl.kernel,
    out_type=jax.ShapeDtypeStruct((NC, N_PAD, D), jnp.float32),
    mesh=_mesh,
    scratch_types=[
        pltpu.VMEM((SEG1, L1), jnp.int32),
        pltpu.VMEM((SEG1, L1), jnp.int32),
        pltpu.VMEM((L1, D), jnp.float32),
        pltpu.VMEM((L1, D), jnp.float32),
        pltpu.VMEM_SHARED((N_PAD, D), jnp.float32),
        pltpu.SemaphoreType.DMA,
        pltpu.SemaphoreType.DMA,
        pltpu.SemaphoreType.DMA,
        pltpu.SemaphoreType.DMA,
    ],
)
def _sc_segsum(src_hbm, dst_hbm, x_hbm, z_hbm, out_hbm,
               sidx, didx, rows0, rows1, acc, semg0, semg1, sems0, sems1):
    c = lax.axis_index("c")
    s = lax.axis_index("s")
    base = s * ACC_PER_TILE
    row0 = jnp.where(c == 0, s * R1_C0, NS * R1_C0 + s * R1_C1)
    nseg = jnp.where(c == 0, R1_C0 // SEG1, R1_C1 // SEG1)

    pltpu.sync_copy(z_hbm.at[pl.ds(0, L1)], rows0)
    for t in range(ACC_PER_TILE // L1):
        pltpu.sync_copy(rows0, acc.at[pl.ds(base + t * L1, L1)])
    plsc.subcore_barrier()

    rows = (rows0, rows1)
    semg = (semg0, semg1)
    sems = (sems0, sems1)

    def gather(i, b):
        return pltpu.async_copy(x_hbm.at[sidx.at[i]], rows[b], semg[b])

    def scatter(i, b):
        return pltpu.async_copy(rows[b], acc.at[didx.at[i]], sems[b], add=True)

    def segment(h, carry):
        r0 = row0 + h * SEG1
        pltpu.sync_copy(src_hbm.at[pl.ds(r0, SEG1)], sidx)
        pltpu.sync_copy(dst_hbm.at[pl.ds(r0, SEG1)], didx)
        g0 = gather(0, 0)
        g1 = gather(1, 1)

        def pair(j, carry2):
            e = 2 * j
            g0.wait()
            sc0 = scatter(e, 0)
            g1.wait()
            sc1 = scatter(e + 1, 1)
            sc0.wait()
            gather(e + 2, 0)
            sc1.wait()
            gather(e + 3, 1)
            return carry2

        lax.fori_loop(0, SEG1 // 2 - 1, pair, 0)
        e = SEG1 - 2
        g0.wait()
        sc0 = scatter(e, 0)
        g1.wait()
        sc1 = scatter(e + 1, 1)
        sc0.wait()
        sc1.wait()
        return carry

    lax.fori_loop(0, nseg, segment, 0)
    plsc.subcore_barrier()
    pltpu.sync_copy(
        acc.at[pl.ds(base, ACC_PER_TILE)],
        out_hbm.at[c, pl.ds(base, ACC_PER_TILE)],
    )


@functools.partial(
    pl.kernel,
    out_type=jax.ShapeDtypeStruct((NC, N_PAD, D), jnp.float32),
    mesh=_mesh,
    scratch_types=[
        pltpu.VMEM((SEG2, L2), jnp.int32),
        pltpu.VMEM((SEG2, L2), jnp.int32),
        pltpu.VMEM((L2, D), jnp.float32),
        pltpu.VMEM((L2, D), jnp.float32),
        pltpu.VMEM((L2, D), jnp.float32),
        pltpu.VMEM((L2, D), jnp.float32),
        pltpu.VMEM_SHARED((N_PAD, D), jnp.float32),
        pltpu.SemaphoreType.DMA,
        pltpu.SemaphoreType.DMA,
        pltpu.SemaphoreType.DMA,
        pltpu.SemaphoreType.DMA,
    ],
)
def _sc_message(src_hbm, dst_hbm, ek_hbm, a_hbm, z_hbm, out_hbm,
                sidx, didx, k0b, k1b, a0b, a1b, acc,
                semg0, semg1, sems0, sems1):
    c = lax.axis_index("c")
    s = lax.axis_index("s")
    base = s * ACC_PER_TILE
    row0 = jnp.where(c == 0, s * R2_C0, NS * R2_C0 + s * R2_C1)
    nseg = jnp.where(c == 0, R2_C0 // SEG2, R2_C1 // SEG2)

    pltpu.sync_copy(z_hbm.at[pl.ds(0, L2)], k0b)
    for t in range(ACC_PER_TILE // L2):
        pltpu.sync_copy(k0b, acc.at[pl.ds(base + t * L2, L2)])
    plsc.subcore_barrier()

    kb = (k0b, k1b)
    ab = (a0b, a1b)
    semg = (semg0, semg1)
    sems = (sems0, sems1)

    def gather(i, b):
        gk = pltpu.async_copy(ek_hbm.at[sidx.at[i]], kb[b], semg[b])
        ga = pltpu.async_copy(a_hbm.at[didx.at[i]], ab[b], semg[b])
        return gk, ga

    def scatter(i, b):
        return pltpu.async_copy(ab[b], acc.at[didx.at[i]], sems[b], add=True)

    def compute(b):
        krows = kb[b]
        arows = ab[b]

        def relu_row(r, carry2):
            for q in range(D // 16):
                sl = pl.ds(q * 16, 16)
                arows[r, sl] = jnp.maximum(arows[r, sl] + krows[r, sl], 0.0)
            return carry2

        lax.fori_loop(0, L2, relu_row, 0)

    def segment(h, carry):
        r0 = row0 + h * SEG2
        pltpu.sync_copy(src_hbm.at[pl.ds(r0, SEG2)], sidx)
        pltpu.sync_copy(dst_hbm.at[pl.ds(r0, SEG2)], didx)
        gk0, ga0 = gather(0, 0)
        gk1, ga1 = gather(1, 1)

        def pair(j, carry2):
            e = 2 * j
            gk0.wait()
            ga0.wait()
            compute(0)
            sc0 = scatter(e, 0)
            gk1.wait()
            ga1.wait()
            compute(1)
            sc1 = scatter(e + 1, 1)
            sc0.wait()
            gather(e + 2, 0)
            sc1.wait()
            gather(e + 3, 1)
            return carry2

        lax.fori_loop(0, SEG2 // 2 - 1, pair, 0)
        e = SEG2 - 2
        gk0.wait()
        ga0.wait()
        compute(0)
        sc0 = scatter(e, 0)
        gk1.wait()
        ga1.wait()
        compute(1)
        sc1 = scatter(e + 1, 1)
        sc0.wait()
        sc1.wait()
        return carry

    lax.fori_loop(0, nseg, segment, 0)
    plsc.subcore_barrier()
    pltpu.sync_copy(
        acc.at[pl.ds(base, ACC_PER_TILE)],
        out_hbm.at[c, pl.ds(base, ACC_PER_TILE)],
    )


_BR = 2000


def _tc_qk_body(x_ref, wq_ref, wk_ref, bq_ref, eq_ref, ek_ref):
    xb = x_ref[...]
    eq_ref[...] = (
        jnp.dot(xb, wq_ref[...], preferred_element_type=jnp.float32,
                precision=lax.Precision.HIGHEST)
        + bq_ref[...]
    )
    ek_ref[...] = jnp.dot(xb, wk_ref[...], preferred_element_type=jnp.float32,
                          precision=lax.Precision.HIGHEST)


def _tc_neigh_body(p0_ref, p1_ref, eq_ref, wn_ref, a_ref):
    sb = p0_ref[0] + p1_ref[0]
    a_ref[...] = eq_ref[...] + jnp.dot(
        sb, wn_ref[...], preferred_element_type=jnp.float32,
        precision=lax.Precision.HIGHEST)


def _tc_out_body(f0_ref, f1_ref, wr_ref, br_ref, rst_ref):
    sb = f0_ref[0] + f1_ref[0]
    rst_ref[...] = (
        jnp.dot(sb, wr_ref[...], preferred_element_type=jnp.float32,
                precision=lax.Precision.HIGHEST)
        + br_ref[...]
    )


def _full(shape):
    return pl.BlockSpec(shape, lambda i: tuple(0 for _ in shape))


def kernel(x, edge_index, Wq, bq, Wk, Wn, Wr, br):
    src = edge_index[0]
    dst = edge_index[1]
    pad = E_PAD - E
    pad_src = jnp.arange(pad, dtype=jnp.int32) % N
    src_f = jnp.concatenate([src, pad_src])
    pad_dst = N + (jnp.arange(pad, dtype=jnp.int32) % (N_PAD - N))
    dst_f = jnp.concatenate([dst, pad_dst])
    src_p1 = src_f.reshape(ROWS1, L1)
    dst_p1 = dst_f.reshape(ROWS1, L1)
    src_p2 = src_f.reshape(ROWS2, L2)
    dst_p2 = dst_f.reshape(ROWS2, L2)
    zeros = jnp.zeros((L1, D), jnp.float32)

    eq, ek = pl.pallas_call(
        _tc_qk_body,
        grid=(N // _BR,),
        in_specs=[
            pl.BlockSpec((_BR, D), lambda i: (i, 0)),
            _full((D, D)),
            _full((D, D)),
            _full((1, D)),
        ],
        out_specs=[
            pl.BlockSpec((_BR, D), lambda i: (i, 0)),
            pl.BlockSpec((_BR, D), lambda i: (i, 0)),
        ],
        out_shape=[
            jax.ShapeDtypeStruct((N, D), jnp.float32),
            jax.ShapeDtypeStruct((N, D), jnp.float32),
        ],
    )(x, Wq, Wk, bq.reshape(1, D))

    p = _sc_segsum(src_p1, dst_p1, x, zeros)

    a = pl.pallas_call(
        _tc_neigh_body,
        grid=(N // _BR,),
        in_specs=[
            pl.BlockSpec((1, _BR, D), lambda i: (0, i, 0)),
            pl.BlockSpec((1, _BR, D), lambda i: (1, i, 0)),
            pl.BlockSpec((_BR, D), lambda i: (i, 0)),
            _full((D, D)),
        ],
        out_specs=pl.BlockSpec((_BR, D), lambda i: (i, 0)),
        out_shape=jax.ShapeDtypeStruct((N, D), jnp.float32),
    )(p, p, eq, Wn)

    a_pad = jnp.concatenate([a, jnp.zeros((N_PAD - N, D), jnp.float32)])

    f = _sc_message(src_p2, dst_p2, ek, a_pad, zeros)

    rst = pl.pallas_call(
        _tc_out_body,
        grid=(N // _BR,),
        in_specs=[
            pl.BlockSpec((1, _BR, D), lambda i: (0, i, 0)),
            pl.BlockSpec((1, _BR, D), lambda i: (1, i, 0)),
            _full((D, D)),
            _full((1, D)),
        ],
        out_specs=pl.BlockSpec((_BR, D), lambda i: (i, 0)),
        out_shape=jax.ShapeDtypeStruct((N, D), jnp.float32),
    )(f, f, Wr, br.reshape(1, D))
    return rst

# --- scband reference (transcript-rebuilt; emitter-appended) ---
"""Pipeline reference for scband-sincconv-57440892617197 (READ-ONLY COPY).

The authoritative reference and input builder live on the scoring server;
editing this copy changes nothing except your own understanding.
"""

import jax, jax.numpy as jnp
import numpy as np

N = 10000
E = 320000
D_IN = 128
D_HID = 128
D_OUT = 128


def setup_inputs(seed: int = 0) -> dict:
    key = jax.random.key(seed)
    k1, k2, k3, k4, k5, k6, k7, k8 = jax.random.split(key, 8)
    x = jax.random.normal(k1, (N, D_IN), dtype=jnp.float32)
    edge_index = jax.random.randint(k2, (2, E), 0, N, dtype=jnp.int32)
    Wq = jax.random.normal(k3, (D_IN, D_HID), dtype=jnp.float32) / np.sqrt(D_IN)
    bq = jnp.zeros((D_HID,), dtype=jnp.float32)
    Wk = jax.random.normal(k4, (D_IN, D_HID), dtype=jnp.float32) / np.sqrt(D_IN)
    Wn = jax.random.normal(k5, (D_IN, D_HID), dtype=jnp.float32) / np.sqrt(D_IN)
    Wr = jax.random.normal(k6, (D_HID, D_OUT), dtype=jnp.float32) / np.sqrt(D_HID)
    br = jnp.zeros((D_OUT,), dtype=jnp.float32)
    return {"x": x, "edge_index": edge_index, "Wq": Wq, "bq": bq, "Wk": Wk, "Wn": Wn, "Wr": Wr, "br": br}


def reference(x, edge_index, Wq, bq, Wk, Wn, Wr, br):
    # SINCConv with agg_type='sum', neigh_agg_type='sum', dropout=0 (eval):
    # h_u = W_R @ sum_{v in N(u)} sigma(W_Q h_u + W_K h_v + W_N sum_{w in N(u)} h_w)
    # DGL edge (src, dst): messages flow src -> dst; N(u) = in-neighbors of u.
    src = edge_index[0]
    dst = edge_index[1]
    n = x.shape[0]
    # with agg_type='sum', all degree norms are 1
    eq = x @ Wq + bq                      # linear_query (inner_bias=True)
    ek = x @ Wk                           # linear_key (no bias)
    # first update_all: en[u] = sum_{v -> u} x[v]
    en_sum = jax.ops.segment_sum(x[src], dst, num_segments=n)
    en = en_sum @ Wn                      # linear_neigh (no bias)
    # second update_all: m_{v->u} = sigma(eq[u] + ek[v] + en[u]); ft[u] = sum m
    msg = jax.nn.relu(eq[dst] + ek[src] + en[dst])
    ft = jax.ops.segment_sum(msg, dst, num_segments=n)
    # outer linear_relation applied after aggregation (agg_type == 'sum')
    rst = ft @ Wr + br
    return rst

if __name__ == "__main__":
    import jax
    _d = setup_inputs()
    print(jax.jit(kernel)(*tuple(_d.values())))

</pallas_src>

<mosaic_0001>
#map = affine_map<(d0, d1) -> (0, 0)>
#map1 = affine_map<(d0, d1) -> (0, 0, 0)>
module attributes {stable_mosaic.version = 14 : i64} {
  func.func @_sc_segsum(%arg0: i32, %arg1: i32, %arg2: memref<2560x128xi32, #tpu.memory_space<hbm>>, %arg3: memref<2560x128xi32, #tpu.memory_space<hbm>>, %arg4: memref<10000x128xf32, #tpu.memory_space<hbm>>, %arg5: memref<128x128xf32, #tpu.memory_space<hbm>>, %arg6: memref<2x10240x128xf32, #tpu.memory_space<hbm>>, %arg7: memref<8x128xi32, #tpu.memory_space<vmem>>, %arg8: memref<8x128xi32, #tpu.memory_space<vmem>>, %arg9: memref<128x128xf32, #tpu.memory_space<vmem>>, %arg10: memref<128x128xf32, #tpu.memory_space<vmem>>, %arg11: memref<10240x128xf32, #tpu.memory_space<vmem_shared>>, %arg12: memref<!tpu.dma_semaphore, #tpu.memory_space<semaphore_mem>>, %arg13: memref<!tpu.dma_semaphore, #tpu.memory_space<semaphore_mem>>, %arg14: memref<!tpu.dma_semaphore, #tpu.memory_space<semaphore_mem>>, %arg15: memref<!tpu.dma_semaphore, #tpu.memory_space<semaphore_mem>>) attributes {dimension_semantics = [#tpu.dimension_semantics<core_parallel>, #tpu.dimension_semantics<subcore_parallel>], iteration_bounds = array<i64: 2, 16>, scalar_prefetch = 0 : i64, scratch_operands = 9 : i64, tpu.core_type = #tpu.core_type<sc_vector_subcore>, window_params = [{transform_indices = #map}, {transform_indices = #map}, {transform_indices = #map}, {transform_indices = #map}, {transform_indices = #map1}]} {
    %mul3A = arith.constant 640 : i32
    %mul3A_0 = arith.muli %arg1, %mul3A : i32
    %eq3A = arith.constant 0 : i32
    %eq3A_1 = arith.cmpi eq, %arg0, %eq3A : i32
    %mul3A_2 = arith.constant 80 : i32
    %mul3A_3 = arith.muli %arg1, %mul3A_2 : i32
    %mul3A_4 = arith.constant 80 : i32
    %mul3A_5 = arith.muli %arg1, %mul3A_4 : i32
    %add3A = arith.constant 1280 : i32
    %add3A_6 = arith.addi %add3A, %mul3A_5 : i32
    %select_n3A = arith.select %eq3A_1, %mul3A_3, %add3A_6 : i32
    %eq3A_7 = arith.constant 0 : i32
    %eq3A_8 = arith.cmpi eq, %arg0, %eq3A_7 : i32
    %jit3A = arith.constant 10 : i32
    %jit3A_9 = arith.constant 10 : i32
    %select_n3A_10 = arith.select %eq3A_8, %jit3A, %jit3A_9 : i32
    "tpu.region"() ({
      %run_scoped3A = tpu.sem_alloc : memref<!tpu.dma_semaphore, #tpu.memory_space<semaphore_mem>>
      %dma_start3A = arith.constant 0 : i32
      %dma_start3A_31 = arith.constant 0 : i32
      %dma_start3A_32 = tpu.memref_slice %arg5[%dma_start3A, %dma_start3A_31] : memref<128x128xf32, #tpu.memory_space<hbm>> -> memref<128x128xf32, #tpu.memory_space<hbm>>
      %dma_start3A_33 = arith.constant 0 : i32
      %dma_start3A_34 = arith.constant 0 : i32
      %dma_start3A_35 = tpu.memref_slice %arg5[%dma_start3A_33, %dma_start3A_34] : memref<128x128xf32, #tpu.memory_space<hbm>> -> memref<128x128xf32, #tpu.memory_space<hbm>>
      tpu.enqueue_dma source(%dma_start3A_35 : memref<128x128xf32, #tpu.memory_space<hbm>>) target(%arg9 : memref<128x128xf32, #tpu.memory_space<vmem>>) target_semaphore(%run_scoped3A : memref<!tpu.dma_semaphore, #tpu.memory_space<semaphore_mem>>)
      %dma_wait3A = arith.constant 0 : i32
      %dma_wait3A_36 = arith.constant 0 : i32
      %dma_wait3A_37 = tpu.memref_slice %arg5[%dma_wait3A, %dma_wait3A_36] : memref<128x128xf32, #tpu.memory_space<hbm>> -> memref<128x128xf32, #tpu.memory_space<hbm>>
      %dma_wait3A_38 = arith.constant 0 : i32
      %dma_wait3A_39 = arith.constant 0 : i32
      %dma_wait3A_40 = tpu.memref_slice %arg5[%dma_wait3A_38, %dma_wait3A_39] : memref<128x128xf32, #tpu.memory_space<hbm>> -> memref<128x128xf32, #tpu.memory_space<hbm>>
      tpu.wait_dma2 semaphore(%run_scoped3A : memref<!tpu.dma_semaphore, #tpu.memory_space<semaphore_mem>>) src(%dma_wait3A_40 : memref<128x128xf32, #tpu.memory_space<hbm>>) dst(%arg9 : memref<128x128xf32, #tpu.memory_space<vmem>>)
      tpu.yield
    }) : () -> ()
    %add3A_11 = arith.constant 0 : i32
    %add3A_12 = arith.addi %mul3A_0, %add3A_11 : i32
    "tpu.region"() ({
      %run_scoped3A = tpu.sem_alloc : memref<!tpu.dma_semaphore, #tpu.memory_space<semaphore_mem>>
      %dma_start3A = arith.constant 0 : i32
      %dma_start3A_31 = tpu.memref_slice %arg11[%add3A_12, %dma_start3A] : memref<10240x128xf32, #tpu.memory_space<vmem_shared>> -> memref<128x128xf32, #tpu.memory_space<vmem_shared>>
      %dma_start3A_32 = arith.constant 0 : i32
      %dma_start3A_33 = tpu.memref_slice %arg11[%add3A_12, %dma_start3A_32] : memref<10240x128xf32, #tpu.memory_space<vmem_shared>> -> memref<128x128xf32, #tpu.memory_space<vmem_shared>>
      tpu.enqueue_dma source(%arg9 : memref<128x128xf32, #tpu.memory_space<vmem>>) target(%dma_start3A_33 : memref<128x128xf32, #tpu.memory_space<vmem_shared>>) target_semaphore(%run_scoped3A : memref<!tpu.dma_semaphore, #tpu.memory_space<semaphore_mem>>)
      %dma_wait3A = arith.constant 0 : i32
      %dma_wait3A_34 = tpu.memref_slice %arg11[%add3A_12, %dma_wait3A] : memref<10240x128xf32, #tpu.memory_space<vmem_shared>> -> memref<128x128xf32, #tpu.memory_space<vmem_shared>>
      %dma_wait3A_35 = arith.constant 0 : i32
      %dma_wait3A_36 = tpu.memref_slice %arg11[%add3A_12, %dma_wait3A_35] : memref<10240x128xf32, #tpu.memory_space<vmem_shared>> -> memref<128x128xf32, #tpu.memory_space<vmem_shared>>
      tpu.wait_dma2 semaphore(%run_scoped3A : memref<!tpu.dma_semaphore, #tpu.memory_space<semaphore_mem>>) src(%arg9 : memref<128x128xf32, #tpu.memory_space<vmem>>) dst(%dma_wait3A_36 : memref<128x128xf32, #tpu.memory_space<vmem_shared>>)
      tpu.yield
    }) : () -> ()
    %add3A_13 = arith.constant 128 : i32
    %add3A_14 = arith.addi %mul3A_0, %add3A_13 : i32
    "tpu.region"() ({
      %run_scoped3A = tpu.sem_alloc : memref<!tpu.dma_semaphore, #tpu.memory_space<semaphore_mem>>
      %dma_start3A = arith.constant 0 : i32
      %dma_start3A_31 = tpu.memref_slice %arg11[%add3A_14, %dma_start3A] : memref<10240x128xf32, #tpu.memory_space<vmem_shared>> -> memref<128x128xf32, #tpu.memory_space<vmem_shared>>
      %dma_start3A_32 = arith.constant 0 : i32
      %dma_start3A_33 = tpu.memref_slice %arg11[%add3A_14, %dma_start3A_32] : memref<10240x128xf32, #tpu.memory_space<vmem_shared>> -> memref<128x128xf32, #tpu.memory_space<vmem_shared>>
      tpu.enqueue_dma source(%arg9 : memref<128x128xf32, #tpu.memory_space<vmem>>) target(%dma_start3A_33 : memref<128x128xf32, #tpu.memory_space<vmem_shared>>) target_semaphore(%run_scoped3A : memref<!tpu.dma_semaphore, #tpu.memory_space<semaphore_mem>>)
      %dma_wait3A = arith.constant 0 : i32
      %dma_wait3A_34 = tpu.memref_slice %arg11[%add3A_14, %dma_wait3A] : memref<10240x128xf32, #tpu.memory_space<vmem_shared>> -> memref<128x128xf32, #tpu.memory_space<vmem_shared>>
      %dma_wait3A_35 = arith.constant 0 : i32
      %dma_wait3A_36 = tpu.memref_slice %arg11[%add3A_14, %dma_wait3A_35] : memref<10240x128xf32, #tpu.memory_space<vmem_shared>> -> memref<128x128xf32, #tpu.memory_space<vmem_shared>>
      tpu.wait_dma2 semaphore(%run_scoped3A : memref<!tpu.dma_semaphore, #tpu.memory_space<semaphore_mem>>) src(%arg9 : memref<128x128xf32, #tpu.memory_space<vmem>>) dst(%dma_wait3A_36 : memref<128x128xf32, #tpu.memory_space<vmem_shared>>)
      tpu.yield
    }) : () -> ()
    %add3A_15 = arith.constant 256 : i32
    %add3A_16 = arith.addi %mul3A_0, %add3A_15 : i32
    "tpu.region"() ({
      %run_scoped3A = tpu.sem_alloc : memref<!tpu.dma_semaphore, #tpu.memory_space<semaphore_mem>>
      %dma_start3A = arith.constant 0 : i32
      %dma_start3A_31 = tpu.memref_slice %arg11[%add3A_16, %dma_start3A] : memref<10240x128xf32, #tpu.memory_space<vmem_shared>> -> memref<128x128xf32, #tpu.memory_space<vmem_shared>>
      %dma_start3A_32 = arith.constant 0 : i32
      %dma_start3A_33 = tpu.memref_slice %arg11[%add3A_16, %dma_start3A_32] : memref<10240x128xf32, #tpu.memory_space<vmem_shared>> -> memref<128x128xf32, #tpu.memory_space<vmem_shared>>
      tpu.enqueue_dma source(%arg9 : memref<128x128xf32, #tpu.memory_space<vmem>>) target(%dma_start3A_33 : memref<128x128xf32, #tpu.memory_space<vmem_shared>>) target_semaphore(%run_scoped3A : memref<!tpu.dma_semaphore, #tpu.memory_space<semaphore_mem>>)
      %dma_wait3A = arith.constant 0 : i32
      %dma_wait3A_34 = tpu.memref_slice %arg11[%add3A_16, %dma_wait3A] : memref<10240x128xf32, #tpu.memory_space<vmem_shared>> -> memref<128x128xf32, #tpu.memory_space<vmem_shared>>
      %dma_wait3A_35 = arith.constant 0 : i32
      %dma_wait3A_36 = tpu.memref_slice %arg11[%add3A_16, %dma_wait3A_35] : memref<10240x128xf32, #tpu.memory_space<vmem_shared>> -> memref<128x128xf32, #tpu.memory_space<vmem_shared>>
      tpu.wait_dma2 semaphore(%run_scoped3A : memref<!tpu.dma_semaphore, #tpu.memory_space<semaphore_mem>>) src(%arg9 : memref<128x128xf32, #tpu.memory_space<vmem>>) dst(%dma_wait3A_36 : memref<128x128xf32, #tpu.memory_space<vmem_shared>>)
      tpu.yield
    }) : () -> ()
    %add3A_17 = arith.constant 384 : i32
    %add3A_18 = arith.addi %mul3A_0, %add3A_17 : i32
    "tpu.region"() ({
      %run_scoped3A = tpu.sem_alloc : memref<!tpu.dma_semaphore, #tpu.memory_space<semaphore_mem>>
      %dma_start3A = arith.constant 0 : i32
      %dma_start3A_31 = tpu.memref_slice %arg11[%add3A_18, %dma_start3A] : memref<10240x128xf32, #tpu.memory_space<vmem_shared>> -> memref<128x128xf32, #tpu.memory_space<vmem_shared>>
      %dma_start3A_32 = arith.constant 0 : i32
      %dma_start3A_33 = tpu.memref_slice %arg11[%add3A_18, %dma_start3A_32] : memref<10240x128xf32, #tpu.memory_space<vmem_shared>> -> memref<128x128xf32, #tpu.memory_space<vmem_shared>>
      tpu.enqueue_dma source(%arg9 : memref<128x128xf32, #tpu.memory_space<vmem>>) target(%dma_start3A_33 : memref<128x128xf32, #tpu.memory_space<vmem_shared>>) target_semaphore(%run_scoped3A : memref<!tpu.dma_semaphore, #tpu.memory_space<semaphore_mem>>)
      %dma_wait3A = arith.constant 0 : i32
      %dma_wait3A_34 = tpu.memref_slice %arg11[%add3A_18, %dma_wait3A] : memref<10240x128xf32, #tpu.memory_space<vmem_shared>> -> memref<128x128xf32, #tpu.memory_space<vmem_shared>>
      %dma_wait3A_35 = arith.constant 0 : i32
      %dma_wait3A_36 = tpu.memref_slice %arg11[%add3A_18, %dma_wait3A_35] : memref<10240x128xf32, #tpu.memory_space<vmem_shared>> -> memref<128x128xf32, #tpu.memory_space<vmem_shared>>
      tpu.wait_dma2 semaphore(%run_scoped3A : memref<!tpu.dma_semaphore, #tpu.memory_space<semaphore_mem>>) src(%arg9 : memref<128x128xf32, #tpu.memory_space<vmem>>) dst(%dma_wait3A_36 : memref<128x128xf32, #tpu.memory_space<vmem_shared>>)
      tpu.yield
    }) : () -> ()
    %add3A_19 = arith.constant 512 : i32
    %add3A_20 = arith.addi %mul3A_0, %add3A_19 : i32
    "tpu.region"() ({
      %run_scoped3A = tpu.sem_alloc : memref<!tpu.dma_semaphore, #tpu.memory_space<semaphore_mem>>
      %dma_start3A = arith.constant 0 : i32
      %dma_start3A_31 = tpu.memref_slice %arg11[%add3A_20, %dma_start3A] : memref<10240x128xf32, #tpu.memory_space<vmem_shared>> -> memref<128x128xf32, #tpu.memory_space<vmem_shared>>
      %dma_start3A_32 = arith.constant 0 : i32
      %dma_start3A_33 = tpu.memref_slice %arg11[%add3A_20, %dma_start3A_32] : memref<10240x128xf32, #tpu.memory_space<vmem_shared>> -> memref<128x128xf32, #tpu.memory_space<vmem_shared>>
      tpu.enqueue_dma source(%arg9 : memref<128x128xf32, #tpu.memory_space<vmem>>) target(%dma_start3A_33 : memref<128x128xf32, #tpu.memory_space<vmem_shared>>) target_semaphore(%run_scoped3A : memref<!tpu.dma_semaphore, #tpu.memory_space<semaphore_mem>>)
      %dma_wait3A = arith.constant 0 : i32
      %dma_wait3A_34 = tpu.memref_slice %arg11[%add3A_20, %dma_wait3A] : memref<10240x128xf32, #tpu.memory_space<vmem_shared>> -> memref<128x128xf32, #tpu.memory_space<vmem_shared>>
      %dma_wait3A_35 = arith.constant 0 : i32
      %dma_wait3A_36 = tpu.memref_slice %arg11[%add3A_20, %dma_wait3A_35] : memref<10240x128xf32, #tpu.memory_space<vmem_shared>> -> memref<128x128xf32, #tpu.memory_space<vmem_shared>>
      tpu.wait_dma2 semaphore(%run_scoped3A : memref<!tpu.dma_semaphore, #tpu.memory_space<semaphore_mem>>) src(%arg9 : memref<128x128xf32, #tpu.memory_space<vmem>>) dst(%dma_wait3A_36 : memref<128x128xf32, #tpu.memory_space<vmem_shared>>)
      tpu.yield
    }) : () -> ()
    %barrier3A = arith.constant 0 : index
    tpu.barrier barrier_id(%barrier3A)
    %while3A = arith.constant 0 : i32
    %while3A_21 = arith.constant 0 : i32
    %while3A_22 = arith.subi %select_n3A_10, %while3A_21 : i32
    %while3A_23 = arith.addi %while3A_21, %while3A_22 : i32
    %while3A_24 = arith.constant 1 : i32
    %while3A_25 = arith.divsi %while3A_22, %while3A_24 : i32
    %while3A_26 = arith.muli %while3A_25, %while3A_24 : i32
    %while3A_27 = arith.addi %while3A_21, %while3A_26 : i32
    %while3A_28 = arith.constant 1 : i32
    scf.for %while3A_31 = %while3A_21 to %while3A_27 step %while3A_28  : i32 {
      %mul3A_32 = arith.constant 8 : i32
      %mul3A_33 = arith.muli %while3A_31, %mul3A_32 : i32
      %add3A_34 = arith.addi %select_n3A, %mul3A_33 : i32
      "tpu.region"() ({
        %run_scoped3A = tpu.sem_alloc : memref<!tpu.dma_semaphore, #tpu.memory_space<semaphore_mem>>
        %dma_start3A_96 = arith.constant 0 : i32
        %dma_start3A_97 = tpu.memref_slice %arg2[%add3A_34, %dma_start3A_96] : memref<2560x128xi32, #tpu.memory_space<hbm>> -> memref<8x128xi32, #tpu.memory_space<hbm>>
        %dma_start3A_98 = arith.constant 0 : i32
        %dma_start3A_99 = tpu.memref_slice %arg2[%add3A_34, %dma_start3A_98] : memref<2560x128xi32, #tpu.memory_space<hbm>> -> memref<8x128xi32, #tpu.memory_space<hbm>>
        tpu.enqueue_dma source(%dma_start3A_99 : memref<8x128xi32, #tpu.memory_space<hbm>>) target(%arg7 : memref<8x128xi32, #tpu.memory_space<vmem>>) target_semaphore(%run_scoped3A : memref<!tpu.dma_semaphore, #tpu.memory_space<semaphore_mem>>)
        %dma_wait3A_100 = arith.constant 0 : i32
        %dma_wait3A_101 = tpu.memref_slice %arg2[%add3A_34, %dma_wait3A_100] : memref<2560x128xi32, #tpu.memory_space<hbm>> -> memref<8x128xi32, #tpu.memory_space<hbm>>
        %dma_wait3A_102 = arith.constant 0 : i32
        %dma_wait3A_103 = tpu.memref_slice %arg2[%add3A_34, %dma_wait3A_102] : memref<2560x128xi32, #tpu.memory_space<hbm>> -> memref<8x128xi32, #tpu.memory_space<hbm>>
        tpu.wait_dma2 semaphore(%run_scoped3A : memref<!tpu.dma_semaphore, #tpu.memory_space<semaphore_mem>>) src(%dma_wait3A_103 : memref<8x128xi32, #tpu.memory_space<hbm>>) dst(%arg7 : memref<8x128xi32, #tpu.memory_space<vmem>>)
        tpu.yield
      }) : () -> ()
      "tpu.region"() ({
        %run_scoped3A = tpu.sem_alloc : memref<!tpu.dma_semaphore, #tpu.memory_space<semaphore_mem>>
        %dma_start3A_96 = arith.constant 0 : i32
        %dma_start3A_97 = tpu.memref_slice %arg3[%add3A_34, %dma_start3A_96] : memref<2560x128xi32, #tpu.memory_space<hbm>> -> memref<8x128xi32, #tpu.memory_space<hbm>>
        %dma_start3A_98 = arith.constant 0 : i32
        %dma_start3A_99 = tpu.memref_slice %arg3[%add3A_34, %dma_start3A_98] : memref<2560x128xi32, #tpu.memory_space<hbm>> -> memref<8x128xi32, #tpu.memory_space<hbm>>
        tpu.enqueue_dma source(%dma_start3A_99 : memref<8x128xi32, #tpu.memory_space<hbm>>) target(%arg8 : memref<8x128xi32, #tpu.memory_space<vmem>>) target_semaphore(%run_scoped3A : memref<!tpu.dma_semaphore, #tpu.memory_space<semaphore_mem>>)
        %dma_wait3A_100 = arith.constant 0 : i32
        %dma_wait3A_101 = tpu.memref_slice %arg3[%add3A_34, %dma_wait3A_100] : memref<2560x128xi32, #tpu.memory_space<hbm>> -> memref<8x128xi32, #tpu.memory_space<hbm>>
        %dma_wait3A_102 = arith.constant 0 : i32
        %dma_wait3A_103 = tpu.memref_slice %arg3[%add3A_34, %dma_wait3A_102] : memref<2560x128xi32, #tpu.memory_space<hbm>> -> memref<8x128xi32, #tpu.memory_space<hbm>>
        tpu.wait_dma2 semaphore(%run_scoped3A : memref<!tpu.dma_semaphore, #tpu.memory_space<semaphore_mem>>) src(%dma_wait3A_103 : memref<8x128xi32, #tpu.memory_space<hbm>>) dst(%arg8 : memref<8x128xi32, #tpu.memory_space<vmem>>)
        tpu.yield
      }) : () -> ()
      %dma_start3A = arith.constant 0 : i32
      %dma_start3A_35 = arith.constant 0 : i32
      %dma_start3A_36 = tpu.memref_slice %arg7[%dma_start3A, %dma_start3A_35] : memref<8x128xi32, #tpu.memory_space<vmem>> -> memref<1x128xi32, #tpu.memory_space<vmem>>
      %dma_start3A_37 = tpu.memref_squeeze %dma_start3A_36 : memref<1x128xi32, #tpu.memory_space<vmem>> -> memref<128xi32, #tpu.memory_space<vmem>>
      %dma_start3A_38 = arith.constant 0 : i32
      %dma_start3A_39 = arith.constant 0 : i32
      %dma_start3A_40 = tpu.memref_slice %arg4[%dma_start3A_38, %dma_start3A_39] : memref<10000x128xf32, #tpu.memory_space<hbm>> -> memref<10000x128xf32, #tpu.memory_space<hbm>>
      tpu.enqueue_indirect_dma source(%dma_start3A_40 : memref<10000x128xf32, #tpu.memory_space<hbm>>) target(%arg9 : memref<128x128xf32, #tpu.memory_space<vmem>>) offsets(%dma_start3A_37 : memref<128xi32, #tpu.memory_space<vmem>>) semaphore(%arg12 : memref<!tpu.dma_semaphore, #tpu.memory_space<semaphore_mem>>)
      %dma_start3A_41 = arith.constant 1 : i32
      %dma_start3A_42 = arith.constant 0 : i32
      %dma_start3A_43 = tpu.memref_slice %arg7[%dma_start3A_41, %dma_start3A_42] : memref<8x128xi32, #tpu.memory_space<vmem>> -> memref<1x128xi32, #tpu.memory_space<vmem>>
      %dma_start3A_44 = tpu.memref_squeeze %dma_start3A_43 : memref<1x128xi32, #tpu.memory_space<vmem>> -> memref<128xi32, #tpu.memory_space<vmem>>
      %dma_start3A_45 = arith.constant 0 : i32
      %dma_start3A_46 = arith.constant 0 : i32
      %dma_start3A_47 = tpu.memref_slice %arg4[%dma_start3A_45, %dma_start3A_46] : memref<10000x128xf32, #tpu.memory_space<hbm>> -> memref<10000x128xf32, #tpu.memory_space<hbm>>
      tpu.enqueue_indirect_dma source(%dma_start3A_47 : memref<10000x128xf32, #tpu.memory_space<hbm>>) target(%arg10 : memref<128x128xf32, #tpu.memory_space<vmem>>) offsets(%dma_start3A_44 : memref<128xi32, #tpu.memory_space<vmem>>) semaphore(%arg13 : memref<!tpu.dma_semaphore, #tpu.memory_space<semaphore_mem>>)
      %scan3A = arith.constant 0 : i32
      %scan3A_48 = arith.constant 0 : i32
      %scan3A_49 = arith.constant 1 : i32
      %scan3A_50 = arith.constant 0 : i32
      %scan3A_51 = arith.constant 3 : i32
      %scan3A_52 = arith.addi %scan3A_50, %scan3A_51 : i32
      %scan3A_53 = arith.constant 1 : i32
      scf.for %scan3A_96 = %scan3A_50 to %scan3A_52 step %scan3A_53  : i32 {
        %mul3A_97 = arith.constant 2 : i32
        %mul3A_98 = arith.muli %mul3A_97, %scan3A_96 : i32
        %dma_wait3A_99 = arith.constant 0 : i32
        %dma_wait3A_100 = tpu.memref_slice %arg7[%scan3A_48, %dma_wait3A_99] : memref<8x128xi32, #tpu.memory_space<vmem>> -> memref<1x128xi32, #tpu.memory_space<vmem>>
        %dma_wait3A_101 = tpu.memref_squeeze %dma_wait3A_100 : memref<1x128xi32, #tpu.memory_space<vmem>> -> memref<128xi32, #tpu.memory_space<vmem>>
        %dma_wait3A_102 = arith.constant 0 : i32
        %dma_wait3A_103 = arith.constant 0 : i32
        %dma_wait3A_104 = tpu.memref_slice %arg4[%dma_wait3A_102, %dma_wait3A_103] : memref<10000x128xf32, #tpu.memory_space<hbm>> -> memref<10000x128xf32, #tpu.memory_space<hbm>>
        tpu.wait_indirect_dma semaphore(%arg12 : memref<!tpu.dma_semaphore, #tpu.memory_space<semaphore_mem>>) src(%dma_wait3A_104 : memref<10000x128xf32, #tpu.memory_space<hbm>>) dst(%arg9 : memref<128x128xf32, #tpu.memory_space<vmem>>)
        %dma_start3A_105 = arith.constant 0 : i32
        %dma_start3A_106 = tpu.memref_slice %arg8[%mul3A_98, %dma_start3A_105] : memref<8x128xi32, #tpu.memory_space<vmem>> -> memref<1x128xi32, #tpu.memory_space<vmem>>
        %dma_start3A_107 = tpu.memref_squeeze %dma_start3A_106 : memref<1x128xi32, #tpu.memory_space<vmem>> -> memref<128xi32, #tpu.memory_space<vmem>>
        %dma_start3A_108 = arith.constant 0 : i32
        %dma_start3A_109 = arith.constant 0 : i32
        %dma_start3A_110 = tpu.memref_slice %arg11[%dma_start3A_108, %dma_start3A_109] : memref<10240x128xf32, #tpu.memory_space<vmem_shared>> -> memref<10240x128xf32, #tpu.memory_space<vmem_shared>>
        tpu.enqueue_indirect_dma source(%arg9 : memref<128x128xf32, #tpu.memory_space<vmem>>) target(%dma_start3A_110 : memref<10240x128xf32, #tpu.memory_space<vmem_shared>>) offsets(%dma_start3A_107 : memref<128xi32, #tpu.memory_space<vmem>>) semaphore(%arg14 : memref<!tpu.dma_semaphore, #tpu.memory_space<semaphore_mem>>) {add = true}
        %dma_wait3A_111 = arith.constant 0 : i32
        %dma_wait3A_112 = tpu.memref_slice %arg7[%scan3A_49, %dma_wait3A_111] : memref<8x128xi32, #tpu.memory_space<vmem>> -> memref<1x128xi32, #tpu.memory_space<vmem>>
        %dma_wait3A_113 = tpu.memref_squeeze %dma_wait3A_112 : memref<1x128xi32, #tpu.memory_space<vmem>> -> memref<128xi32, #tpu.memory_space<vmem>>
        %dma_wait3A_114 = arith.constant 0 : i32
        %dma_wait3A_115 = arith.constant 0 : i32
        %dma_wait3A_116 = tpu.memref_slice %arg4[%dma_wait3A_114, %dma_wait3A_115] : memref<10000x128xf32, #tpu.memory_space<hbm>> -> memref<10000x128xf32, #tpu.memory_space<hbm>>
        tpu.wait_indirect_dma semaphore(%arg13 : memref<!tpu.dma_semaphore, #tpu.memory_space<semaphore_mem>>) src(%dma_wait3A_116 : memref<10000x128xf32, #tpu.memory_space<hbm>>) dst(%arg10 : memref<128x128xf32, #tpu.memory_space<vmem>>)
        %add3A_117 = arith.constant 1 : i32
        %add3A_118 = arith.addi %mul3A_98, %add3A_117 : i32
        %dma_start3A_119 = arith.constant 0 : i32
        %dma_start3A_120 = tpu.memref_slice %arg8[%add3A_118, %dma_start3A_119] : memref<8x128xi32, #tpu.memory_space<vmem>> -> memref<1x128xi32, #tpu.memory_space<vmem>>
        %dma_start3A_121 = tpu.memref_squeeze %dma_start3A_120 : memref<1x128xi32, #tpu.memory_space<vmem>> -> memref<128xi32, #tpu.memory_space<vmem>>
        %dma_start3A_122 = arith.constant 0 : i32
        %dma_start3A_123 = arith.constant 0 : i32
        %dma_start3A_124 = tpu.memref_slice %arg11[%dma_start3A_122, %dma_start3A_123] : memref<10240x128xf32, #tpu.memory_space<vmem_shared>> -> memref<10240x128xf32, #tpu.memory_space<vmem_shared>>
        tpu.enqueue_indirect_dma source(%arg10 : memref<128x128xf32, #tpu.memory_space<vmem>>) target(%dma_start3A_124 : memref<10240x128xf32, #tpu.memory_space<vmem_shared>>) offsets(%dma_start3A_121 : memref<128xi32, #tpu.memory_space<vmem>>) semaphore(%arg15 : memref<!tpu.dma_semaphore, #tpu.memory_space<semaphore_mem>>) {add = true}
        %dma_wait3A_125 = arith.constant 0 : i32
        %dma_wait3A_126 = tpu.memref_slice %arg8[%mul3A_98, %dma_wait3A_125] : memref<8x128xi32, #tpu.memory_space<vmem>> -> memref<1x128xi32, #tpu.memory_space<vmem>>
        %dma_wait3A_127 = tpu.memref_squeeze %dma_wait3A_126 : memref<1x128xi32, #tpu.memory_space<vmem>> -> memref<128xi32, #tpu.memory_space<vmem>>
        %dma_wait3A_128 = arith.constant 0 : i32
        %dma_wait3A_129 = arith.constant 0 : i32
        %dma_wait3A_130 = tpu.memref_slice %arg11[%dma_wait3A_128, %dma_wait3A_129] : memref<10240x128xf32, #tpu.memory_space<vmem_shared>> -> memref<10240x128xf32, #tpu.memory_space<vmem_shared>>
        tpu.wait_indirect_dma semaphore(%arg14 : memref<!tpu.dma_semaphore, #tpu.memory_space<semaphore_mem>>) src(%arg9 : memref<128x128xf32, #tpu.memory_space<vmem>>) dst(%dma_wait3A_130 : memref<10240x128xf32, #tpu.memory_space<vmem_shared>>)
        %add3A_131 = arith.constant 2 : i32
        %add3A_132 = arith.addi %mul3A_98, %add3A_131 : i32
        %dma_start3A_133 = arith.constant 0 : i32
        %dma_start3A_134 = tpu.memref_slice %arg7[%add3A_132, %dma_start3A_133] : memref<8x128xi32, #tpu.memory_space<vmem>> -> memref<1x128xi32, #tpu.memory_space<vmem>>
        %dma_start3A_135 = tpu.memref_squeeze %dma_start3A_134 : memref<1x128xi32, #tpu.memory_space<vmem>> -> memref<128xi32, #tpu.memory_space<vmem>>
        %dma_start3A_136 = arith.constant 0 : i32
        %dma_start3A_137 = arith.constant 0 : i32
        %dma_start3A_138 = tpu.memref_slice %arg4[%dma_start3A_136, %dma_start3A_137] : memref<10000x128xf32, #tpu.memory_space<hbm>> -> memref<10000x128xf32, #tpu.memory_space<hbm>>
        tpu.enqueue_indirect_dma source(%dma_start3A_138 : memref<10000x128xf32, #tpu.memory_space<hbm>>) target(%arg9 : memref<128x128xf32, #tpu.memory_space<vmem>>) offsets(%dma_start3A_135 : memref<128xi32, #tpu.memory_space<vmem>>) semaphore(%arg12 : memref<!tpu.dma_semaphore, #tpu.memory_space<semaphore_mem>>)
        %dma_wait3A_139 = arith.constant 0 : i32
        %dma_wait3A_140 = tpu.memref_slice %arg8[%add3A_118, %dma_wait3A_139] : memref<8x128xi32, #tpu.memory_space<vmem>> -> memref<1x128xi32, #tpu.memory_space<vmem>>
        %dma_wait3A_141 = tpu.memref_squeeze %dma_wait3A_140 : memref<1x128xi32, #tpu.memory_space<vmem>> -> memref<128xi32, #tpu.memory_space<vmem>>
        %dma_wait3A_142 = arith.constant 0 : i32
        %dma_wait3A_143 = arith.constant 0 : i32
        %dma_wait3A_144 = tpu.memref_slice %arg11[%dma_wait3A_142, %dma_wait3A_143] : memref<10240x128xf32, #tpu.memory_space<vmem_shared>> -> memref<10240x128xf32, #tpu.memory_space<vmem_shared>>
        tpu.wait_indirect_dma semaphore(%arg15 : memref<!tpu.dma_semaphore, #tpu.memory_space<semaphore_mem>>) src(%arg10 : memref<128x128xf32, #tpu.memory_space<vmem>>) dst(%dma_wait3A_144 : memref<10240x128xf32, #tpu.memory_space<vmem_shared>>)
        %add3A_145 = arith.constant 3 : i32
        %add3A_146 = arith.addi %mul3A_98, %add3A_145 : i32
        %dma_start3A_147 = arith.constant 0 : i32
        %dma_start3A_148 = tpu.memref_slice %arg7[%add3A_146, %dma_start3A_147] : memref<8x128xi32, #tpu.memory_space<vmem>> -> memref<1x128xi32, #tpu.memory_space<vmem>>
        %dma_start3A_149 = tpu.memref_squeeze %dma_start3A_148 : memref<1x128xi32, #tpu.memory_space<vmem>> -> memref<128xi32, #tpu.memory_space<vmem>>
        %dma_start3A_150 = arith.constant 0 : i32
        %dma_start3A_151 = arith.constant 0 : i32
        %dma_start3A_152 = tpu.memref_slice %arg4[%dma_start3A_150, %dma_start3A_151] : memref<10000x128xf32, #tpu.memory_space<hbm>> -> memref<10000x128xf32, #tpu.memory_space<hbm>>
        tpu.enqueue_indirect_dma source(%dma_start3A_152 : memref<10000x128xf32, #tpu.memory_space<hbm>>) target(%arg10 : memref<128x128xf32, #tpu.memory_space<vmem>>) offsets(%dma_start3A_149 : memref<128xi32, #tpu.memory_space<vmem>>) semaphore(%arg13 : memref<!tpu.dma_semaphore, #tpu.memory_space<semaphore_mem>>)
      }
      %scan3A_54 = arith.constant 3 : i32
      %dma_wait3A = arith.constant 0 : i32
      %dma_wait3A_55 = arith.constant 0 : i32
      %dma_wait3A_56 = tpu.memref_slice %arg7[%dma_wait3A, %dma_wait3A_55] : memref<8x128xi32, #tpu.memory_space<vmem>> -> memref<1x128xi32, #tpu.memory_space<vmem>>
      %dma_wait3A_57 = tpu.memref_squeeze %dma_wait3A_56 : memref<1x128xi32, #tpu.memory_space<vmem>> -> memref<128xi32, #tpu.memory_space<vmem>>
      %dma_wait3A_58 = arith.constant 0 : i32
      %dma_wait3A_59 = arith.constant 0 : i32
      %dma_wait3A_60 = tpu.memref_slice %arg4[%dma_wait3A_58, %dma_wait3A_59] : memref<10000x128xf32, #tpu.memory_space<hbm>> -> memref<10000x128xf32, #tpu.memory_space<hbm>>
      tpu.wait_indirect_dma semaphore(%arg12 : memref<!tpu.dma_semaphore, #tpu.memory_space<semaphore_mem>>) src(%dma_wait3A_60 : memref<10000x128xf32, #tpu.memory_space<hbm>>) dst(%arg9 : memref<128x128xf32, #tpu.memory_space<vmem>>)
      %dma_start3A_61 = arith.constant 6 : i32
      %dma_start3A_62 = arith.constant 0 : i32
      %dma_start3A_63 = tpu.memref_slice %arg8[%dma_start3A_61, %dma_start3A_62] : memref<8x128xi32, #tpu.memory_space<vmem>> -> memref<1x128xi32, #tpu.memory_space<vmem>>
      %dma_start3A_64 = tpu.memref_squeeze %dma_start3A_63 : memref<1x128xi32, #tpu.memory_space<vmem>> -> memref<128xi32, #tpu.memory_space<vmem>>
      %dma_start3A_65 = arith.constant 0 : i32
      %dma_start3A_66 = arith.constant 0 : i32
      %dma_start3A_67 = tpu.memref_slice %arg11[%dma_start3A_65, %dma_start3A_66] : memref<10240x128xf32, #tpu.memory_space<vmem_shared>> -> memref<10240x128xf32, #tpu.memory_space<vmem_shared>>
      tpu.enqueue_indirect_dma source(%arg9 : memref<128x128xf32, #tpu.memory_space<vmem>>) target(%dma_start3A_67 : memref<10240x128xf32, #tpu.memory_space<vmem_shared>>) offsets(%dma_start3A_64 : memref<128xi32, #tpu.memory_space<vmem>>) semaphore(%arg14 : memref<!tpu.dma_semaphore, #tpu.memory_space<semaphore_mem>>) {add = true}
      %dma_wait3A_68 = arith.constant 1 : i32
      %dma_wait3A_69 = arith.constant 0 : i32
      %dma_wait3A_70 = tpu.memref_slice %arg7[%dma_wait3A_68, %dma_wait3A_69] : memref<8x128xi32, #tpu.memory_space<vmem>> -> memref<1x128xi32, #tpu.memory_space<vmem>>
      %dma_wait3A_71 = tpu.memref_squeeze %dma_wait3A_70 : memref<1x128xi32, #tpu.memory_space<vmem>> -> memref<128xi32, #tpu.memory_space<vmem>>
      %dma_wait3A_72 = arith.constant 0 : i32
      %dma_wait3A_73 = arith.constant 0 : i32
      %dma_wait3A_74 = tpu.memref_slice %arg4[%dma_wait3A_72, %dma_wait3A_73] : memref<10000x128xf32, #tpu.memory_space<hbm>> -> memref<10000x128xf32, #tpu.memory_space<hbm>>
      tpu.wait_indirect_dma semaphore(%arg13 : memref<!tpu.dma_semaphore, #tpu.memory_space<semaphore_mem>>) src(%dma_wait3A_74 : memref<10000x128xf32, #tpu.memory_space<hbm>>) dst(%arg10 : memref<128x128xf32, #tpu.memory_space<vmem>>)
      %dma_start3A_75 = arith.constant 7 : i32
      %dma_start3A_76 = arith.constant 0 : i32
      %dma_start3A_77 = tpu.memref_slice %arg8[%dma_start3A_75, %dma_start3A_76] : memref<8x128xi32, #tpu.memory_space<vmem>> -> memref<1x128xi32, #tpu.memory_space<vmem>>
      %dma_start3A_78 = tpu.memref_squeeze %dma_start3A_77 : memref<1x128xi32, #tpu.memory_space<vmem>> -> memref<128xi32, #tpu.memory_space<vmem>>
      %dma_start3A_79 = arith.constant 0 : i32
      %dma_start3A_80 = arith.constant 0 : i32
      %dma_start3A_81 = tpu.memref_slice %arg11[%dma_start3A_79, %dma_start3A_80] : memref<10240x128xf32, #tpu.memory_space<vmem_shared>> -> memref<10240x128xf32, #tpu.memory_space<vmem_shared>>
      tpu.enqueue_indirect_dma source(%arg10 : memref<128x128xf32, #tpu.memory_space<vmem>>) target(%dma_start3A_81 : memref<10240x128xf32, #tpu.memory_space<vmem_shared>>) offsets(%dma_start3A_78 : memref<128xi32, #tpu.memory_space<vmem>>) semaphore(%arg15 : memref<!tpu.dma_semaphore, #tpu.memory_space<semaphore_mem>>) {add = true}
      %dma_wait3A_82 = arith.constant 6 : i32
      %dma_wait3A_83 = arith.constant 0 : i32
      %dma_wait3A_84 = tpu.memref_slice %arg8[%dma_wait3A_82, %dma_wait3A_83] : memref<8x128xi32, #tpu.memory_space<vmem>> -> memref<1x128xi32, #tpu.memory_space<vmem>>
      %dma_wait3A_85 = tpu.memref_squeeze %dma_wait3A_84 : memref<1x128xi32, #tpu.memory_space<vmem>> -> memref<128xi32, #tpu.memory_space<vmem>>
      %dma_wait3A_86 = arith.constant 0 : i32
      %dma_wait3A_87 = arith.constant 0 : i32
      %dma_wait3A_88 = tpu.memref_slice %arg11[%dma_wait3A_86, %dma_wait3A_87] : memref<10240x128xf32, #tpu.memory_space<vmem_shared>> -> memref<10240x128xf32, #tpu.memory_space<vmem_shared>>
      tpu.wait_indirect_dma semaphore(%arg14 : memref<!tpu.dma_semaphore, #tpu.memory_space<semaphore_mem>>) src(%arg9 : memref<128x128xf32, #tpu.memory_space<vmem>>) dst(%dma_wait3A_88 : memref<10240x128xf32, #tpu.memory_space<vmem_shared>>)
      %dma_wait3A_89 = arith.constant 7 : i32
      %dma_wait3A_90 = arith.constant 0 : i32
      %dma_wait3A_91 = tpu.memref_slice %arg8[%dma_wait3A_89, %dma_wait3A_90] : memref<8x128xi32, #tpu.memory_space<vmem>> -> memref<1x128xi32, #tpu.memory_space<vmem>>
      %dma_wait3A_92 = tpu.memref_squeeze %dma_wait3A_91 : memref<1x128xi32, #tpu.memory_space<vmem>> -> memref<128xi32, #tpu.memory_space<vmem>>
      %dma_wait3A_93 = arith.constant 0 : i32
      %dma_wait3A_94 = arith.constant 0 : i32
      %dma_wait3A_95 = tpu.memref_slice %arg11[%dma_wait3A_93, %dma_wait3A_94] : memref<10240x128xf32, #tpu.memory_space<vmem_shared>> -> memref<10240x128xf32, #tpu.memory_space<vmem_shared>>
      tpu.wait_indirect_dma semaphore(%arg15 : memref<!tpu.dma_semaphore, #tpu.memory_space<semaphore_mem>>) src(%arg10 : memref<128x128xf32, #tpu.memory_space<vmem>>) dst(%dma_wait3A_95 : memref<10240x128xf32, #tpu.memory_space<vmem_shared>>)
    }
    %while3A_29 = arith.constant 1 : i32
    scf.for %while3A_31 = %while3A_27 to %while3A_23 step %while3A_29  : i32 {
      %mul3A_32 = arith.constant 8 : i32
      %mul3A_33 = arith.muli %while3A_31, %mul3A_32 : i32
      %add3A_34 = arith.addi %select_n3A, %mul3A_33 : i32
      "tpu.region"() ({
        %run_scoped3A = tpu.sem_alloc : memref<!tpu.dma_semaphore, #tpu.memory_space<semaphore_mem>>
        %dma_start3A_96 = arith.constant 0 : i32
        %dma_start3A_97 = tpu.memref_slice %arg2[%add3A_34, %dma_start3A_96] : memref<2560x128xi32, #tpu.memory_space<hbm>> -> memref<8x128xi32, #tpu.memory_space<hbm>>
        %dma_start3A_98 = arith.constant 0 : i32
        %dma_start3A_99 = tpu.memref_slice %arg2[%add3A_34, %dma_start3A_98] : memref<2560x128xi32, #tpu.memory_space<hbm>> -> memref<8x128xi32, #tpu.memory_space<hbm>>
        tpu.enqueue_dma source(%dma_start3A_99 : memref<8x128xi32, #tpu.memory_space<hbm>>) target(%arg7 : memref<8x128xi32, #tpu.memory_space<vmem>>) target_semaphore(%run_scoped3A : memref<!tpu.dma_semaphore, #tpu.memory_space<semaphore_mem>>)
        %dma_wait3A_100 = arith.constant 0 : i32
        %dma_wait3A_101 = tpu.memref_slice %arg2[%add3A_34, %dma_wait3A_100] : memref<2560x128xi32, #tpu.memory_space<hbm>> -> memref<8x128xi32, #tpu.memory_space<hbm>>
        %dma_wait3A_102 = arith.constant 0 : i32
        %dma_wait3A_103 = tpu.memref_slice %arg2[%add3A_34, %dma_wait3A_102] : memref<2560x128xi32, #tpu.memory_space<hbm>> -> memref<8x128xi32, #tpu.memory_space<hbm>>
        tpu.wait_dma2 semaphore(%run_scoped3A : memref<!tpu.dma_semaphore, #tpu.memory_space<semaphore_mem>>) src(%dma_wait3A_103 : memref<8x128xi32, #tpu.memory_space<hbm>>) dst(%arg7 : memref<8x128xi32, #tpu.memory_space<vmem>>)
        tpu.yield
      }) : () -> ()
      "tpu.region"() ({
        %run_scoped3A = tpu.sem_alloc : memref<!tpu.dma_semaphore, #tpu.memory_space<semaphore_mem>>
        %dma_start3A_96 = arith.constant 0 : i32
        %dma_start3A_97 = tpu.memref_slice %arg3[%add3A_34, %dma_start3A_96] : memref<2560x128xi32, #tpu.memory_space<hbm>> -> memref<8x128xi32, #tpu.memory_space<hbm>>
        %dma_start3A_98 = arith.constant 0 : i32
        %dma_start3A_99 = tpu.memref_slice %arg3[%add3A_34, %dma_start3A_98] : memref<2560x128xi32, #tpu.memory_space<hbm>> -> memref<8x128xi32, #tpu.memory_space<hbm>>
        tpu.enqueue_dma source(%dma_start3A_99 : memref<8x128xi32, #tpu.memory_space<hbm>>) target(%arg8 : memref<8x128xi32, #tpu.memory_space<vmem>>) target_semaphore(%run_scoped3A : memref<!tpu.dma_semaphore, #tpu.memory_space<semaphore_mem>>)
        %dma_wait3A_100 = arith.constant 0 : i32
        %dma_wait3A_101 = tpu.memref_slice %arg3[%add3A_34, %dma_wait3A_100] : memref<2560x128xi32, #tpu.memory_space<hbm>> -> memref<8x128xi32, #tpu.memory_space<hbm>>
        %dma_wait3A_102 = arith.constant 0 : i32
        %dma_wait3A_103 = tpu.memref_slice %arg3[%add3A_34, %dma_wait3A_102] : memref<2560x128xi32, #tpu.memory_space<hbm>> -> memref<8x128xi32, #tpu.memory_space<hbm>>
        tpu.wait_dma2 semaphore(%run_scoped3A : memref<!tpu.dma_semaphore, #tpu.memory_space<semaphore_mem>>) src(%dma_wait3A_103 : memref<8x128xi32, #tpu.memory_space<hbm>>) dst(%arg8 : memref<8x128xi32, #tpu.memory_space<vmem>>)
        tpu.yield
      }) : () -> ()
      %dma_start3A = arith.constant 0 : i32
      %dma_start3A_35 = arith.constant 0 : i32
      %dma_start3A_36 = tpu.memref_slice %arg7[%dma_start3A, %dma_start3A_35] : memref<8x128xi32, #tpu.memory_space<vmem>> -> memref<1x128xi32, #tpu.memory_space<vmem>>
      %dma_start3A_37 = tpu.memref_squeeze %dma_start3A_36 : memref<1x128xi32, #tpu.memory_space<vmem>> -> memref<128xi32, #tpu.memory_space<vmem>>
      %dma_start3A_38 = arith.constant 0 : i32
      %dma_start3A_39 = arith.constant 0 : i32
      %dma_start3A_40 = tpu.memref_slice %arg4[%dma_start3A_38, %dma_start3A_39] : memref<10000x128xf32, #tpu.memory_space<hbm>> -> memref<10000x128xf32, #tpu.memory_space<hbm>>
      tpu.enqueue_indirect_dma source(%dma_start3A_40 : memref<10000x128xf32, #tpu.memory_space<hbm>>) target(%arg9 : memref<128x128xf32, #tpu.memory_space<vmem>>) offsets(%dma_start3A_37 : memref<128xi32, #tpu.memory_space<vmem>>) semaphore(%arg12 : memref<!tpu.dma_semaphore, #tpu.memory_space<semaphore_mem>>)
      %dma_start3A_41 = arith.constant 1 : i32
      %dma_start3A_42 = arith.constant 0 : i32
      %dma_start3A_43 = tpu.memref_slice %arg7[%dma_start3A_41, %dma_start3A_42] : memref<8x128xi32, #tpu.memory_space<vmem>> -> memref<1x128xi32, #tpu.memory_space<vmem>>
      %dma_start3A_44 = tpu.memref_squeeze %dma_start3A_43 : memref<1x128xi32, #tpu.memory_space<vmem>> -> memref<128xi32, #tpu.memory_space<vmem>>
      %dma_start3A_45 = arith.constant 0 : i32
      %dma_start3A_46 = arith.constant 0 : i32
      %dma_start3A_47 = tpu.memref_slice %arg4[%dma_start3A_45, %dma_start3A_46] : memref<10000x128xf32, #tpu.memory_space<hbm>> -> memref<10000x128xf32, #tpu.memory_space<hbm>>
      tpu.enqueue_indirect_dma source(%dma_start3A_47 : memref<10000x128xf32, #tpu.memory_space<hbm>>) target(%arg10 : memref<128x128xf32, #tpu.memory_space<vmem>>) offsets(%dma_start3A_44 : memref<128xi32, #tpu.memory_space<vmem>>) semaphore(%arg13 : memref<!tpu.dma_semaphore, #tpu.memory_space<semaphore_mem>>)
      %scan3A = arith.constant 0 : i32
      %scan3A_48 = arith.constant 0 : i32
      %scan3A_49 = arith.constant 1 : i32
      %scan3A_50 = arith.constant 0 : i32
      %scan3A_51 = arith.constant 3 : i32
      %scan3A_52 = arith.addi %scan3A_50, %scan3A_51 : i32
      %scan3A_53 = arith.constant 1 : i32
      scf.for %scan3A_96 = %scan3A_50 to %scan3A_52 step %scan3A_53  : i32 {
        %mul3A_97 = arith.constant 2 : i32
        %mul3A_98 = arith.muli %mul3A_97, %scan3A_96 : i32
        %dma_wait3A_99 = arith.constant 0 : i32
        %dma_wait3A_100 = tpu.memref_slice %arg7[%scan3A_48, %dma_wait3A_99] : memref<8x128xi32, #tpu.memory_space<vmem>> -> memref<1x128xi32, #tpu.memory_space<vmem>>
        %dma_wait3A_101 = tpu.memref_squeeze %dma_wait3A_100 : memref<1x128xi32, #tpu.memory_space<vmem>> -> memref<128xi32, #tpu.memory_space<vmem>>
        %dma_wait3A_102 = arith.constant 0 : i32
        %dma_wait3A_103 = arith.constant 0 : i32
        %dma_wait3A_104 = tpu.memref_slice %arg4[%dma_wait3A_102, %dma_wait3A_103] : memref<10000x128xf32, #tpu.memory_space<hbm>> -> memref<10000x128xf32, #tpu.memory_space<hbm>>
        tpu.wait_indirect_dma semaphore(%arg12 : memref<!tpu.dma_semaphore, #tpu.memory_space<semaphore_mem>>) src(%dma_wait3A_104 : memref<10000x128xf32, #tpu.memory_space<hbm>>) dst(%arg9 : memref<128x128xf32, #tpu.memory_space<vmem>>)
        %dma_start3A_105 = arith.constant 0 : i32
        %dma_start3A_106 = tpu.memref_slice %arg8[%mul3A_98, %dma_start3A_105] : memref<8x128xi32, #tpu.memory_space<vmem>> -> memref<1x128xi32, #tpu.memory_space<vmem>>
        %dma_start3A_107 = tpu.memref_squeeze %dma_start3A_106 : memref<1x128xi32, #tpu.memory_space<vmem>> -> memref<128xi32, #tpu.memory_space<vmem>>
        %dma_start3A_108 = arith.constant 0 : i32
        %dma_start3A_109 = arith.constant 0 : i32
        %dma_start3A_110 = tpu.memref_slice %arg11[%dma_start3A_108, %dma_start3A_109] : memref<10240x128xf32, #tpu.memory_space<vmem_shared>> -> memref<10240x128xf32, #tpu.memory_space<vmem_shared>>
        tpu.enqueue_indirect_dma source(%arg9 : memref<128x128xf32, #tpu.memory_space<vmem>>) target(%dma_start3A_110 : memref<10240x128xf32, #tpu.memory_space<vmem_shared>>) offsets(%dma_start3A_107 : memref<128xi32, #tpu.memory_space<vmem>>) semaphore(%arg14 : memref<!tpu.dma_semaphore, #tpu.memory_space<semaphore_mem>>) {add = true}
        %dma_wait3A_111 = arith.constant 0 : i32
        %dma_wait3A_112 = tpu.memref_slice %arg7[%scan3A_49, %dma_wait3A_111] : memref<8x128xi32, #tpu.memory_space<vmem>> -> memref<1x128xi32, #tpu.memory_space<vmem>>
        %dma_wait3A_113 = tpu.memref_squeeze %dma_wait3A_112 : memref<1x128xi32, #tpu.memory_space<vmem>> -> memref<128xi32, #tpu.memory_space<vmem>>
        %dma_wait3A_114 = arith.constant 0 : i32
        %dma_wait3A_115 = arith.constant 0 : i32
        %dma_wait3A_116 = tpu.memref_slice %arg4[%dma_wait3A_114, %dma_wait3A_115] : memref<10000x128xf32, #tpu.memory_space<hbm>> -> memref<10000x128xf32, #tpu.memory_space<hbm>>
        tpu.wait_indirect_dma semaphore(%arg13 : memref<!tpu.dma_semaphore, #tpu.memory_space<semaphore_mem>>) src(%dma_wait3A_116 : memref<10000x128xf32, #tpu.memory_space<hbm>>) dst(%arg10 : memref<128x128xf32, #tpu.memory_space<vmem>>)
        %add3A_117 = arith.constant 1 : i32
        %add3A_118 = arith.addi %mul3A_98, %add3A_117 : i32
        %dma_start3A_119 = arith.constant 0 : i32
        %dma_start3A_120 = tpu.memref_slice %arg8[%add3A_118, %dma_start3A_119] : memref<8x128xi32, #tpu.memory_space<vmem>> -> memref<1x128xi32, #tpu.memory_space<vmem>>
        %dma_start3A_121 = tpu.memref_squeeze %dma_start3A_120 : memref<1x128xi32, #tpu.memory_space<vmem>> -> memref<128xi32, #tpu.memory_space<vmem>>
        %dma_start3A_122 = arith.constant 0 : i32
        %dma_start3A_123 = arith.constant 0 : i32
        %dma_start3A_124 = tpu.memref_slice %arg11[%dma_start3A_122, %dma_start3A_123] : memref<10240x128xf32, #tpu.memory_space<vmem_shared>> -> memref<10240x128xf32, #tpu.memory_space<vmem_shared>>
        tpu.enqueue_indirect_dma source(%arg10 : memref<128x128xf32, #tpu.memory_space<vmem>>) target(%dma_start3A_124 : memref<10240x128xf32, #tpu.memory_space<vmem_shared>>) offsets(%dma_start3A_121 : memref<128xi32, #tpu.memory_space<vmem>>) semaphore(%arg15 : memref<!tpu.dma_semaphore, #tpu.memory_space<semaphore_mem>>) {add = true}
        %dma_wait3A_125 = arith.constant 0 : i32
        %dma_wait3A_126 = tpu.memref_slice %arg8[%mul3A_98, %dma_wait3A_125] : memref<8x128xi32, #tpu.memory_space<vmem>> -> memref<1x128xi32, #tpu.memory_space<vmem>>
        %dma_wait3A_127 = tpu.memref_squeeze %dma_wait3A_126 : memref<1x128xi32, #tpu.memory_space<vmem>> -> memref<128xi32, #tpu.memory_space<vmem>>
        %dma_wait3A_128 = arith.constant 0 : i32
        %dma_wait3A_129 = arith.constant 0 : i32
        %dma_wait3A_130 = tpu.memref_slice %arg11[%dma_wait3A_128, %dma_wait3A_129] : memref<10240x128xf32, #tpu.memory_space<vmem_shared>> -> memref<10240x128xf32, #tpu.memory_space<vmem_shared>>
        tpu.wait_indirect_dma semaphore(%arg14 : memref<!tpu.dma_semaphore, #tpu.memory_space<semaphore_mem>>) src(%arg9 : memref<128x128xf32, #tpu.memory_space<vmem>>) dst(%dma_wait3A_130 : memref<10240x128xf32, #tpu.memory_space<vmem_shared>>)
        %add3A_131 = arith.constant 2 : i32
        %add3A_132 = arith.addi %mul3A_98, %add3A_131 : i32
        %dma_start3A_133 = arith.constant 0 : i32
        %dma_start3A_134 = tpu.memref_slice %arg7[%add3A_132, %dma_start3A_133] : memref<8x128xi32, #tpu.memory_space<vmem>> -> memref<1x128xi32, #tpu.memory_space<vmem>>
        %dma_start3A_135 = tpu.memref_squeeze %dma_start3A_134 : memref<1x128xi32, #tpu.memory_space<vmem>> -> memref<128xi32, #tpu.memory_space<vmem>>
        %dma_start3A_136 = arith.constant 0 : i32
        %dma_start3A_137 = arith.constant 0 : i32
        %dma_start3A_138 = tpu.memref_slice %arg4[%dma_start3A_136, %dma_start3A_137] : memref<10000x128xf32, #tpu.memory_space<hbm>> -> memref<10000x128xf32, #tpu.memory_space<hbm>>
        tpu.enqueue_indirect_dma source(%dma_start3A_138 : memref<10000x128xf32, #tpu.memory_space<hbm>>) target(%arg9 : memref<128x128xf32, #tpu.memory_space<vmem>>) offsets(%dma_start3A_135 : memref<128xi32, #tpu.memory_space<vmem>>) semaphore(%arg12 : memref<!tpu.dma_semaphore, #tpu.memory_space<semaphore_mem>>)
        %dma_wait3A_139 = arith.constant 0 : i32
        %dma_wait3A_140 = tpu.memref_slice %arg8[%add3A_118, %dma_wait3A_139] : memref<8x128xi32, #tpu.memory_space<vmem>> -> memref<1x128xi32, #tpu.memory_space<vmem>>
        %dma_wait3A_141 = tpu.memref_squeeze %dma_wait3A_140 : memref<1x128xi32, #tpu.memory_space<vmem>> -> memref<128xi32, #tpu.memory_space<vmem>>
        %dma_wait3A_142 = arith.constant 0 : i32
        %dma_wait3A_143 = arith.constant 0 : i32
        %dma_wait3A_144 = tpu.memref_slice %arg11[%dma_wait3A_142, %dma_wait3A_143] : memref<10240x128xf32, #tpu.memory_space<vmem_shared>> -> memref<10240x128xf32, #tpu.memory_space<vmem_shared>>
        tpu.wait_indirect_dma semaphore(%arg15 : memref<!tpu.dma_semaphore, #tpu.memory_space<semaphore_mem>>) src(%arg10 : memref<128x128xf32, #tpu.memory_space<vmem>>) dst(%dma_wait3A_144 : memref<10240x128xf32, #tpu.memory_space<vmem_shared>>)
        %add3A_145 = arith.constant 3 : i32
        %add3A_146 = arith.addi %mul3A_98, %add3A_145 : i32
        %dma_start3A_147 = arith.constant 0 : i32
        %dma_start3A_148 = tpu.memref_slice %arg7[%add3A_146, %dma_start3A_147] : memref<8x128xi32, #tpu.memory_space<vmem>> -> memref<1x128xi32, #tpu.memory_space<vmem>>
        %dma_start3A_149 = tpu.memref_squeeze %dma_start3A_148 : memref<1x128xi32, #tpu.memory_space<vmem>> -> memref<128xi32, #tpu.memory_space<vmem>>
        %dma_start3A_150 = arith.constant 0 : i32
        %dma_start3A_151 = arith.constant 0 : i32
        %dma_start3A_152 = tpu.memref_slice %arg4[%dma_start3A_150, %dma_start3A_151] : memref<10000x128xf32, #tpu.memory_space<hbm>> -> memref<10000x128xf32, #tpu.memory_space<hbm>>
        tpu.enqueue_indirect_dma source(%dma_start3A_152 : memref<10000x128xf32, #tpu.memory_space<hbm>>) target(%arg10 : memref<128x128xf32, #tpu.memory_space<vmem>>) offsets(%dma_start3A_149 : memref<128xi32, #tpu.memory_space<vmem>>) semaphore(%arg13 : memref<!tpu.dma_semaphore, #tpu.memory_space<semaphore_mem>>)
      }
      %scan3A_54 = arith.constant 3 : i32
      %dma_wait3A = arith.constant 0 : i32
      %dma_wait3A_55 = arith.constant 0 : i32
      %dma_wait3A_56 = tpu.memref_slice %arg7[%dma_wait3A, %dma_wait3A_55] : memref<8x128xi32, #tpu.memory_space<vmem>> -> memref<1x128xi32, #tpu.memory_space<vmem>>
      %dma_wait3A_57 = tpu.memref_squeeze %dma_wait3A_56 : memref<1x128xi32, #tpu.memory_space<vmem>> -> memref<128xi32, #tpu.memory_space<vmem>>
      %dma_wait3A_58 = arith.constant 0 : i32
      %dma_wait3A_59 = arith.constant 0 : i32
      %dma_wait3A_60 = tpu.memref_slice %arg4[%dma_wait3A_58, %dma_wait3A_59] : memref<10000x128xf32, #tpu.memory_space<hbm>> -> memref<10000x128xf32, #tpu.memory_space<hbm>>
      tpu.wait_indirect_dma semaphore(%arg12 : memref<!tpu.dma_semaphore, #tpu.memory_space<semaphore_mem>>) src(%dma_wait3A_60 : memref<10000x128xf32, #tpu.memory_space<hbm>>) dst(%arg9 : memref<128x128xf32, #tpu.memory_space<vmem>>)
      %dma_start3A_61 = arith.constant 6 : i32
      %dma_start3A_62 = arith.constant 0 : i32
      %dma_start3A_63 = tpu.memref_slice %arg8[%dma_start3A_61, %dma_start3A_62] : memref<8x128xi32, #tpu.memory_space<vmem>> -> memref<1x128xi32, #tpu.memory_space<vmem>>
      %dma_start3A_64 = tpu.memref_squeeze %dma_start3A_63 : memref<1x128xi32, #tpu.memory_space<vmem>> -> memref<128xi32, #tpu.memory_space<vmem>>
      %dma_start3A_65 = arith.constant 0 : i32
      %dma_start3A_66 = arith.constant 0 : i32
      %dma_start3A_67 = tpu.memref_slice %arg11[%dma_start3A_65, %dma_start3A_66] : memref<10240x128xf32, #tpu.memory_space<vmem_shared>> -> memref<10240x128xf32, #tpu.memory_space<vmem_shared>>
      tpu.enqueue_indirect_dma source(%arg9 : memref<128x128xf32, #tpu.memory_space<vmem>>) target(%dma_start3A_67 : memref<10240x128xf32, #tpu.memory_space<vmem_shared>>) offsets(%dma_start3A_64 : memref<128xi32, #tpu.memory_space<vmem>>) semaphore(%arg14 : memref<!tpu.dma_semaphore, #tpu.memory_space<semaphore_mem>>) {add = true}
      %dma_wait3A_68 = arith.constant 1 : i32
      %dma_wait3A_69 = arith.constant 0 : i32
      %dma_wait3A_70 = tpu.memref_slice %arg7[%dma_wait3A_68, %dma_wait3A_69] : memref<8x128xi32, #tpu.memory_space<vmem>> -> memref<1x128xi32, #tpu.memory_space<vmem>>
      %dma_wait3A_71 = tpu.memref_squeeze %dma_wait3A_70 : memref<1x128xi32, #tpu.memory_space<vmem>> -> memref<128xi32, #tpu.memory_space<vmem>>
      %dma_wait3A_72 = arith.constant 0 : i32
      %dma_wait3A_73 = arith.constant 0 : i32
      %dma_wait3A_74 = tpu.memref_slice %arg4[%dma_wait3A_72, %dma_wait3A_73] : memref<10000x128xf32, #tpu.memory_space<hbm>> -> memref<10000x128xf32, #tpu.memory_space<hbm>>
      tpu.wait_indirect_dma semaphore(%arg13 : memref<!tpu.dma_semaphore, #tpu.memory_space<semaphore_mem>>) src(%dma_wait3A_74 : memref<10000x128xf32, #tpu.memory_space<hbm>>) dst(%arg10 : memref<128x128xf32, #tpu.memory_space<vmem>>)
      %dma_start3A_75 = arith.constant 7 : i32
      %dma_start3A_76 = arith.constant 0 : i32
      %dma_start3A_77 = tpu.memref_slice %arg8[%dma_start3A_75, %dma_start3A_76] : memref<8x128xi32, #tpu.memory_space<vmem>> -> memref<1x128xi32, #tpu.memory_space<vmem>>
      %dma_start3A_78 = tpu.memref_squeeze %dma_start3A_77 : memref<1x128xi32, #tpu.memory_space<vmem>> -> memref<128xi32, #tpu.memory_space<vmem>>
      %dma_start3A_79 = arith.constant 0 : i32
      %dma_start3A_80 = arith.constant 0 : i32
      %dma_start3A_81 = tpu.memref_slice %arg11[%dma_start3A_79, %dma_start3A_80] : memref<10240x128xf32, #tpu.memory_space<vmem_shared>> -> memref<10240x128xf32, #tpu.memory_space<vmem_shared>>
      tpu.enqueue_indirect_dma source(%arg10 : memref<128x128xf32, #tpu.memory_space<vmem>>) target(%dma_start3A_81 : memref<10240x128xf32, #tpu.memory_space<vmem_shared>>) offsets(%dma_start3A_78 : memref<128xi32, #tpu.memory_space<vmem>>) semaphore(%arg15 : memref<!tpu.dma_semaphore, #tpu.memory_space<semaphore_mem>>) {add = true}
      %dma_wait3A_82 = arith.constant 6 : i32
      %dma_wait3A_83 = arith.constant 0 : i32
      %dma_wait3A_84 = tpu.memref_slice %arg8[%dma_wait3A_82, %dma_wait3A_83] : memref<8x128xi32, #tpu.memory_space<vmem>> -> memref<1x128xi32, #tpu.memory_space<vmem>>
      %dma_wait3A_85 = tpu.memref_squeeze %dma_wait3A_84 : memref<1x128xi32, #tpu.memory_space<vmem>> -> memref<128xi32, #tpu.memory_space<vmem>>
      %dma_wait3A_86 = arith.constant 0 : i32
      %dma_wait3A_87 = arith.constant 0 : i32
      %dma_wait3A_88 = tpu.memref_slice %arg11[%dma_wait3A_86, %dma_wait3A_87] : memref<10240x128xf32, #tpu.memory_space<vmem_shared>> -> memref<10240x128xf32, #tpu.memory_space<vmem_shared>>
      tpu.wait_indirect_dma semaphore(%arg14 : memref<!tpu.dma_semaphore, #tpu.memory_space<semaphore_mem>>) src(%arg9 : memref<128x128xf32, #tpu.memory_space<vmem>>) dst(%dma_wait3A_88 : memref<10240x128xf32, #tpu.memory_space<vmem_shared>>)
      %dma_wait3A_89 = arith.constant 7 : i32
      %dma_wait3A_90 = arith.constant 0 : i32
      %dma_wait3A_91 = tpu.memref_slice %arg8[%dma_wait3A_89, %dma_wait3A_90] : memref<8x128xi32, #tpu.memory_space<vmem>> -> memref<1x128xi32, #tpu.memory_space<vmem>>
      %dma_wait3A_92 = tpu.memref_squeeze %dma_wait3A_91 : memref<1x128xi32, #tpu.memory_space<vmem>> -> memref<128xi32, #tpu.memory_space<vmem>>
      %dma_wait3A_93 = arith.constant 0 : i32
      %dma_wait3A_94 = arith.constant 0 : i32
      %dma_wait3A_95 = tpu.memref_slice %arg11[%dma_wait3A_93, %dma_wait3A_94] : memref<10240x128xf32, #tpu.memory_space<vmem_shared>> -> memref<10240x128xf32, #tpu.memory_space<vmem_shared>>
      tpu.wait_indirect_dma semaphore(%arg15 : memref<!tpu.dma_semaphore, #tpu.memory_space<semaphore_mem>>) src(%arg10 : memref<128x128xf32, #tpu.memory_space<vmem>>) dst(%dma_wait3A_95 : memref<10240x128xf32, #tpu.memory_space<vmem_shared>>)
    }
    %barrier3A_30 = arith.constant 0 : index
    tpu.barrier barrier_id(%barrier3A_30)
    "tpu.region"() ({
      %run_scoped3A = tpu.sem_alloc : memref<!tpu.dma_semaphore, #tpu.memory_space<semaphore_mem>>
      %dma_start3A = arith.constant 0 : i32
      %dma_start3A_31 = tpu.memref_slice %arg6[%arg0, %mul3A_0, %dma_start3A] : memref<2x10240x128xf32, #tpu.memory_space<hbm>> -> memref<1x640x128xf32, #tpu.memory_space<hbm>>
      %dma_start3A_32 = tpu.memref_squeeze %dma_start3A_31 : memref<1x640x128xf32, #tpu.memory_space<hbm>> -> memref<640x128xf32, #tpu.memory_space<hbm>>
      %dma_start3A_33 = arith.constant 0 : i32
      %dma_start3A_34 = tpu.memref_slice %arg11[%mul3A_0, %dma_start3A_33] : memref<10240x128xf32, #tpu.memory_space<vmem_shared>> -> memref<640x128xf32, #tpu.memory_space<vmem_shared>>
      tpu.enqueue_dma source(%dma_start3A_34 : memref<640x128xf32, #tpu.memory_space<vmem_shared>>) target(%dma_start3A_32 : memref<640x128xf32, #tpu.memory_space<hbm>>) target_semaphore(%run_scoped3A : memref<!tpu.dma_semaphore, #tpu.memory_space<semaphore_mem>>)
      %dma_wait3A = arith.constant 0 : i32
      %dma_wait3A_35 = tpu.memref_slice %arg6[%arg0, %mul3A_0, %dma_wait3A] : memref<2x10240x128xf32, #tpu.memory_space<hbm>> -> memref<1x640x128xf32, #tpu.memory_space<hbm>>
      %dma_wait3A_36 = tpu.memref_squeeze %dma_wait3A_35 : memref<1x640x128xf32, #tpu.memory_space<hbm>> -> memref<640x128xf32, #tpu.memory_space<hbm>>
      %dma_wait3A_37 = arith.constant 0 : i32
      %dma_wait3A_38 = tpu.memref_slice %arg11[%mul3A_0, %dma_wait3A_37] : memref<10240x128xf32, #tpu.memory_space<vmem_shared>> -> memref<640x128xf32, #tpu.memory_space<vmem_shared>>
      tpu.wait_dma2 semaphore(%run_scoped3A : memref<!tpu.dma_semaphore, #tpu.memory_space<semaphore_mem>>) src(%dma_wait3A_38 : memref<640x128xf32, #tpu.memory_space<vmem_shared>>) dst(%dma_wait3A_36 : memref<640x128xf32, #tpu.memory_space<hbm>>)
      tpu.yield
    }) : () -> ()
    return
  }
}

#map = affine_map<(d0, d1) -> (0, 0)>
#map1 = affine_map<(d0, d1) -> (0, 0, 0)>
module attributes {stable_mosaic.version = 14 : i64} {
  func.func @_sc_message(%arg0: i32, %arg1: i32, %arg2: memref<5120x64xi32, #tpu.memory_space<hbm>>, %arg3: memref<5120x64xi32, #tpu.memory_space<hbm>>, %arg4: memref<10000x128xf32, #tpu.memory_space<hbm>>, %arg5: memref<10240x128xf32, #tpu.memory_space<hbm>>, %arg6: memref<128x128xf32, #tpu.memory_space<hbm>>, %arg7: memref<2x10240x128xf32, #tpu.memory_space<hbm>>, %arg8: memref<16x64xi32, #tpu.memory_space<vmem>>, %arg9: memref<16x64xi32, #tpu.memory_space<vmem>>, %arg10: memref<64x128xf32, #tpu.memory_space<vmem>>, %arg11: memref<64x128xf32, #tpu.memory_space<vmem>>, %arg12: memref<64x128xf32, #tpu.memory_space<vmem>>, %arg13: memref<64x128xf32, #tpu.memory_space<vmem>>, %arg14: memref<10240x128xf32, #tpu.memory_space<vmem_shared>>, %arg15: memref<!tpu.dma_semaphore, #tpu.memory_space<semaphore_mem>>, %arg16: memref<!tpu.dma_semaphore, #tpu.memory_space<semaphore_mem>>, %arg17: memref<!tpu.dma_semaphore, #tpu.memory_space<semaphore_mem>>, %arg18: memref<!tpu.dma_semaphore, #tpu.memory_space<semaphore_mem>>) attributes {dimension_semantics = [#tpu.dimension_semantics<core_parallel>, #tpu.dimension_semantics<subcore_parallel>], iteration_bounds = array<i64: 2, 16>, scalar_prefetch = 0 : i64, scratch_operands = 11 : i64, tpu.core_type = #tpu.core_type<sc_vector_subcore>, window_params = [{transform_indices = #map}, {transform_indices = #map}, {transform_indices = #map}, {transform_indices = #map}, {transform_indices = #map}, {transform_indices = #map1}]} {
    %mul3A = arith.constant 640 : i32
    %mul3A_0 = arith.muli %arg1, %mul3A : i32
    %eq3A = arith.constant 0 : i32
    %eq3A_1 = arith.cmpi eq, %arg0, %eq3A : i32
    %mul3A_2 = arith.constant 160 : i32
    %mul3A_3 = arith.muli %arg1, %mul3A_2 : i32
    %mul3A_4 = arith.constant 160 : i32
    %mul3A_5 = arith.muli %arg1, %mul3A_4 : i32
    %add3A = arith.constant 2560 : i32
    %add3A_6 = arith.addi %add3A, %mul3A_5 : i32
    %select_n3A = arith.select %eq3A_1, %mul3A_3, %add3A_6 : i32
    %eq3A_7 = arith.constant 0 : i32
    %eq3A_8 = arith.cmpi eq, %arg0, %eq3A_7 : i32
    %jit3A = arith.constant 10 : i32
    %jit3A_9 = arith.constant 10 : i32
    %select_n3A_10 = arith.select %eq3A_8, %jit3A, %jit3A_9 : i32
    "tpu.region"() ({
      %run_scoped3A = tpu.sem_alloc : memref<!tpu.dma_semaphore, #tpu.memory_space<semaphore_mem>>
      %dma_start3A = arith.constant 0 : i32
      %dma_start3A_41 = arith.constant 0 : i32
      %dma_start3A_42 = tpu.memref_slice %arg6[%dma_start3A, %dma_start3A_41] : memref<128x128xf32, #tpu.memory_space<hbm>> -> memref<64x128xf32, #tpu.memory_space<hbm>>
      %dma_start3A_43 = arith.constant 0 : i32
      %dma_start3A_44 = arith.constant 0 : i32
      %dma_start3A_45 = tpu.memref_slice %arg6[%dma_start3A_43, %dma_start3A_44] : memref<128x128xf32, #tpu.memory_space<hbm>> -> memref<64x128xf32, #tpu.memory_space<hbm>>
      tpu.enqueue_dma source(%dma_start3A_45 : memref<64x128xf32, #tpu.memory_space<hbm>>) target(%arg10 : memref<64x128xf32, #tpu.memory_space<vmem>>) target_semaphore(%run_scoped3A : memref<!tpu.dma_semaphore, #tpu.memory_space<semaphore_mem>>)
      %dma_wait3A = arith.constant 0 : i32
      %dma_wait3A_46 = arith.constant 0 : i32
      %dma_wait3A_47 = tpu.memref_slice %arg6[%dma_wait3A, %dma_wait3A_46] : memref<128x128xf32, #tpu.memory_space<hbm>> -> memref<64x128xf32, #tpu.memory_space<hbm>>
      %dma_wait3A_48 = arith.constant 0 : i32
      %dma_wait3A_49 = arith.constant 0 : i32
      %dma_wait3A_50 = tpu.memref_slice %arg6[%dma_wait3A_48, %dma_wait3A_49] : memref<128x128xf32, #tpu.memory_space<hbm>> -> memref<64x128xf32, #tpu.memory_space<hbm>>
      tpu.wait_dma2 semaphore(%run_scoped3A : memref<!tpu.dma_semaphore, #tpu.memory_space<semaphore_mem>>) src(%dma_wait3A_50 : memref<64x128xf32, #tpu.memory_space<hbm>>) dst(%arg10 : memref<64x128xf32, #tpu.memory_space<vmem>>)
      tpu.yield
    }) : () -> ()
    %add3A_11 = arith.constant 0 : i32
    %add3A_12 = arith.addi %mul3A_0, %add3A_11 : i32
    "tpu.region"() ({
      %run_scoped3A = tpu.sem_alloc : memref<!tpu.dma_semaphore, #tpu.memory_space<semaphore_mem>>
      %dma_start3A = arith.constant 0 : i32
      %dma_start3A_41 = tpu.memref_slice %arg14[%add3A_12, %dma_start3A] : memref<10240x128xf32, #tpu.memory_space<vmem_shared>> -> memref<64x128xf32, #tpu.memory_space<vmem_shared>>
      %dma_start3A_42 = arith.constant 0 : i32
      %dma_start3A_43 = tpu.memref_slice %arg14[%add3A_12, %dma_start3A_42] : memref<10240x128xf32, #tpu.memory_space<vmem_shared>> -> memref<64x128xf32, #tpu.memory_space<vmem_shared>>
      tpu.enqueue_dma source(%arg10 : memref<64x128xf32, #tpu.memory_space<vmem>>) target(%dma_start3A_43 : memref<64x128xf32, #tpu.memory_space<vmem_shared>>) target_semaphore(%run_scoped3A : memref<!tpu.dma_semaphore, #tpu.memory_space<semaphore_mem>>)
      %dma_wait3A = arith.constant 0 : i32
      %dma_wait3A_44 = tpu.memref_slice %arg14[%add3A_12, %dma_wait3A] : memref<10240x128xf32, #tpu.memory_space<vmem_shared>> -> memref<64x128xf32, #tpu.memory_space<vmem_shared>>
      %dma_wait3A_45 = arith.constant 0 : i32
      %dma_wait3A_46 = tpu.memref_slice %arg14[%add3A_12, %dma_wait3A_45] : memref<10240x128xf32, #tpu.memory_space<vmem_shared>> -> memref<64x128xf32, #tpu.memory_space<vmem_shared>>
      tpu.wait_dma2 semaphore(%run_scoped3A : memref<!tpu.dma_semaphore, #tpu.memory_space<semaphore_mem>>) src(%arg10 : memref<64x128xf32, #tpu.memory_space<vmem>>) dst(%dma_wait3A_46 : memref<64x128xf32, #tpu.memory_space<vmem_shared>>)
      tpu.yield
    }) : () -> ()
    %add3A_13 = arith.constant 64 : i32
    %add3A_14 = arith.addi %mul3A_0, %add3A_13 : i32
    "tpu.region"() ({
      %run_scoped3A = tpu.sem_alloc : memref<!tpu.dma_semaphore, #tpu.memory_space<semaphore_mem>>
      %dma_start3A = arith.constant 0 : i32
      %dma_start3A_41 = tpu.memref_slice %arg14[%add3A_14, %dma_start3A] : memref<10240x128xf32, #tpu.memory_space<vmem_shared>> -> memref<64x128xf32, #tpu.memory_space<vmem_shared>>
      %dma_start3A_42 = arith.constant 0 : i32
      %dma_start3A_43 = tpu.memref_slice %arg14[%add3A_14, %dma_start3A_42] : memref<10240x128xf32, #tpu.memory_space<vmem_shared>> -> memref<64x128xf32, #tpu.memory_space<vmem_shared>>
      tpu.enqueue_dma source(%arg10 : memref<64x128xf32, #tpu.memory_space<vmem>>) target(%dma_start3A_43 : memref<64x128xf32, #tpu.memory_space<vmem_shared>>) target_semaphore(%run_scoped3A : memref<!tpu.dma_semaphore, #tpu.memory_space<semaphore_mem>>)
      %dma_wait3A = arith.constant 0 : i32
      %dma_wait3A_44 = tpu.memref_slice %arg14[%add3A_14, %dma_wait3A] : memref<10240x128xf32, #tpu.memory_space<vmem_shared>> -> memref<64x128xf32, #tpu.memory_space<vmem_shared>>
      %dma_wait3A_45 = arith.constant 0 : i32
      %dma_wait3A_46 = tpu.memref_slice %arg14[%add3A_14, %dma_wait3A_45] : memref<10240x128xf32, #tpu.memory_space<vmem_shared>> -> memref<64x128xf32, #tpu.memory_space<vmem_shared>>
      tpu.wait_dma2 semaphore(%run_scoped3A : memref<!tpu.dma_semaphore, #tpu.memory_space<semaphore_mem>>) src(%arg10 : memref<64x128xf32, #tpu.memory_space<vmem>>) dst(%dma_wait3A_46 : memref<64x128xf32, #tpu.memory_space<vmem_shared>>)
      tpu.yield
    }) : () -> ()
    %add3A_15 = arith.constant 128 : i32
    %add3A_16 = arith.addi %mul3A_0, %add3A_15 : i32
    "tpu.region"() ({
      %run_scoped3A = tpu.sem_alloc : memref<!tpu.dma_semaphore, #tpu.memory_space<semaphore_mem>>
      %dma_start3A = arith.constant 0 : i32
      %dma_start3A_41 = tpu.memref_slice %arg14[%add3A_16, %dma_start3A] : memref<10240x128xf32, #tpu.memory_space<vmem_shared>> -> memref<64x128xf32, #tpu.memory_space<vmem_shared>>
      %dma_start3A_42 = arith.constant 0 : i32
      %dma_start3A_43 = tpu.memref_slice %arg14[%add3A_16, %dma_start3A_42] : memref<10240x128xf32, #tpu.memory_space<vmem_shared>> -> memref<64x128xf32, #tpu.memory_space<vmem_shared>>
      tpu.enqueue_dma source(%arg10 : memref<64x128xf32, #tpu.memory_space<vmem>>) target(%dma_start3A_43 : memref<64x128xf32, #tpu.memory_space<vmem_shared>>) target_semaphore(%run_scoped3A : memref<!tpu.dma_semaphore, #tpu.memory_space<semaphore_mem>>)
      %dma_wait3A = arith.constant 0 : i32
      %dma_wait3A_44 = tpu.memref_slice %arg14[%add3A_16, %dma_wait3A] : memref<10240x128xf32, #tpu.memory_space<vmem_shared>> -> memref<64x128xf32, #tpu.memory_space<vmem_shared>>
      %dma_wait3A_45 = arith.constant 0 : i32
      %dma_wait3A_46 = tpu.memref_slice %arg14[%add3A_16, %dma_wait3A_45] : memref<10240x128xf32, #tpu.memory_space<vmem_shared>> -> memref<64x128xf32, #tpu.memory_space<vmem_shared>>
      tpu.wait_dma2 semaphore(%run_scoped3A : memref<!tpu.dma_semaphore, #tpu.memory_space<semaphore_mem>>) src(%arg10 : memref<64x128xf32, #tpu.memory_space<vmem>>) dst(%dma_wait3A_46 : memref<64x128xf32, #tpu.memory_space<vmem_shared>>)
      tpu.yield
    }) : () -> ()
    %add3A_17 = arith.constant 192 : i32
    %add3A_18 = arith.addi %mul3A_0, %add3A_17 : i32
    "tpu.region"() ({
      %run_scoped3A = tpu.sem_alloc : memref<!tpu.dma_semaphore, #tpu.memory_space<semaphore_mem>>
      %dma_start3A = arith.constant 0 : i32
      %dma_start3A_41 = tpu.memref_slice %arg14[%add3A_18, %dma_start3A] : memref<10240x128xf32, #tpu.memory_space<vmem_shared>> -> memref<64x128xf32, #tpu.memory_space<vmem_shared>>
      %dma_start3A_42 = arith.constant 0 : i32
      %dma_start3A_43 = tpu.memref_slice %arg14[%add3A_18, %dma_start3A_42] : memref<10240x128xf32, #tpu.memory_space<vmem_shared>> -> memref<64x128xf32, #tpu.memory_space<vmem_shared>>
      tpu.enqueue_dma source(%arg10 : memref<64x128xf32, #tpu.memory_space<vmem>>) target(%dma_start3A_43 : memref<64x128xf32, #tpu.memory_space<vmem_shared>>) target_semaphore(%run_scoped3A : memref<!tpu.dma_semaphore, #tpu.memory_space<semaphore_mem>>)
      %dma_wait3A = arith.constant 0 : i32
      %dma_wait3A_44 = tpu.memref_slice %arg14[%add3A_18, %dma_wait3A] : memref<10240x128xf32, #tpu.memory_space<vmem_shared>> -> memref<64x128xf32, #tpu.memory_space<vmem_shared>>
      %dma_wait3A_45 = arith.constant 0 : i32
      %dma_wait3A_46 = tpu.memref_slice %arg14[%add3A_18, %dma_wait3A_45] : memref<10240x128xf32, #tpu.memory_space<vmem_shared>> -> memref<64x128xf32, #tpu.memory_space<vmem_shared>>
      tpu.wait_dma2 semaphore(%run_scoped3A : memref<!tpu.dma_semaphore, #tpu.memory_space<semaphore_mem>>) src(%arg10 : memref<64x128xf32, #tpu.memory_space<vmem>>) dst(%dma_wait3A_46 : memref<64x128xf32, #tpu.memory_space<vmem_shared>>)
      tpu.yield
    }) : () -> ()
    %add3A_19 = arith.constant 256 : i32
    %add3A_20 = arith.addi %mul3A_0, %add3A_19 : i32
    "tpu.region"() ({
      %run_scoped3A = tpu.sem_alloc : memref<!tpu.dma_semaphore, #tpu.memory_space<semaphore_mem>>
      %dma_start3A = arith.constant 0 : i32
      %dma_start3A_41 = tpu.memref_slice %arg14[%add3A_20, %dma_start3A] : memref<10240x128xf32, #tpu.memory_space<vmem_shared>> -> memref<64x128xf32, #tpu.memory_space<vmem_shared>>
      %dma_start3A_42 = arith.constant 0 : i32
      %dma_start3A_43 = tpu.memref_slice %arg14[%add3A_20, %dma_start3A_42] : memref<10240x128xf32, #tpu.memory_space<vmem_shared>> -> memref<64x128xf32, #tpu.memory_space<vmem_shared>>
      tpu.enqueue_dma source(%arg10 : memref<64x128xf32, #tpu.memory_space<vmem>>) target(%dma_start3A_43 : memref<64x128xf32, #tpu.memory_space<vmem_shared>>) target_semaphore(%run_scoped3A : memref<!tpu.dma_semaphore, #tpu.memory_space<semaphore_mem>>)
      %dma_wait3A = arith.constant 0 : i32
      %dma_wait3A_44 = tpu.memref_slice %arg14[%add3A_20, %dma_wait3A] : memref<10240x128xf32, #tpu.memory_space<vmem_shared>> -> memref<64x128xf32, #tpu.memory_space<vmem_shared>>
      %dma_wait3A_45 = arith.constant 0 : i32
      %dma_wait3A_46 = tpu.memref_slice %arg14[%add3A_20, %dma_wait3A_45] : memref<10240x128xf32, #tpu.memory_space<vmem_shared>> -> memref<64x128xf32, #tpu.memory_space<vmem_shared>>
      tpu.wait_dma2 semaphore(%run_scoped3A : memref<!tpu.dma_semaphore, #tpu.memory_space<semaphore_mem>>) src(%arg10 : memref<64x128xf32, #tpu.memory_space<vmem>>) dst(%dma_wait3A_46 : memref<64x128xf32, #tpu.memory_space<vmem_shared>>)
      tpu.yield
    }) : () -> ()
    %add3A_21 = arith.constant 320 : i32
    %add3A_22 = arith.addi %mul3A_0, %add3A_21 : i32
    "tpu.region"() ({
      %run_scoped3A = tpu.sem_alloc : memref<!tpu.dma_semaphore, #tpu.memory_space<semaphore_mem>>
      %dma_start3A = arith.constant 0 : i32
      %dma_start3A_41 = tpu.memref_slice %arg14[%add3A_22, %dma_start3A] : memref<10240x128xf32, #tpu.memory_space<vmem_shared>> -> memref<64x128xf32, #tpu.memory_space<vmem_shared>>
      %dma_start3A_42 = arith.constant 0 : i32
      %dma_start3A_43 = tpu.memref_slice %arg14[%add3A_22, %dma_start3A_42] : memref<10240x128xf32, #tpu.memory_space<vmem_shared>> -> memref<64x128xf32, #tpu.memory_space<vmem_shared>>
      tpu.enqueue_dma source(%arg10 : memref<64x128xf32, #tpu.memory_space<vmem>>) target(%dma_start3A_43 : memref<64x128xf32, #tpu.memory_space<vmem_shared>>) target_semaphore(%run_scoped3A : memref<!tpu.dma_semaphore, #tpu.memory_space<semaphore_mem>>)
      %dma_wait3A = arith.constant 0 : i32
      %dma_wait3A_44 = tpu.memref_slice %arg14[%add3A_22, %dma_wait3A] : memref<10240x128xf32, #tpu.memory_space<vmem_shared>> -> memref<64x128xf32, #tpu.memory_space<vmem_shared>>
      %dma_wait3A_45 = arith.constant 0 : i32
      %dma_wait3A_46 = tpu.memref_slice %arg14[%add3A_22, %dma_wait3A_45] : memref<10240x128xf32, #tpu.memory_space<vmem_shared>> -> memref<64x128xf32, #tpu.memory_space<vmem_shared>>
      tpu.wait_dma2 semaphore(%run_scoped3A : memref<!tpu.dma_semaphore, #tpu.memory_space<semaphore_mem>>) src(%arg10 : memref<64x128xf32, #tpu.memory_space<vmem>>) dst(%dma_wait3A_46 : memref<64x128xf32, #tpu.memory_space<vmem_shared>>)
      tpu.yield
    }) : () -> ()
    %add3A_23 = arith.constant 384 : i32
    %add3A_24 = arith.addi %mul3A_0, %add3A_23 : i32
    "tpu.region"() ({
      %run_scoped3A = tpu.sem_alloc : memref<!tpu.dma_semaphore, #tpu.memory_space<semaphore_mem>>
      %dma_start3A = arith.constant 0 : i32
      %dma_start3A_41 = tpu.memref_slice %arg14[%add3A_24, %dma_start3A] : memref<10240x128xf32, #tpu.memory_space<vmem_shared>> -> memref<64x128xf32, #tpu.memory_space<vmem_shared>>
      %dma_start3A_42 = arith.constant 0 : i32
      %dma_start3A_43 = tpu.memref_slice %arg14[%add3A_24, %dma_start3A_42] : memref<10240x128xf32, #tpu.memory_space<vmem_shared>> -> memref<64x128xf32, #tpu.memory_space<vmem_shared>>
      tpu.enqueue_dma source(%arg10 : memref<64x128xf32, #tpu.memory_space<vmem>>) target(%dma_start3A_43 : memref<64x128xf32, #tpu.memory_space<vmem_shared>>) target_semaphore(%run_scoped3A : memref<!tpu.dma_semaphore, #tpu.memory_space<semaphore_mem>>)
      %dma_wait3A = arith.constant 0 : i32
      %dma_wait3A_44 = tpu.memref_slice %arg14[%add3A_24, %dma_wait3A] : memref<10240x128xf32, #tpu.memory_space<vmem_shared>> -> memref<64x128xf32, #tpu.memory_space<vmem_shared>>
      %dma_wait3A_45 = arith.constant 0 : i32
      %dma_wait3A_46 = tpu.memref_slice %arg14[%add3A_24, %dma_wait3A_45] : memref<10240x128xf32, #tpu.memory_space<vmem_shared>> -> memref<64x128xf32, #tpu.memory_space<vmem_shared>>
      tpu.wait_dma2 semaphore(%run_scoped3A : memref<!tpu.dma_semaphore, #tpu.memory_space<semaphore_mem>>) src(%arg10 : memref<64x128xf32, #tpu.memory_space<vmem>>) dst(%dma_wait3A_46 : memref<64x128xf32, #tpu.memory_space<vmem_shared>>)
      tpu.yield
    }) : () -> ()
    %add3A_25 = arith.constant 448 : i32
    %add3A_26 = arith.addi %mul3A_0, %add3A_25 : i32
    "tpu.region"() ({
      %run_scoped3A = tpu.sem_alloc : memref<!tpu.dma_semaphore, #tpu.memory_space<semaphore_mem>>
      %dma_start3A = arith.constant 0 : i32
      %dma_start3A_41 = tpu.memref_slice %arg14[%add3A_26, %dma_start3A] : memref<10240x128xf32, #tpu.memory_space<vmem_shared>> -> memref<64x128xf32, #tpu.memory_space<vmem_shared>>
      %dma_start3A_42 = arith.constant 0 : i32
      %dma_start3A_43 = tpu.memref_slice %arg14[%add3A_26, %dma_start3A_42] : memref<10240x128xf32, #tpu.memory_space<vmem_shared>> -> memref<64x128xf32, #tpu.memory_space<vmem_shared>>
      tpu.enqueue_dma source(%arg10 : memref<64x128xf32, #tpu.memory_space<vmem>>) target(%dma_start3A_43 : memref<64x128xf32, #tpu.memory_space<vmem_shared>>) target_semaphore(%run_scoped3A : memref<!tpu.dma_semaphore, #tpu.memory_space<semaphore_mem>>)
      %dma_wait3A = arith.constant 0 : i32
      %dma_wait3A_44 = tpu.memref_slice %arg14[%add3A_26, %dma_wait3A] : memref<10240x128xf32, #tpu.memory_space<vmem_shared>> -> memref<64x128xf32, #tpu.memory_space<vmem_shared>>
      %dma_wait3A_45 = arith.constant 0 : i32
      %dma_wait3A_46 = tpu.memref_slice %arg14[%add3A_26, %dma_wait3A_45] : memref<10240x128xf32, #tpu.memory_space<vmem_shared>> -> memref<64x128xf32, #tpu.memory_space<vmem_shared>>
      tpu.wait_dma2 semaphore(%run_scoped3A : memref<!tpu.dma_semaphore, #tpu.memory_space<semaphore_mem>>) src(%arg10 : memref<64x128xf32, #tpu.memory_space<vmem>>) dst(%dma_wait3A_46 : memref<64x128xf32, #tpu.memory_space<vmem_shared>>)
      tpu.yield
    }) : () -> ()
    %add3A_27 = arith.constant 512 : i32
    %add3A_28 = arith.addi %mul3A_0, %add3A_27 : i32
    "tpu.region"() ({
      %run_scoped3A = tpu.sem_alloc : memref<!tpu.dma_semaphore, #tpu.memory_space<semaphore_mem>>
      %dma_start3A = arith.constant 0 : i32
      %dma_start3A_41 = tpu.memref_slice %arg14[%add3A_28, %dma_start3A] : memref<10240x128xf32, #tpu.memory_space<vmem_shared>> -> memref<64x128xf32, #tpu.memory_space<vmem_shared>>
      %dma_start3A_42 = arith.constant 0 : i32
      %dma_start3A_43 = tpu.memref_slice %arg14[%add3A_28, %dma_start3A_42] : memref<10240x128xf32, #tpu.memory_space<vmem_shared>> -> memref<64x128xf32, #tpu.memory_space<vmem_shared>>
      tpu.enqueue_dma source(%arg10 : memref<64x128xf32, #tpu.memory_space<vmem>>) target(%dma_start3A_43 : memref<64x128xf32, #tpu.memory_space<vmem_shared>>) target_semaphore(%run_scoped3A : memref<!tpu.dma_semaphore, #tpu.memory_space<semaphore_mem>>)
      %dma_wait3A = arith.constant 0 : i32
      %dma_wait3A_44 = tpu.memref_slice %arg14[%add3A_28, %dma_wait3A] : memref<10240x128xf32, #tpu.memory_space<vmem_shared>> -> memref<64x128xf32, #tpu.memory_space<vmem_shared>>
      %dma_wait3A_45 = arith.constant 0 : i32
      %dma_wait3A_46 = tpu.memref_slice %arg14[%add3A_28, %dma_wait3A_45] : memref<10240x128xf32, #tpu.memory_space<vmem_shared>> -> memref<64x128xf32, #tpu.memory_space<vmem_shared>>
      tpu.wait_dma2 semaphore(%run_scoped3A : memref<!tpu.dma_semaphore, #tpu.memory_space<semaphore_mem>>) src(%arg10 : memref<64x128xf32, #tpu.memory_space<vmem>>) dst(%dma_wait3A_46 : memref<64x128xf32, #tpu.memory_space<vmem_shared>>)
      tpu.yield
    }) : () -> ()
    %add3A_29 = arith.constant 576 : i32
    %add3A_30 = arith.addi %mul3A_0, %add3A_29 : i32
    "tpu.region"() ({
      %run_scoped3A = tpu.sem_alloc : memref<!tpu.dma_semaphore, #tpu.memory_space<semaphore_mem>>
      %dma_start3A = arith.constant 0 : i32
      %dma_start3A_41 = tpu.memref_slice %arg14[%add3A_30, %dma_start3A] : memref<10240x128xf32, #tpu.memory_space<vmem_shared>> -> memref<64x128xf32, #tpu.memory_space<vmem_shared>>
      %dma_start3A_42 = arith.constant 0 : i32
      %dma_start3A_43 = tpu.memref_slice %arg14[%add3A_30, %dma_start3A_42] : memref<10240x128xf32, #tpu.memory_space<vmem_shared>> -> memref<64x128xf32, #tpu.memory_space<vmem_shared>>
      tpu.enqueue_dma source(%arg10 : memref<64x128xf32, #tpu.memory_space<vmem>>) target(%dma_start3A_43 : memref<64x128xf32, #tpu.memory_space<vmem_shared>>) target_semaphore(%run_scoped3A : memref<!tpu.dma_semaphore, #tpu.memory_space<semaphore_mem>>)
      %dma_wait3A = arith.constant 0 : i32
      %dma_wait3A_44 = tpu.memref_slice %arg14[%add3A_30, %dma_wait3A] : memref<10240x128xf32, #tpu.memory_space<vmem_shared>> -> memref<64x128xf32, #tpu.memory_space<vmem_shared>>
      %dma_wait3A_45 = arith.constant 0 : i32
      %dma_wait3A_46 = tpu.memref_slice %arg14[%add3A_30, %dma_wait3A_45] : memref<10240x128xf32, #tpu.memory_space<vmem_shared>> -> memref<64x128xf32, #tpu.memory_space<vmem_shared>>
      tpu.wait_dma2 semaphore(%run_scoped3A : memref<!tpu.dma_semaphore, #tpu.memory_space<semaphore_mem>>) src(%arg10 : memref<64x128xf32, #tpu.memory_space<vmem>>) dst(%dma_wait3A_46 : memref<64x128xf32, #tpu.memory_space<vmem_shared>>)
      tpu.yield
    }) : () -> ()
    %barrier3A = arith.constant 0 : index
    tpu.barrier barrier_id(%barrier3A)
    %while3A = arith.constant 0 : i32
    %while3A_31 = arith.constant 0 : i32
    %while3A_32 = arith.subi %select_n3A_10, %while3A_31 : i32
    %while3A_33 = arith.addi %while3A_31, %while3A_32 : i32
    %while3A_34 = arith.constant 1 : i32
    %while3A_35 = arith.divsi %while3A_32, %while3A_34 : i32
    %while3A_36 = arith.muli %while3A_35, %while3A_34 : i32
    %while3A_37 = arith.addi %while3A_31, %while3A_36 : i32
    %while3A_38 = arith.constant 1 : i32
    scf.for %while3A_41 = %while3A_31 to %while3A_37 step %while3A_38  : i32 {
      %mul3A_42 = arith.constant 16 : i32
      %mul3A_43 = arith.muli %while3A_41, %mul3A_42 : i32
      %add3A_44 = arith.addi %select_n3A, %mul3A_43 : i32
      "tpu.region"() ({
        %run_scoped3A = tpu.sem_alloc : memref<!tpu.dma_semaphore, #tpu.memory_space<semaphore_mem>>
        %dma_start3A_148 = arith.constant 0 : i32
        %dma_start3A_149 = tpu.memref_slice %arg2[%add3A_44, %dma_start3A_148] : memref<5120x64xi32, #tpu.memory_space<hbm>> -> memref<16x64xi32, #tpu.memory_space<hbm>>
        %dma_start3A_150 = arith.constant 0 : i32
        %dma_start3A_151 = tpu.memref_slice %arg2[%add3A_44, %dma_start3A_150] : memref<5120x64xi32, #tpu.memory_space<hbm>> -> memref<16x64xi32, #tpu.memory_space<hbm>>
        tpu.enqueue_dma source(%dma_start3A_151 : memref<16x64xi32, #tpu.memory_space<hbm>>) target(%arg8 : memref<16x64xi32, #tpu.memory_space<vmem>>) target_semaphore(%run_scoped3A : memref<!tpu.dma_semaphore, #tpu.memory_space<semaphore_mem>>)
        %dma_wait3A_152 = arith.constant 0 : i32
        %dma_wait3A_153 = tpu.memref_slice %arg2[%add3A_44, %dma_wait3A_152] : memref<5120x64xi32, #tpu.memory_space<hbm>> -> memref<16x64xi32, #tpu.memory_space<hbm>>
        %dma_wait3A_154 = arith.constant 0 : i32
        %dma_wait3A_155 = tpu.memref_slice %arg2[%add3A_44, %dma_wait3A_154] : memref<5120x64xi32, #tpu.memory_space<hbm>> -> memref<16x64xi32, #tpu.memory_space<hbm>>
        tpu.wait_dma2 semaphore(%run_scoped3A : memref<!tpu.dma_semaphore, #tpu.memory_space<semaphore_mem>>) src(%dma_wait3A_155 : memref<16x64xi32, #tpu.memory_space<hbm>>) dst(%arg8 : memref<16x64xi32, #tpu.memory_space<vmem>>)
        tpu.yield
      }) : () -> ()
      "tpu.region"() ({
        %run_scoped3A = tpu.sem_alloc : memref<!tpu.dma_semaphore, #tpu.memory_space<semaphore_mem>>
        %dma_start3A_148 = arith.constant 0 : i32
        %dma_start3A_149 = tpu.memref_slice %arg3[%add3A_44, %dma_start3A_148] : memref<5120x64xi32, #tpu.memory_space<hbm>> -> memref<16x64xi32, #tpu.memory_space<hbm>>
        %dma_start3A_150 = arith.constant 0 : i32
        %dma_start3A_151 = tpu.memref_slice %arg3[%add3A_44, %dma_start3A_150] : memref<5120x64xi32, #tpu.memory_space<hbm>> -> memref<16x64xi32, #tpu.memory_space<hbm>>
        tpu.enqueue_dma source(%dma_start3A_151 : memref<16x64xi32, #tpu.memory_space<hbm>>) target(%arg9 : memref<16x64xi32, #tpu.memory_space<vmem>>) target_semaphore(%run_scoped3A : memref<!tpu.dma_semaphore, #tpu.memory_space<semaphore_mem>>)
        %dma_wait3A_152 = arith.constant 0 : i32
        %dma_wait3A_153 = tpu.memref_slice %arg3[%add3A_44, %dma_wait3A_152] : memref<5120x64xi32, #tpu.memory_space<hbm>> -> memref<16x64xi32, #tpu.memory_space<hbm>>
        %dma_wait3A_154 = arith.constant 0 : i32
        %dma_wait3A_155 = tpu.memref_slice %arg3[%add3A_44, %dma_wait3A_154] : memref<5120x64xi32, #tpu.memory_space<hbm>> -> memref<16x64xi32, #tpu.memory_space<hbm>>
        tpu.wait_dma2 semaphore(%run_scoped3A : memref<!tpu.dma_semaphore, #tpu.memory_space<semaphore_mem>>) src(%dma_wait3A_155 : memref<16x64xi32, #tpu.memory_space<hbm>>) dst(%arg9 : memref<16x64xi32, #tpu.memory_space<vmem>>)
        tpu.yield
      }) : () -> ()
      %dma_start3A = arith.constant 0 : i32
      %dma_start3A_45 = arith.constant 0 : i32
      %dma_start3A_46 = tpu.memref_slice %arg8[%dma_start3A, %dma_start3A_45] : memref<16x64xi32, #tpu.memory_space<vmem>> -> memref<1x64xi32, #tpu.memory_space<vmem>>
      %dma_start3A_47 = tpu.memref_squeeze %dma_start3A_46 : memref<1x64xi32, #tpu.memory_space<vmem>> -> memref<64xi32, #tpu.memory_space<vmem>>
      %dma_start3A_48 = arith.constant 0 : i32
      %dma_start3A_49 = arith.constant 0 : i32
      %dma_start3A_50 = tpu.memref_slice %arg4[%dma_start3A_48, %dma_start3A_49] : memref<10000x128xf32, #tpu.memory_space<hbm>> -> memref<10000x128xf32, #tpu.memory_space<hbm>>
      tpu.enqueue_indirect_dma source(%dma_start3A_50 : memref<10000x128xf32, #tpu.memory_space<hbm>>) target(%arg10 : memref<64x128xf32, #tpu.memory_space<vmem>>) offsets(%dma_start3A_47 : memref<64xi32, #tpu.memory_space<vmem>>) semaphore(%arg15 : memref<!tpu.dma_semaphore, #tpu.memory_space<semaphore_mem>>)
      %dma_start3A_51 = arith.constant 0 : i32
      %dma_start3A_52 = arith.constant 0 : i32
      %dma_start3A_53 = tpu.memref_slice %arg9[%dma_start3A_51, %dma_start3A_52] : memref<16x64xi32, #tpu.memory_space<vmem>> -> memref<1x64xi32, #tpu.memory_space<vmem>>
      %dma_start3A_54 = tpu.memref_squeeze %dma_start3A_53 : memref<1x64xi32, #tpu.memory_space<vmem>> -> memref<64xi32, #tpu.memory_space<vmem>>
      %dma_start3A_55 = arith.constant 0 : i32
      %dma_start3A_56 = arith.constant 0 : i32
      %dma_start3A_57 = tpu.memref_slice %arg5[%dma_start3A_55, %dma_start3A_56] : memref<10240x128xf32, #tpu.memory_space<hbm>> -> memref<10240x128xf32, #tpu.memory_space<hbm>>
      tpu.enqueue_indirect_dma source(%dma_start3A_57 : memref<10240x128xf32, #tpu.memory_space<hbm>>) target(%arg12 : memref<64x128xf32, #tpu.memory_space<vmem>>) offsets(%dma_start3A_54 : memref<64xi32, #tpu.memory_space<vmem>>) semaphore(%arg15 : memref<!tpu.dma_semaphore, #tpu.memory_space<semaphore_mem>>)
      %dma_start3A_58 = arith.constant 1 : i32
      %dma_start3A_59 = arith.constant 0 : i32
      %dma_start3A_60 = tpu.memref_slice %arg8[%dma_start3A_58, %dma_start3A_59] : memref<16x64xi32, #tpu.memory_space<vmem>> -> memref<1x64xi32, #tpu.memory_space<vmem>>
      %dma_start3A_61 = tpu.memref_squeeze %dma_start3A_60 : memref<1x64xi32, #tpu.memory_space<vmem>> -> memref<64xi32, #tpu.memory_space<vmem>>
      %dma_start3A_62 = arith.constant 0 : i32
      %dma_start3A_63 = arith.constant 0 : i32
      %dma_start3A_64 = tpu.memref_slice %arg4[%dma_start3A_62, %dma_start3A_63] : memref<10000x128xf32, #tpu.memory_space<hbm>> -> memref<10000x128xf32, #tpu.memory_space<hbm>>
      tpu.enqueue_indirect_dma source(%dma_start3A_64 : memref<10000x128xf32, #tpu.memory_space<hbm>>) target(%arg11 : memref<64x128xf32, #tpu.memory_space<vmem>>) offsets(%dma_start3A_61 : memref<64xi32, #tpu.memory_space<vmem>>) semaphore(%arg16 : memref<!tpu.dma_semaphore, #tpu.memory_space<semaphore_mem>>)
      %dma_start3A_65 = arith.constant 1 : i32
      %dma_start3A_66 = arith.constant 0 : i32
      %dma_start3A_67 = tpu.memref_slice %arg9[%dma_start3A_65, %dma_start3A_66] : memref<16x64xi32, #tpu.memory_space<vmem>> -> memref<1x64xi32, #tpu.memory_space<vmem>>
      %dma_start3A_68 = tpu.memref_squeeze %dma_start3A_67 : memref<1x64xi32, #tpu.memory_space<vmem>> -> memref<64xi32, #tpu.memory_space<vmem>>
      %dma_start3A_69 = arith.constant 0 : i32
      %dma_start3A_70 = arith.constant 0 : i32
      %dma_start3A_71 = tpu.memref_slice %arg5[%dma_start3A_69, %dma_start3A_70] : memref<10240x128xf32, #tpu.memory_space<hbm>> -> memref<10240x128xf32, #tpu.memory_space<hbm>>
      tpu.enqueue_indirect_dma source(%dma_start3A_71 : memref<10240x128xf32, #tpu.memory_space<hbm>>) target(%arg13 : memref<64x128xf32, #tpu.memory_space<vmem>>) offsets(%dma_start3A_68 : memref<64xi32, #tpu.memory_space<vmem>>) semaphore(%arg16 : memref<!tpu.dma_semaphore, #tpu.memory_space<semaphore_mem>>)
      %scan3A = arith.constant 0 : i32
      %scan3A_72 = arith.constant 0 : i32
      %scan3A_73 = arith.constant 0 : i32
      %scan3A_74 = arith.constant 1 : i32
      %scan3A_75 = arith.constant 1 : i32
      %scan3A_76 = arith.constant 0 : i32
      %scan3A_77 = arith.constant 7 : i32
      %scan3A_78 = arith.addi %scan3A_76, %scan3A_77 : i32
      %scan3A_79 = arith.constant 1 : i32
      scf.for %scan3A_148 = %scan3A_76 to %scan3A_78 step %scan3A_79  : i32 {
        %mul3A_149 = arith.constant 2 : i32
        %mul3A_150 = arith.muli %mul3A_149, %scan3A_148 : i32
        %dma_wait3A_151 = arith.constant 0 : i32
        %dma_wait3A_152 = tpu.memref_slice %arg8[%scan3A_72, %dma_wait3A_151] : memref<16x64xi32, #tpu.memory_space<vmem>> -> memref<1x64xi32, #tpu.memory_space<vmem>>
        %dma_wait3A_153 = tpu.memref_squeeze %dma_wait3A_152 : memref<1x64xi32, #tpu.memory_space<vmem>> -> memref<64xi32, #tpu.memory_space<vmem>>
        %dma_wait3A_154 = arith.constant 0 : i32
        %dma_wait3A_155 = arith.constant 0 : i32
        %dma_wait3A_156 = tpu.memref_slice %arg4[%dma_wait3A_154, %dma_wait3A_155] : memref<10000x128xf32, #tpu.memory_space<hbm>> -> memref<10000x128xf32, #tpu.memory_space<hbm>>
        tpu.wait_indirect_dma semaphore(%arg15 : memref<!tpu.dma_semaphore, #tpu.memory_space<semaphore_mem>>) src(%dma_wait3A_156 : memref<10000x128xf32, #tpu.memory_space<hbm>>) dst(%arg10 : memref<64x128xf32, #tpu.memory_space<vmem>>)
        %dma_wait3A_157 = arith.constant 0 : i32
        %dma_wait3A_158 = tpu.memref_slice %arg9[%scan3A_73, %dma_wait3A_157] : memref<16x64xi32, #tpu.memory_space<vmem>> -> memref<1x64xi32, #tpu.memory_space<vmem>>
        %dma_wait3A_159 = tpu.memref_squeeze %dma_wait3A_158 : memref<1x64xi32, #tpu.memory_space<vmem>> -> memref<64xi32, #tpu.memory_space<vmem>>
        %dma_wait3A_160 = arith.constant 0 : i32
        %dma_wait3A_161 = arith.constant 0 : i32
        %dma_wait3A_162 = tpu.memref_slice %arg5[%dma_wait3A_160, %dma_wait3A_161] : memref<10240x128xf32, #tpu.memory_space<hbm>> -> memref<10240x128xf32, #tpu.memory_space<hbm>>
        tpu.wait_indirect_dma semaphore(%arg15 : memref<!tpu.dma_semaphore, #tpu.memory_space<semaphore_mem>>) src(%dma_wait3A_162 : memref<10240x128xf32, #tpu.memory_space<hbm>>) dst(%arg12 : memref<64x128xf32, #tpu.memory_space<vmem>>)
        %scan3A_163 = arith.constant 0 : i32
        %scan3A_164 = arith.constant 0 : i32
        %scan3A_165 = arith.constant 64 : i32
        %scan3A_166 = arith.addi %scan3A_164, %scan3A_165 : i32
        %scan3A_167 = arith.constant 1 : i32
        scf.for %scan3A_241 = %scan3A_164 to %scan3A_166 step %scan3A_167  : i32 {
          %get3A = arith.index_cast %scan3A_241 : i32 to index
          %get3A_242 = arith.constant 0 : index
          %get3A_243 = tpu.vector_load %arg12[%get3A, %get3A_242] {strides = array<i32>} : memref<64x128xf32, #tpu.memory_space<vmem>>, vector<1x16xf32>,
          %get3A_244 = vector.shape_cast %get3A_243 : vector<1x16xf32> to vector<16xf32>
          %get3A_245 = arith.index_cast %scan3A_241 : i32 to index
          %get3A_246 = arith.constant 0 : index
          %get3A_247 = tpu.vector_load %arg10[%get3A_245, %get3A_246] {strides = array<i32>} : memref<64x128xf32, #tpu.memory_space<vmem>>, vector<1x16xf32>,
          %get3A_248 = vector.shape_cast %get3A_247 : vector<1x16xf32> to vector<16xf32>
          %add3A_249 = arith.addf %get3A_244, %get3A_248 : vector<16xf32>
          %max3A = arith.constant 0.000000e+00 : f32
          %max3A_250 = vector.broadcast %max3A : f32 to vector<16xf32>
          %max3A_251 = arith.maximumf %add3A_249, %max3A_250 : vector<16xf32>
          %swap3A = arith.index_cast %scan3A_241 : i32 to index
          %swap3A_252 = arith.constant 0 : index
          %swap3A_253 = tpu.vector_load %arg12[%swap3A, %swap3A_252] {strides = array<i32>} : memref<64x128xf32, #tpu.memory_space<vmem>>, vector<1x16xf32>,
          %swap3A_254 = vector.shape_cast %swap3A_253 : vector<1x16xf32> to vector<16xf32>
          %swap3A_255 = vector.shape_cast %max3A_251 : vector<16xf32> to vector<1x16xf32>
          tpu.vector_store %arg12[%swap3A, %swap3A_252], %swap3A_255 {strides = array<i32>} : memref<64x128xf32, #tpu.memory_space<vmem>>, vector<1x16xf32>,
          %get3A_256 = arith.index_cast %scan3A_241 : i32 to index
          %get3A_257 = arith.constant 16 : index
          %get3A_258 = tpu.vector_load %arg12[%get3A_256, %get3A_257] {strides = array<i32>} : memref<64x128xf32, #tpu.memory_space<vmem>>, vector<1x16xf32>,
          %get3A_259 = vector.shape_cast %get3A_258 : vector<1x16xf32> to vector<16xf32>
          %get3A_260 = arith.index_cast %scan3A_241 : i32 to index
          %get3A_261 = arith.constant 16 : index
          %get3A_262 = tpu.vector_load %arg10[%get3A_260, %get3A_261] {strides = array<i32>} : memref<64x128xf32, #tpu.memory_space<vmem>>, vector<1x16xf32>,
          %get3A_263 = vector.shape_cast %get3A_262 : vector<1x16xf32> to vector<16xf32>
          %add3A_264 = arith.addf %get3A_259, %get3A_263 : vector<16xf32>
          %max3A_265 = arith.constant 0.000000e+00 : f32
          %max3A_266 = vector.broadcast %max3A_265 : f32 to vector<16xf32>
          %max3A_267 = arith.maximumf %add3A_264, %max3A_266 : vector<16xf32>
          %swap3A_268 = arith.index_cast %scan3A_241 : i32 to index
          %swap3A_269 = arith.constant 16 : index
          %swap3A_270 = tpu.vector_load %arg12[%swap3A_268, %swap3A_269] {strides = array<i32>} : memref<64x128xf32, #tpu.memory_space<vmem>>, vector<1x16xf32>,
          %swap3A_271 = vector.shape_cast %swap3A_270 : vector<1x16xf32> to vector<16xf32>
          %swap3A_272 = vector.shape_cast %max3A_267 : vector<16xf32> to vector<1x16xf32>
          tpu.vector_store %arg12[%swap3A_268, %swap3A_269], %swap3A_272 {strides = array<i32>} : memref<64x128xf32, #tpu.memory_space<vmem>>, vector<1x16xf32>,
          %get3A_273 = arith.index_cast %scan3A_241 : i32 to index
          %get3A_274 = arith.constant 32 : index
          %get3A_275 = tpu.vector_load %arg12[%get3A_273, %get3A_274] {strides = array<i32>} : memref<64x128xf32, #tpu.memory_space<vmem>>, vector<1x16xf32>,
          %get3A_276 = vector.shape_cast %get3A_275 : vector<1x16xf32> to vector<16xf32>
          %get3A_277 = arith.index_cast %scan3A_241 : i32 to index
          %get3A_278 = arith.constant 32 : index
          %get3A_279 = tpu.vector_load %arg10[%get3A_277, %get3A_278] {strides = array<i32>} : memref<64x128xf32, #tpu.memory_space<vmem>>, vector<1x16xf32>,
          %get3A_280 = vector.shape_cast %get3A_279 : vector<1x16xf32> to vector<16xf32>
          %add3A_281 = arith.addf %get3A_276, %get3A_280 : vector<16xf32>
          %max3A_282 = arith.constant 0.000000e+00 : f32
          %max3A_283 = vector.broadcast %max3A_282 : f32 to vector<16xf32>
          %max3A_284 = arith.maximumf %add3A_281, %max3A_283 : vector<16xf32>
          %swap3A_285 = arith.index_cast %scan3A_241 : i32 to index
          %swap3A_286 = arith.constant 32 : index
          %swap3A_287 = tpu.vector_load %arg12[%swap3A_285, %swap3A_286] {strides = array<i32>} : memref<64x128xf32, #tpu.memory_space<vmem>>, vector<1x16xf32>,
          %swap3A_288 = vector.shape_cast %swap3A_287 : vector<1x16xf32> to vector<16xf32>
          %swap3A_289 = vector.shape_cast %max3A_284 : vector<16xf32> to vector<1x16xf32>
          tpu.vector_store %arg12[%swap3A_285, %swap3A_286], %swap3A_289 {strides = array<i32>} : memref<64x128xf32, #tpu.memory_space<vmem>>, vector<1x16xf32>,
          %get3A_290 = arith.index_cast %scan3A_241 : i32 to index
          %get3A_291 = arith.constant 48 : index
          %get3A_292 = tpu.vector_load %arg12[%get3A_290, %get3A_291] {strides = array<i32>} : memref<64x128xf32, #tpu.memory_space<vmem>>, vector<1x16xf32>,
          %get3A_293 = vector.shape_cast %get3A_292 : vector<1x16xf32> to vector<16xf32>
          %get3A_294 = arith.index_cast %scan3A_241 : i32 to index
          %get3A_295 = arith.constant 48 : index
          %get3A_296 = tpu.vector_load %arg10[%get3A_294, %get3A_295] {strides = array<i32>} : memref<64x128xf32, #tpu.memory_space<vmem>>, vector<1x16xf32>,
          %get3A_297 = vector.shape_cast %get3A_296 : vector<1x16xf32> to vector<16xf32>
          %add3A_298 = arith.addf %get3A_293, %get3A_297 : vector<16xf32>
          %max3A_299 = arith.constant 0.000000e+00 : f32
          %max3A_300 = vector.broadcast %max3A_299 : f32 to vector<16xf32>
          %max3A_301 = arith.maximumf %add3A_298, %max3A_300 : vector<16xf32>
          %swap3A_302 = arith.index_cast %scan3A_241 : i32 to index
          %swap3A_303 = arith.constant 48 : index
          %swap3A_304 = tpu.vector_load %arg12[%swap3A_302, %swap3A_303] {strides = array<i32>} : memref<64x128xf32, #tpu.memory_space<vmem>>, vector<1x16xf32>,
          %swap3A_305 = vector.shape_cast %swap3A_304 : vector<1x16xf32> to vector<16xf32>
          %swap3A_306 = vector.shape_cast %max3A_301 : vector<16xf32> to vector<1x16xf32>
          tpu.vector_store %arg12[%swap3A_302, %swap3A_303], %swap3A_306 {strides = array<i32>} : memref<64x128xf32, #tpu.memory_space<vmem>>, vector<1x16xf32>,
          %get3A_307 = arith.index_cast %scan3A_241 : i32 to index
          %get3A_308 = arith.constant 64 : index
          %get3A_309 = tpu.vector_load %arg12[%get3A_307, %get3A_308] {strides = array<i32>} : memref<64x128xf32, #tpu.memory_space<vmem>>, vector<1x16xf32>,
          %get3A_310 = vector.shape_cast %get3A_309 : vector<1x16xf32> to vector<16xf32>
          %get3A_311 = arith.index_cast %scan3A_241 : i32 to index
          %get3A_312 = arith.constant 64 : index
          %get3A_313 = tpu.vector_load %arg10[%get3A_311, %get3A_312] {strides = array<i32>} : memref<64x128xf32, #tpu.memory_space<vmem>>, vector<1x16xf32>,
          %get3A_314 = vector.shape_cast %get3A_313 : vector<1x16xf32> to vector<16xf32>
          %add3A_315 = arith.addf %get3A_310, %get3A_314 : vector<16xf32>
          %max3A_316 = arith.constant 0.000000e+00 : f32
          %max3A_317 = vector.broadcast %max3A_316 : f32 to vector<16xf32>
          %max3A_318 = arith.maximumf %add3A_315, %max3A_317 : vector<16xf32>
          %swap3A_319 = arith.index_cast %scan3A_241 : i32 to index
          %swap3A_320 = arith.constant 64 : index
          %swap3A_321 = tpu.vector_load %arg12[%swap3A_319, %swap3A_320] {strides = array<i32>} : memref<64x128xf32, #tpu.memory_space<vmem>>, vector<1x16xf32>,
          %swap3A_322 = vector.shape_cast %swap3A_321 : vector<1x16xf32> to vector<16xf32>
          %swap3A_323 = vector.shape_cast %max3A_318 : vector<16xf32> to vector<1x16xf32>
          tpu.vector_store %arg12[%swap3A_319, %swap3A_320], %swap3A_323 {strides = array<i32>} : memref<64x128xf32, #tpu.memory_space<vmem>>, vector<1x16xf32>,
          %get3A_324 = arith.index_cast %scan3A_241 : i32 to index
          %get3A_325 = arith.constant 80 : index
          %get3A_326 = tpu.vector_load %arg12[%get3A_324, %get3A_325] {strides = array<i32>} : memref<64x128xf32, #tpu.memory_space<vmem>>, vector<1x16xf32>,
          %get3A_327 = vector.shape_cast %get3A_326 : vector<1x16xf32> to vector<16xf32>
          %get3A_328 = arith.index_cast %scan3A_241 : i32 to index
          %get3A_329 = arith.constant 80 : index
          %get3A_330 = tpu.vector_load %arg10[%get3A_328, %get3A_329] {strides = array<i32>} : memref<64x128xf32, #tpu.memory_space<vmem>>, vector<1x16xf32>,
          %get3A_331 = vector.shape_cast %get3A_330 : vector<1x16xf32> to vector<16xf32>
          %add3A_332 = arith.addf %get3A_327, %get3A_331 : vector<16xf32>
          %max3A_333 = arith.constant 0.000000e+00 : f32
          %max3A_334 = vector.broadcast %max3A_333 : f32 to vector<16xf32>
          %max3A_335 = arith.maximumf %add3A_332, %max3A_334 : vector<16xf32>
          %swap3A_336 = arith.index_cast %scan3A_241 : i32 to index
          %swap3A_337 = arith.constant 80 : index
          %swap3A_338 = tpu.vector_load %arg12[%swap3A_336, %swap3A_337] {strides = array<i32>} : memref<64x128xf32, #tpu.memory_space<vmem>>, vector<1x16xf32>,
          %swap3A_339 = vector.shape_cast %swap3A_338 : vector<1x16xf32> to vector<16xf32>
          %swap3A_340 = vector.shape_cast %max3A_335 : vector<16xf32> to vector<1x16xf32>
          tpu.vector_store %arg12[%swap3A_336, %swap3A_337], %swap3A_340 {strides = array<i32>} : memref<64x128xf32, #tpu.memory_space<vmem>>, vector<1x16xf32>,
          %get3A_341 = arith.index_cast %scan3A_241 : i32 to index
          %get3A_342 = arith.constant 96 : index
          %get3A_343 = tpu.vector_load %arg12[%get3A_341, %get3A_342] {strides = array<i32>} : memref<64x128xf32, #tpu.memory_space<vmem>>, vector<1x16xf32>,
          %get3A_344 = vector.shape_cast %get3A_343 : vector<1x16xf32> to vector<16xf32>
          %get3A_345 = arith.index_cast %scan3A_241 : i32 to index
          %get3A_346 = arith.constant 96 : index
          %get3A_347 = tpu.vector_load %arg10[%get3A_345, %get3A_346] {strides = array<i32>} : memref<64x128xf32, #tpu.memory_space<vmem>>, vector<1x16xf32>,
          %get3A_348 = vector.shape_cast %get3A_347 : vector<1x16xf32> to vector<16xf32>
          %add3A_349 = arith.addf %get3A_344, %get3A_348 : vector<16xf32>
          %max3A_350 = arith.constant 0.000000e+00 : f32
          %max3A_351 = vector.broadcast %max3A_350 : f32 to vector<16xf32>
          %max3A_352 = arith.maximumf %add3A_349, %max3A_351 : vector<16xf32>
          %swap3A_353 = arith.index_cast %scan3A_241 : i32 to index
          %swap3A_354 = arith.constant 96 : index
          %swap3A_355 = tpu.vector_load %arg12[%swap3A_353, %swap3A_354] {strides = array<i32>} : memref<64x128xf32, #tpu.memory_space<vmem>>, vector<1x16xf32>,
          %swap3A_356 = vector.shape_cast %swap3A_355 : vector<1x16xf32> to vector<16xf32>
          %swap3A_357 = vector.shape_cast %max3A_352 : vector<16xf32> to vector<1x16xf32>
          tpu.vector_store %arg12[%swap3A_353, %swap3A_354], %swap3A_357 {strides = array<i32>} : memref<64x128xf32, #tpu.memory_space<vmem>>, vector<1x16xf32>,
          %get3A_358 = arith.index_cast %scan3A_241 : i32 to index
          %get3A_359 = arith.constant 112 : index
          %get3A_360 = tpu.vector_load %arg12[%get3A_358, %get3A_359] {strides = array<i32>} : memref<64x128xf32, #tpu.memory_space<vmem>>, vector<1x16xf32>,
          %get3A_361 = vector.shape_cast %get3A_360 : vector<1x16xf32> to vector<16xf32>
          %get3A_362 = arith.index_cast %scan3A_241 : i32 to index
          %get3A_363 = arith.constant 112 : index
          %get3A_364 = tpu.vector_load %arg10[%get3A_362, %get3A_363] {strides = array<i32>} : memref<64x128xf32, #tpu.memory_space<vmem>>, vector<1x16xf32>,
          %get3A_365 = vector.shape_cast %get3A_364 : vector<1x16xf32> to vector<16xf32>
          %add3A_366 = arith.addf %get3A_361, %get3A_365 : vector<16xf32>
          %max3A_367 = arith.constant 0.000000e+00 : f32
          %max3A_368 = vector.broadcast %max3A_367 : f32 to vector<16xf32>
          %max3A_369 = arith.maximumf %add3A_366, %max3A_368 : vector<16xf32>
          %swap3A_370 = arith.index_cast %scan3A_241 : i32 to index
          %swap3A_371 = arith.constant 112 : index
          %swap3A_372 = tpu.vector_load %arg12[%swap3A_370, %swap3A_371] {strides = array<i32>} : memref<64x128xf32, #tpu.memory_space<vmem>>, vector<1x16xf32>,
          %swap3A_373 = vector.shape_cast %swap3A_372 : vector<1x16xf32> to vector<16xf32>
          %swap3A_374 = vector.shape_cast %max3A_369 : vector<16xf32> to vector<1x16xf32>
          tpu.vector_store %arg12[%swap3A_370, %swap3A_371], %swap3A_374 {strides = array<i32>} : memref<64x128xf32, #tpu.memory_space<vmem>>, vector<1x16xf32>,
        }
        %scan3A_168 = arith.constant 64 : i32
        %dma_start3A_169 = arith.constant 0 : i32
        %dma_start3A_170 = tpu.memref_slice %arg9[%mul3A_150, %dma_start3A_169] : memref<16x64xi32, #tpu.memory_space<vmem>> -> memref<1x64xi32, #tpu.memory_space<vmem>>
        %dma_start3A_171 = tpu.memref_squeeze %dma_start3A_170 : memref<1x64xi32, #tpu.memory_space<vmem>> -> memref<64xi32, #tpu.memory_space<vmem>>
        %dma_start3A_172 = arith.constant 0 : i32
        %dma_start3A_173 = arith.constant 0 : i32
        %dma_start3A_174 = tpu.memref_slice %arg14[%dma_start3A_172, %dma_start3A_173] : memref<10240x128xf32, #tpu.memory_space<vmem_shared>> -> memref<10240x128xf32, #tpu.memory_space<vmem_shared>>
        tpu.enqueue_indirect_dma source(%arg12 : memref<64x128xf32, #tpu.memory_space<vmem>>) target(%dma_start3A_174 : memref<10240x128xf32, #tpu.memory_space<vmem_shared>>) offsets(%dma_start3A_171 : memref<64xi32, #tpu.memory_space<vmem>>) semaphore(%arg17 : memref<!tpu.dma_semaphore, #tpu.memory_space<semaphore_mem>>) {add = true}
        %dma_wait3A_175 = arith.constant 0 : i32
        %dma_wait3A_176 = tpu.memref_slice %arg8[%scan3A_74, %dma_wait3A_175] : memref<16x64xi32, #tpu.memory_space<vmem>> -> memref<1x64xi32, #tpu.memory_space<vmem>>
        %dma_wait3A_177 = tpu.memref_squeeze %dma_wait3A_176 : memref<1x64xi32, #tpu.memory_space<vmem>> -> memref<64xi32, #tpu.memory_space<vmem>>
        %dma_wait3A_178 = arith.constant 0 : i32
        %dma_wait3A_179 = arith.constant 0 : i32
        %dma_wait3A_180 = tpu.memref_slice %arg4[%dma_wait3A_178, %dma_wait3A_179] : memref<10000x128xf32, #tpu.memory_space<hbm>> -> memref<10000x128xf32, #tpu.memory_space<hbm>>
        tpu.wait_indirect_dma semaphore(%arg16 : memref<!tpu.dma_semaphore, #tpu.memory_space<semaphore_mem>>) src(%dma_wait3A_180 : memref<10000x128xf32, #tpu.memory_space<hbm>>) dst(%arg11 : memref<64x128xf32, #tpu.memory_space<vmem>>)
        %dma_wait3A_181 = arith.constant 0 : i32
        %dma_wait3A_182 = tpu.memref_slice %arg9[%scan3A_75, %dma_wait3A_181] : memref<16x64xi32, #tpu.memory_space<vmem>> -> memref<1x64xi32, #tpu.memory_space<vmem>>
        %dma_wait3A_183 = tpu.memref_squeeze %dma_wait3A_182 : memref<1x64xi32, #tpu.memory_space<vmem>> -> memref<64xi32, #tpu.memory_space<vmem>>
        %dma_wait3A_184 = arith.constant 0 : i32
        %dma_wait3A_185 = arith.constant 0 : i32
        %dma_wait3A_186 = tpu.memref_slice %arg5[%dma_wait3A_184, %dma_wait3A_185] : memref<10240x128xf32, #tpu.memory_space<hbm>> -> memref<10240x128xf32, #tpu.memory_space<hbm>>
        tpu.wait_indirect_dma semaphore(%arg16 : memref<!tpu.dma_semaphore, #tpu.memory_space<semaphore_mem>>) src(%dma_wait3A_186 : memref<10240x128xf32, #tpu.memory_space<hbm>>) dst(%arg13 : memref<64x128xf32, #tpu.memory_space<vmem>>)
        %scan3A_187 = arith.constant 0 : i32
        %scan3A_188 = arith.constant 0 : i32
        %scan3A_189 = arith.constant 64 : i32
        %scan3A_190 = arith.addi %scan3A_188, %scan3A_189 : i32
        %scan3A_191 = arith.constant 1 : i32
        scf.for %scan3A_241 = %scan3A_188 to %scan3A_190 step %scan3A_191  : i32 {
          %get3A = arith.index_cast %scan3A_241 : i32 to index
          %get3A_242 = arith.constant 0 : index
          %get3A_243 = tpu.vector_load %arg13[%get3A, %get3A_242] {strides = array<i32>} : memref<64x128xf32, #tpu.memory_space<vmem>>, vector<1x16xf32>,
          %get3A_244 = vector.shape_cast %get3A_243 : vector<1x16xf32> to vector<16xf32>
          %get3A_245 = arith.index_cast %scan3A_241 : i32 to index
          %get3A_246 = arith.constant 0 : index
          %get3A_247 = tpu.vector_load %arg11[%get3A_245, %get3A_246] {strides = array<i32>} : memref<64x128xf32, #tpu.memory_space<vmem>>, vector<1x16xf32>,
          %get3A_248 = vector.shape_cast %get3A_247 : vector<1x16xf32> to vector<16xf32>
          %add3A_249 = arith.addf %get3A_244, %get3A_248 : vector<16xf32>
          %max3A = arith.constant 0.000000e+00 : f32
          %max3A_250 = vector.broadcast %max3A : f32 to vector<16xf32>
          %max3A_251 = arith.maximumf %add3A_249, %max3A_250 : vector<16xf32>
          %swap3A = arith.index_cast %scan3A_241 : i32 to index
          %swap3A_252 = arith.constant 0 : index
          %swap3A_253 = tpu.vector_load %arg13[%swap3A, %swap3A_252] {strides = array<i32>} : memref<64x128xf32, #tpu.memory_space<vmem>>, vector<1x16xf32>,
          %swap3A_254 = vector.shape_cast %swap3A_253 : vector<1x16xf32> to vector<16xf32>
          %swap3A_255 = vector.shape_cast %max3A_251 : vector<16xf32> to vector<1x16xf32>
          tpu.vector_store %arg13[%swap3A, %swap3A_252], %swap3A_255 {strides = array<i32>} : memref<64x128xf32, #tpu.memory_space<vmem>>, vector<1x16xf32>,
          %get3A_256 = arith.index_cast %scan3A_241 : i32 to index
          %get3A_257 = arith.constant 16 : index
          %get3A_258 = tpu.vector_load %arg13[%get3A_256, %get3A_257] {strides = array<i32>} : memref<64x128xf32, #tpu.memory_space<vmem>>, vector<1x16xf32>,
          %get3A_259 = vector.shape_cast %get3A_258 : vector<1x16xf32> to vector<16xf32>
          %get3A_260 = arith.index_cast %scan3A_241 : i32 to index
          %get3A_261 = arith.constant 16 : index
          %get3A_262 = tpu.vector_load %arg11[%get3A_260, %get3A_261] {strides = array<i32>} : memref<64x128xf32, #tpu.memory_space<vmem>>, vector<1x16xf32>,
          %get3A_263 = vector.shape_cast %get3A_262 : vector<1x16xf32> to vector<16xf32>
          %add3A_264 = arith.addf %get3A_259, %get3A_263 : vector<16xf32>
          %max3A_265 = arith.constant 0.000000e+00 : f32
          %max3A_266 = vector.broadcast %max3A_265 : f32 to vector<16xf32>
          %max3A_267 = arith.maximumf %add3A_264, %max3A_266 : vector<16xf32>
          %swap3A_268 = arith.index_cast %scan3A_241 : i32 to index
          %swap3A_269 = arith.constant 16 : index
          %swap3A_270 = tpu.vector_load %arg13[%swap3A_268, %swap3A_269] {strides = array<i32>} : memref<64x128xf32, #tpu.memory_space<vmem>>, vector<1x16xf32>,
          %swap3A_271 = vector.shape_cast %swap3A_270 : vector<1x16xf32> to vector<16xf32>
          %swap3A_272 = vector.shape_cast %max3A_267 : vector<16xf32> to vector<1x16xf32>
          tpu.vector_store %arg13[%swap3A_268, %swap3A_269], %swap3A_272 {strides = array<i32>} : memref<64x128xf32, #tpu.memory_space<vmem>>, vector<1x16xf32>,
          %get3A_273 = arith.index_cast %scan3A_241 : i32 to index
          %get3A_274 = arith.constant 32 : index
          %get3A_275 = tpu.vector_load %arg13[%get3A_273, %get3A_274] {strides = array<i32>} : memref<64x128xf32, #tpu.memory_space<vmem>>, vector<1x16xf32>,
          %get3A_276 = vector.shape_cast %get3A_275 : vector<1x16xf32> to vector<16xf32>
          %get3A_277 = arith.index_cast %scan3A_241 : i32 to index
          %get3A_278 = arith.constant 32 : index
          %get3A_279 = tpu.vector_load %arg11[%get3A_277, %get3A_278] {strides = array<i32>} : memref<64x128xf32, #tpu.memory_space<vmem>>, vector<1x16xf32>,
          %get3A_280 = vector.shape_cast %get3A_279 : vector<1x16xf32> to vector<16xf32>
          %add3A_281 = arith.addf %get3A_276, %get3A_280 : vector<16xf32>
          %max3A_282 = arith.constant 0.000000e+00 : f32
          %max3A_283 = vector.broadcast %max3A_282 : f32 to vector<16xf32>
          %max3A_284 = arith.maximumf %add3A_281, %max3A_283 : vector<16xf32>
          %swap3A_285 = arith.index_cast %scan3A_241 : i32 to index
          %swap3A_286 = arith.constant 32 : index
          %swap3A_287 = tpu.vector_load %arg13[%swap3A_285, %swap3A_286] {strides = array<i32>} : memref<64x128xf32, #tpu.memory_space<vmem>>, vector<1x16xf32>,
          %swap3A_288 = vector.shape_cast %swap3A_287 : vector<1x16xf32> to vector<16xf32>
          %swap3A_289 = vector.shape_cast %max3A_284 : vector<16xf32> to vector<1x16xf32>
          tpu.vector_store %arg13[%swap3A_285, %swap3A_286], %swap3A_289 {strides = array<i32>} : memref<64x128xf32, #tpu.memory_space<vmem>>, vector<1x16xf32>,
          %get3A_290 = arith.index_cast %scan3A_241 : i32 to index
          %get3A_291 = arith.constant 48 : index
          %get3A_292 = tpu.vector_load %arg13[%get3A_290, %get3A_291] {strides = array<i32>} : memref<64x128xf32, #tpu.memory_space<vmem>>, vector<1x16xf32>,
          %get3A_293 = vector.shape_cast %get3A_292 : vector<1x16xf32> to vector<16xf32>
          %get3A_294 = arith.index_cast %scan3A_241 : i32 to index
          %get3A_295 = arith.constant 48 : index
          %get3A_296 = tpu.vector_load %arg11[%get3A_294, %get3A_295] {strides = array<i32>} : memref<64x128xf32, #tpu.memory_space<vmem>>, vector<1x16xf32>,
          %get3A_297 = vector.shape_cast %get3A_296 : vector<1x16xf32> to vector<16xf32>
          %add3A_298 = arith.addf %get3A_293, %get3A_297 : vector<16xf32>
          %max3A_299 = arith.constant 0.000000e+00 : f32
          %max3A_300 = vector.broadcast %max3A_299 : f32 to vector<16xf32>
          %max3A_301 = arith.maximumf %add3A_298, %max3A_300 : vector<16xf32>
          %swap3A_302 = arith.index_cast %scan3A_241 : i32 to index
          %swap3A_303 = arith.constant 48 : index
          %swap3A_304 = tpu.vector_load %arg13[%swap3A_302, %swap3A_303] {strides = array<i32>} : memref<64x128xf32, #tpu.memory_space<vmem>>, vector<1x16xf32>,
          %swap3A_305 = vector.shape_cast %swap3A_304 : vector<1x16xf32> to vector<16xf32>
          %swap3A_306 = vector.shape_cast %max3A_301 : vector<16xf32> to vector<1x16xf32>
          tpu.vector_store %arg13[%swap3A_302, %swap3A_303], %swap3A_306 {strides = array<i32>} : memref<64x128xf32, #tpu.memory_space<vmem>>, vector<1x16xf32>,
          %get3A_307 = arith.index_cast %scan3A_241 : i32 to index
          %get3A_308 = arith.constant 64 : index
          %get3A_309 = tpu.vector_load %arg13[%get3A_307, %get3A_308] {strides = array<i32>} : memref<64x128xf32, #tpu.memory_space<vmem>>, vector<1x16xf32>,
          %get3A_310 = vector.shape_cast %get3A_309 : vector<1x16xf32> to vector<16xf32>
          %get3A_311 = arith.index_cast %scan3A_241 : i32 to index
          %get3A_312 = arith.constant 64 : index
          %get3A_313 = tpu.vector_load %arg11[%get3A_311, %get3A_312] {strides = array<i32>} : memref<64x128xf32, #tpu.memory_space<vmem>>, vector<1x16xf32>,
          %get3A_314 = vector.shape_cast %get3A_313 : vector<1x16xf32> to vector<16xf32>
          %add3A_315 = arith.addf %get3A_310, %get3A_314 : vector<16xf32>
          %max3A_316 = arith.constant 0.000000e+00 : f32
          %max3A_317 = vector.broadcast %max3A_316 : f32 to vector<16xf32>
          %max3A_318 = arith.maximumf %add3A_315, %max3A_317 : vector<16xf32>
          %swap3A_319 = arith.index_cast %scan3A_241 : i32 to index
          %swap3A_320 = arith.constant 64 : index
          %swap3A_321 = tpu.vector_load %arg13[%swap3A_319, %swap3A_320] {strides = array<i32>} : memref<64x128xf32, #tpu.memory_space<vmem>>, vector<1x16xf32>,
          %swap3A_322 = vector.shape_cast %swap3A_321 : vector<1x16xf32> to vector<16xf32>
          %swap3A_323 = vector.shape_cast %max3A_318 : vector<16xf32> to vector<1x16xf32>
          tpu.vector_store %arg13[%swap3A_319, %swap3A_320], %swap3A_323 {strides = array<i32>} : memref<64x128xf32, #tpu.memory_space<vmem>>, vector<1x16xf32>,
          %get3A_324 = arith.index_cast %scan3A_241 : i32 to index
          %get3A_325 = arith.constant 80 : index
          %get3A_326 = tpu.vector_load %arg13[%get3A_324, %get3A_325] {strides = array<i32>} : memref<64x128xf32, #tpu.memory_space<vmem>>, vector<1x16xf32>,
          %get3A_327 = vector.shape_cast %get3A_326 : vector<1x16xf32> to vector<16xf32>
          %get3A_328 = arith.index_cast %scan3A_241 : i32 to index
          %get3A_329 = arith.constant 80 : index
          %get3A_330 = tpu.vector_load %arg11[%get3A_328, %get3A_329] {strides = array<i32>} : memref<64x128xf32, #tpu.memory_space<vmem>>, vector<1x16xf32>,
          %get3A_331 = vector.shape_cast %get3A_330 : vector<1x16xf32> to vector<16xf32>
          %add3A_332 = arith.addf %get3A_327, %get3A_331 : vector<16xf32>
          %max3A_333 = arith.constant 0.000000e+00 : f32
          %max3A_334 = vector.broadcast %max3A_333 : f32 to vector<16xf32>
          %max3A_335 = arith.maximumf %add3A_332, %max3A_334 : vector<16xf32>
          %swap3A_336 = arith.index_cast %scan3A_241 : i32 to index
          %swap3A_337 = arith.constant 80 : index
          %swap3A_338 = tpu.vector_load %arg13[%swap3A_336, %swap3A_337] {strides = array<i32>} : memref<64x128xf32, #tpu.memory_space<vmem>>, vector<1x16xf32>,
          %swap3A_339 = vector.shape_cast %swap3A_338 : vector<1x16xf32> to vector<16xf32>
          %swap3A_340 = vector.shape_cast %max3A_335 : vector<16xf32> to vector<1x16xf32>
          tpu.vector_store %arg13[%swap3A_336, %swap3A_337], %swap3A_340 {strides = array<i32>} : memref<64x128xf32, #tpu.memory_space<vmem>>, vector<1x16xf32>,
          %get3A_341 = arith.index_cast %scan3A_241 : i32 to index
          %get3A_342 = arith.constant 96 : index
          %get3A_343 = tpu.vector_load %arg13[%get3A_341, %get3A_342] {strides = array<i32>} : memref<64x128xf32, #tpu.memory_space<vmem>>, vector<1x16xf32>,
          %get3A_344 = vector.shape_cast %get3A_343 : vector<1x16xf32> to vector<16xf32>
          %get3A_345 = arith.index_cast %scan3A_241 : i32 to index
          %get3A_346 = arith.constant 96 : index
          %get3A_347 = tpu.vector_load %arg11[%get3A_345, %get3A_346] {strides = array<i32>} : memref<64x128xf32, #tpu.memory_space<vmem>>, vector<1x16xf32>,
          %get3A_348 = vector.shape_cast %get3A_347 : vector<1x16xf32> to vector<16xf32>
          %add3A_349 = arith.addf %get3A_344, %get3A_348 : vector<16xf32>
          %max3A_350 = arith.constant 0.000000e+00 : f32
          %max3A_351 = vector.broadcast %max3A_350 : f32 to vector<16xf32>
          %max3A_352 = arith.maximumf %add3A_349, %max3A_351 : vector<16xf32>
          %swap3A_353 = arith.index_cast %scan3A_241 : i32 to index
          %swap3A_354 = arith.constant 96 : index
          %swap3A_355 = tpu.vector_load %arg13[%swap3A_353, %swap3A_354] {strides = array<i32>} : memref<64x128xf32, #tpu.memory_space<vmem>>, vector<1x16xf32>,
          %swap3A_356 = vector.shape_cast %swap3A_355 : vector<1x16xf32> to vector<16xf32>
          %swap3A_357 = vector.shape_cast %max3A_352 : vector<16xf32> to vector<1x16xf32>
          tpu.vector_store %arg13[%swap3A_353, %swap3A_354], %swap3A_357 {strides = array<i32>} : memref<64x128xf32, #tpu.memory_space<vmem>>, vector<1x16xf32>,
          %get3A_358 = arith.index_cast %scan3A_241 : i32 to index
          %get3A_359 = arith.constant 112 : index
          %get3A_360 = tpu.vector_load %arg13[%get3A_358, %get3A_359] {strides = array<i32>} : memref<64x128xf32, #tpu.memory_space<vmem>>, vector<1x16xf32>,
          %get3A_361 = vector.shape_cast %get3A_360 : vector<1x16xf32> to vector<16xf32>
          %get3A_362 = arith.index_cast %scan3A_241 : i32 to index
          %get3A_363 = arith.constant 112 : index
          %get3A_364 = tpu.vector_load %arg11[%get3A_362, %get3A_363] {strides = array<i32>} : memref<64x128xf32, #tpu.memory_space<vmem>>, vector<1x16xf32>,
          %get3A_365 = vector.shape_cast %get3A_364 : vector<1x16xf32> to vector<16xf32>
          %add3A_366 = arith.addf %get3A_361, %get3A_365 : vector<16xf32>
          %max3A_367 = arith.constant 0.000000e+00 : f32
          %max3A_368 = vector.broadcast %max3A_367 : f32 to vector<16xf32>
          %max3A_369 = arith.maximumf %add3A_366, %max3A_368 : vector<16xf32>
          %swap3A_370 = arith.index_cast %scan3A_241 : i32 to index
          %swap3A_371 = arith.constant 112 : index
          %swap3A_372 = tpu.vector_load %arg13[%swap3A_370, %swap3A_371] {strides = array<i32>} : memref<64x128xf32, #tpu.memory_space<vmem>>, vector<1x16xf32>,
          %swap3A_373 = vector.shape_cast %swap3A_372 : vector<1x16xf32> to vector<16xf32>
          %swap3A_374 = vector.shape_cast %max3A_369 : vector<16xf32> to vector<1x16xf32>
          tpu.vector_store %arg13[%swap3A_370, %swap3A_371], %swap3A_374 {strides = array<i32>} : memref<64x128xf32, #tpu.memory_space<vmem>>, vector<1x16xf32>,
        }
        %scan3A_192 = arith.constant 64 : i32
        %add3A_193 = arith.constant 1 : i32
        %add3A_194 = arith.addi %mul3A_150, %add3A_193 : i32
        %dma_start3A_195 = arith.constant 0 : i32
        %dma_start3A_196 = tpu.memref_slice %arg9[%add3A_194, %dma_start3A_195] : memref<16x64xi32, #tpu.memory_space<vmem>> -> memref<1x64xi32, #tpu.memory_space<vmem>>
        %dma_start3A_197 = tpu.memref_squeeze %dma_start3A_196 : memref<1x64xi32, #tpu.memory_space<vmem>> -> memref<64xi32, #tpu.memory_space<vmem>>
        %dma_start3A_198 = arith.constant 0 : i32
        %dma_start3A_199 = arith.constant 0 : i32
        %dma_start3A_200 = tpu.memref_slice %arg14[%dma_start3A_198, %dma_start3A_199] : memref<10240x128xf32, #tpu.memory_space<vmem_shared>> -> memref<10240x128xf32, #tpu.memory_space<vmem_shared>>
        tpu.enqueue_indirect_dma source(%arg13 : memref<64x128xf32, #tpu.memory_space<vmem>>) target(%dma_start3A_200 : memref<10240x128xf32, #tpu.memory_space<vmem_shared>>) offsets(%dma_start3A_197 : memref<64xi32, #tpu.memory_space<vmem>>) semaphore(%arg18 : memref<!tpu.dma_semaphore, #tpu.memory_space<semaphore_mem>>) {add = true}
        %dma_wait3A_201 = arith.constant 0 : i32
        %dma_wait3A_202 = tpu.memref_slice %arg9[%mul3A_150, %dma_wait3A_201] : memref<16x64xi32, #tpu.memory_space<vmem>> -> memref<1x64xi32, #tpu.memory_space<vmem>>
        %dma_wait3A_203 = tpu.memref_squeeze %dma_wait3A_202 : memref<1x64xi32, #tpu.memory_space<vmem>> -> memref<64xi32, #tpu.memory_space<vmem>>
        %dma_wait3A_204 = arith.constant 0 : i32
        %dma_wait3A_205 = arith.constant 0 : i32
        %dma_wait3A_206 = tpu.memref_slice %arg14[%dma_wait3A_204, %dma_wait3A_205] : memref<10240x128xf32, #tpu.memory_space<vmem_shared>> -> memref<10240x128xf32, #tpu.memory_space<vmem_shared>>
        tpu.wait_indirect_dma semaphore(%arg17 : memref<!tpu.dma_semaphore, #tpu.memory_space<semaphore_mem>>) src(%arg12 : memref<64x128xf32, #tpu.memory_space<vmem>>) dst(%dma_wait3A_206 : memref<10240x128xf32, #tpu.memory_space<vmem_shared>>)
        %add3A_207 = arith.constant 2 : i32
        %add3A_208 = arith.addi %mul3A_150, %add3A_207 : i32
        %dma_start3A_209 = arith.constant 0 : i32
        %dma_start3A_210 = tpu.memref_slice %arg8[%add3A_208, %dma_start3A_209] : memref<16x64xi32, #tpu.memory_space<vmem>> -> memref<1x64xi32, #tpu.memory_space<vmem>>
        %dma_start3A_211 = tpu.memref_squeeze %dma_start3A_210 : memref<1x64xi32, #tpu.memory_space<vmem>> -> memref<64xi32, #tpu.memory_space<vmem>>
        %dma_start3A_212 = arith.constant 0 : i32
        %dma_start3A_213 = arith.constant 0 : i32
        %dma_start3A_214 = tpu.memref_slice %arg4[%dma_start3A_212, %dma_start3A_213] : memref<10000x128xf32, #tpu.memory_space<hbm>> -> memref<10000x128xf32, #tpu.memory_space<hbm>>
        tpu.enqueue_indirect_dma source(%dma_start3A_214 : memref<10000x128xf32, #tpu.memory_space<hbm>>) target(%arg10 : memref<64x128xf32, #tpu.memory_space<vmem>>) offsets(%dma_start3A_211 : memref<64xi32, #tpu.memory_space<vmem>>) semaphore(%arg15 : memref<!tpu.dma_semaphore, #tpu.memory_space<semaphore_mem>>)
        %dma_start3A_215 = arith.constant 0 : i32
        %dma_start3A_216 = tpu.memref_slice %arg9[%add3A_208, %dma_start3A_215] : memref<16x64xi32, #tpu.memory_space<vmem>> -> memref<1x64xi32, #tpu.memory_space<vmem>>
        %dma_start3A_217 = tpu.memref_squeeze %dma_start3A_216 : memref<1x64xi32, #tpu.memory_space<vmem>> -> memref<64xi32, #tpu.memory_space<vmem>>
        %dma_start3A_218 = arith.constant 0 : i32
        %dma_start3A_219 = arith.constant 0 : i32
        %dma_start3A_220 = tpu.memref_slice %arg5[%dma_start3A_218, %dma_start3A_219] : memref<10240x128xf32, #tpu.memory_space<hbm>> -> memref<10240x128xf32, #tpu.memory_space<hbm>>
        tpu.enqueue_indirect_dma source(%dma_start3A_220 : memref<10240x128xf32, #tpu.memory_space<hbm>>) target(%arg12 : memref<64x128xf32, #tpu.memory_space<vmem>>) offsets(%dma_start3A_217 : memref<64xi32, #tpu.memory_space<vmem>>) semaphore(%arg15 : memref<!tpu.dma_semaphore, #tpu.memory_space<semaphore_mem>>)
        %dma_wait3A_221 = arith.constant 0 : i32
        %dma_wait3A_222 = tpu.memref_slice %arg9[%add3A_194, %dma_wait3A_221] : memref<16x64xi32, #tpu.memory_space<vmem>> -> memref<1x64xi32, #tpu.memory_space<vmem>>
        %dma_wait3A_223 = tpu.memref_squeeze %dma_wait3A_222 : memref<1x64xi32, #tpu.memory_space<vmem>> -> memref<64xi32, #tpu.memory_space<vmem>>
        %dma_wait3A_224 = arith.constant 0 : i32
        %dma_wait3A_225 = arith.constant 0 : i32
        %dma_wait3A_226 = tpu.memref_slice %arg14[%dma_wait3A_224, %dma_wait3A_225] : memref<10240x128xf32, #tpu.memory_space<vmem_shared>> -> memref<10240x128xf32, #tpu.memory_space<vmem_shared>>
        tpu.wait_indirect_dma semaphore(%arg18 : memref<!tpu.dma_semaphore, #tpu.memory_space<semaphore_mem>>) src(%arg13 : memref<64x128xf32, #tpu.memory_space<vmem>>) dst(%dma_wait3A_226 : memref<10240x128xf32, #tpu.memory_space<vmem_shared>>)
        %add3A_227 = arith.constant 3 : i32
        %add3A_228 = arith.addi %mul3A_150, %add3A_227 : i32
        %dma_start3A_229 = arith.constant 0 : i32
        %dma_start3A_230 = tpu.memref_slice %arg8[%add3A_228, %dma_start3A_229] : memref<16x64xi32, #tpu.memory_space<vmem>> -> memref<1x64xi32, #tpu.memory_space<vmem>>
        %dma_start3A_231 = tpu.memref_squeeze %dma_start3A_230 : memref<1x64xi32, #tpu.memory_space<vmem>> -> memref<64xi32, #tpu.memory_space<vmem>>
        %dma_start3A_232 = arith.constant 0 : i32
        %dma_start3A_233 = arith.constant 0 : i32
        %dma_start3A_234 = tpu.memref_slice %arg4[%dma_start3A_232, %dma_start3A_233] : memref<10000x128xf32, #tpu.memory_space<hbm>> -> memref<10000x128xf32, #tpu.memory_space<hbm>>
        tpu.enqueue_indirect_dma source(%dma_start3A_234 : memref<10000x128xf32, #tpu.memory_space<hbm>>) target(%arg11 : memref<64x128xf32, #tpu.memory_space<vmem>>) offsets(%dma_start3A_231 : memref<64xi32, #tpu.memory_space<vmem>>) semaphore(%arg16 : memref<!tpu.dma_semaphore, #tpu.memory_space<semaphore_mem>>)
        %dma_start3A_235 = arith.constant 0 : i32
        %dma_start3A_236 = tpu.memref_slice %arg9[%add3A_228, %dma_start3A_235] : memref<16x64xi32, #tpu.memory_space<vmem>> -> memref<1x64xi32, #tpu.memory_space<vmem>>
        %dma_start3A_237 = tpu.memref_squeeze %dma_start3A_236 : memref<1x64xi32, #tpu.memory_space<vmem>> -> memref<64xi32, #tpu.memory_space<vmem>>
        %dma_start3A_238 = arith.constant 0 : i32
        %dma_start3A_239 = arith.constant 0 : i32
        %dma_start3A_240 = tpu.memref_slice %arg5[%dma_start3A_238, %dma_start3A_239] : memref<10240x128xf32, #tpu.memory_space<hbm>> -> memref<10240x128xf32, #tpu.memory_space<hbm>>
        tpu.enqueue_indirect_dma source(%dma_start3A_240 : memref<10240x128xf32, #tpu.memory_space<hbm>>) target(%arg13 : memref<64x128xf32, #tpu.memory_space<vmem>>) offsets(%dma_start3A_237 : memref<64xi32, #tpu.memory_space<vmem>>) semaphore(%arg16 : memref<!tpu.dma_semaphore, #tpu.memory_space<semaphore_mem>>)
      }
      %scan3A_80 = arith.constant 7 : i32
      %dma_wait3A = arith.constant 0 : i32
      %dma_wait3A_81 = arith.constant 0 : i32
      %dma_wait3A_82 = tpu.memref_slice %arg8[%dma_wait3A, %dma_wait3A_81] : memref<16x64xi32, #tpu.memory_space<vmem>> -> memref<1x64xi32, #tpu.memory_space<vmem>>
      %dma_wait3A_83 = tpu.memref_squeeze %dma_wait3A_82 : memref<1x64xi32, #tpu.memory_space<vmem>> -> memref<64xi32, #tpu.memory_space<vmem>>
      %dma_wait3A_84 = arith.constant 0 : i32
      %dma_wait3A_85 = arith.constant 0 : i32
      %dma_wait3A_86 = tpu.memref_slice %arg4[%dma_wait3A_84, %dma_wait3A_85] : memref<10000x128xf32, #tpu.memory_space<hbm>> -> memref<10000x128xf32, #tpu.memory_space<hbm>>
      tpu.wait_indirect_dma semaphore(%arg15 : memref<!tpu.dma_semaphore, #tpu.memory_space<semaphore_mem>>) src(%dma_wait3A_86 : memref<10000x128xf32, #tpu.memory_space<hbm>>) dst(%arg10 : memref<64x128xf32, #tpu.memory_space<vmem>>)
      %dma_wait3A_87 = arith.constant 0 : i32
      %dma_wait3A_88 = arith.constant 0 : i32
      %dma_wait3A_89 = tpu.memref_slice %arg9[%dma_wait3A_87, %dma_wait3A_88] : memref<16x64xi32, #tpu.memory_space<vmem>> -> memref<1x64xi32, #tpu.memory_space<vmem>>
      %dma_wait3A_90 = tpu.memref_squeeze %dma_wait3A_89 : memref<1x64xi32, #tpu.memory_space<vmem>> -> memref<64xi32, #tpu.memory_space<vmem>>
      %dma_wait3A_91 = arith.constant 0 : i32
      %dma_wait3A_92 = arith.constant 0 : i32
      %dma_wait3A_93 = tpu.memref_slice %arg5[%dma_wait3A_91, %dma_wait3A_92] : memref<10240x128xf32, #tpu.memory_space<hbm>> -> memref<10240x128xf32, #tpu.memory_space<hbm>>
      tpu.wait_indirect_dma semaphore(%arg15 : memref<!tpu.dma_semaphore, #tpu.memory_space<semaphore_mem>>) src(%dma_wait3A_93 : memref<10240x128xf32, #tpu.memory_space<hbm>>) dst(%arg12 : memref<64x128xf32, #tpu.memory_space<vmem>>)
      %scan3A_94 = arith.constant 0 : i32
      %scan3A_95 = arith.constant 0 : i32
      %scan3A_96 = arith.constant 64 : i32
      %scan3A_97 = arith.addi %scan3A_95, %scan3A_96 : i32
      %scan3A_98 = arith.constant 1 : i32
      scf.for %scan3A_148 = %scan3A_95 to %scan3A_97 step %scan3A_98  : i32 {
        %get3A = arith.index_cast %scan3A_148 : i32 to index
        %get3A_149 = arith.constant 0 : index
        %get3A_150 = tpu.vector_load %arg12[%get3A, %get3A_149] {strides = array<i32>} : memref<64x128xf32, #tpu.memory_space<vmem>>, vector<1x16xf32>,
        %get3A_151 = vector.shape_cast %get3A_150 : vector<1x16xf32> to vector<16xf32>
        %get3A_152 = arith.index_cast %scan3A_148 : i32 to index
        %get3A_153 = arith.constant 0 : index
        %get3A_154 = tpu.vector_load %arg10[%get3A_152, %get3A_153] {strides = array<i32>} : memref<64x128xf32, #tpu.memory_space<vmem>>, vector<1x16xf32>,
        %get3A_155 = vector.shape_cast %get3A_154 : vector<1x16xf32> to vector<16xf32>
        %add3A_156 = arith.addf %get3A_151, %get3A_155 : vector<16xf32>
        %max3A = arith.constant 0.000000e+00 : f32
        %max3A_157 = vector.broadcast %max3A : f32 to vector<16xf32>
        %max3A_158 = arith.maximumf %add3A_156, %max3A_157 : vector<16xf32>
        %swap3A = arith.index_cast %scan3A_148 : i32 to index
        %swap3A_159 = arith.constant 0 : index
        %swap3A_160 = tpu.vector_load %arg12[%swap3A, %swap3A_159] {strides = array<i32>} : memref<64x128xf32, #tpu.memory_space<vmem>>, vector<1x16xf32>,
        %swap3A_161 = vector.shape_cast %swap3A_160 : vector<1x16xf32> to vector<16xf32>
        %swap3A_162 = vector.shape_cast %max3A_158 : vector<16xf32> to vector<1x16xf32>
        tpu.vector_store %arg12[%swap3A, %swap3A_159], %swap3A_162 {strides = array<i32>} : memref<64x128xf32, #tpu.memory_space<vmem>>, vector<1x16xf32>,
        %get3A_163 = arith.index_cast %scan3A_148 : i32 to index
        %get3A_164 = arith.constant 16 : index
        %get3A_165 = tpu.vector_load %arg12[%get3A_163, %get3A_164] {strides = array<i32>} : memref<64x128xf32, #tpu.memory_space<vmem>>, vector<1x16xf32>,
        %get3A_166 = vector.shape_cast %get3A_165 : vector<1x16xf32> to vector<16xf32>
        %get3A_167 = arith.index_cast %scan3A_148 : i32 to index
        %get3A_168 = arith.constant 16 : index
        %get3A_169 = tpu.vector_load %arg10[%get3A_167, %get3A_168] {strides = array<i32>} : memref<64x128xf32, #tpu.memory_space<vmem>>, vector<1x16xf32>,
        %get3A_170 = vector.shape_cast %get3A_169 : vector<1x16xf32> to vector<16xf32>
        %add3A_171 = arith.addf %get3A_166, %get3A_170 : vector<16xf32>
        %max3A_172 = arith.constant 0.000000e+00 : f32
        %max3A_173 = vector.broadcast %max3A_172 : f32 to vector<16xf32>
        %max3A_174 = arith.maximumf %add3A_171, %max3A_173 : vector<16xf32>
        %swap3A_175 = arith.index_cast %scan3A_148 : i32 to index
        %swap3A_176 = arith.constant 16 : index
        %swap3A_177 = tpu.vector_load %arg12[%swap3A_175, %swap3A_176] {strides = array<i32>} : memref<64x128xf32, #tpu.memory_space<vmem>>, vector<1x16xf32>,
        %swap3A_178 = vector.shape_cast %swap3A_177 : vector<1x16xf32> to vector<16xf32>
        %swap3A_179 = vector.shape_cast %max3A_174 : vector<16xf32> to vector<1x16xf32>
        tpu.vector_store %arg12[%swap3A_175, %swap3A_176], %swap3A_179 {strides = array<i32>} : memref<64x128xf32, #tpu.memory_space<vmem>>, vector<1x16xf32>,
        %get3A_180 = arith.index_cast %scan3A_148 : i32 to index
        %get3A_181 = arith.constant 32 : index
        %get3A_182 = tpu.vector_load %arg12[%get3A_180, %get3A_181] {strides = array<i32>} : memref<64x128xf32, #tpu.memory_space<vmem>>, vector<1x16xf32>,
        %get3A_183 = vector.shape_cast %get3A_182 : vector<1x16xf32> to vector<16xf32>
        %get3A_184 = arith.index_cast %scan3A_148 : i32 to index
        %get3A_185 = arith.constant 32 : index
        %get3A_186 = tpu.vector_load %arg10[%get3A_184, %get3A_185] {strides = array<i32>} : memref<64x128xf32, #tpu.memory_space<vmem>>, vector<1x16xf32>,
        %get3A_187 = vector.shape_cast %get3A_186 : vector<1x16xf32> to vector<16xf32>
        %add3A_188 = arith.addf %get3A_183, %get3A_187 : vector<16xf32>
        %max3A_189 = arith.constant 0.000000e+00 : f32
        %max3A_190 = vector.broadcast %max3A_189 : f32 to vector<16xf32>
        %max3A_191 = arith.maximumf %add3A_188, %max3A_190 : vector<16xf32>
        %swap3A_192 = arith.index_cast %scan3A_148 : i32 to index
        %swap3A_193 = arith.constant 32 : index
        %swap3A_194 = tpu.vector_load %arg12[%swap3A_192, %swap3A_193] {strides = array<i32>} : memref<64x128xf32, #tpu.memory_space<vmem>>, vector<1x16xf32>,
        %swap3A_195 = vector.shape_cast %swap3A_194 : vector<1x16xf32> to vector<16xf32>
        %swap3A_196 = vector.shape_cast %max3A_191 : vector<16xf32> to vector<1x16xf32>
        tpu.vector_store %arg12[%swap3A_192, %swap3A_193], %swap3A_196 {strides = array<i32>} : memref<64x128xf32, #tpu.memory_space<vmem>>, vector<1x16xf32>,
        %get3A_197 = arith.index_cast %scan3A_148 : i32 to index
        %get3A_198 = arith.constant 48 : index
        %get3A_199 = tpu.vector_load %arg12[%get3A_197, %get3A_198] {strides = array<i32>} : memref<64x128xf32, #tpu.memory_space<vmem>>, vector<1x16xf32>,
        %get3A_200 = vector.shape_cast %get3A_199 : vector<1x16xf32> to vector<16xf32>
        %get3A_201 = arith.index_cast %scan3A_148 : i32 to index
        %get3A_202 = arith.constant 48 : index
        %get3A_203 = tpu.vector_load %arg10[%get3A_201, %get3A_202] {strides = array<i32>} : memref<64x128xf32, #tpu.memory_space<vmem>>, vector<1x16xf32>,
        %get3A_204 = vector.shape_cast %get3A_203 : vector<1x16xf32> to vector<16xf32>
        %add3A_205 = arith.addf %get3A_200, %get3A_204 : vector<16xf32>
        %max3A_206 = arith.constant 0.000000e+00 : f32
        %max3A_207 = vector.broadcast %max3A_206 : f32 to vector<16xf32>
        %max3A_208 = arith.maximumf %add3A_205, %max3A_207 : vector<16xf32>
        %swap3A_209 = arith.index_cast %scan3A_148 : i32 to index
        %swap3A_210 = arith.constant 48 : index
        %swap3A_211 = tpu.vector_load %arg12[%swap3A_209, %swap3A_210] {strides = array<i32>} : memref<64x128xf32, #tpu.memory_space<vmem>>, vector<1x16xf32>,
        %swap3A_212 = vector.shape_cast %swap3A_211 : vector<1x16xf32> to vector<16xf32>
        %swap3A_213 = vector.shape_cast %max3A_208 : vector<16xf32> to vector<1x16xf32>
        tpu.vector_store %arg12[%swap3A_209, %swap3A_210], %swap3A_213 {strides = array<i32>} : memref<64x128xf32, #tpu.memory_space<vmem>>, vector<1x16xf32>,
        %get3A_214 = arith.index_cast %scan3A_148 : i32 to index
        %get3A_215 = arith.constant 64 : index
        %get3A_216 = tpu.vector_load %arg12[%get3A_214, %get3A_215] {strides = array<i32>} : memref<64x128xf32, #tpu.memory_space<vmem>>, vector<1x16xf32>,
        %get3A_217 = vector.shape_cast %get3A_216 : vector<1x16xf32> to vector<16xf32>
        %get3A_218 = arith.index_cast %scan3A_148 : i32 to index
        %get3A_219 = arith.constant 64 : index
        %get3A_220 = tpu.vector_load %arg10[%get3A_218, %get3A_219] {strides = array<i32>} : memref<64x128xf32, #tpu.memory_space<vmem>>, vector<1x16xf32>,
        %get3A_221 = vector.shape_cast %get3A_220 : vector<1x16xf32> to vector<16xf32>
        %add3A_222 = arith.addf %get3A_217, %get3A_221 : vector<16xf32>
        %max3A_223 = arith.constant 0.000000e+00 : f32
        %max3A_224 = vector.broadcast %max3A_223 : f32 to vector<16xf32>
        %max3A_225 = arith.maximumf %add3A_222, %max3A_224 : vector<16xf32>
        %swap3A_226 = arith.index_cast %scan3A_148 : i32 to index
        %swap3A_227 = arith.constant 64 : index
        %swap3A_228 = tpu.vector_load %arg12[%swap3A_226, %swap3A_227] {strides = array<i32>} : memref<64x128xf32, #tpu.memory_space<vmem>>, vector<1x16xf32>,
        %swap3A_229 = vector.shape_cast %swap3A_228 : vector<1x16xf32> to vector<16xf32>
        %swap3A_230 = vector.shape_cast %max3A_225 : vector<16xf32> to vector<1x16xf32>
        tpu.vector_store %arg12[%swap3A_226, %swap3A_227], %swap3A_230 {strides = array<i32>} : memref<64x128xf32, #tpu.memory_space<vmem>>, vector<1x16xf32>,
        %get3A_231 = arith.index_cast %scan3A_148 : i32 to index
        %get3A_232 = arith.constant 80 : index
        %get3A_233 = tpu.vector_load %arg12[%get3A_231, %get3A_232] {strides = array<i32>} : memref<64x128xf32, #tpu.memory_space<vmem>>, vector<1x16xf32>,
        %get3A_234 = vector.shape_cast %get3A_233 : vector<1x16xf32> to vector<16xf32>
        %get3A_235 = arith.index_cast %scan3A_148 : i32 to index
        %get3A_236 = arith.constant 80 : index
        %get3A_237 = tpu.vector_load %arg10[%get3A_235, %get3A_236] {strides = array<i32>} : memref<64x128xf32, #tpu.memory_space<vmem>>, vector<1x16xf32>,
        %get3A_238 = vector.shape_cast %get3A_237 : vector<1x16xf32> to vector<16xf32>
        %add3A_239 = arith.addf %get3A_234, %get3A_238 : vector<16xf32>
        %max3A_240 = arith.constant 0.000000e+00 : f32
        %max3A_241 = vector.broadcast %max3A_240 : f32 to vector<16xf32>
        %max3A_242 = arith.maximumf %add3A_239, %max3A_241 : vector<16xf32>
        %swap3A_243 = arith.index_cast %scan3A_148 : i32 to index
        %swap3A_244 = arith.constant 80 : index
        %swap3A_245 = tpu.vector_load %arg12[%swap3A_243, %swap3A_244] {strides = array<i32>} : memref<64x128xf32, #tpu.memory_space<vmem>>, vector<1x16xf32>,
        %swap3A_246 = vector.shape_cast %swap3A_245 : vector<1x16xf32> to vector<16xf32>
        %swap3A_247 = vector.shape_cast %max3A_242 : vector<16xf32> to vector<1x16xf32>
        tpu.vector_store %arg12[%swap3A_243, %swap3A_244], %swap3A_247 {strides = array<i32>} : memref<64x128xf32, #tpu.memory_space<vmem>>, vector<1x16xf32>,
        %get3A_248 = arith.index_cast %scan3A_148 : i32 to index
        %get3A_249 = arith.constant 96 : index
        %get3A_250 = tpu.vector_load %arg12[%get3A_248, %get3A_249] {strides = array<i32>} : memref<64x128xf32, #tpu.memory_space<vmem>>, vector<1x16xf32>,
        %get3A_251 = vector.shape_cast %get3A_250 : vector<1x16xf32> to vector<16xf32>
        %get3A_252 = arith.index_cast %scan3A_148 : i32 to index
        %get3A_253 = arith.constant 96 : index
        %get3A_254 = tpu.vector_load %arg10[%get3A_252, %get3A_253] {strides = array<i32>} : memref<64x128xf32, #tpu.memory_space<vmem>>, vector<1x16xf32>,
        %get3A_255 = vector.shape_cast %get3A_254 : vector<1x16xf32> to vector<16xf32>
        %add3A_256 = arith.addf %get3A_251, %get3A_255 : vector<16xf32>
        %max3A_257 = arith.constant 0.000000e+00 : f32
        %max3A_258 = vector.broadcast %max3A_257 : f32 to vector<16xf32>
        %max3A_259 = arith.maximumf %add3A_256, %max3A_258 : vector<16xf32>
        %swap3A_260 = arith.index_cast %scan3A_148 : i32 to index
        %swap3A_261 = arith.constant 96 : index
        %swap3A_262 = tpu.vector_load %arg12[%swap3A_260, %swap3A_261] {strides = array<i32>} : memref<64x128xf32, #tpu.memory_space<vmem>>, vector<1x16xf32>,
        %swap3A_263 = vector.shape_cast %swap3A_262 : vector<1x16xf32> to vector<16xf32>
        %swap3A_264 = vector.shape_cast %max3A_259 : vector<16xf32> to vector<1x16xf32>
        tpu.vector_store %arg12[%swap3A_260, %swap3A_261], %swap3A_264 {strides = array<i32>} : memref<64x128xf32, #tpu.memory_space<vmem>>, vector<1x16xf32>,
        %get3A_265 = arith.index_cast %scan3A_148 : i32 to index
        %get3A_266 = arith.constant 112 : index
        %get3A_267 = tpu.vector_load %arg12[%get3A_265, %get3A_266] {strides = array<i32>} : memref<64x128xf32, #tpu.memory_space<vmem>>, vector<1x16xf32>,
        %get3A_268 = vector.shape_cast %get3A_267 : vector<1x16xf32> to vector<16xf32>
        %get3A_269 = arith.index_cast %scan3A_148 : i32 to index
        %get3A_270 = arith.constant 112 : index
        %get3A_271 = tpu.vector_load %arg10[%get3A_269, %get3A_270] {strides = array<i32>} : memref<64x128xf32, #tpu.memory_space<vmem>>, vector<1x16xf32>,
        %get3A_272 = vector.shape_cast %get3A_271 : vector<1x16xf32> to vector<16xf32>
        %add3A_273 = arith.addf %get3A_268, %get3A_272 : vector<16xf32>
        %max3A_274 = arith.constant 0.000000e+00 : f32
        %max3A_275 = vector.broadcast %max3A_274 : f32 to vector<16xf32>
        %max3A_276 = arith.maximumf %add3A_273, %max3A_275 : vector<16xf32>
        %swap3A_277 = arith.index_cast %scan3A_148 : i32 to index
        %swap3A_278 = arith.constant 112 : index
        %swap3A_279 = tpu.vector_load %arg12[%swap3A_277, %swap3A_278] {strides = array<i32>} : memref<64x128xf32, #tpu.memory_space<vmem>>, vector<1x16xf32>,
        %swap3A_280 = vector.shape_cast %swap3A_279 : vector<1x16xf32> to vector<16xf32>
        %swap3A_281 = vector.shape_cast %max3A_276 : vector<16xf32> to vector<1x16xf32>
        tpu.vector_store %arg12[%swap3A_277, %swap3A_278], %swap3A_281 {strides = array<i32>} : memref<64x128xf32, #tpu.memory_space<vmem>>, vector<1x16xf32>,
      }
      %scan3A_99 = arith.constant 64 : i32
      %dma_start3A_100 = arith.constant 14 : i32
      %dma_start3A_101 = arith.constant 0 : i32
      %dma_start3A_102 = tpu.memref_slice %arg9[%dma_start3A_100, %dma_start3A_101] : memref<16x64xi32, #tpu.memory_space<vmem>> -> memref<1x64xi32, #tpu.memory_space<vmem>>
      %dma_start3A_103 = tpu.memref_squeeze %dma_start3A_102 : memref<1x64xi32, #tpu.memory_space<vmem>> -> memref<64xi32, #tpu.memory_space<vmem>>
      %dma_start3A_104 = arith.constant 0 : i32
      %dma_start3A_105 = arith.constant 0 : i32
      %dma_start3A_106 = tpu.memref_slice %arg14[%dma_start3A_104, %dma_start3A_105] : memref<10240x128xf32, #tpu.memory_space<vmem_shared>> -> memref<10240x128xf32, #tpu.memory_space<vmem_shared>>
      tpu.enqueue_indirect_dma source(%arg12 : memref<64x128xf32, #tpu.memory_space<vmem>>) target(%dma_start3A_106 : memref<10240x128xf32, #tpu.memory_space<vmem_shared>>) offsets(%dma_start3A_103 : memref<64xi32, #tpu.memory_space<vmem>>) semaphore(%arg17 : memref<!tpu.dma_semaphore, #tpu.memory_space<semaphore_mem>>) {add = true}
      %dma_wait3A_107 = arith.constant 1 : i32
      %dma_wait3A_108 = arith.constant 0 : i32
      %dma_wait3A_109 = tpu.memref_slice %arg8[%dma_wait3A_107, %dma_wait3A_108] : memref<16x64xi32, #tpu.memory_space<vmem>> -> memref<1x64xi32, #tpu.memory_space<vmem>>
      %dma_wait3A_110 = tpu.memref_squeeze %dma_wait3A_109 : memref<1x64xi32, #tpu.memory_space<vmem>> -> memref<64xi32, #tpu.memory_space<vmem>>
      %dma_wait3A_111 = arith.constant 0 : i32
      %dma_wait3A_112 = arith.constant 0 : i32
      %dma_wait3A_113 = tpu.memref_slice %arg4[%dma_wait3A_111, %dma_wait3A_112] : memref<10000x128xf32, #tpu.memory_space<hbm>> -> memref<10000x128xf32, #tpu.memory_space<hbm>>
      tpu.wait_indirect_dma semaphore(%arg16 : memref<!tpu.dma_semaphore, #tpu.memory_space<semaphore_mem>>) src(%dma_wait3A_113 : memref<10000x128xf32, #tpu.memory_space<hbm>>) dst(%arg11 : memref<64x128xf32, #tpu.memory_space<vmem>>)
      %dma_wait3A_114 = arith.constant 1 : i32
      %dma_wait3A_115 = arith.constant 0 : i32
      %dma_wait3A_116 = tpu.memref_slice %arg9[%dma_wait3A_114, %dma_wait3A_115] : memref<16x64xi32, #tpu.memory_space<vmem>> -> memref<1x64xi32, #tpu.memory_space<vmem>>
      %dma_wait3A_117 = tpu.memref_squeeze %dma_wait3A_116 : memref<1x64xi32, #tpu.memory_space<vmem>> -> memref<64xi32, #tpu.memory_space<vmem>>
      %dma_wait3A_118 = arith.constant 0 : i32
      %dma_wait3A_119 = arith.constant 0 : i32
      %dma_wait3A_120 = tpu.memref_slice %arg5[%dma_wait3A_118, %dma_wait3A_119] : memref<10240x128xf32, #tpu.memory_space<hbm>> -> memref<10240x128xf32, #tpu.memory_space<hbm>>
      tpu.wait_indirect_dma semaphore(%arg16 : memref<!tpu.dma_semaphore, #tpu.memory_space<semaphore_mem>>) src(%dma_wait3A_120 : memref<10240x128xf32, #tpu.memory_space<hbm>>) dst(%arg13 : memref<64x128xf32, #tpu.memory_space<vmem>>)
      %scan3A_121 = arith.constant 0 : i32
      %scan3A_122 = arith.constant 0 : i32
      %scan3A_123 = arith.constant 64 : i32
      %scan3A_124 = arith.addi %scan3A_122, %scan3A_123 : i32
      %scan3A_125 = arith.constant 1 : i32
      scf.for %scan3A_148 = %scan3A_122 to %scan3A_124 step %scan3A_125  : i32 {
        %get3A = arith.index_cast %scan3A_148 : i32 to index
        %get3A_149 = arith.constant 0 : index
        %get3A_150 = tpu.vector_load %arg13[%get3A, %get3A_149] {strides = array<i32>} : memref<64x128xf32, #tpu.memory_space<vmem>>, vector<1x16xf32>,
        %get3A_151 = vector.shape_cast %get3A_150 : vector<1x16xf32> to vector<16xf32>
        %get3A_152 = arith.index_cast %scan3A_148 : i32 to index
        %get3A_153 = arith.constant 0 : index
        %get3A_154 = tpu.vector_load %arg11[%get3A_152, %get3A_153] {strides = array<i32>} : memref<64x128xf32, #tpu.memory_space<vmem>>, vector<1x16xf32>,
        %get3A_155 = vector.shape_cast %get3A_154 : vector<1x16xf32> to vector<16xf32>
        %add3A_156 = arith.addf %get3A_151, %get3A_155 : vector<16xf32>
        %max3A = arith.constant 0.000000e+00 : f32
        %max3A_157 = vector.broadcast %max3A : f32 to vector<16xf32>
        %max3A_158 = arith.maximumf %add3A_156, %max3A_157 : vector<16xf32>
        %swap3A = arith.index_cast %scan3A_148 : i32 to index
        %swap3A_159 = arith.constant 0 : index
        %swap3A_160 = tpu.vector_load %arg13[%swap3A, %swap3A_159] {strides = array<i32>} : memref<64x128xf32, #tpu.memory_space<vmem>>, vector<1x16xf32>,
        %swap3A_161 = vector.shape_cast %swap3A_160 : vector<1x16xf32> to vector<16xf32>
        %swap3A_162 = vector.shape_cast %max3A_158 : vector<16xf32> to vector<1x16xf32>
        tpu.vector_store %arg13[%swap3A, %swap3A_159], %swap3A_162 {strides = array<i32>} : memref<64x128xf32, #tpu.memory_space<vmem>>, vector<1x16xf32>,
        %get3A_163 = arith.index_cast %scan3A_148 : i32 to index
        %get3A_164 = arith.constant 16 : index
        %get3A_165 = tpu.vector_load %arg13[%get3A_163, %get3A_164] {strides = array<i32>} : memref<64x128xf32, #tpu.memory_space<vmem>>, vector<1x16xf32>,
        %get3A_166 = vector.shape_cast %get3A_165 : vector<1x16xf32> to vector<16xf32>
        %get3A_167 = arith.index_cast %scan3A_148 : i32 to index
        %get3A_168 = arith.constant 16 : index
        %get3A_169 = tpu.vector_load %arg11[%get3A_167, %get3A_168] {strides = array<i32>} : memref<64x128xf32, #tpu.memory_space<vmem>>, vector<1x16xf32>,
        %get3A_170 = vector.shape_cast %get3A_169 : vector<1x16xf32> to vector<16xf32>
        %add3A_171 = arith.addf %get3A_166, %get3A_170 : vector<16xf32>
        %max3A_172 = arith.constant 0.000000e+00 : f32
        %max3A_173 = vector.broadcast %max3A_172 : f32 to vector<16xf32>
        %max3A_174 = arith.maximumf %add3A_171, %max3A_173 : vector<16xf32>
        %swap3A_175 = arith.index_cast %scan3A_148 : i32 to index
        %swap3A_176 = arith.constant 16 : index
        %swap3A_177 = tpu.vector_load %arg13[%swap3A_175, %swap3A_176] {strides = array<i32>} : memref<64x128xf32, #tpu.memory_space<vmem>>, vector<1x16xf32>,
        %swap3A_178 = vector.shape_cast %swap3A_177 : vector<1x16xf32> to vector<16xf32>
        %swap3A_179 = vector.shape_cast %max3A_174 : vector<16xf32> to vector<1x16xf32>
        tpu.vector_store %arg13[%swap3A_175, %swap3A_176], %swap3A_179 {strides = array<i32>} : memref<64x128xf32, #tpu.memory_space<vmem>>, vector<1x16xf32>,
        %get3A_180 = arith.index_cast %scan3A_148 : i32 to index
        %get3A_181 = arith.constant 32 : index
        %get3A_182 = tpu.vector_load %arg13[%get3A_180, %get3A_181] {strides = array<i32>} : memref<64x128xf32, #tpu.memory_space<vmem>>, vector<1x16xf32>,
        %get3A_183 = vector.shape_cast %get3A_182 : vector<1x16xf32> to vector<16xf32>
        %get3A_184 = arith.index_cast %scan3A_148 : i32 to index
        %get3A_185 = arith.constant 32 : index
        %get3A_186 = tpu.vector_load %arg11[%get3A_184, %get3A_185] {strides = array<i32>} : memref<64x128xf32, #tpu.memory_space<vmem>>, vector<1x16xf32>,
        %get3A_187 = vector.shape_cast %get3A_186 : vector<1x16xf32> to vector<16xf32>
        %add3A_188 = arith.addf %get3A_183, %get3A_187 : vector<16xf32>
        %max3A_189 = arith.constant 0.000000e+00 : f32
        %max3A_190 = vector.broadcast %max3A_189 : f32 to vector<16xf32>
        %max3A_191 = arith.maximumf %add3A_188, %max3A_190 : vector<16xf32>
        %swap3A_192 = arith.index_cast %scan3A_148 : i32 to index
        %swap3A_193 = arith.constant 32 : index
        %swap3A_194 = tpu.vector_load %arg13[%swap3A_192, %swap3A_193] {strides = array<i32>} : memref<64x128xf32, #tpu.memory_space<vmem>>, vector<1x16xf32>,
        %swap3A_195 = vector.shape_cast %swap3A_194 : vector<1x16xf32> to vector<16xf32>
        %swap3A_196 = vector.shape_cast %max3A_191 : vector<16xf32> to vector<1x16xf32>
        tpu.vector_store %arg13[%swap3A_192, %swap3A_193], %swap3A_196 {strides = array<i32>} : memref<64x128xf32, #tpu.memory_space<vmem>>, vector<1x16xf32>,
        %get3A_197 = arith.index_cast %scan3A_148 : i32 to index
        %get3A_198 = arith.constant 48 : index
        %get3A_199 = tpu.vector_load %arg13[%get3A_197, %get3A_198] {strides = array<i32>} : memref<64x128xf32, #tpu.memory_space<vmem>>, vector<1x16xf32>,
        %get3A_200 = vector.shape_cast %get3A_199 : vector<1x16xf32> to vector<16xf32>
        %get3A_201 = arith.index_cast %scan3A_148 : i32 to index
        %get3A_202 = arith.constant 48 : index
        %get3A_203 = tpu.vector_load %arg11[%get3A_201, %get3A_202] {strides = array<i32>} : memref<64x128xf32, #tpu.memory_space<vmem>>, vector<1x16xf32>,
        %get3A_204 = vector.shape_cast %get3A_203 : vector<1x16xf32> to vector<16xf32>
        %add3A_205 = arith.addf %get3A_200, %get3A_204 : vector<16xf32>
        %max3A_206 = arith.constant 0.000000e+00 : f32
        %max3A_207 = vector.broadcast %max3A_206 : f32 to vector<16xf32>
        %max3A_208 = arith.maximumf %add3A_205, %max3A_207 : vector<16xf32>
        %swap3A_209 = arith.index_cast %scan3A_148 : i32 to index
        %swap3A_210 = arith.constant 48 : index
        %swap3A_211 = tpu.vector_load %arg13[%swap3A_209, %swap3A_210] {strides = array<i32>} : memref<64x128xf32, #tpu.memory_space<vmem>>, vector<1x16xf32>,
        %swap3A_212 = vector.shape_cast %swap3A_211 : vector<1x16xf32> to vector<16xf32>
        %swap3A_213 = vector.shape_cast %max3A_208 : vector<16xf32> to vector<1x16xf32>
        tpu.vector_store %arg13[%swap3A_209, %swap3A_210], %swap3A_213 {strides = array<i32>} : memref<64x128xf32, #tpu.memory_space<vmem>>, vector<1x16xf32>,
        %get3A_214 = arith.index_cast %scan3A_148 : i32 to index
        %get3A_215 = arith.constant 64 : index
        %get3A_216 = tpu.vector_load %arg13[%get3A_214, %get3A_215] {strides = array<i32>} : memref<64x128xf32, #tpu.memory_space<vmem>>, vector<1x16xf32>,
        %get3A_217 = vector.shape_cast %get3A_216 : vector<1x16xf32> to vector<16xf32>
        %get3A_218 = arith.index_cast %scan3A_148 : i32 to index
        %get3A_219 = arith.constant 64 : index
        %get3A_220 = tpu.vector_load %arg11[%get3A_218, %get3A_219] {strides = array<i32>} : memref<64x128xf32, #tpu.memory_space<vmem>>, vector<1x16xf32>,
        %get3A_221 = vector.shape_cast %get3A_220 : vector<1x16xf32> to vector<16xf32>
        %add3A_222 = arith.addf %get3A_217, %get3A_221 : vector<16xf32>
        %max3A_223 = arith.constant 0.000000e+00 : f32
        %max3A_224 = vector.broadcast %max3A_223 : f32 to vector<16xf32>
        %max3A_225 = arith.maximumf %add3A_222, %max3A_224 : vector<16xf32>
        %swap3A_226 = arith.index_cast %scan3A_148 : i32 to index
        %swap3A_227 = arith.constant 64 : index
        %swap3A_228 = tpu.vector_load %arg13[%swap3A_226, %swap3A_227] {strides = array<i32>} : memref<64x128xf32, #tpu.memory_space<vmem>>, vector<1x16xf32>,
        %swap3A_229 = vector.shape_cast %swap3A_228 : vector<1x16xf32> to vector<16xf32>
        %swap3A_230 = vector.shape_cast %max3A_225 : vector<16xf32> to vector<1x16xf32>
        tpu.vector_store %arg13[%swap3A_226, %swap3A_227], %swap3A_230 {strides = array<i32>} : memref<64x128xf32, #tpu.memory_space<vmem>>, vector<1x16xf32>,
        %get3A_231 = arith.index_cast %scan3A_148 : i32 to index
        %get3A_232 = arith.constant 80 : index
        %get3A_233 = tpu.vector_load %arg13[%get3A_231, %get3A_232] {strides = array<i32>} : memref<64x128xf32, #tpu.memory_space<vmem>>, vector<1x16xf32>,
        %get3A_234 = vector.shape_cast %get3A_233 : vector<1x16xf32> to vector<16xf32>
        %get3A_235 = arith.index_cast %scan3A_148 : i32 to index
        %get3A_236 = arith.constant 80 : index
        %get3A_237 = tpu.vector_load %arg11[%get3A_235, %get3A_236] {strides = array<i32>} : memref<64x128xf32, #tpu.memory_space<vmem>>, vector<1x16xf32>,
        %get3A_238 = vector.shape_cast %get3A_237 : vector<1x16xf32> to vector<16xf32>
        %add3A_239 = arith.addf %get3A_234, %get3A_238 : vector<16xf32>
        %max3A_240 = arith.constant 0.000000e+00 : f32
        %max3A_241 = vector.broadcast %max3A_240 : f32 to vector<16xf32>
        %max3A_242 = arith.maximumf %add3A_239, %max3A_241 : vector<16xf32>
        %swap3A_243 = arith.index_cast %scan3A_148 : i32 to index
        %swap3A_244 = arith.constant 80 : index
        %swap3A_245 = tpu.vector_load %arg13[%swap3A_243, %swap3A_244] {strides = array<i32>} : memref<64x128xf32, #tpu.memory_space<vmem>>, vector<1x16xf32>,
        %swap3A_246 = vector.shape_cast %swap3A_245 : vector<1x16xf32> to vector<16xf32>
        %swap3A_247 = vector.shape_cast %max3A_242 : vector<16xf32> to vector<1x16xf32>
        tpu.vector_store %arg13[%swap3A_243, %swap3A_244], %swap3A_247 {strides = array<i32>} : memref<64x128xf32, #tpu.memory_space<vmem>>, vector<1x16xf32>,
        %get3A_248 = arith.index_cast %scan3A_148 : i32 to index
        %get3A_249 = arith.constant 96 : index
        %get3A_250 = tpu.vector_load %arg13[%get3A_248, %get3A_249] {strides = array<i32>} : memref<64x128xf32, #tpu.memory_space<vmem>>, vector<1x16xf32>,
        %get3A_251 = vector.shape_cast %get3A_250 : vector<1x16xf32> to vector<16xf32>
        %get3A_252 = arith.index_cast %scan3A_148 : i32 to index
        %get3A_253 = arith.constant 96 : index
        %get3A_254 = tpu.vector_load %arg11[%get3A_252, %get3A_253] {strides = array<i32>} : memref<64x128xf32, #tpu.memory_space<vmem>>, vector<1x16xf32>,
        %get3A_255 = vector.shape_cast %get3A_254 : vector<1x16xf32> to vector<16xf32>
        %add3A_256 = arith.addf %get3A_251, %get3A_255 : vector<16xf32>
        %max3A_257 = arith.constant 0.000000e+00 : f32
        %max3A_258 = vector.broadcast %max3A_257 : f32 to vector<16xf32>
        %max3A_259 = arith.maximumf %add3A_256, %max3A_258 : vector<16xf32>
        %swap3A_260 = arith.index_cast %scan3A_148 : i32 to index
        %swap3A_261 = arith.constant 96 : index
        %swap3A_262 = tpu.vector_load %arg13[%swap3A_260, %swap3A_261] {strides = array<i32>} : memref<64x128xf32, #tpu.memory_space<vmem>>, vector<1x16xf32>,
        %swap3A_263 = vector.shape_cast %swap3A_262 : vector<1x16xf32> to vector<16xf32>
        %swap3A_264 = vector.shape_cast %max3A_259 : vector<16xf32> to vector<1x16xf32>
        tpu.vector_store %arg13[%swap3A_260, %swap3A_261], %swap3A_264 {strides = array<i32>} : memref<64x128xf32, #tpu.memory_space<vmem>>, vector<1x16xf32>,
        %get3A_265 = arith.index_cast %scan3A_148 : i32 to index
        %get3A_266 = arith.constant 112 : index
        %get3A_267 = tpu.vector_load %arg13[%get3A_265, %get3A_266] {strides = array<i32>} : memref<64x128xf32, #tpu.memory_space<vmem>>, vector<1x16xf32>,
        %get3A_268 = vector.shape_cast %get3A_267 : vector<1x16xf32> to vector<16xf32>
        %get3A_269 = arith.index_cast %scan3A_148 : i32 to index
        %get3A_270 = arith.constant 112 : index
        %get3A_271 = tpu.vector_load %arg11[%get3A_269, %get3A_270] {strides = array<i32>} : memref<64x128xf32, #tpu.memory_space<vmem>>, vector<1x16xf32>,
        %get3A_272 = vector.shape_cast %get3A_271 : vector<1x16xf32> to vector<16xf32>
        %add3A_273 = arith.addf %get3A_268, %get3A_272 : vector<16xf32>
        %max3A_274 = arith.constant 0.000000e+00 : f32
        %max3A_275 = vector.broadcast %max3A_274 : f32 to vector<16xf32>
        %max3A_276 = arith.maximumf %add3A_273, %max3A_275 : vector<16xf32>
        %swap3A_277 = arith.index_cast %scan3A_148 : i32 to index
        %swap3A_278 = arith.constant 112 : index
        %swap3A_279 = tpu.vector_load %arg13[%swap3A_277, %swap3A_278] {strides = array<i32>} : memref<64x128xf32, #tpu.memory_space<vmem>>, vector<1x16xf32>,
        %swap3A_280 = vector.shape_cast %swap3A_279 : vector<1x16xf32> to vector<16xf32>
        %swap3A_281 = vector.shape_cast %max3A_276 : vector<16xf32> to vector<1x16xf32>
        tpu.vector_store %arg13[%swap3A_277, %swap3A_278], %swap3A_281 {strides = array<i32>} : memref<64x128xf32, #tpu.memory_space<vmem>>, vector<1x16xf32>,
      }
      %scan3A_126 = arith.constant 64 : i32
      %dma_start3A_127 = arith.constant 15 : i32
      %dma_start3A_128 = arith.constant 0 : i32
      %dma_start3A_129 = tpu.memref_slice %arg9[%dma_start3A_127, %dma_start3A_128] : memref<16x64xi32, #tpu.memory_space<vmem>> -> memref<1x64xi32, #tpu.memory_space<vmem>>
      %dma_start3A_130 = tpu.memref_squeeze %dma_start3A_129 : memref<1x64xi32, #tpu.memory_space<vmem>> -> memref<64xi32, #tpu.memory_space<vmem>>
      %dma_start3A_131 = arith.constant 0 : i32
      %dma_start3A_132 = arith.constant 0 : i32
      %dma_start3A_133 = tpu.memref_slice %arg14[%dma_start3A_131, %dma_start3A_132] : memref<10240x128xf32, #tpu.memory_space<vmem_shared>> -> memref<10240x128xf32, #tpu.memory_space<vmem_shared>>
      tpu.enqueue_indirect_dma source(%arg13 : memref<64x128xf32, #tpu.memory_space<vmem>>) target(%dma_start3A_133 : memref<10240x128xf32, #tpu.memory_space<vmem_shared>>) offsets(%dma_start3A_130 : memref<64xi32, #tpu.memory_space<vmem>>) semaphore(%arg18 : memref<!tpu.dma_semaphore, #tpu.memory_space<semaphore_mem>>) {add = true}
      %dma_wait3A_134 = arith.constant 14 : i32
      %dma_wait3A_135 = arith.constant 0 : i32
      %dma_wait3A_136 = tpu.memref_slice %arg9[%dma_wait3A_134, %dma_wait3A_135] : memref<16x64xi32, #tpu.memory_space<vmem>> -> memref<1x64xi32, #tpu.memory_space<vmem>>
      %dma_wait3A_137 = tpu.memref_squeeze %dma_wait3A_136 : memref<1x64xi32, #tpu.memory_space<vmem>> -> memref<64xi32, #tpu.memory_space<vmem>>
      %dma_wait3A_138 = arith.constant 0 : i32
      %dma_wait3A_139 = arith.constant 0 : i32
      %dma_wait3A_140 = tpu.memref_slice %arg14[%dma_wait3A_138, %dma_wait3A_139] : memref<10240x128xf32, #tpu.memory_space<vmem_shared>> -> memref<10240x128xf32, #tpu.memory_space<vmem_shared>>
      tpu.wait_indirect_dma semaphore(%arg17 : memref<!tpu.dma_semaphore, #tpu.memory_space<semaphore_mem>>) src(%arg12 : memref<64x128xf32, #tpu.memory_space<vmem>>) dst(%dma_wait3A_140 : memref<10240x128xf32, #tpu.memory_space<vmem_shared>>)
      %dma_wait3A_141 = arith.constant 15 : i32
      %dma_wait3A_142 = arith.constant 0 : i32
      %dma_wait3A_143 = tpu.memref_slice %arg9[%dma_wait3A_141, %dma_wait3A_142] : memref<16x64xi32, #tpu.memory_space<vmem>> -> memref<1x64xi32, #tpu.memory_space<vmem>>
      %dma_wait3A_144 = tpu.memref_squeeze %dma_wait3A_143 : memref<1x64xi32, #tpu.memory_space<vmem>> -> memref<64xi32, #tpu.memory_space<vmem>>
      %dma_wait3A_145 = arith.constant 0 : i32
      %dma_wait3A_146 = arith.constant 0 : i32
      %dma_wait3A_147 = tpu.memref_slice %arg14[%dma_wait3A_145, %dma_wait3A_146] : memref<10240x128xf32, #tpu.memory_space<vmem_shared>> -> memref<10240x128xf32, #tpu.memory_space<vmem_shared>>
      tpu.wait_indirect_dma semaphore(%arg18 : memref<!tpu.dma_semaphore, #tpu.memory_space<semaphore_mem>>) src(%arg13 : memref<64x128xf32, #tpu.memory_space<vmem>>) dst(%dma_wait3A_147 : memref<10240x128xf32, #tpu.memory_space<vmem_shared>>)
    }
    %while3A_39 = arith.constant 1 : i32
    scf.for %while3A_41 = %while3A_37 to %while3A_33 step %while3A_39  : i32 {
      %mul3A_42 = arith.constant 16 : i32
      %mul3A_43 = arith.muli %while3A_41, %mul3A_42 : i32
      %add3A_44 = arith.addi %select_n3A, %mul3A_43 : i32
      "tpu.region"() ({
        %run_scoped3A = tpu.sem_alloc : memref<!tpu.dma_semaphore, #tpu.memory_space<semaphore_mem>>
        %dma_start3A_148 = arith.constant 0 : i32
        %dma_start3A_149 = tpu.memref_slice %arg2[%add3A_44, %dma_start3A_148] : memref<5120x64xi32, #tpu.memory_space<hbm>> -> memref<16x64xi32, #tpu.memory_space<hbm>>
        %dma_start3A_150 = arith.constant 0 : i32
        %dma_start3A_151 = tpu.memref_slice %arg2[%add3A_44, %dma_start3A_150] : memref<5120x64xi32, #tpu.memory_space<hbm>> -> memref<16x64xi32, #tpu.memory_space<hbm>>
        tpu.enqueue_dma source(%dma_start3A_151 : memref<16x64xi32, #tpu.memory_space<hbm>>) target(%arg8 : memref<16x64xi32, #tpu.memory_space<vmem>>) target_semaphore(%run_scoped3A : memref<!tpu.dma_semaphore, #tpu.memory_space<semaphore_mem>>)
        %dma_wait3A_152 = arith.constant 0 : i32
        %dma_wait3A_153 = tpu.memref_slice %arg2[%add3A_44, %dma_wait3A_152] : memref<5120x64xi32, #tpu.memory_space<hbm>> -> memref<16x64xi32, #tpu.memory_space<hbm>>
        %dma_wait3A_154 = arith.constant 0 : i32
        %dma_wait3A_155 = tpu.memref_slice %arg2[%add3A_44, %dma_wait3A_154] : memref<5120x64xi32, #tpu.memory_space<hbm>> -> memref<16x64xi32, #tpu.memory_space<hbm>>
        tpu.wait_dma2 semaphore(%run_scoped3A : memref<!tpu.dma_semaphore, #tpu.memory_space<semaphore_mem>>) src(%dma_wait3A_155 : memref<16x64xi32, #tpu.memory_space<hbm>>) dst(%arg8 : memref<16x64xi32, #tpu.memory_space<vmem>>)
        tpu.yield
      }) : () -> ()
      "tpu.region"() ({
        %run_scoped3A = tpu.sem_alloc : memref<!tpu.dma_semaphore, #tpu.memory_space<semaphore_mem>>
        %dma_start3A_148 = arith.constant 0 : i32
        %dma_start3A_149 = tpu.memref_slice %arg3[%add3A_44, %dma_start3A_148] : memref<5120x64xi32, #tpu.memory_space<hbm>> -> memref<16x64xi32, #tpu.memory_space<hbm>>
        %dma_start3A_150 = arith.constant 0 : i32
        %dma_start3A_151 = tpu.memref_slice %arg3[%add3A_44, %dma_start3A_150] : memref<5120x64xi32, #tpu.memory_space<hbm>> -> memref<16x64xi32, #tpu.memory_space<hbm>>
        tpu.enqueue_dma source(%dma_start3A_151 : memref<16x64xi32, #tpu.memory_space<hbm>>) target(%arg9 : memref<16x64xi32, #tpu.memory_space<vmem>>) target_semaphore(%run_scoped3A : memref<!tpu.dma_semaphore, #tpu.memory_space<semaphore_mem>>)
        %dma_wait3A_152 = arith.constant 0 : i32
        %dma_wait3A_153 = tpu.memref_slice %arg3[%add3A_44, %dma_wait3A_152] : memref<5120x64xi32, #tpu.memory_space<hbm>> -> memref<16x64xi32, #tpu.memory_space<hbm>>
        %dma_wait3A_154 = arith.constant 0 : i32
        %dma_wait3A_155 = tpu.memref_slice %arg3[%add3A_44, %dma_wait3A_154] : memref<5120x64xi32, #tpu.memory_space<hbm>> -> memref<16x64xi32, #tpu.memory_space<hbm>>
        tpu.wait_dma2 semaphore(%run_scoped3A : memref<!tpu.dma_semaphore, #tpu.memory_space<semaphore_mem>>) src(%dma_wait3A_155 : memref<16x64xi32, #tpu.memory_space<hbm>>) dst(%arg9 : memref<16x64xi32, #tpu.memory_space<vmem>>)
        tpu.yield
      }) : () -> ()
      %dma_start3A = arith.constant 0 : i32
      %dma_start3A_45 = arith.constant 0 : i32
      %dma_start3A_46 = tpu.memref_slice %arg8[%dma_start3A, %dma_start3A_45] : memref<16x64xi32, #tpu.memory_space<vmem>> -> memref<1x64xi32, #tpu.memory_space<vmem>>
      %dma_start3A_47 = tpu.memref_squeeze %dma_start3A_46 : memref<1x64xi32, #tpu.memory_space<vmem>> -> memref<64xi32, #tpu.memory_space<vmem>>
      %dma_start3A_48 = arith.constant 0 : i32
      %dma_start3A_49 = arith.constant 0 : i32
      %dma_start3A_50 = tpu.memref_slice %arg4[%dma_start3A_48, %dma_start3A_49] : memref<10000x128xf32, #tpu.memory_space<hbm>> -> memref<10000x128xf32, #tpu.memory_space<hbm>>
      tpu.enqueue_indirect_dma source(%dma_start3A_50 : memref<10000x128xf32, #tpu.memory_space<hbm>>) target(%arg10 : memref<64x128xf32, #tpu.memory_space<vmem>>) offsets(%dma_start3A_47 : memref<64xi32, #tpu.memory_space<vmem>>) semaphore(%arg15 : memref<!tpu.dma_semaphore, #tpu.memory_space<semaphore_mem>>)
      %dma_start3A_51 = arith.constant 0 : i32
      %dma_start3A_52 = arith.constant 0 : i32
      %dma_start3A_53 = tpu.memref_slice %arg9[%dma_start3A_51, %dma_start3A_52] : memref<16x64xi32, #tpu.memory_space<vmem>> -> memref<1x64xi32, #tpu.memory_space<vmem>>
      %dma_start3A_54 = tpu.memref_squeeze %dma_start3A_53 : memref<1x64xi32, #tpu.memory_space<vmem>> -> memref<64xi32, #tpu.memory_space<vmem>>
      %dma_start3A_55 = arith.constant 0 : i32
      %dma_start3A_56 = arith.constant 0 : i32
      %dma_start3A_57 = tpu.memref_slice %arg5[%dma_start3A_55, %dma_start3A_56] : memref<10240x128xf32, #tpu.memory_space<hbm>> -> memref<10240x128xf32, #tpu.memory_space<hbm>>
      tpu.enqueue_indirect_dma source(%dma_start3A_57 : memref<10240x128xf32, #tpu.memory_space<hbm>>) target(%arg12 : memref<64x128xf32, #tpu.memory_space<vmem>>) offsets(%dma_start3A_54 : memref<64xi32, #tpu.memory_space<vmem>>) semaphore(%arg15 : memref<!tpu.dma_semaphore, #tpu.memory_space<semaphore_mem>>)
      %dma_start3A_58 = arith.constant 1 : i32
      %dma_start3A_59 = arith.constant 0 : i32
      %dma_start3A_60 = tpu.memref_slice %arg8[%dma_start3A_58, %dma_start3A_59] : memref<16x64xi32, #tpu.memory_space<vmem>> -> memref<1x64xi32, #tpu.memory_space<vmem>>
      %dma_start3A_61 = tpu.memref_squeeze %dma_start3A_60 : memref<1x64xi32, #tpu.memory_space<vmem>> -> memref<64xi32, #tpu.memory_space<vmem>>
      %dma_start3A_62 = arith.constant 0 : i32
      %dma_start3A_63 = arith.constant 0 : i32
      %dma_start3A_64 = tpu.memref_slice %arg4[%dma_start3A_62, %dma_start3A_63] : memref<10000x128xf32, #tpu.memory_space<hbm>> -> memref<10000x128xf32, #tpu.memory_space<hbm>>
      tpu.enqueue_indirect_dma source(%dma_start3A_64 : memref<10000x128xf32, #tpu.memory_space<hbm>>) target(%arg11 : memref<64x128xf32, #tpu.memory_space<vmem>>) offsets(%dma_start3A_61 : memref<64xi32, #tpu.memory_space<vmem>>) semaphore(%arg16 : memref<!tpu.dma_semaphore, #tpu.memory_space<semaphore_mem>>)
      %dma_start3A_65 = arith.constant 1 : i32
      %dma_start3A_66 = arith.constant 0 : i32
      %dma_start3A_67 = tpu.memref_slice %arg9[%dma_start3A_65, %dma_start3A_66] : memref<16x64xi32, #tpu.memory_space<vmem>> -> memref<1x64xi32, #tpu.memory_space<vmem>>
      %dma_start3A_68 = tpu.memref_squeeze %dma_start3A_67 : memref<1x64xi32, #tpu.memory_space<vmem>> -> memref<64xi32, #tpu.memory_space<vmem>>
      %dma_start3A_69 = arith.constant 0 : i32
      %dma_start3A_70 = arith.constant 0 : i32
      %dma_start3A_71 = tpu.memref_slice %arg5[%dma_start3A_69, %dma_start3A_70] : memref<10240x128xf32, #tpu.memory_space<hbm>> -> memref<10240x128xf32, #tpu.memory_space<hbm>>
      tpu.enqueue_indirect_dma source(%dma_start3A_71 : memref<10240x128xf32, #tpu.memory_space<hbm>>) target(%arg13 : memref<64x128xf32, #tpu.memory_space<vmem>>) offsets(%dma_start3A_68 : memref<64xi32, #tpu.memory_space<vmem>>) semaphore(%arg16 : memref<!tpu.dma_semaphore, #tpu.memory_space<semaphore_mem>>)
      %scan3A = arith.constant 0 : i32
      %scan3A_72 = arith.constant 0 : i32
      %scan3A_73 = arith.constant 0 : i32
      %scan3A_74 = arith.constant 1 : i32
      %scan3A_75 = arith.constant 1 : i32
      %scan3A_76 = arith.constant 0 : i32
      %scan3A_77 = arith.constant 7 : i32
      %scan3A_78 = arith.addi %scan3A_76, %scan3A_77 : i32
      %scan3A_79 = arith.constant 1 : i32
      scf.for %scan3A_148 = %scan3A_76 to %scan3A_78 step %scan3A_79  : i32 {
        %mul3A_149 = arith.constant 2 : i32
        %mul3A_150 = arith.muli %mul3A_149, %scan3A_148 : i32
        %dma_wait3A_151 = arith.constant 0 : i32
        %dma_wait3A_152 = tpu.memref_slice %arg8[%scan3A_72, %dma_wait3A_151] : memref<16x64xi32, #tpu.memory_space<vmem>> -> memref<1x64xi32, #tpu.memory_space<vmem>>
        %dma_wait3A_153 = tpu.memref_squeeze %dma_wait3A_152 : memref<1x64xi32, #tpu.memory_space<vmem>> -> memref<64xi32, #tpu.memory_space<vmem>>
        %dma_wait3A_154 = arith.constant 0 : i32
        %dma_wait3A_155 = arith.constant 0 : i32
        %dma_wait3A_156 = tpu.memref_slice %arg4[%dma_wait3A_154, %dma_wait3A_155] : memref<10000x128xf32, #tpu.memory_space<hbm>> -> memref<10000x128xf32, #tpu.memory_space<hbm>>
        tpu.wait_indirect_dma semaphore(%arg15 : memref<!tpu.dma_semaphore, #tpu.memory_space<semaphore_mem>>) src(%dma_wait3A_156 : memref<10000x128xf32, #tpu.memory_space<hbm>>) dst(%arg10 : memref<64x128xf32, #tpu.memory_space<vmem>>)
        %dma_wait3A_157 = arith.constant 0 : i32
        %dma_wait3A_158 = tpu.memref_slice %arg9[%scan3A_73, %dma_wait3A_157] : memref<16x64xi32, #tpu.memory_space<vmem>> -> memref<1x64xi32, #tpu.memory_space<vmem>>
        %dma_wait3A_159 = tpu.memref_squeeze %dma_wait3A_158 : memref<1x64xi32, #tpu.memory_space<vmem>> -> memref<64xi32, #tpu.memory_space<vmem>>
        %dma_wait3A_160 = arith.constant 0 : i32
        %dma_wait3A_161 = arith.constant 0 : i32
        %dma_wait3A_162 = tpu.memref_slice %arg5[%dma_wait3A_160, %dma_wait3A_161] : memref<10240x128xf32, #tpu.memory_space<hbm>> -> memref<10240x128xf32, #tpu.memory_space<hbm>>
        tpu.wait_indirect_dma semaphore(%arg15 : memref<!tpu.dma_semaphore, #tpu.memory_space<semaphore_mem>>) src(%dma_wait3A_162 : memref<10240x128xf32, #tpu.memory_space<hbm>>) dst(%arg12 : memref<64x128xf32, #tpu.memory_space<vmem>>)
        %scan3A_163 = arith.constant 0 : i32
        %scan3A_164 = arith.constant 0 : i32
        %scan3A_165 = arith.constant 64 : i32
        %scan3A_166 = arith.addi %scan3A_164, %scan3A_165 : i32
        %scan3A_167 = arith.constant 1 : i32
        scf.for %scan3A_241 = %scan3A_164 to %scan3A_166 step %scan3A_167  : i32 {
          %get3A = arith.index_cast %scan3A_241 : i32 to index
          %get3A_242 = arith.constant 0 : index
          %get3A_243 = tpu.vector_load %arg12[%get3A, %get3A_242] {strides = array<i32>} : memref<64x128xf32, #tpu.memory_space<vmem>>, vector<1x16xf32>,
          %get3A_244 = vector.shape_cast %get3A_243 : vector<1x16xf32> to vector<16xf32>
          %get3A_245 = arith.index_cast %scan3A_241 : i32 to index
          %get3A_246 = arith.constant 0 : index
          %get3A_247 = tpu.vector_load %arg10[%get3A_245, %get3A_246] {strides = array<i32>} : memref<64x128xf32, #tpu.memory_space<vmem>>, vector<1x16xf32>,
          %get3A_248 = vector.shape_cast %get3A_247 : vector<1x16xf32> to vector<16xf32>
          %add3A_249 = arith.addf %get3A_244, %get3A_248 : vector<16xf32>
          %max3A = arith.constant 0.000000e+00 : f32
          %max3A_250 = vector.broadcast %max3A : f32 to vector<16xf32>
          %max3A_251 = arith.maximumf %add3A_249, %max3A_250 : vector<16xf32>
          %swap3A = arith.index_cast %scan3A_241 : i32 to index
          %swap3A_252 = arith.constant 0 : index
          %swap3A_253 = tpu.vector_load %arg12[%swap3A, %swap3A_252] {strides = array<i32>} : memref<64x128xf32, #tpu.memory_space<vmem>>, vector<1x16xf32>,
          %swap3A_254 = vector.shape_cast %swap3A_253 : vector<1x16xf32> to vector<16xf32>
          %swap3A_255 = vector.shape_cast %max3A_251 : vector<16xf32> to vector<1x16xf32>
          tpu.vector_store %arg12[%swap3A, %swap3A_252], %swap3A_255 {strides = array<i32>} : memref<64x128xf32, #tpu.memory_space<vmem>>, vector<1x16xf32>,
          %get3A_256 = arith.index_cast %scan3A_241 : i32 to index
          %get3A_257 = arith.constant 16 : index
          %get3A_258 = tpu.vector_load %arg12[%get3A_256, %get3A_257] {strides = array<i32>} : memref<64x128xf32, #tpu.memory_space<vmem>>, vector<1x16xf32>,
          %get3A_259 = vector.shape_cast %get3A_258 : vector<1x16xf32> to vector<16xf32>
          %get3A_260 = arith.index_cast %scan3A_241 : i32 to index
          %get3A_261 = arith.constant 16 : index
          %get3A_262 = tpu.vector_load %arg10[%get3A_260, %get3A_261] {strides = array<i32>} : memref<64x128xf32, #tpu.memory_space<vmem>>, vector<1x16xf32>,
          %get3A_263 = vector.shape_cast %get3A_262 : vector<1x16xf32> to vector<16xf32>
          %add3A_264 = arith.addf %get3A_259, %get3A_263 : vector<16xf32>
          %max3A_265 = arith.constant 0.000000e+00 : f32
          %max3A_266 = vector.broadcast %max3A_265 : f32 to vector<16xf32>
          %max3A_267 = arith.maximumf %add3A_264, %max3A_266 : vector<16xf32>
          %swap3A_268 = arith.index_cast %scan3A_241 : i32 to index
          %swap3A_269 = arith.constant 16 : index
          %swap3A_270 = tpu.vector_load %arg12[%swap3A_268, %swap3A_269] {strides = array<i32>} : memref<64x128xf32, #tpu.memory_space<vmem>>, vector<1x16xf32>,
          %swap3A_271 = vector.shape_cast %swap3A_270 : vector<1x16xf32> to vector<16xf32>
          %swap3A_272 = vector.shape_cast %max3A_267 : vector<16xf32> to vector<1x16xf32>
          tpu.vector_store %arg12[%swap3A_268, %swap3A_269], %swap3A_272 {strides = array<i32>} : memref<64x128xf32, #tpu.memory_space<vmem>>, vector<1x16xf32>,
          %get3A_273 = arith.index_cast %scan3A_241 : i32 to index
          %get3A_274 = arith.constant 32 : index
          %get3A_275 = tpu.vector_load %arg12[%get3A_273, %get3A_274] {strides = array<i32>} : memref<64x128xf32, #tpu.memory_space<vmem>>, vector<1x16xf32>,
          %get3A_276 = vector.shape_cast %get3A_275 : vector<1x16xf32> to vector<16xf32>
          %get3A_277 = arith.index_cast %scan3A_241 : i32 to index
          %get3A_278 = arith.constant 32 : index
          %get3A_279 = tpu.vector_load %arg10[%get3A_277, %get3A_278] {strides = array<i32>} : memref<64x128xf32, #tpu.memory_space<vmem>>, vector<1x16xf32>,
          %get3A_280 = vector.shape_cast %get3A_279 : vector<1x16xf32> to vector<16xf32>
          %add3A_281 = arith.addf %get3A_276, %get3A_280 : vector<16xf32>
          %max3A_282 = arith.constant 0.000000e+00 : f32
          %max3A_283 = vector.broadcast %max3A_282 : f32 to vector<16xf32>
          %max3A_284 = arith.maximumf %add3A_281, %max3A_283 : vector<16xf32>
          %swap3A_285 = arith.index_cast %scan3A_241 : i32 to index
          %swap3A_286 = arith.constant 32 : index
          %swap3A_287 = tpu.vector_load %arg12[%swap3A_285, %swap3A_286] {strides = array<i32>} : memref<64x128xf32, #tpu.memory_space<vmem>>, vector<1x16xf32>,
          %swap3A_288 = vector.shape_cast %swap3A_287 : vector<1x16xf32> to vector<16xf32>
          %swap3A_289 = vector.shape_cast %max3A_284 : vector<16xf32> to vector<1x16xf32>
          tpu.vector_store %arg12[%swap3A_285, %swap3A_286], %swap3A_289 {strides = array<i32>} : memref<64x128xf32, #tpu.memory_space<vmem>>, vector<1x16xf32>,
          %get3A_290 = arith.index_cast %scan3A_241 : i32 to index
          %get3A_291 = arith.constant 48 : index
          %get3A_292 = tpu.vector_load %arg12[%get3A_290, %get3A_291] {strides = array<i32>} : memref<64x128xf32, #tpu.memory_space<vmem>>, vector<1x16xf32>,
          %get3A_293 = vector.shape_cast %get3A_292 : vector<1x16xf32> to vector<16xf32>
          %get3A_294 = arith.index_cast %scan3A_241 : i32 to index
          %get3A_295 = arith.constant 48 : index
          %get3A_296 = tpu.vector_load %arg10[%get3A_294, %get3A_295] {strides = array<i32>} : memref<64x128xf32, #tpu.memory_space<vmem>>, vector<1x16xf32>,
          %get3A_297 = vector.shape_cast %get3A_296 : vector<1x16xf32> to vector<16xf32>
          %add3A_298 = arith.addf %get3A_293, %get3A_297 : vector<16xf32>
          %max3A_299 = arith.constant 0.000000e+00 : f32
          %max3A_300 = vector.broadcast %max3A_299 : f32 to vector<16xf32>
          %max3A_301 = arith.maximumf %add3A_298, %max3A_300 : vector<16xf32>
          %swap3A_302 = arith.index_cast %scan3A_241 : i32 to index
          %swap3A_303 = arith.constant 48 : index
          %swap3A_304 = tpu.vector_load %arg12[%swap3A_302, %swap3A_303] {strides = array<i32>} : memref<64x128xf32, #tpu.memory_space<vmem>>, vector<1x16xf32>,
          %swap3A_305 = vector.shape_cast %swap3A_304 : vector<1x16xf32> to vector<16xf32>
          %swap3A_306 = vector.shape_cast %max3A_301 : vector<16xf32> to vector<1x16xf32>
          tpu.vector_store %arg12[%swap3A_302, %swap3A_303], %swap3A_306 {strides = array<i32>} : memref<64x128xf32, #tpu.memory_space<vmem>>, vector<1x16xf32>,
          %get3A_307 = arith.index_cast %scan3A_241 : i32 to index
          %get3A_308 = arith.constant 64 : index
          %get3A_309 = tpu.vector_load %arg12[%get3A_307, %get3A_308] {strides = array<i32>} : memref<64x128xf32, #tpu.memory_space<vmem>>, vector<1x16xf32>,
          %get3A_310 = vector.shape_cast %get3A_309 : vector<1x16xf32> to vector<16xf32>
          %get3A_311 = arith.index_cast %scan3A_241 : i32 to index
          %get3A_312 = arith.constant 64 : index
          %get3A_313 = tpu.vector_load %arg10[%get3A_311, %get3A_312] {strides = array<i32>} : memref<64x128xf32, #tpu.memory_space<vmem>>, vector<1x16xf32>,
          %get3A_314 = vector.shape_cast %get3A_313 : vector<1x16xf32> to vector<16xf32>
          %add3A_315 = arith.addf %get3A_310, %get3A_314 : vector<16xf32>
          %max3A_316 = arith.constant 0.000000e+00 : f32
          %max3A_317 = vector.broadcast %max3A_316 : f32 to vector<16xf32>
          %max3A_318 = arith.maximumf %add3A_315, %max3A_317 : vector<16xf32>
          %swap3A_319 = arith.index_cast %scan3A_241 : i32 to index
          %swap3A_320 = arith.constant 64 : index
          %swap3A_321 = tpu.vector_load %arg12[%swap3A_319, %swap3A_320] {strides = array<i32>} : memref<64x128xf32, #tpu.memory_space<vmem>>, vector<1x16xf32>,
          %swap3A_322 = vector.shape_cast %swap3A_321 : vector<1x16xf32> to vector<16xf32>
          %swap3A_323 = vector.shape_cast %max3A_318 : vector<16xf32> to vector<1x16xf32>
          tpu.vector_store %arg12[%swap3A_319, %swap3A_320], %swap3A_323 {strides = array<i32>} : memref<64x128xf32, #tpu.memory_space<vmem>>, vector<1x16xf32>,
          %get3A_324 = arith.index_cast %scan3A_241 : i32 to index
          %get3A_325 = arith.constant 80 : index
          %get3A_326 = tpu.vector_load %arg12[%get3A_324, %get3A_325] {strides = array<i32>} : memref<64x128xf32, #tpu.memory_space<vmem>>, vector<1x16xf32>,
          %get3A_327 = vector.shape_cast %get3A_326 : vector<1x16xf32> to vector<16xf32>
          %get3A_328 = arith.index_cast %scan3A_241 : i32 to index
          %get3A_329 = arith.constant 80 : index
          %get3A_330 = tpu.vector_load %arg10[%get3A_328, %get3A_329] {strides = array<i32>} : memref<64x128xf32, #tpu.memory_space<vmem>>, vector<1x16xf32>,
          %get3A_331 = vector.shape_cast %get3A_330 : vector<1x16xf32> to vector<16xf32>
          %add3A_332 = arith.addf %get3A_327, %get3A_331 : vector<16xf32>
          %max3A_333 = arith.constant 0.000000e+00 : f32
          %max3A_334 = vector.broadcast %max3A_333 : f32 to vector<16xf32>
          %max3A_335 = arith.maximumf %add3A_332, %max3A_334 : vector<16xf32>
          %swap3A_336 = arith.index_cast %scan3A_241 : i32 to index
          %swap3A_337 = arith.constant 80 : index
          %swap3A_338 = tpu.vector_load %arg12[%swap3A_336, %swap3A_337] {strides = array<i32>} : memref<64x128xf32, #tpu.memory_space<vmem>>, vector<1x16xf32>,
          %swap3A_339 = vector.shape_cast %swap3A_338 : vector<1x16xf32> to vector<16xf32>
          %swap3A_340 = vector.shape_cast %max3A_335 : vector<16xf32> to vector<1x16xf32>
          tpu.vector_store %arg12[%swap3A_336, %swap3A_337], %swap3A_340 {strides = array<i32>} : memref<64x128xf32, #tpu.memory_space<vmem>>, vector<1x16xf32>,
          %get3A_341 = arith.index_cast %scan3A_241 : i32 to index
          %get3A_342 = arith.constant 96 : index
          %get3A_343 = tpu.vector_load %arg12[%get3A_341, %get3A_342] {strides = array<i32>} : memref<64x128xf32, #tpu.memory_space<vmem>>, vector<1x16xf32>,
          %get3A_344 = vector.shape_cast %get3A_343 : vector<1x16xf32> to vector<16xf32>
          %get3A_345 = arith.index_cast %scan3A_241 : i32 to index
          %get3A_346 = arith.constant 96 : index
          %get3A_347 = tpu.vector_load %arg10[%get3A_345, %get3A_346] {strides = array<i32>} : memref<64x128xf32, #tpu.memory_space<vmem>>, vector<1x16xf32>,
          %get3A_348 = vector.shape_cast %get3A_347 : vector<1x16xf32> to vector<16xf32>
          %add3A_349 = arith.addf %get3A_344, %get3A_348 : vector<16xf32>
          %max3A_350 = arith.constant 0.000000e+00 : f32
          %max3A_351 = vector.broadcast %max3A_350 : f32 to vector<16xf32>
          %max3A_352 = arith.maximumf %add3A_349, %max3A_351 : vector<16xf32>
          %swap3A_353 = arith.index_cast %scan3A_241 : i32 to index
          %swap3A_354 = arith.constant 96 : index
          %swap3A_355 = tpu.vector_load %arg12[%swap3A_353, %swap3A_354] {strides = array<i32>} : memref<64x128xf32, #tpu.memory_space<vmem>>, vector<1x16xf32>,
          %swap3A_356 = vector.shape_cast %swap3A_355 : vector<1x16xf32> to vector<16xf32>
          %swap3A_357 = vector.shape_cast %max3A_352 : vector<16xf32> to vector<1x16xf32>
          tpu.vector_store %arg12[%swap3A_353, %swap3A_354], %swap3A_357 {strides = array<i32>} : memref<64x128xf32, #tpu.memory_space<vmem>>, vector<1x16xf32>,
          %get3A_358 = arith.index_cast %scan3A_241 : i32 to index
          %get3A_359 = arith.constant 112 : index
          %get3A_360 = tpu.vector_load %arg12[%get3A_358, %get3A_359] {strides = array<i32>} : memref<64x128xf32, #tpu.memory_space<vmem>>, vector<1x16xf32>,
          %get3A_361 = vector.shape_cast %get3A_360 : vector<1x16xf32> to vector<16xf32>
          %get3A_362 = arith.index_cast %scan3A_241 : i32 to index
          %get3A_363 = arith.constant 112 : index
          %get3A_364 = tpu.vector_load %arg10[%get3A_362, %get3A_363] {strides = array<i32>} : memref<64x128xf32, #tpu.memory_space<vmem>>, vector<1x16xf32>,
          %get3A_365 = vector.shape_cast %get3A_364 : vector<1x16xf32> to vector<16xf32>
          %add3A_366 = arith.addf %get3A_361, %get3A_365 : vector<16xf32>
          %max3A_367 = arith.constant 0.000000e+00 : f32
          %max3A_368 = vector.broadcast %max3A_367 : f32 to vector<16xf32>
          %max3A_369 = arith.maximumf %add3A_366, %max3A_368 : vector<16xf32>
          %swap3A_370 = arith.index_cast %scan3A_241 : i32 to index
          %swap3A_371 = arith.constant 112 : index
          %swap3A_372 = tpu.vector_load %arg12[%swap3A_370, %swap3A_371] {strides = array<i32>} : memref<64x128xf32, #tpu.memory_space<vmem>>, vector<1x16xf32>,
          %swap3A_373 = vector.shape_cast %swap3A_372 : vector<1x16xf32> to vector<16xf32>
          %swap3A_374 = vector.shape_cast %max3A_369 : vector<16xf32> to vector<1x16xf32>
          tpu.vector_store %arg12[%swap3A_370, %swap3A_371], %swap3A_374 {strides = array<i32>} : memref<64x128xf32, #tpu.memory_space<vmem>>, vector<1x16xf32>,
        }
        %scan3A_168 = arith.constant 64 : i32
        %dma_start3A_169 = arith.constant 0 : i32
        %dma_start3A_170 = tpu.memref_slice %arg9[%mul3A_150, %dma_start3A_169] : memref<16x64xi32, #tpu.memory_space<vmem>> -> memref<1x64xi32, #tpu.memory_space<vmem>>
        %dma_start3A_171 = tpu.memref_squeeze %dma_start3A_170 : memref<1x64xi32, #tpu.memory_space<vmem>> -> memref<64xi32, #tpu.memory_space<vmem>>
        %dma_start3A_172 = arith.constant 0 : i32
        %dma_start3A_173 = arith.constant 0 : i32
        %dma_start3A_174 = tpu.memref_slice %arg14[%dma_start3A_172, %dma_start3A_173] : memref<10240x128xf32, #tpu.memory_space<vmem_shared>> -> memref<10240x128xf32, #tpu.memory_space<vmem_shared>>
        tpu.enqueue_indirect_dma source(%arg12 : memref<64x128xf32, #tpu.memory_space<vmem>>) target(%dma_start3A_174 : memref<10240x128xf32, #tpu.memory_space<vmem_shared>>) offsets(%dma_start3A_171 : memref<64xi32, #tpu.memory_space<vmem>>) semaphore(%arg17 : memref<!tpu.dma_semaphore, #tpu.memory_space<semaphore_mem>>) {add = true}
        %dma_wait3A_175 = arith.constant 0 : i32
        %dma_wait3A_176 = tpu.memref_slice %arg8[%scan3A_74, %dma_wait3A_175] : memref<16x64xi32, #tpu.memory_space<vmem>> -> memref<1x64xi32, #tpu.memory_space<vmem>>
        %dma_wait3A_177 = tpu.memref_squeeze %dma_wait3A_176 : memref<1x64xi32, #tpu.memory_space<vmem>> -> memref<64xi32, #tpu.memory_space<vmem>>
        %dma_wait3A_178 = arith.constant 0 : i32
        %dma_wait3A_179 = arith.constant 0 : i32
        %dma_wait3A_180 = tpu.memref_slice %arg4[%dma_wait3A_178, %dma_wait3A_179] : memref<10000x128xf32, #tpu.memory_space<hbm>> -> memref<10000x128xf32, #tpu.memory_space<hbm>>
        tpu.wait_indirect_dma semaphore(%arg16 : memref<!tpu.dma_semaphore, #tpu.memory_space<semaphore_mem>>) src(%dma_wait3A_180 : memref<10000x128xf32, #tpu.memory_space<hbm>>) dst(%arg11 : memref<64x128xf32, #tpu.memory_space<vmem>>)
        %dma_wait3A_181 = arith.constant 0 : i32
        %dma_wait3A_182 = tpu.memref_slice %arg9[%scan3A_75, %dma_wait3A_181] : memref<16x64xi32, #tpu.memory_space<vmem>> -> memref<1x64xi32, #tpu.memory_space<vmem>>
        %dma_wait3A_183 = tpu.memref_squeeze %dma_wait3A_182 : memref<1x64xi32, #tpu.memory_space<vmem>> -> memref<64xi32, #tpu.memory_space<vmem>>
        %dma_wait3A_184 = arith.constant 0 : i32
        %dma_wait3A_185 = arith.constant 0 : i32
        %dma_wait3A_186 = tpu.memref_slice %arg5[%dma_wait3A_184, %dma_wait3A_185] : memref<10240x128xf32, #tpu.memory_space<hbm>> -> memref<10240x128xf32, #tpu.memory_space<hbm>>
        tpu.wait_indirect_dma semaphore(%arg16 : memref<!tpu.dma_semaphore, #tpu.memory_space<semaphore_mem>>) src(%dma_wait3A_186 : memref<10240x128xf32, #tpu.memory_space<hbm>>) dst(%arg13 : memref<64x128xf32, #tpu.memory_space<vmem>>)
        %scan3A_187 = arith.constant 0 : i32
        %scan3A_188 = arith.constant 0 : i32
        %scan3A_189 = arith.constant 64 : i32
        %scan3A_190 = arith.addi %scan3A_188, %scan3A_189 : i32
        %scan3A_191 = arith.constant 1 : i32
        scf.for %scan3A_241 = %scan3A_188 to %scan3A_190 step %scan3A_191  : i32 {
          %get3A = arith.index_cast %scan3A_241 : i32 to index
          %get3A_242 = arith.constant 0 : index
          %get3A_243 = tpu.vector_load %arg13[%get3A, %get3A_242] {strides = array<i32>} : memref<64x128xf32, #tpu.memory_space<vmem>>, vector<1x16xf32>,
          %get3A_244 = vector.shape_cast %get3A_243 : vector<1x16xf32> to vector<16xf32>
          %get3A_245 = arith.index_cast %scan3A_241 : i32 to index
          %get3A_246 = arith.constant 0 : index
          %get3A_247 = tpu.vector_load %arg11[%get3A_245, %get3A_246] {strides = array<i32>} : memref<64x128xf32, #tpu.memory_space<vmem>>, vector<1x16xf32>,
          %get3A_248 = vector.shape_cast %get3A_247 : vector<1x16xf32> to vector<16xf32>
          %add3A_249 = arith.addf %get3A_244, %get3A_248 : vector<16xf32>
          %max3A = arith.constant 0.000000e+00 : f32
          %max3A_250 = vector.broadcast %max3A : f32 to vector<16xf32>
          %max3A_251 = arith.maximumf %add3A_249, %max3A_250 : vector<16xf32>
          %swap3A = arith.index_cast %scan3A_241 : i32 to index
          %swap3A_252 = arith.constant 0 : index
          %swap3A_253 = tpu.vector_load %arg13[%swap3A, %swap3A_252] {strides = array<i32>} : memref<64x128xf32, #tpu.memory_space<vmem>>, vector<1x16xf32>,
          %swap3A_254 = vector.shape_cast %swap3A_253 : vector<1x16xf32> to vector<16xf32>
          %swap3A_255 = vector.shape_cast %max3A_251 : vector<16xf32> to vector<1x16xf32>
          tpu.vector_store %arg13[%swap3A, %swap3A_252], %swap3A_255 {strides = array<i32>} : memref<64x128xf32, #tpu.memory_space<vmem>>, vector<1x16xf32>,
          %get3A_256 = arith.index_cast %scan3A_241 : i32 to index
          %get3A_257 = arith.constant 16 : index
          %get3A_258 = tpu.vector_load %arg13[%get3A_256, %get3A_257] {strides = array<i32>} : memref<64x128xf32, #tpu.memory_space<vmem>>, vector<1x16xf32>,
          %get3A_259 = vector.shape_cast %get3A_258 : vector<1x16xf32> to vector<16xf32>
          %get3A_260 = arith.index_cast %scan3A_241 : i32 to index
          %get3A_261 = arith.constant 16 : index
          %get3A_262 = tpu.vector_load %arg11[%get3A_260, %get3A_261] {strides = array<i32>} : memref<64x128xf32, #tpu.memory_space<vmem>>, vector<1x16xf32>,
          %get3A_263 = vector.shape_cast %get3A_262 : vector<1x16xf32> to vector<16xf32>
          %add3A_264 = arith.addf %get3A_259, %get3A_263 : vector<16xf32>
          %max3A_265 = arith.constant 0.000000e+00 : f32
          %max3A_266 = vector.broadcast %max3A_265 : f32 to vector<16xf32>
          %max3A_267 = arith.maximumf %add3A_264, %max3A_266 : vector<16xf32>
          %swap3A_268 = arith.index_cast %scan3A_241 : i32 to index
          %swap3A_269 = arith.constant 16 : index
          %swap3A_270 = tpu.vector_load %arg13[%swap3A_268, %swap3A_269] {strides = array<i32>} : memref<64x128xf32, #tpu.memory_space<vmem>>, vector<1x16xf32>,
          %swap3A_271 = vector.shape_cast %swap3A_270 : vector<1x16xf32> to vector<16xf32>
          %swap3A_272 = vector.shape_cast %max3A_267 : vector<16xf32> to vector<1x16xf32>
          tpu.vector_store %arg13[%swap3A_268, %swap3A_269], %swap3A_272 {strides = array<i32>} : memref<64x128xf32, #tpu.memory_space<vmem>>, vector<1x16xf32>,
          %get3A_273 = arith.index_cast %scan3A_241 : i32 to index
          %get3A_274 = arith.constant 32 : index
          %get3A_275 = tpu.vector_load %arg13[%get3A_273, %get3A_274] {strides = array<i32>} : memref<64x128xf32, #tpu.memory_space<vmem>>, vector<1x16xf32>,
          %get3A_276 = vector.shape_cast %get3A_275 : vector<1x16xf32> to vector<16xf32>
          %get3A_277 = arith.index_cast %scan3A_241 : i32 to index
          %get3A_278 = arith.constant 32 : index
          %get3A_279 = tpu.vector_load %arg11[%get3A_277, %get3A_278] {strides = array<i32>} : memref<64x128xf32, #tpu.memory_space<vmem>>, vector<1x16xf32>,
          %get3A_280 = vector.shape_cast %get3A_279 : vector<1x16xf32> to vector<16xf32>
          %add3A_281 = arith.addf %get3A_276, %get3A_280 : vector<16xf32>
          %max3A_282 = arith.constant 0.000000e+00 : f32
          %max3A_283 = vector.broadcast %max3A_282 : f32 to vector<16xf32>
          %max3A_284 = arith.maximumf %add3A_281, %max3A_283 : vector<16xf32>
          %swap3A_285 = arith.index_cast %scan3A_241 : i32 to index
          %swap3A_286 = arith.constant 32 : index
          %swap3A_287 = tpu.vector_load %arg13[%swap3A_285, %swap3A_286] {strides = array<i32>} : memref<64x128xf32, #tpu.memory_space<vmem>>, vector<1x16xf32>,
          %swap3A_288 = vector.shape_cast %swap3A_287 : vector<1x16xf32> to vector<16xf32>
          %swap3A_289 = vector.shape_cast %max3A_284 : vector<16xf32> to vector<1x16xf32>
          tpu.vector_store %arg13[%swap3A_285, %swap3A_286], %swap3A_289 {strides = array<i32>} : memref<64x128xf32, #tpu.memory_space<vmem>>, vector<1x16xf32>,
          %get3A_290 = arith.index_cast %scan3A_241 : i32 to index
          %get3A_291 = arith.constant 48 : index
          %get3A_292 = tpu.vector_load %arg13[%get3A_290, %get3A_291] {strides = array<i32>} : memref<64x128xf32, #tpu.memory_space<vmem>>, vector<1x16xf32>,
          %get3A_293 = vector.shape_cast %get3A_292 : vector<1x16xf32> to vector<16xf32>
          %get3A_294 = arith.index_cast %scan3A_241 : i32 to index
          %get3A_295 = arith.constant 48 : index
          %get3A_296 = tpu.vector_load %arg11[%get3A_294, %get3A_295] {strides = array<i32>} : memref<64x128xf32, #tpu.memory_space<vmem>>, vector<1x16xf32>,
          %get3A_297 = vector.shape_cast %get3A_296 : vector<1x16xf32> to vector<16xf32>
          %add3A_298 = arith.addf %get3A_293, %get3A_297 : vector<16xf32>
          %max3A_299 = arith.constant 0.000000e+00 : f32
          %max3A_300 = vector.broadcast %max3A_299 : f32 to vector<16xf32>
          %max3A_301 = arith.maximumf %add3A_298, %max3A_300 : vector<16xf32>
          %swap3A_302 = arith.index_cast %scan3A_241 : i32 to index
          %swap3A_303 = arith.constant 48 : index
          %swap3A_304 = tpu.vector_load %arg13[%swap3A_302, %swap3A_303] {strides = array<i32>} : memref<64x128xf32, #tpu.memory_space<vmem>>, vector<1x16xf32>,
          %swap3A_305 = vector.shape_cast %swap3A_304 : vector<1x16xf32> to vector<16xf32>
          %swap3A_306 = vector.shape_cast %max3A_301 : vector<16xf32> to vector<1x16xf32>
          tpu.vector_store %arg13[%swap3A_302, %swap3A_303], %swap3A_306 {strides = array<i32>} : memref<64x128xf32, #tpu.memory_space<vmem>>, vector<1x16xf32>,
          %get3A_307 = arith.index_cast %scan3A_241 : i32 to index
          %get3A_308 = arith.constant 64 : index
          %get3A_309 = tpu.vector_load %arg13[%get3A_307, %get3A_308] {strides = array<i32>} : memref<64x128xf32, #tpu.memory_space<vmem>>, vector<1x16xf32>,
          %get3A_310 = vector.shape_cast %get3A_309 : vector<1x16xf32> to vector<16xf32>
          %get3A_311 = arith.index_cast %scan3A_241 : i32 to index
          %get3A_312 = arith.constant 64 : index
          %get3A_313 = tpu.vector_load %arg11[%get3A_311, %get3A_312] {strides = array<i32>} : memref<64x128xf32, #tpu.memory_space<vmem>>, vector<1x16xf32>,
          %get3A_314 = vector.shape_cast %get3A_313 : vector<1x16xf32> to vector<16xf32>
          %add3A_315 = arith.addf %get3A_310, %get3A_314 : vector<16xf32>
          %max3A_316 = arith.constant 0.000000e+00 : f32
          %max3A_317 = vector.broadcast %max3A_316 : f32 to vector<16xf32>
          %max3A_318 = arith.maximumf %add3A_315, %max3A_317 : vector<16xf32>
          %swap3A_319 = arith.index_cast %scan3A_241 : i32 to index
          %swap3A_320 = arith.constant 64 : index
          %swap3A_321 = tpu.vector_load %arg13[%swap3A_319, %swap3A_320] {strides = array<i32>} : memref<64x128xf32, #tpu.memory_space<vmem>>, vector<1x16xf32>,
          %swap3A_322 = vector.shape_cast %swap3A_321 : vector<1x16xf32> to vector<16xf32>
          %swap3A_323 = vector.shape_cast %max3A_318 : vector<16xf32> to vector<1x16xf32>
          tpu.vector_store %arg13[%swap3A_319, %swap3A_320], %swap3A_323 {strides = array<i32>} : memref<64x128xf32, #tpu.memory_space<vmem>>, vector<1x16xf32>,
          %get3A_324 = arith.index_cast %scan3A_241 : i32 to index
          %get3A_325 = arith.constant 80 : index
          %get3A_326 = tpu.vector_load %arg13[%get3A_324, %get3A_325] {strides = array<i32>} : memref<64x128xf32, #tpu.memory_space<vmem>>, vector<1x16xf32>,
          %get3A_327 = vector.shape_cast %get3A_326 : vector<1x16xf32> to vector<16xf32>
          %get3A_328 = arith.index_cast %scan3A_241 : i32 to index
          %get3A_329 = arith.constant 80 : index
          %get3A_330 = tpu.vector_load %arg11[%get3A_328, %get3A_329] {strides = array<i32>} : memref<64x128xf32, #tpu.memory_space<vmem>>, vector<1x16xf32>,
          %get3A_331 = vector.shape_cast %get3A_330 : vector<1x16xf32> to vector<16xf32>
          %add3A_332 = arith.addf %get3A_327, %get3A_331 : vector<16xf32>
          %max3A_333 = arith.constant 0.000000e+00 : f32
          %max3A_334 = vector.broadcast %max3A_333 : f32 to vector<16xf32>
          %max3A_335 = arith.maximumf %add3A_332, %max3A_334 : vector<16xf32>
          %swap3A_336 = arith.index_cast %scan3A_241 : i32 to index
          %swap3A_337 = arith.constant 80 : index
          %swap3A_338 = tpu.vector_load %arg13[%swap3A_336, %swap3A_337] {strides = array<i32>} : memref<64x128xf32, #tpu.memory_space<vmem>>, vector<1x16xf32>,
          %swap3A_339 = vector.shape_cast %swap3A_338 : vector<1x16xf32> to vector<16xf32>
          %swap3A_340 = vector.shape_cast %max3A_335 : vector<16xf32> to vector<1x16xf32>
          tpu.vector_store %arg13[%swap3A_336, %swap3A_337], %swap3A_340 {strides = array<i32>} : memref<64x128xf32, #tpu.memory_space<vmem>>, vector<1x16xf32>,
          %get3A_341 = arith.index_cast %scan3A_241 : i32 to index
          %get3A_342 = arith.constant 96 : index
          %get3A_343 = tpu.vector_load %arg13[%get3A_341, %get3A_342] {strides = array<i32>} : memref<64x128xf32, #tpu.memory_space<vmem>>, vector<1x16xf32>,
          %get3A_344 = vector.shape_cast %get3A_343 : vector<1x16xf32> to vector<16xf32>
          %get3A_345 = arith.index_cast %scan3A_241 : i32 to index
          %get3A_346 = arith.constant 96 : index
          %get3A_347 = tpu.vector_load %arg11[%get3A_345, %get3A_346] {strides = array<i32>} : memref<64x128xf32, #tpu.memory_space<vmem>>, vector<1x16xf32>,
          %get3A_348 = vector.shape_cast %get3A_347 : vector<1x16xf32> to vector<16xf32>
          %add3A_349 = arith.addf %get3A_344, %get3A_348 : vector<16xf32>
          %max3A_350 = arith.constant 0.000000e+00 : f32
          %max3A_351 = vector.broadcast %max3A_350 : f32 to vector<16xf32>
          %max3A_352 = arith.maximumf %add3A_349, %max3A_351 : vector<16xf32>
          %swap3A_353 = arith.index_cast %scan3A_241 : i32 to index
          %swap3A_354 = arith.constant 96 : index
          %swap3A_355 = tpu.vector_load %arg13[%swap3A_353, %swap3A_354] {strides = array<i32>} : memref<64x128xf32, #tpu.memory_space<vmem>>, vector<1x16xf32>,
          %swap3A_356 = vector.shape_cast %swap3A_355 : vector<1x16xf32> to vector<16xf32>
          %swap3A_357 = vector.shape_cast %max3A_352 : vector<16xf32> to vector<1x16xf32>
          tpu.vector_store %arg13[%swap3A_353, %swap3A_354], %swap3A_357 {strides = array<i32>} : memref<64x128xf32, #tpu.memory_space<vmem>>, vector<1x16xf32>,
          %get3A_358 = arith.index_cast %scan3A_241 : i32 to index
          %get3A_359 = arith.constant 112 : index
          %get3A_360 = tpu.vector_load %arg13[%get3A_358, %get3A_359] {strides = array<i32>} : memref<64x128xf32, #tpu.memory_space<vmem>>, vector<1x16xf32>,
          %get3A_361 = vector.shape_cast %get3A_360 : vector<1x16xf32> to vector<16xf32>
          %get3A_362 = arith.index_cast %scan3A_241 : i32 to index
          %get3A_363 = arith.constant 112 : index
          %get3A_364 = tpu.vector_load %arg11[%get3A_362, %get3A_363] {strides = array<i32>} : memref<64x128xf32, #tpu.memory_space<vmem>>, vector<1x16xf32>,
          %get3A_365 = vector.shape_cast %get3A_364 : vector<1x16xf32> to vector<16xf32>
          %add3A_366 = arith.addf %get3A_361, %get3A_365 : vector<16xf32>
          %max3A_367 = arith.constant 0.000000e+00 : f32
          %max3A_368 = vector.broadcast %max3A_367 : f32 to vector<16xf32>
          %max3A_369 = arith.maximumf %add3A_366, %max3A_368 : vector<16xf32>
          %swap3A_370 = arith.index_cast %scan3A_241 : i32 to index
          %swap3A_371 = arith.constant 112 : index
          %swap3A_372 = tpu.vector_load %arg13[%swap3A_370, %swap3A_371] {strides = array<i32>} : memref<64x128xf32, #tpu.memory_space<vmem>>, vector<1x16xf32>,
          %swap3A_373 = vector.shape_cast %swap3A_372 : vector<1x16xf32> to vector<16xf32>
          %swap3A_374 = vector.shape_cast %max3A_369 : vector<16xf32> to vector<1x16xf32>
          tpu.vector_store %arg13[%swap3A_370, %swap3A_371], %swap3A_374 {strides = array<i32>} : memref<64x128xf32, #tpu.memory_space<vmem>>, vector<1x16xf32>,
        }
        %scan3A_192 = arith.constant 64 : i32
        %add3A_193 = arith.constant 1 : i32
        %add3A_194 = arith.addi %mul3A_150, %add3A_193 : i32
        %dma_start3A_195 = arith.constant 0 : i32
        %dma_start3A_196 = tpu.memref_slice %arg9[%add3A_194, %dma_start3A_195] : memref<16x64xi32, #tpu.memory_space<vmem>> -> memref<1x64xi32, #tpu.memory_space<vmem>>
        %dma_start3A_197 = tpu.memref_squeeze %dma_start3A_196 : memref<1x64xi32, #tpu.memory_space<vmem>> -> memref<64xi32, #tpu.memory_space<vmem>>
        %dma_start3A_198 = arith.constant 0 : i32
        %dma_start3A_199 = arith.constant 0 : i32
        %dma_start3A_200 = tpu.memref_slice %arg14[%dma_start3A_198, %dma_start3A_199] : memref<10240x128xf32, #tpu.memory_space<vmem_shared>> -> memref<10240x128xf32, #tpu.memory_space<vmem_shared>>
        tpu.enqueue_indirect_dma source(%arg13 : memref<64x128xf32, #tpu.memory_space<vmem>>) target(%dma_start3A_200 : memref<10240x128xf32, #tpu.memory_space<vmem_shared>>) offsets(%dma_start3A_197 : memref<64xi32, #tpu.memory_space<vmem>>) semaphore(%arg18 : memref<!tpu.dma_semaphore, #tpu.memory_space<semaphore_mem>>) {add = true}
        %dma_wait3A_201 = arith.constant 0 : i32
        %dma_wait3A_202 = tpu.memref_slice %arg9[%mul3A_150, %dma_wait3A_201] : memref<16x64xi32, #tpu.memory_space<vmem>> -> memref<1x64xi32, #tpu.memory_space<vmem>>
        %dma_wait3A_203 = tpu.memref_squeeze %dma_wait3A_202 : memref<1x64xi32, #tpu.memory_space<vmem>> -> memref<64xi32, #tpu.memory_space<vmem>>
        %dma_wait3A_204 = arith.constant 0 : i32
        %dma_wait3A_205 = arith.constant 0 : i32
        %dma_wait3A_206 = tpu.memref_slice %arg14[%dma_wait3A_204, %dma_wait3A_205] : memref<10240x128xf32, #tpu.memory_space<vmem_shared>> -> memref<10240x128xf32, #tpu.memory_space<vmem_shared>>
        tpu.wait_indirect_dma semaphore(%arg17 : memref<!tpu.dma_semaphore, #tpu.memory_space<semaphore_mem>>) src(%arg12 : memref<64x128xf32, #tpu.memory_space<vmem>>) dst(%dma_wait3A_206 : memref<10240x128xf32, #tpu.memory_space<vmem_shared>>)
        %add3A_207 = arith.constant 2 : i32
        %add3A_208 = arith.addi %mul3A_150, %add3A_207 : i32
        %dma_start3A_209 = arith.constant 0 : i32
        %dma_start3A_210 = tpu.memref_slice %arg8[%add3A_208, %dma_start3A_209] : memref<16x64xi32, #tpu.memory_space<vmem>> -> memref<1x64xi32, #tpu.memory_space<vmem>>
        %dma_start3A_211 = tpu.memref_squeeze %dma_start3A_210 : memref<1x64xi32, #tpu.memory_space<vmem>> -> memref<64xi32, #tpu.memory_space<vmem>>
        %dma_start3A_212 = arith.constant 0 : i32
        %dma_start3A_213 = arith.constant 0 : i32
        %dma_start3A_214 = tpu.memref_slice %arg4[%dma_start3A_212, %dma_start3A_213] : memref<10000x128xf32, #tpu.memory_space<hbm>> -> memref<10000x128xf32, #tpu.memory_space<hbm>>
        tpu.enqueue_indirect_dma source(%dma_start3A_214 : memref<10000x128xf32, #tpu.memory_space<hbm>>) target(%arg10 : memref<64x128xf32, #tpu.memory_space<vmem>>) offsets(%dma_start3A_211 : memref<64xi32, #tpu.memory_space<vmem>>) semaphore(%arg15 : memref<!tpu.dma_semaphore, #tpu.memory_space<semaphore_mem>>)
        %dma_start3A_215 = arith.constant 0 : i32
        %dma_start3A_216 = tpu.memref_slice %arg9[%add3A_208, %dma_start3A_215] : memref<16x64xi32, #tpu.memory_space<vmem>> -> memref<1x64xi32, #tpu.memory_space<vmem>>
        %dma_start3A_217 = tpu.memref_squeeze %dma_start3A_216 : memref<1x64xi32, #tpu.memory_space<vmem>> -> memref<64xi32, #tpu.memory_space<vmem>>
        %dma_start3A_218 = arith.constant 0 : i32
        %dma_start3A_219 = arith.constant 0 : i32
        %dma_start3A_220 = tpu.memref_slice %arg5[%dma_start3A_218, %dma_start3A_219] : memref<10240x128xf32, #tpu.memory_space<hbm>> -> memref<10240x128xf32, #tpu.memory_space<hbm>>
        tpu.enqueue_indirect_dma source(%dma_start3A_220 : memref<10240x128xf32, #tpu.memory_space<hbm>>) target(%arg12 : memref<64x128xf32, #tpu.memory_space<vmem>>) offsets(%dma_start3A_217 : memref<64xi32, #tpu.memory_space<vmem>>) semaphore(%arg15 : memref<!tpu.dma_semaphore, #tpu.memory_space<semaphore_mem>>)
        %dma_wait3A_221 = arith.constant 0 : i32
        %dma_wait3A_222 = tpu.memref_slice %arg9[%add3A_194, %dma_wait3A_221] : memref<16x64xi32, #tpu.memory_space<vmem>> -> memref<1x64xi32, #tpu.memory_space<vmem>>
        %dma_wait3A_223 = tpu.memref_squeeze %dma_wait3A_222 : memref<1x64xi32, #tpu.memory_space<vmem>> -> memref<64xi32, #tpu.memory_space<vmem>>
        %dma_wait3A_224 = arith.constant 0 : i32
        %dma_wait3A_225 = arith.constant 0 : i32
        %dma_wait3A_226 = tpu.memref_slice %arg14[%dma_wait3A_224, %dma_wait3A_225] : memref<10240x128xf32, #tpu.memory_space<vmem_shared>> -> memref<10240x128xf32, #tpu.memory_space<vmem_shared>>
        tpu.wait_indirect_dma semaphore(%arg18 : memref<!tpu.dma_semaphore, #tpu.memory_space<semaphore_mem>>) src(%arg13 : memref<64x128xf32, #tpu.memory_space<vmem>>) dst(%dma_wait3A_226 : memref<10240x128xf32, #tpu.memory_space<vmem_shared>>)
        %add3A_227 = arith.constant 3 : i32
        %add3A_228 = arith.addi %mul3A_150, %add3A_227 : i32
        %dma_start3A_229 = arith.constant 0 : i32
        %dma_start3A_230 = tpu.memref_slice %arg8[%add3A_228, %dma_start3A_229] : memref<16x64xi32, #tpu.memory_space<vmem>> -> memref<1x64xi32, #tpu.memory_space<vmem>>
        %dma_start3A_231 = tpu.memref_squeeze %dma_start3A_230 : memref<1x64xi32, #tpu.memory_space<vmem>> -> memref<64xi32, #tpu.memory_space<vmem>>
        %dma_start3A_232 = arith.constant 0 : i32
        %dma_start3A_233 = arith.constant 0 : i32
        %dma_start3A_234 = tpu.memref_slice %arg4[%dma_start3A_232, %dma_start3A_233] : memref<10000x128xf32, #tpu.memory_space<hbm>> -> memref<10000x128xf32, #tpu.memory_space<hbm>>
        tpu.enqueue_indirect_dma source(%dma_start3A_234 : memref<10000x128xf32, #tpu.memory_space<hbm>>) target(%arg11 : memref<64x128xf32, #tpu.memory_space<vmem>>) offsets(%dma_start3A_231 : memref<64xi32, #tpu.memory_space<vmem>>) semaphore(%arg16 : memref<!tpu.dma_semaphore, #tpu.memory_space<semaphore_mem>>)
        %dma_start3A_235 = arith.constant 0 : i32
        %dma_start3A_236 = tpu.memref_slice %arg9[%add3A_228, %dma_start3A_235] : memref<16x64xi32, #tpu.memory_space<vmem>> -> memref<1x64xi32, #tpu.memory_space<vmem>>
        %dma_start3A_237 = tpu.memref_squeeze %dma_start3A_236 : memref<1x64xi32, #tpu.memory_space<vmem>> -> memref<64xi32, #tpu.memory_space<vmem>>
        %dma_start3A_238 = arith.constant 0 : i32
        %dma_start3A_239 = arith.constant 0 : i32
        %dma_start3A_240 = tpu.memref_slice %arg5[%dma_start3A_238, %dma_start3A_239] : memref<10240x128xf32, #tpu.memory_space<hbm>> -> memref<10240x128xf32, #tpu.memory_space<hbm>>
        tpu.enqueue_indirect_dma source(%dma_start3A_240 : memref<10240x128xf32, #tpu.memory_space<hbm>>) target(%arg13 : memref<64x128xf32, #tpu.memory_space<vmem>>) offsets(%dma_start3A_237 : memref<64xi32, #tpu.memory_space<vmem>>) semaphore(%arg16 : memref<!tpu.dma_semaphore, #tpu.memory_space<semaphore_mem>>)
      }
      %scan3A_80 = arith.constant 7 : i32
      %dma_wait3A = arith.constant 0 : i32
      %dma_wait3A_81 = arith.constant 0 : i32
      %dma_wait3A_82 = tpu.memref_slice %arg8[%dma_wait3A, %dma_wait3A_81] : memref<16x64xi32, #tpu.memory_space<vmem>> -> memref<1x64xi32, #tpu.memory_space<vmem>>
      %dma_wait3A_83 = tpu.memref_squeeze %dma_wait3A_82 : memref<1x64xi32, #tpu.memory_space<vmem>> -> memref<64xi32, #tpu.memory_space<vmem>>
      %dma_wait3A_84 = arith.constant 0 : i32
      %dma_wait3A_85 = arith.constant 0 : i32
      %dma_wait3A_86 = tpu.memref_slice %arg4[%dma_wait3A_84, %dma_wait3A_85] : memref<10000x128xf32, #tpu.memory_space<hbm>> -> memref<10000x128xf32, #tpu.memory_space<hbm>>
      tpu.wait_indirect_dma semaphore(%arg15 : memref<!tpu.dma_semaphore, #tpu.memory_space<semaphore_mem>>) src(%dma_wait3A_86 : memref<10000x128xf32, #tpu.memory_space<hbm>>) dst(%arg10 : memref<64x128xf32, #tpu.memory_space<vmem>>)
      %dma_wait3A_87 = arith.constant 0 : i32
      %dma_wait3A_88 = arith.constant 0 : i32
      %dma_wait3A_89 = tpu.memref_slice %arg9[%dma_wait3A_87, %dma_wait3A_88] : memref<16x64xi32, #tpu.memory_space<vmem>> -> memref<1x64xi32, #tpu.memory_space<vmem>>
      %dma_wait3A_90 = tpu.memref_squeeze %dma_wait3A_89 : memref<1x64xi32, #tpu.memory_space<vmem>> -> memref<64xi32, #tpu.memory_space<vmem>>
      %dma_wait3A_91 = arith.constant 0 : i32
      %dma_wait3A_92 = arith.constant 0 : i32
      %dma_wait3A_93 = tpu.memref_slice %arg5[%dma_wait3A_91, %dma_wait3A_92] : memref<10240x128xf32, #tpu.memory_space<hbm>> -> memref<10240x128xf32, #tpu.memory_space<hbm>>
      tpu.wait_indirect_dma semaphore(%arg15 : memref<!tpu.dma_semaphore, #tpu.memory_space<semaphore_mem>>) src(%dma_wait3A_93 : memref<10240x128xf32, #tpu.memory_space<hbm>>) dst(%arg12 : memref<64x128xf32, #tpu.memory_space<vmem>>)
      %scan3A_94 = arith.constant 0 : i32
      %scan3A_95 = arith.constant 0 : i32
      %scan3A_96 = arith.constant 64 : i32
      %scan3A_97 = arith.addi %scan3A_95, %scan3A_96 : i32
      %scan3A_98 = arith.constant 1 : i32
      scf.for %scan3A_148 = %scan3A_95 to %scan3A_97 step %scan3A_98  : i32 {
        %get3A = arith.index_cast %scan3A_148 : i32 to index
        %get3A_149 = arith.constant 0 : index
        %get3A_150 = tpu.vector_load %arg12[%get3A, %get3A_149] {strides = array<i32>} : memref<64x128xf32, #tpu.memory_space<vmem>>, vector<1x16xf32>,
        %get3A_151 = vector.shape_cast %get3A_150 : vector<1x16xf32> to vector<16xf32>
        %get3A_152 = arith.index_cast %scan3A_148 : i32 to index
        %get3A_153 = arith.constant 0 : index
        %get3A_154 = tpu.vector_load %arg10[%get3A_152, %get3A_153] {strides = array<i32>} : memref<64x128xf32, #tpu.memory_space<vmem>>, vector<1x16xf32>,
        %get3A_155 = vector.shape_cast %get3A_154 : vector<1x16xf32> to vector<16xf32>
        %add3A_156 = arith.addf %get3A_151, %get3A_155 : vector<16xf32>
        %max3A = arith.constant 0.000000e+00 : f32
        %max3A_157 = vector.broadcast %max3A : f32 to vector<16xf32>
        %max3A_158 = arith.maximumf %add3A_156, %max3A_157 : vector<16xf32>
        %swap3A = arith.index_cast %scan3A_148 : i32 to index
        %swap3A_159 = arith.constant 0 : index
        %swap3A_160 = tpu.vector_load %arg12[%swap3A, %swap3A_159] {strides = array<i32>} : memref<64x128xf32, #tpu.memory_space<vmem>>, vector<1x16xf32>,
        %swap3A_161 = vector.shape_cast %swap3A_160 : vector<1x16xf32> to vector<16xf32>
        %swap3A_162 = vector.shape_cast %max3A_158 : vector<16xf32> to vector<1x16xf32>
        tpu.vector_store %arg12[%swap3A, %swap3A_159], %swap3A_162 {strides = array<i32>} : memref<64x128xf32, #tpu.memory_space<vmem>>, vector<1x16xf32>,
        %get3A_163 = arith.index_cast %scan3A_148 : i32 to index
        %get3A_164 = arith.constant 16 : index
        %get3A_165 = tpu.vector_load %arg12[%get3A_163, %get3A_164] {strides = array<i32>} : memref<64x128xf32, #tpu.memory_space<vmem>>, vector<1x16xf32>,
        %get3A_166 = vector.shape_cast %get3A_165 : vector<1x16xf32> to vector<16xf32>
        %get3A_167 = arith.index_cast %scan3A_148 : i32 to index
        %get3A_168 = arith.constant 16 : index
        %get3A_169 = tpu.vector_load %arg10[%get3A_167, %get3A_168] {strides = array<i32>} : memref<64x128xf32, #tpu.memory_space<vmem>>, vector<1x16xf32>,
        %get3A_170 = vector.shape_cast %get3A_169 : vector<1x16xf32> to vector<16xf32>
        %add3A_171 = arith.addf %get3A_166, %get3A_170 : vector<16xf32>
        %max3A_172 = arith.constant 0.000000e+00 : f32
        %max3A_173 = vector.broadcast %max3A_172 : f32 to vector<16xf32>
        %max3A_174 = arith.maximumf %add3A_171, %max3A_173 : vector<16xf32>
        %swap3A_175 = arith.index_cast %scan3A_148 : i32 to index
        %swap3A_176 = arith.constant 16 : index
        %swap3A_177 = tpu.vector_load %arg12[%swap3A_175, %swap3A_176] {strides = array<i32>} : memref<64x128xf32, #tpu.memory_space<vmem>>, vector<1x16xf32>,
        %swap3A_178 = vector.shape_cast %swap3A_177 : vector<1x16xf32> to vector<16xf32>
        %swap3A_179 = vector.shape_cast %max3A_174 : vector<16xf32> to vector<1x16xf32>
        tpu.vector_store %arg12[%swap3A_175, %swap3A_176], %swap3A_179 {strides = array<i32>} : memref<64x128xf32, #tpu.memory_space<vmem>>, vector<1x16xf32>,
        %get3A_180 = arith.index_cast %scan3A_148 : i32 to index
        %get3A_181 = arith.constant 32 : index
        %get3A_182 = tpu.vector_load %arg12[%get3A_180, %get3A_181] {strides = array<i32>} : memref<64x128xf32, #tpu.memory_space<vmem>>, vector<1x16xf32>,
        %get3A_183 = vector.shape_cast %get3A_182 : vector<1x16xf32> to vector<16xf32>
        %get3A_184 = arith.index_cast %scan3A_148 : i32 to index
        %get3A_185 = arith.constant 32 : index
        %get3A_186 = tpu.vector_load %arg10[%get3A_184, %get3A_185] {strides = array<i32>} : memref<64x128xf32, #tpu.memory_space<vmem>>, vector<1x16xf32>,
        %get3A_187 = vector.shape_cast %get3A_186 : vector<1x16xf32> to vector<16xf32>
        %add3A_188 = arith.addf %get3A_183, %get3A_187 : vector<16xf32>
        %max3A_189 = arith.constant 0.000000e+00 : f32
        %max3A_190 = vector.broadcast %max3A_189 : f32 to vector<16xf32>
        %max3A_191 = arith.maximumf %add3A_188, %max3A_190 : vector<16xf32>
        %swap3A_192 = arith.index_cast %scan3A_148 : i32 to index
        %swap3A_193 = arith.constant 32 : index
        %swap3A_194 = tpu.vector_load %arg12[%swap3A_192, %swap3A_193] {strides = array<i32>} : memref<64x128xf32, #tpu.memory_space<vmem>>, vector<1x16xf32>,
        %swap3A_195 = vector.shape_cast %swap3A_194 : vector<1x16xf32> to vector<16xf32>
        %swap3A_196 = vector.shape_cast %max3A_191 : vector<16xf32> to vector<1x16xf32>
        tpu.vector_store %arg12[%swap3A_192, %swap3A_193], %swap3A_196 {strides = array<i32>} : memref<64x128xf32, #tpu.memory_space<vmem>>, vector<1x16xf32>,
        %get3A_197 = arith.index_cast %scan3A_148 : i32 to index
        %get3A_198 = arith.constant 48 : index
        %get3A_199 = tpu.vector_load %arg12[%get3A_197, %get3A_198] {strides = array<i32>} : memref<64x128xf32, #tpu.memory_space<vmem>>, vector<1x16xf32>,
        %get3A_200 = vector.shape_cast %get3A_199 : vector<1x16xf32> to vector<16xf32>
        %get3A_201 = arith.index_cast %scan3A_148 : i32 to index
        %get3A_202 = arith.constant 48 : index
        %get3A_203 = tpu.vector_load %arg10[%get3A_201, %get3A_202] {strides = array<i32>} : memref<64x128xf32, #tpu.memory_space<vmem>>, vector<1x16xf32>,
        %get3A_204 = vector.shape_cast %get3A_203 : vector<1x16xf32> to vector<16xf32>
        %add3A_205 = arith.addf %get3A_200, %get3A_204 : vector<16xf32>
        %max3A_206 = arith.constant 0.000000e+00 : f32
        %max3A_207 = vector.broadcast %max3A_206 : f32 to vector<16xf32>
        %max3A_208 = arith.maximumf %add3A_205, %max3A_207 : vector<16xf32>
        %swap3A_209 = arith.index_cast %scan3A_148 : i32 to index
        %swap3A_210 = arith.constant 48 : index
        %swap3A_211 = tpu.vector_load %arg12[%swap3A_209, %swap3A_210] {strides = array<i32>} : memref<64x128xf32, #tpu.memory_space<vmem>>, vector<1x16xf32>,
        %swap3A_212 = vector.shape_cast %swap3A_211 : vector<1x16xf32> to vector<16xf32>
        %swap3A_213 = vector.shape_cast %max3A_208 : vector<16xf32> to vector<1x16xf32>
        tpu.vector_store %arg12[%swap3A_209, %swap3A_210], %swap3A_213 {strides = array<i32>} : memref<64x128xf32, #tpu.memory_space<vmem>>, vector<1x16xf32>,
        %get3A_214 = arith.index_cast %scan3A_148 : i32 to index
        %get3A_215 = arith.constant 64 : index
        %get3A_216 = tpu.vector_load %arg12[%get3A_214, %get3A_215] {strides = array<i32>} : memref<64x128xf32, #tpu.memory_space<vmem>>, vector<1x16xf32>,
        %get3A_217 = vector.shape_cast %get3A_216 : vector<1x16xf32> to vector<16xf32>
        %get3A_218 = arith.index_cast %scan3A_148 : i32 to index
        %get3A_219 = arith.constant 64 : index
        %get3A_220 = tpu.vector_load %arg10[%get3A_218, %get3A_219] {strides = array<i32>} : memref<64x128xf32, #tpu.memory_space<vmem>>, vector<1x16xf32>,
        %get3A_221 = vector.shape_cast %get3A_220 : vector<1x16xf32> to vector<16xf32>
        %add3A_222 = arith.addf %get3A_217, %get3A_221 : vector<16xf32>
        %max3A_223 = arith.constant 0.000000e+00 : f32
        %max3A_224 = vector.broadcast %max3A_223 : f32 to vector<16xf32>
        %max3A_225 = arith.maximumf %add3A_222, %max3A_224 : vector<16xf32>
        %swap3A_226 = arith.index_cast %scan3A_148 : i32 to index
        %swap3A_227 = arith.constant 64 : index
        %swap3A_228 = tpu.vector_load %arg12[%swap3A_226, %swap3A_227] {strides = array<i32>} : memref<64x128xf32, #tpu.memory_space<vmem>>, vector<1x16xf32>,
        %swap3A_229 = vector.shape_cast %swap3A_228 : vector<1x16xf32> to vector<16xf32>
        %swap3A_230 = vector.shape_cast %max3A_225 : vector<16xf32> to vector<1x16xf32>
        tpu.vector_store %arg12[%swap3A_226, %swap3A_227], %swap3A_230 {strides = array<i32>} : memref<64x128xf32, #tpu.memory_space<vmem>>, vector<1x16xf32>,
        %get3A_231 = arith.index_cast %scan3A_148 : i32 to index
        %get3A_232 = arith.constant 80 : index
        %get3A_233 = tpu.vector_load %arg12[%get3A_231, %get3A_232] {strides = array<i32>} : memref<64x128xf32, #tpu.memory_space<vmem>>, vector<1x16xf32>,
        %get3A_234 = vector.shape_cast %get3A_233 : vector<1x16xf32> to vector<16xf32>
        %get3A_235 = arith.index_cast %scan3A_148 : i32 to index
        %get3A_236 = arith.constant 80 : index
        %get3A_237 = tpu.vector_load %arg10[%get3A_235, %get3A_236] {strides = array<i32>} : memref<64x128xf32, #tpu.memory_space<vmem>>, vector<1x16xf32>,
        %get3A_238 = vector.shape_cast %get3A_237 : vector<1x16xf32> to vector<16xf32>
        %add3A_239 = arith.addf %get3A_234, %get3A_238 : vector<16xf32>
        %max3A_240 = arith.constant 0.000000e+00 : f32
        %max3A_241 = vector.broadcast %max3A_240 : f32 to vector<16xf32>
        %max3A_242 = arith.maximumf %add3A_239, %max3A_241 : vector<16xf32>
        %swap3A_243 = arith.index_cast %scan3A_148 : i32 to index
        %swap3A_244 = arith.constant 80 : index
        %swap3A_245 = tpu.vector_load %arg12[%swap3A_243, %swap3A_244] {strides = array<i32>} : memref<64x128xf32, #tpu.memory_space<vmem>>, vector<1x16xf32>,
        %swap3A_246 = vector.shape_cast %swap3A_245 : vector<1x16xf32> to vector<16xf32>
        %swap3A_247 = vector.shape_cast %max3A_242 : vector<16xf32> to vector<1x16xf32>
        tpu.vector_store %arg12[%swap3A_243, %swap3A_244], %swap3A_247 {strides = array<i32>} : memref<64x128xf32, #tpu.memory_space<vmem>>, vector<1x16xf32>,
        %get3A_248 = arith.index_cast %scan3A_148 : i32 to index
        %get3A_249 = arith.constant 96 : index
        %get3A_250 = tpu.vector_load %arg12[%get3A_248, %get3A_249] {strides = array<i32>} : memref<64x128xf32, #tpu.memory_space<vmem>>, vector<1x16xf32>,
        %get3A_251 = vector.shape_cast %get3A_250 : vector<1x16xf32> to vector<16xf32>
        %get3A_252 = arith.index_cast %scan3A_148 : i32 to index
        %get3A_253 = arith.constant 96 : index
        %get3A_254 = tpu.vector_load %arg10[%get3A_252, %get3A_253] {strides = array<i32>} : memref<64x128xf32, #tpu.memory_space<vmem>>, vector<1x16xf32>,
        %get3A_255 = vector.shape_cast %get3A_254 : vector<1x16xf32> to vector<16xf32>
        %add3A_256 = arith.addf %get3A_251, %get3A_255 : vector<16xf32>
        %max3A_257 = arith.constant 0.000000e+00 : f32
        %max3A_258 = vector.broadcast %max3A_257 : f32 to vector<16xf32>
        %max3A_259 = arith.maximumf %add3A_256, %max3A_258 : vector<16xf32>
        %swap3A_260 = arith.index_cast %scan3A_148 : i32 to index
        %swap3A_261 = arith.constant 96 : index
        %swap3A_262 = tpu.vector_load %arg12[%swap3A_260, %swap3A_261] {strides = array<i32>} : memref<64x128xf32, #tpu.memory_space<vmem>>, vector<1x16xf32>,
        %swap3A_263 = vector.shape_cast %swap3A_262 : vector<1x16xf32> to vector<16xf32>
        %swap3A_264 = vector.shape_cast %max3A_259 : vector<16xf32> to vector<1x16xf32>
        tpu.vector_store %arg12[%swap3A_260, %swap3A_261], %swap3A_264 {strides = array<i32>} : memref<64x128xf32, #tpu.memory_space<vmem>>, vector<1x16xf32>,
        %get3A_265 = arith.index_cast %scan3A_148 : i32 to index
        %get3A_266 = arith.constant 112 : index
        %get3A_267 = tpu.vector_load %arg12[%get3A_265, %get3A_266] {strides = array<i32>} : memref<64x128xf32, #tpu.memory_space<vmem>>, vector<1x16xf32>,
        %get3A_268 = vector.shape_cast %get3A_267 : vector<1x16xf32> to vector<16xf32>
        %get3A_269 = arith.index_cast %scan3A_148 : i32 to index
        %get3A_270 = arith.constant 112 : index
        %get3A_271 = tpu.vector_load %arg10[%get3A_269, %get3A_270] {strides = array<i32>} : memref<64x128xf32, #tpu.memory_space<vmem>>, vector<1x16xf32>,
        %get3A_272 = vector.shape_cast %get3A_271 : vector<1x16xf32> to vector<16xf32>
        %add3A_273 = arith.addf %get3A_268, %get3A_272 : vector<16xf32>
        %max3A_274 = arith.constant 0.000000e+00 : f32
        %max3A_275 = vector.broadcast %max3A_274 : f32 to vector<16xf32>
        %max3A_276 = arith.maximumf %add3A_273, %max3A_275 : vector<16xf32>
        %swap3A_277 = arith.index_cast %scan3A_148 : i32 to index
        %swap3A_278 = arith.constant 112 : index
        %swap3A_279 = tpu.vector_load %arg12[%swap3A_277, %swap3A_278] {strides = array<i32>} : memref<64x128xf32, #tpu.memory_space<vmem>>, vector<1x16xf32>,
        %swap3A_280 = vector.shape_cast %swap3A_279 : vector<1x16xf32> to vector<16xf32>
        %swap3A_281 = vector.shape_cast %max3A_276 : vector<16xf32> to vector<1x16xf32>
        tpu.vector_store %arg12[%swap3A_277, %swap3A_278], %swap3A_281 {strides = array<i32>} : memref<64x128xf32, #tpu.memory_space<vmem>>, vector<1x16xf32>,
      }
      %scan3A_99 = arith.constant 64 : i32
      %dma_start3A_100 = arith.constant 14 : i32
      %dma_start3A_101 = arith.constant 0 : i32
      %dma_start3A_102 = tpu.memref_slice %arg9[%dma_start3A_100, %dma_start3A_101] : memref<16x64xi32, #tpu.memory_space<vmem>> -> memref<1x64xi32, #tpu.memory_space<vmem>>
      %dma_start3A_103 = tpu.memref_squeeze %dma_start3A_102 : memref<1x64xi32, #tpu.memory_space<vmem>> -> memref<64xi32, #tpu.memory_space<vmem>>
      %dma_start3A_104 = arith.constant 0 : i32
      %dma_start3A_105 = arith.constant 0 : i32
      %dma_start3A_106 = tpu.memref_slice %arg14[%dma_start3A_104, %dma_start3A_105] : memref<10240x128xf32, #tpu.memory_space<vmem_shared>> -> memref<10240x128xf32, #tpu.memory_space<vmem_shared>>
      tpu.enqueue_indirect_dma source(%arg12 : memref<64x128xf32, #tpu.memory_space<vmem>>) target(%dma_start3A_106 : memref<10240x128xf32, #tpu.memory_space<vmem_shared>>) offsets(%dma_start3A_103 : memref<64xi32, #tpu.memory_space<vmem>>) semaphore(%arg17 : memref<!tpu.dma_semaphore, #tpu.memory_space<semaphore_mem>>) {add = true}
      %dma_wait3A_107 = arith.constant 1 : i32
      %dma_wait3A_108 = arith.constant 0 : i32
      %dma_wait3A_109 = tpu.memref_slice %arg8[%dma_wait3A_107, %dma_wait3A_108] : memref<16x64xi32, #tpu.memory_space<vmem>> -> memref<1x64xi32, #tpu.memory_space<vmem>>
      %dma_wait3A_110 = tpu.memref_squeeze %dma_wait3A_109 : memref<1x64xi32, #tpu.memory_space<vmem>> -> memref<64xi32, #tpu.memory_space<vmem>>
      %dma_wait3A_111 = arith.constant 0 : i32
      %dma_wait3A_112 = arith.constant 0 : i32
      %dma_wait3A_113 = tpu.memref_slice %arg4[%dma_wait3A_111, %dma_wait3A_112] : memref<10000x128xf32, #tpu.memory_space<hbm>> -> memref<10000x128xf32, #tpu.memory_space<hbm>>
      tpu.wait_indirect_dma semaphore(%arg16 : memref<!tpu.dma_semaphore, #tpu.memory_space<semaphore_mem>>) src(%dma_wait3A_113 : memref<10000x128xf32, #tpu.memory_space<hbm>>) dst(%arg11 : memref<64x128xf32, #tpu.memory_space<vmem>>)
      %dma_wait3A_114 = arith.constant 1 : i32
      %dma_wait3A_115 = arith.constant 0 : i32
      %dma_wait3A_116 = tpu.memref_slice %arg9[%dma_wait3A_114, %dma_wait3A_115] : memref<16x64xi32, #tpu.memory_space<vmem>> -> memref<1x64xi32, #tpu.memory_space<vmem>>
      %dma_wait3A_117 = tpu.memref_squeeze %dma_wait3A_116 : memref<1x64xi32, #tpu.memory_space<vmem>> -> memref<64xi32, #tpu.memory_space<vmem>>
      %dma_wait3A_118 = arith.constant 0 : i32
      %dma_wait3A_119 = arith.constant 0 : i32
      %dma_wait3A_120 = tpu.memref_slice %arg5[%dma_wait3A_118, %dma_wait3A_119] : memref<10240x128xf32, #tpu.memory_space<hbm>> -> memref<10240x128xf32, #tpu.memory_space<hbm>>
      tpu.wait_indirect_dma semaphore(%arg16 : memref<!tpu.dma_semaphore, #tpu.memory_space<semaphore_mem>>) src(%dma_wait3A_120 : memref<10240x128xf32, #tpu.memory_space<hbm>>) dst(%arg13 : memref<64x128xf32, #tpu.memory_space<vmem>>)
      %scan3A_121 = arith.constant 0 : i32
      %scan3A_122 = arith.constant 0 : i32
      %scan3A_123 = arith.constant 64 : i32
      %scan3A_124 = arith.addi %scan3A_122, %scan3A_123 : i32
      %scan3A_125 = arith.constant 1 : i32
      scf.for %scan3A_148 = %scan3A_122 to %scan3A_124 step %scan3A_125  : i32 {
        %get3A = arith.index_cast %scan3A_148 : i32 to index
        %get3A_149 = arith.constant 0 : index
        %get3A_150 = tpu.vector_load %arg13[%get3A, %get3A_149] {strides = array<i32>} : memref<64x128xf32, #tpu.memory_space<vmem>>, vector<1x16xf32>,
        %get3A_151 = vector.shape_cast %get3A_150 : vector<1x16xf32> to vector<16xf32>
        %get3A_152 = arith.index_cast %scan3A_148 : i32 to index
        %get3A_153 = arith.constant 0 : index
        %get3A_154 = tpu.vector_load %arg11[%get3A_152, %get3A_153] {strides = array<i32>} : memref<64x128xf32, #tpu.memory_space<vmem>>, vector<1x16xf32>,
        %get3A_155 = vector.shape_cast %get3A_154 : vector<1x16xf32> to vector<16xf32>
        %add3A_156 = arith.addf %get3A_151, %get3A_155 : vector<16xf32>
        %max3A = arith.constant 0.000000e+00 : f32
        %max3A_157 = vector.broadcast %max3A : f32 to vector<16xf32>
        %max3A_158 = arith.maximumf %add3A_156, %max3A_157 : vector<16xf32>
        %swap3A = arith.index_cast %scan3A_148 : i32 to index
        %swap3A_159 = arith.constant 0 : index
        %swap3A_160 = tpu.vector_load %arg13[%swap3A, %swap3A_159] {strides = array<i32>} : memref<64x128xf32, #tpu.memory_space<vmem>>, vector<1x16xf32>,
        %swap3A_161 = vector.shape_cast %swap3A_160 : vector<1x16xf32> to vector<16xf32>
        %swap3A_162 = vector.shape_cast %max3A_158 : vector<16xf32> to vector<1x16xf32>
        tpu.vector_store %arg13[%swap3A, %swap3A_159], %swap3A_162 {strides = array<i32>} : memref<64x128xf32, #tpu.memory_space<vmem>>, vector<1x16xf32>,
        %get3A_163 = arith.index_cast %scan3A_148 : i32 to index
        %get3A_164 = arith.constant 16 : index
        %get3A_165 = tpu.vector_load %arg13[%get3A_163, %get3A_164] {strides = array<i32>} : memref<64x128xf32, #tpu.memory_space<vmem>>, vector<1x16xf32>,
        %get3A_166 = vector.shape_cast %get3A_165 : vector<1x16xf32> to vector<16xf32>
        %get3A_167 = arith.index_cast %scan3A_148 : i32 to index
        %get3A_168 = arith.constant 16 : index
        %get3A_169 = tpu.vector_load %arg11[%get3A_167, %get3A_168] {strides = array<i32>} : memref<64x128xf32, #tpu.memory_space<vmem>>, vector<1x16xf32>,
        %get3A_170 = vector.shape_cast %get3A_169 : vector<1x16xf32> to vector<16xf32>
        %add3A_171 = arith.addf %get3A_166, %get3A_170 : vector<16xf32>
        %max3A_172 = arith.constant 0.000000e+00 : f32
        %max3A_173 = vector.broadcast %max3A_172 : f32 to vector<16xf32>
        %max3A_174 = arith.maximumf %add3A_171, %max3A_173 : vector<16xf32>
        %swap3A_175 = arith.index_cast %scan3A_148 : i32 to index
        %swap3A_176 = arith.constant 16 : index
        %swap3A_177 = tpu.vector_load %arg13[%swap3A_175, %swap3A_176] {strides = array<i32>} : memref<64x128xf32, #tpu.memory_space<vmem>>, vector<1x16xf32>,
        %swap3A_178 = vector.shape_cast %swap3A_177 : vector<1x16xf32> to vector<16xf32>
        %swap3A_179 = vector.shape_cast %max3A_174 : vector<16xf32> to vector<1x16xf32>
        tpu.vector_store %arg13[%swap3A_175, %swap3A_176], %swap3A_179 {strides = array<i32>} : memref<64x128xf32, #tpu.memory_space<vmem>>, vector<1x16xf32>,
        %get3A_180 = arith.index_cast %scan3A_148 : i32 to index
        %get3A_181 = arith.constant 32 : index
        %get3A_182 = tpu.vector_load %arg13[%get3A_180, %get3A_181] {strides = array<i32>} : memref<64x128xf32, #tpu.memory_space<vmem>>, vector<1x16xf32>,
        %get3A_183 = vector.shape_cast %get3A_182 : vector<1x16xf32> to vector<16xf32>
        %get3A_184 = arith.index_cast %scan3A_148 : i32 to index
        %get3A_185 = arith.constant 32 : index
        %get3A_186 = tpu.vector_load %arg11[%get3A_184, %get3A_185] {strides = array<i32>} : memref<64x128xf32, #tpu.memory_space<vmem>>, vector<1x16xf32>,
        %get3A_187 = vector.shape_cast %get3A_186 : vector<1x16xf32> to vector<16xf32>
        %add3A_188 = arith.addf %get3A_183, %get3A_187 : vector<16xf32>
        %max3A_189 = arith.constant 0.000000e+00 : f32
        %max3A_190 = vector.broadcast %max3A_189 : f32 to vector<16xf32>
        %max3A_191 = arith.maximumf %add3A_188, %max3A_190 : vector<16xf32>
        %swap3A_192 = arith.index_cast %scan3A_148 : i32 to index
        %swap3A_193 = arith.constant 32 : index
        %swap3A_194 = tpu.vector_load %arg13[%swap3A_192, %swap3A_193] {strides = array<i32>} : memref<64x128xf32, #tpu.memory_space<vmem>>, vector<1x16xf32>,
        %swap3A_195 = vector.shape_cast %swap3A_194 : vector<1x16xf32> to vector<16xf32>
        %swap3A_196 = vector.shape_cast %max3A_191 : vector<16xf32> to vector<1x16xf32>
        tpu.vector_store %arg13[%swap3A_192, %swap3A_193], %swap3A_196 {strides = array<i32>} : memref<64x128xf32, #tpu.memory_space<vmem>>, vector<1x16xf32>,
        %get3A_197 = arith.index_cast %scan3A_148 : i32 to index
        %get3A_198 = arith.constant 48 : index
        %get3A_199 = tpu.vector_load %arg13[%get3A_197, %get3A_198] {strides = array<i32>} : memref<64x128xf32, #tpu.memory_space<vmem>>, vector<1x16xf32>,
        %get3A_200 = vector.shape_cast %get3A_199 : vector<1x16xf32> to vector<16xf32>
        %get3A_201 = arith.index_cast %scan3A_148 : i32 to index
        %get3A_202 = arith.constant 48 : index
        %get3A_203 = tpu.vector_load %arg11[%get3A_201, %get3A_202] {strides = array<i32>} : memref<64x128xf32, #tpu.memory_space<vmem>>, vector<1x16xf32>,
        %get3A_204 = vector.shape_cast %get3A_203 : vector<1x16xf32> to vector<16xf32>
        %add3A_205 = arith.addf %get3A_200, %get3A_204 : vector<16xf32>
        %max3A_206 = arith.constant 0.000000e+00 : f32
        %max3A_207 = vector.broadcast %max3A_206 : f32 to vector<16xf32>
        %max3A_208 = arith.maximumf %add3A_205, %max3A_207 : vector<16xf32>
        %swap3A_209 = arith.index_cast %scan3A_148 : i32 to index
        %swap3A_210 = arith.constant 48 : index
        %swap3A_211 = tpu.vector_load %arg13[%swap3A_209, %swap3A_210] {strides = array<i32>} : memref<64x128xf32, #tpu.memory_space<vmem>>, vector<1x16xf32>,
        %swap3A_212 = vector.shape_cast %swap3A_211 : vector<1x16xf32> to vector<16xf32>
        %swap3A_213 = vector.shape_cast %max3A_208 : vector<16xf32> to vector<1x16xf32>
        tpu.vector_store %arg13[%swap3A_209, %swap3A_210], %swap3A_213 {strides = array<i32>} : memref<64x128xf32, #tpu.memory_space<vmem>>, vector<1x16xf32>,
        %get3A_214 = arith.index_cast %scan3A_148 : i32 to index
        %get3A_215 = arith.constant 64 : index
        %get3A_216 = tpu.vector_load %arg13[%get3A_214, %get3A_215] {strides = array<i32>} : memref<64x128xf32, #tpu.memory_space<vmem>>, vector<1x16xf32>,
        %get3A_217 = vector.shape_cast %get3A_216 : vector<1x16xf32> to vector<16xf32>
        %get3A_218 = arith.index_cast %scan3A_148 : i32 to index
        %get3A_219 = arith.constant 64 : index
        %get3A_220 = tpu.vector_load %arg11[%get3A_218, %get3A_219] {strides = array<i32>} : memref<64x128xf32, #tpu.memory_space<vmem>>, vector<1x16xf32>,
        %get3A_221 = vector.shape_cast %get3A_220 : vector<1x16xf32> to vector<16xf32>
        %add3A_222 = arith.addf %get3A_217, %get3A_221 : vector<16xf32>
        %max3A_223 = arith.constant 0.000000e+00 : f32
        %max3A_224 = vector.broadcast %max3A_223 : f32 to vector<16xf32>
        %max3A_225 = arith.maximumf %add3A_222, %max3A_224 : vector<16xf32>
        %swap3A_226 = arith.index_cast %scan3A_148 : i32 to index
        %swap3A_227 = arith.constant 64 : index
        %swap3A_228 = tpu.vector_load %arg13[%swap3A_226, %swap3A_227] {strides = array<i32>} : memref<64x128xf32, #tpu.memory_space<vmem>>, vector<1x16xf32>,
        %swap3A_229 = vector.shape_cast %swap3A_228 : vector<1x16xf32> to vector<16xf32>
        %swap3A_230 = vector.shape_cast %max3A_225 : vector<16xf32> to vector<1x16xf32>
        tpu.vector_store %arg13[%swap3A_226, %swap3A_227], %swap3A_230 {strides = array<i32>} : memref<64x128xf32, #tpu.memory_space<vmem>>, vector<1x16xf32>,
        %get3A_231 = arith.index_cast %scan3A_148 : i32 to index
        %get3A_232 = arith.constant 80 : index
        %get3A_233 = tpu.vector_load %arg13[%get3A_231, %get3A_232] {strides = array<i32>} : memref<64x128xf32, #tpu.memory_space<vmem>>, vector<1x16xf32>,
        %get3A_234 = vector.shape_cast %get3A_233 : vector<1x16xf32> to vector<16xf32>
        %get3A_235 = arith.index_cast %scan3A_148 : i32 to index
        %get3A_236 = arith.constant 80 : index
        %get3A_237 = tpu.vector_load %arg11[%get3A_235, %get3A_236] {strides = array<i32>} : memref<64x128xf32, #tpu.memory_space<vmem>>, vector<1x16xf32>,
        %get3A_238 = vector.shape_cast %get3A_237 : vector<1x16xf32> to vector<16xf32>
        %add3A_239 = arith.addf %get3A_234, %get3A_238 : vector<16xf32>
        %max3A_240 = arith.constant 0.000000e+00 : f32
        %max3A_241 = vector.broadcast %max3A_240 : f32 to vector<16xf32>
        %max3A_242 = arith.maximumf %add3A_239, %max3A_241 : vector<16xf32>
        %swap3A_243 = arith.index_cast %scan3A_148 : i32 to index
        %swap3A_244 = arith.constant 80 : index
        %swap3A_245 = tpu.vector_load %arg13[%swap3A_243, %swap3A_244] {strides = array<i32>} : memref<64x128xf32, #tpu.memory_space<vmem>>, vector<1x16xf32>,
        %swap3A_246 = vector.shape_cast %swap3A_245 : vector<1x16xf32> to vector<16xf32>
        %swap3A_247 = vector.shape_cast %max3A_242 : vector<16xf32> to vector<1x16xf32>
        tpu.vector_store %arg13[%swap3A_243, %swap3A_244], %swap3A_247 {strides = array<i32>} : memref<64x128xf32, #tpu.memory_space<vmem>>, vector<1x16xf32>,
        %get3A_248 = arith.index_cast %scan3A_148 : i32 to index
        %get3A_249 = arith.constant 96 : index
        %get3A_250 = tpu.vector_load %arg13[%get3A_248, %get3A_249] {strides = array<i32>} : memref<64x128xf32, #tpu.memory_space<vmem>>, vector<1x16xf32>,
        %get3A_251 = vector.shape_cast %get3A_250 : vector<1x16xf32> to vector<16xf32>
        %get3A_252 = arith.index_cast %scan3A_148 : i32 to index
        %get3A_253 = arith.constant 96 : index
        %get3A_254 = tpu.vector_load %arg11[%get3A_252, %get3A_253] {strides = array<i32>} : memref<64x128xf32, #tpu.memory_space<vmem>>, vector<1x16xf32>,
        %get3A_255 = vector.shape_cast %get3A_254 : vector<1x16xf32> to vector<16xf32>
        %add3A_256 = arith.addf %get3A_251, %get3A_255 : vector<16xf32>
        %max3A_257 = arith.constant 0.000000e+00 : f32
        %max3A_258 = vector.broadcast %max3A_257 : f32 to vector<16xf32>
        %max3A_259 = arith.maximumf %add3A_256, %max3A_258 : vector<16xf32>
        %swap3A_260 = arith.index_cast %scan3A_148 : i32 to index
        %swap3A_261 = arith.constant 96 : index
        %swap3A_262 = tpu.vector_load %arg13[%swap3A_260, %swap3A_261] {strides = array<i32>} : memref<64x128xf32, #tpu.memory_space<vmem>>, vector<1x16xf32>,
        %swap3A_263 = vector.shape_cast %swap3A_262 : vector<1x16xf32> to vector<16xf32>
        %swap3A_264 = vector.shape_cast %max3A_259 : vector<16xf32> to vector<1x16xf32>
        tpu.vector_store %arg13[%swap3A_260, %swap3A_261], %swap3A_264 {strides = array<i32>} : memref<64x128xf32, #tpu.memory_space<vmem>>, vector<1x16xf32>,
        %get3A_265 = arith.index_cast %scan3A_148 : i32 to index
        %get3A_266 = arith.constant 112 : index
        %get3A_267 = tpu.vector_load %arg13[%get3A_265, %get3A_266] {strides = array<i32>} : memref<64x128xf32, #tpu.memory_space<vmem>>, vector<1x16xf32>,
        %get3A_268 = vector.shape_cast %get3A_267 : vector<1x16xf32> to vector<16xf32>
        %get3A_269 = arith.index_cast %scan3A_148 : i32 to index
        %get3A_270 = arith.constant 112 : index
        %get3A_271 = tpu.vector_load %arg11[%get3A_269, %get3A_270] {strides = array<i32>} : memref<64x128xf32, #tpu.memory_space<vmem>>, vector<1x16xf32>,
        %get3A_272 = vector.shape_cast %get3A_271 : vector<1x16xf32> to vector<16xf32>
        %add3A_273 = arith.addf %get3A_268, %get3A_272 : vector<16xf32>
        %max3A_274 = arith.constant 0.000000e+00 : f32
        %max3A_275 = vector.broadcast %max3A_274 : f32 to vector<16xf32>
        %max3A_276 = arith.maximumf %add3A_273, %max3A_275 : vector<16xf32>
        %swap3A_277 = arith.index_cast %scan3A_148 : i32 to index
        %swap3A_278 = arith.constant 112 : index
        %swap3A_279 = tpu.vector_load %arg13[%swap3A_277, %swap3A_278] {strides = array<i32>} : memref<64x128xf32, #tpu.memory_space<vmem>>, vector<1x16xf32>,
        %swap3A_280 = vector.shape_cast %swap3A_279 : vector<1x16xf32> to vector<16xf32>
        %swap3A_281 = vector.shape_cast %max3A_276 : vector<16xf32> to vector<1x16xf32>
        tpu.vector_store %arg13[%swap3A_277, %swap3A_278], %swap3A_281 {strides = array<i32>} : memref<64x128xf32, #tpu.memory_space<vmem>>, vector<1x16xf32>,
      }
      %scan3A_126 = arith.constant 64 : i32
      %dma_start3A_127 = arith.constant 15 : i32
      %dma_start3A_128 = arith.constant 0 : i32
      %dma_start3A_129 = tpu.memref_slice %arg9[%dma_start3A_127, %dma_start3A_128] : memref<16x64xi32, #tpu.memory_space<vmem>> -> memref<1x64xi32, #tpu.memory_space<vmem>>
      %dma_start3A_130 = tpu.memref_squeeze %dma_start3A_129 : memref<1x64xi32, #tpu.memory_space<vmem>> -> memref<64xi32, #tpu.memory_space<vmem>>
      %dma_start3A_131 = arith.constant 0 : i32
      %dma_start3A_132 = arith.constant 0 : i32
      %dma_start3A_133 = tpu.memref_slice %arg14[%dma_start3A_131, %dma_start3A_132] : memref<10240x128xf32, #tpu.memory_space<vmem_shared>> -> memref<10240x128xf32, #tpu.memory_space<vmem_shared>>
      tpu.enqueue_indirect_dma source(%arg13 : memref<64x128xf32, #tpu.memory_space<vmem>>) target(%dma_start3A_133 : memref<10240x128xf32, #tpu.memory_space<vmem_shared>>) offsets(%dma_start3A_130 : memref<64xi32, #tpu.memory_space<vmem>>) semaphore(%arg18 : memref<!tpu.dma_semaphore, #tpu.memory_space<semaphore_mem>>) {add = true}
      %dma_wait3A_134 = arith.constant 14 : i32
      %dma_wait3A_135 = arith.constant 0 : i32
      %dma_wait3A_136 = tpu.memref_slice %arg9[%dma_wait3A_134, %dma_wait3A_135] : memref<16x64xi32, #tpu.memory_space<vmem>> -> memref<1x64xi32, #tpu.memory_space<vmem>>
      %dma_wait3A_137 = tpu.memref_squeeze %dma_wait3A_136 : memref<1x64xi32, #tpu.memory_space<vmem>> -> memref<64xi32, #tpu.memory_space<vmem>>
      %dma_wait3A_138 = arith.constant 0 : i32
      %dma_wait3A_139 = arith.constant 0 : i32
      %dma_wait3A_140 = tpu.memref_slice %arg14[%dma_wait3A_138, %dma_wait3A_139] : memref<10240x128xf32, #tpu.memory_space<vmem_shared>> -> memref<10240x128xf32, #tpu.memory_space<vmem_shared>>
      tpu.wait_indirect_dma semaphore(%arg17 : memref<!tpu.dma_semaphore, #tpu.memory_space<semaphore_mem>>) src(%arg12 : memref<64x128xf32, #tpu.memory_space<vmem>>) dst(%dma_wait3A_140 : memref<10240x128xf32, #tpu.memory_space<vmem_shared>>)
      %dma_wait3A_141 = arith.constant 15 : i32
      %dma_wait3A_142 = arith.constant 0 : i32
      %dma_wait3A_143 = tpu.memref_slice %arg9[%dma_wait3A_141, %dma_wait3A_142] : memref<16x64xi32, #tpu.memory_space<vmem>> -> memref<1x64xi32, #tpu.memory_space<vmem>>
      %dma_wait3A_144 = tpu.memref_squeeze %dma_wait3A_143 : memref<1x64xi32, #tpu.memory_space<vmem>> -> memref<64xi32, #tpu.memory_space<vmem>>
      %dma_wait3A_145 = arith.constant 0 : i32
      %dma_wait3A_146 = arith.constant 0 : i32
      %dma_wait3A_147 = tpu.memref_slice %arg14[%dma_wait3A_145, %dma_wait3A_146] : memref<10240x128xf32, #tpu.memory_space<vmem_shared>> -> memref<10240x128xf32, #tpu.memory_space<vmem_shared>>
      tpu.wait_indirect_dma semaphore(%arg18 : memref<!tpu.dma_semaphore, #tpu.memory_space<semaphore_mem>>) src(%arg13 : memref<64x128xf32, #tpu.memory_space<vmem>>) dst(%dma_wait3A_147 : memref<10240x128xf32, #tpu.memory_space<vmem_shared>>)
    }
    %barrier3A_40 = arith.constant 0 : index
    tpu.barrier barrier_id(%barrier3A_40)
    "tpu.region"() ({
      %run_scoped3A = tpu.sem_alloc : memref<!tpu.dma_semaphore, #tpu.memory_space<semaphore_mem>>
      %dma_start3A = arith.constant 0 : i32
      %dma_start3A_41 = tpu.memref_slice %arg7[%arg0, %mul3A_0, %dma_start3A] : memref<2x10240x128xf32, #tpu.memory_space<hbm>> -> memref<1x640x128xf32, #tpu.memory_space<hbm>>
      %dma_start3A_42 = tpu.memref_squeeze %dma_start3A_41 : memref<1x640x128xf32, #tpu.memory_space<hbm>> -> memref<640x128xf32, #tpu.memory_space<hbm>>
      %dma_start3A_43 = arith.constant 0 : i32
      %dma_start3A_44 = tpu.memref_slice %arg14[%mul3A_0, %dma_start3A_43] : memref<10240x128xf32, #tpu.memory_space<vmem_shared>> -> memref<640x128xf32, #tpu.memory_space<vmem_shared>>
      tpu.enqueue_dma source(%dma_start3A_44 : memref<640x128xf32, #tpu.memory_space<vmem_shared>>) target(%dma_start3A_42 : memref<640x128xf32, #tpu.memory_space<hbm>>) target_semaphore(%run_scoped3A : memref<!tpu.dma_semaphore, #tpu.memory_space<semaphore_mem>>)
      %dma_wait3A = arith.constant 0 : i32
      %dma_wait3A_45 = tpu.memref_slice %arg7[%arg0, %mul3A_0, %dma_wait3A] : memref<2x10240x128xf32, #tpu.memory_space<hbm>> -> memref<1x640x128xf32, #tpu.memory_space<hbm>>
      %dma_wait3A_46 = tpu.memref_squeeze %dma_wait3A_45 : memref<1x640x128xf32, #tpu.memory_space<hbm>> -> memref<640x128xf32, #tpu.memory_space<hbm>>
      %dma_wait3A_47 = arith.constant 0 : i32
      %dma_wait3A_48 = tpu.memref_slice %arg14[%mul3A_0, %dma_wait3A_47] : memref<10240x128xf32, #tpu.memory_space<vmem_shared>> -> memref<640x128xf32, #tpu.memory_space<vmem_shared>>
      tpu.wait_dma2 semaphore(%run_scoped3A : memref<!tpu.dma_semaphore, #tpu.memory_space<semaphore_mem>>) src(%dma_wait3A_48 : memref<640x128xf32, #tpu.memory_space<vmem_shared>>) dst(%dma_wait3A_46 : memref<640x128xf32, #tpu.memory_space<hbm>>)
      tpu.yield
    }) : () -> ()
    return
  }
}

module attributes {stable_mosaic.version = 14 : i64} {
  func.func @_tc_qk_body(%arg0: i32, %arg1: memref<2000x128xf32, #tpu.memory_space<vmem>>, %arg2: memref<128x128xf32, #tpu.memory_space<vmem>>, %arg3: memref<128x128xf32, #tpu.memory_space<vmem>>, %arg4: memref<1x128xf32, #tpu.memory_space<vmem>>, %arg5: memref<2000x128xf32, #tpu.memory_space<vmem>>, %arg6: memref<2000x128xf32, #tpu.memory_space<vmem>>) attributes {dimension_semantics = [#tpu.dimension_semantics<arbitrary>], iteration_bounds = array<i64: 5>, scalar_prefetch = 0 : i64, scratch_operands = 0 : i64, tpu.core_type = #tpu.core_type<tc>, window_params = [{transform_indices = @transform_0, window_bounds = array<i64: 2000, 128>}, {pipeline_mode = #tpu.pipeline_mode<synchronous>, transform_indices = @transform_1, window_bounds = array<i64: 128, 128>}, {pipeline_mode = #tpu.pipeline_mode<synchronous>, transform_indices = @transform_2, window_bounds = array<i64: 128, 128>}, {pipeline_mode = #tpu.pipeline_mode<synchronous>, transform_indices = @transform_3, window_bounds = array<i64: 1, 128>}, {transform_indices = @transform_4, window_bounds = array<i64: 2000, 128>}, {transform_indices = @transform_5, window_bounds = array<i64: 2000, 128>}]} {
    %get3A = arith.constant 0 : index
    %get3A_0 = arith.constant 0 : index
    %get3A_1 = vector.load %arg1[%get3A, %get3A_0] : memref<2000x128xf32, #tpu.memory_space<vmem>>, vector<2000x128xf32>
    %get3A_2 = arith.constant 0 : index
    %get3A_3 = arith.constant 0 : index
    %get3A_4 = vector.load %arg2[%get3A_2, %get3A_3] : memref<128x128xf32, #tpu.memory_space<vmem>>, vector<128x128xf32>
    %dot_general3A = arith.constant dense<0.000000e+00> : vector<2000x128xf32>
    %dot_general3A_5 = tpu.matmul %get3A_1, %get3A_4, %dot_general3A {dimension_numbers = #tpu.dot_dimension_numbers<[1], [0], [0], [1], [0, 0, 1, 1], [], []>, precision = #tpu.contract_precision<fp32>, transpose_lhs_hint = false} : vector<2000x128xf32>, vector<128x128xf32>, vector<2000x128xf32> -> vector<2000x128xf32>
    %get3A_6 = arith.constant 0 : index
    %get3A_7 = arith.constant 0 : index
    %get3A_8 = vector.load %arg4[%get3A_6, %get3A_7] : memref<1x128xf32, #tpu.memory_space<vmem>>, vector<1x128xf32>
    %add3A = vector.broadcast %get3A_8 : vector<1x128xf32> to vector<2000x128xf32>
    %add3A_9 = arith.addf %dot_general3A_5, %add3A : vector<2000x128xf32>
    %swap3A = arith.constant 0 : index
    %swap3A_10 = arith.constant 0 : index
    %swap3A_11 = vector.load %arg5[%swap3A, %swap3A_10] : memref<2000x128xf32, #tpu.memory_space<vmem>>, vector<2000x128xf32>
    tpu.vector_store %arg5[%swap3A, %swap3A_10], %add3A_9 {strides = array<i32>} : memref<2000x128xf32, #tpu.memory_space<vmem>>, vector<2000x128xf32>,
    %get3A_12 = arith.constant 0 : index
    %get3A_13 = arith.constant 0 : index
    %get3A_14 = vector.load %arg3[%get3A_12, %get3A_13] : memref<128x128xf32, #tpu.memory_space<vmem>>, vector<128x128xf32>
    %dot_general3A_15 = arith.constant dense<0.000000e+00> : vector<2000x128xf32>
    %dot_general3A_16 = tpu.matmul %get3A_1, %get3A_14, %dot_general3A_15 {dimension_numbers = #tpu.dot_dimension_numbers<[1], [0], [0], [1], [0, 0, 1, 1], [], []>, precision = #tpu.contract_precision<fp32>, transpose_lhs_hint = false} : vector<2000x128xf32>, vector<128x128xf32>, vector<2000x128xf32> -> vector<2000x128xf32>
    %swap3A_17 = arith.constant 0 : index
    %swap3A_18 = arith.constant 0 : index
    %swap3A_19 = vector.load %arg6[%swap3A_17, %swap3A_18] : memref<2000x128xf32, #tpu.memory_space<vmem>>, vector<2000x128xf32>
    tpu.vector_store %arg6[%swap3A_17, %swap3A_18], %dot_general3A_16 {strides = array<i32>} : memref<2000x128xf32, #tpu.memory_space<vmem>>, vector<2000x128xf32>,
    return
  }
  func.func @transform_0(%arg0: i32) -> (i32, i32) {
    %c0_i32 = arith.constant 0 : i32
    %c0_i32_0 = arith.constant 0 : i32
    return %arg0, %c0_i32 : i32, i32
  }
  func.func @transform_1(%arg0: i32) -> (i32, i32) {
    %c0_i32 = arith.constant 0 : i32
    %c0_i32_0 = arith.constant 0 : i32
    %c0_i32_1 = arith.constant 0 : i32
    return %c0_i32, %c0_i32_0 : i32, i32
  }
  func.func @transform_2(%arg0: i32) -> (i32, i32) {
    %c0_i32 = arith.constant 0 : i32
    %c0_i32_0 = arith.constant 0 : i32
    %c0_i32_1 = arith.constant 0 : i32
    return %c0_i32, %c0_i32_0 : i32, i32
  }
  func.func @transform_3(%arg0: i32) -> (i32, i32) {
    %c0_i32 = arith.constant 0 : i32
    %c0_i32_0 = arith.constant 0 : i32
    %c0_i32_1 = arith.constant 0 : i32
    return %c0_i32, %c0_i32_0 : i32, i32
  }
  func.func @transform_4(%arg0: i32) -> (i32, i32) {
    %c0_i32 = arith.constant 0 : i32
    %c0_i32_0 = arith.constant 0 : i32
    return %arg0, %c0_i32 : i32, i32
  }
  func.func @transform_5(%arg0: i32) -> (i32, i32) {
    %c0_i32 = arith.constant 0 : i32
    %c0_i32_0 = arith.constant 0 : i32
    return %arg0, %c0_i32 : i32, i32
  }
}

module attributes {stable_mosaic.version = 14 : i64} {
  func.func @_tc_neigh_body(%arg0: i32, %arg1: memref<1x2000x128xf32, #tpu.memory_space<vmem>>, %arg2: memref<1x2000x128xf32, #tpu.memory_space<vmem>>, %arg3: memref<2000x128xf32, #tpu.memory_space<vmem>>, %arg4: memref<128x128xf32, #tpu.memory_space<vmem>>, %arg5: memref<2000x128xf32, #tpu.memory_space<vmem>>) attributes {dimension_semantics = [#tpu.dimension_semantics<arbitrary>], iteration_bounds = array<i64: 5>, scalar_prefetch = 0 : i64, scratch_operands = 0 : i64, tpu.core_type = #tpu.core_type<tc>, window_params = [{transform_indices = @transform_0, window_bounds = array<i64: 1, 2000, 128>}, {transform_indices = @transform_1, window_bounds = array<i64: 1, 2000, 128>}, {transform_indices = @transform_2, window_bounds = array<i64: 2000, 128>}, {pipeline_mode = #tpu.pipeline_mode<synchronous>, transform_indices = @transform_3, window_bounds = array<i64: 128, 128>}, {transform_indices = @transform_4, window_bounds = array<i64: 2000, 128>}]} {
    %get3A = arith.constant 0 : index
    %get3A_0 = arith.constant 0 : index
    %get3A_1 = arith.constant 0 : index
    %get3A_2 = vector.load %arg1[%get3A, %get3A_0, %get3A_1] : memref<1x2000x128xf32, #tpu.memory_space<vmem>>, vector<1x2000x128xf32>
    %get3A_3 = vector.shape_cast %get3A_2 : vector<1x2000x128xf32> to vector<2000x128xf32>
    %get3A_4 = arith.constant 0 : index
    %get3A_5 = arith.constant 0 : index
    %get3A_6 = arith.constant 0 : index
    %get3A_7 = vector.load %arg2[%get3A_4, %get3A_5, %get3A_6] : memref<1x2000x128xf32, #tpu.memory_space<vmem>>, vector<1x2000x128xf32>
    %get3A_8 = vector.shape_cast %get3A_7 : vector<1x2000x128xf32> to vector<2000x128xf32>
    %add3A = arith.addf %get3A_3, %get3A_8 : vector<2000x128xf32>
    %get3A_9 = arith.constant 0 : index
    %get3A_10 = arith.constant 0 : index
    %get3A_11 = vector.load %arg3[%get3A_9, %get3A_10] : memref<2000x128xf32, #tpu.memory_space<vmem>>, vector<2000x128xf32>
    %get3A_12 = arith.constant 0 : index
    %get3A_13 = arith.constant 0 : index
    %get3A_14 = vector.load %arg4[%get3A_12, %get3A_13] : memref<128x128xf32, #tpu.memory_space<vmem>>, vector<128x128xf32>
    %dot_general3A = arith.constant dense<0.000000e+00> : vector<2000x128xf32>
    %dot_general3A_15 = tpu.matmul %add3A, %get3A_14, %dot_general3A {dimension_numbers = #tpu.dot_dimension_numbers<[1], [0], [0], [1], [0, 0, 1, 1], [], []>, precision = #tpu.contract_precision<fp32>, transpose_lhs_hint = false} : vector<2000x128xf32>, vector<128x128xf32>, vector<2000x128xf32> -> vector<2000x128xf32>
    %add3A_16 = arith.addf %get3A_11, %dot_general3A_15 : vector<2000x128xf32>
    %swap3A = arith.constant 0 : index
    %swap3A_17 = arith.constant 0 : index
    %swap3A_18 = vector.load %arg5[%swap3A, %swap3A_17] : memref<2000x128xf32, #tpu.memory_space<vmem>>, vector<2000x128xf32>
    tpu.vector_store %arg5[%swap3A, %swap3A_17], %add3A_16 {strides = array<i32>} : memref<2000x128xf32, #tpu.memory_space<vmem>>, vector<2000x128xf32>,
    return
  }
  func.func @transform_0(%arg0: i32) -> (i32, i32, i32) {
    %c0_i32 = arith.constant 0 : i32
    %c0_i32_0 = arith.constant 0 : i32
    %c0_i32_1 = arith.constant 0 : i32
    return %c0_i32, %arg0, %c0_i32_0 : i32, i32, i32
  }
  func.func @transform_1(%arg0: i32) -> (i32, i32, i32) {
    %c1_i32 = arith.constant 1 : i32
    %c0_i32 = arith.constant 0 : i32
    %c0_i32_0 = arith.constant 0 : i32
    return %c1_i32, %arg0, %c0_i32 : i32, i32, i32
  }
  func.func @transform_2(%arg0: i32) -> (i32, i32) {
    %c0_i32 = arith.constant 0 : i32
    %c0_i32_0 = arith.constant 0 : i32
    return %arg0, %c0_i32 : i32, i32
  }
  func.func @transform_3(%arg0: i32) -> (i32, i32) {
    %c0_i32 = arith.constant 0 : i32
    %c0_i32_0 = arith.constant 0 : i32
    %c0_i32_1 = arith.constant 0 : i32
    return %c0_i32, %c0_i32_0 : i32, i32
  }
  func.func @transform_4(%arg0: i32) -> (i32, i32) {
    %c0_i32 = arith.constant 0 : i32
    %c0_i32_0 = arith.constant 0 : i32
    return %arg0, %c0_i32 : i32, i32
  }
}

module attributes {stable_mosaic.version = 14 : i64} {
  func.func @_tc_out_body(%arg0: i32, %arg1: memref<1x2000x128xf32, #tpu.memory_space<vmem>>, %arg2: memref<1x2000x128xf32, #tpu.memory_space<vmem>>, %arg3: memref<128x128xf32, #tpu.memory_space<vmem>>, %arg4: memref<1x128xf32, #tpu.memory_space<vmem>>, %arg5: memref<2000x128xf32, #tpu.memory_space<vmem>>) attributes {dimension_semantics = [#tpu.dimension_semantics<arbitrary>], iteration_bounds = array<i64: 5>, scalar_prefetch = 0 : i64, scratch_operands = 0 : i64, tpu.core_type = #tpu.core_type<tc>, window_params = [{transform_indices = @transform_0, window_bounds = array<i64: 1, 2000, 128>}, {transform_indices = @transform_1, window_bounds = array<i64: 1, 2000, 128>}, {pipeline_mode = #tpu.pipeline_mode<synchronous>, transform_indices = @transform_2, window_bounds = array<i64: 128, 128>}, {pipeline_mode = #tpu.pipeline_mode<synchronous>, transform_indices = @transform_3, window_bounds = array<i64: 1, 128>}, {transform_indices = @transform_4, window_bounds = array<i64: 2000, 128>}]} {
    %get3A = arith.constant 0 : index
    %get3A_0 = arith.constant 0 : index
    %get3A_1 = arith.constant 0 : index
    %get3A_2 = vector.load %arg1[%get3A, %get3A_0, %get3A_1] : memref<1x2000x128xf32, #tpu.memory_space<vmem>>, vector<1x2000x128xf32>
    %get3A_3 = vector.shape_cast %get3A_2 : vector<1x2000x128xf32> to vector<2000x128xf32>
    %get3A_4 = arith.constant 0 : index
    %get3A_5 = arith.constant 0 : index
    %get3A_6 = arith.constant 0 : index
    %get3A_7 = vector.load %arg2[%get3A_4, %get3A_5, %get3A_6] : memref<1x2000x128xf32, #tpu.memory_space<vmem>>, vector<1x2000x128xf32>
    %get3A_8 = vector.shape_cast %get3A_7 : vector<1x2000x128xf32> to vector<2000x128xf32>
    %add3A = arith.addf %get3A_3, %get3A_8 : vector<2000x128xf32>
    %get3A_9 = arith.constant 0 : index
    %get3A_10 = arith.constant 0 : index
    %get3A_11 = vector.load %arg3[%get3A_9, %get3A_10] : memref<128x128xf32, #tpu.memory_space<vmem>>, vector<128x128xf32>
    %dot_general3A = arith.constant dense<0.000000e+00> : vector<2000x128xf32>
    %dot_general3A_12 = tpu.matmul %add3A, %get3A_11, %dot_general3A {dimension_numbers = #tpu.dot_dimension_numbers<[1], [0], [0], [1], [0, 0, 1, 1], [], []>, precision = #tpu.contract_precision<fp32>, transpose_lhs_hint = false} : vector<2000x128xf32>, vector<128x128xf32>, vector<2000x128xf32> -> vector<2000x128xf32>
    %get3A_13 = arith.constant 0 : index
    %get3A_14 = arith.constant 0 : index
    %get3A_15 = vector.load %arg4[%get3A_13, %get3A_14] : memref<1x128xf32, #tpu.memory_space<vmem>>, vector<1x128xf32>
    %add3A_16 = vector.broadcast %get3A_15 : vector<1x128xf32> to vector<2000x128xf32>
    %add3A_17 = arith.addf %dot_general3A_12, %add3A_16 : vector<2000x128xf32>
    %swap3A = arith.constant 0 : index
    %swap3A_18 = arith.constant 0 : index
    %swap3A_19 = vector.load %arg5[%swap3A, %swap3A_18] : memref<2000x128xf32, #tpu.memory_space<vmem>>, vector<2000x128xf32>
    tpu.vector_store %arg5[%swap3A, %swap3A_18], %add3A_17 {strides = array<i32>} : memref<2000x128xf32, #tpu.memory_space<vmem>>, vector<2000x128xf32>,
    return
  }
  func.func @transform_0(%arg0: i32) -> (i32, i32, i32) {
    %c0_i32 = arith.constant 0 : i32
    %c0_i32_0 = arith.constant 0 : i32
    %c0_i32_1 = arith.constant 0 : i32
    return %c0_i32, %arg0, %c0_i32_0 : i32, i32, i32
  }
  func.func @transform_1(%arg0: i32) -> (i32, i32, i32) {
    %c1_i32 = arith.constant 1 : i32
    %c0_i32 = arith.constant 0 : i32
    %c0_i32_0 = arith.constant 0 : i32
    return %c1_i32, %arg0, %c0_i32 : i32, i32, i32
  }
  func.func @transform_2(%arg0: i32) -> (i32, i32) {
    %c0_i32 = arith.constant 0 : i32
    %c0_i32_0 = arith.constant 0 : i32
    %c0_i32_1 = arith.constant 0 : i32
    return %c0_i32, %c0_i32_0 : i32, i32
  }
  func.func @transform_3(%arg0: i32) -> (i32, i32) {
    %c0_i32 = arith.constant 0 : i32
    %c0_i32_0 = arith.constant 0 : i32
    %c0_i32_1 = arith.constant 0 : i32
    return %c0_i32, %c0_i32_0 : i32, i32
  }
  func.func @transform_4(%arg0: i32) -> (i32, i32) {
    %c0_i32 = arith.constant 0 : i32
    %c0_i32_0 = arith.constant 0 : i32
    return %arg0, %c0_i32 : i32, i32
  }
}

</mosaic_0001>

<sc_bundles>
// kernel: kernel.10.cloned.1.call-start
scs
__scs_entry_jumppad:
0x0: {  	(pc) =	sbr.rel $0x88, $3  }
0x1: {  	(tag) =	ssettag $0x0;
	lr =	simm.s32 $0x1  }
0x2: {  	[smem:$0x3F99] =	sst lr;
	_ =	strace $0xD0000000  }
0x3: {  	_ = 	snop  }
0x4: {  	_ = 	snop  }
0x5: {  	_ = 	snop  }
0x6: {  	_ = 	snop  }
0x7: {  	_ = 	snop  }
__scs_overlays_trampoline_lowered:
0x8: {  	[smem:$0x3FA8] =	sst s0  }
0x9: {  	[smem:$0x3FA9] =	sst s1  }
0xa: {  	[smem:$0x3FAA] =	sst s2  }
0xb: {  	[smem:$0x3FAB] =	sst s3  }
0xc: {  	[smem:$0x3FAC] =	sst s4  }
0xd: {  	[smem:$0x3FAD] =	sst s5  }
0xe: {  	[smem:$0x3FAE] =	sst s6  }
0xf: {  	[smem:$0x3FAF] =	sst s7  }
0x10: {  	[smem:$0x3FB0] =	sst s8  }
0x11: {  	[smem:$0x3FB1] =	sst s9;
	s0 =	simm.s32 @!p0 $0x0  }
0x12: {  	s1 =	sld [smem:$0x3F97];
	s0 =	simm.s32 @p0 $0x1  }
0x13: {  	[smem:$0x3FB2] =	sst s0;
	s0 =	simm.s32 @!p1 $0x0  }
0x14: {  	s2 =	sld [smem:$0x3F96];
	s0 =	simm.s32 @p1 $0x1  }
0x15: {  	[smem:$0x3FB3] =	sst s0;
	s0 =	simm.s32 @!p2 $0x0  }
0x16: {  	s3 =	sld [smem:$0x3FDB];
	s0 =	simm.s32 @p2 $0x1  }
0x17: {  	s4 =	simm.s32 $0x1BF5;
	[smem:$0x3FB5] =	sst s0  }
0x18: {  	s0 =	sld [smem:$0x3F98];
	_ =	swait.ge [sflag:s4], $0x0  }
0x19: {  	s7 =	sld [smem:$0x3F99]  }
0x1a: {  	s8 =	sadd.s32 $0xFFFFE003, lr  }
0x1b: {  	s9 =	sadd.s32 $0xFFFFFEF7, lr;
	s5 =	simm.s32 $0xFFFFFFFF;
	p2 =	slt.u32 s8, $0xFFFFF086  }
0x1c: {  	p1 =	slt.u32 s9, $0xF7A;
	s5 =	simm.s32 @!p2 $0x0  }
0x1d: {  	s5 =	simm.s32 @p1 $0x1;
	p0 =	seq.s32 s7, s2  }
0x1e: {  	s7 =	smul.u32 @!p0 $0xF7A, s2;
	p2 =	seq.s32 @!p0 s5, $0x0  }
0x1f: {  	s9 =	smul.u32 $0xF7A, s1;
	s8 =	simm.s32 @!p0 $0x1BF5;
	p2 =	por !p2, p0  }
0x20: {  	[sflag:s8] =	ssyncset.s32 @!p0 $0xFFFFF086;
	s6 =	sadd.s32 @!p0 s3, s7;
	s7 =	simm.s32 @!p0 $0x108  }
0x21: {  	s3 =	sadd.s32 s3, s9;
	s6 =	sadd.s32 @!p0 $0x88, s6;
	s7 =	simm.s32 @p2 $0x1082  }
0x22: {  	[simem:s7], [sflag:s8] =	dma.local @!p0 [hbm:s6], $0xF7A  }
0x23: {  	s9 =	sor.u32 $0xD0000000, s2;
	s6 =	simm.s32 $0x108;
	_ =	swait.ge @!p0 [sflag:s8], $0x0  }
0x24: {  	s3 =	sadd.s32 $0x88, s3;
	s6 =	simm.s32 @!p1 $0x1082;
	[sflag:s4] =	ssyncset.s32 $0xFFFFF086  }
0x25: {  	[simem:s6], [sflag:s4] =	dma.local [hbm:s3], $0xF7A  }
0x26: {  	[smem:$0x3F99] =	sst s1;
	(tag) =	ssettag s2;
	_ =	strace s9  }
0x27: {  	s1 =	sld [smem:$0x3FA9]  }
0x28: {  	s2 =	sld [smem:$0x3FAA]  }
0x29: {  	s4 =	sld [smem:$0x3FAC]  }
0x2a: {  	p0 =	seq.s32 s5, $0x0;
	s5 =	sld [smem:$0x3FAD]  }
0x2b: {  	s6 =	sld [smem:$0x3FAE]  }
0x2c: {  	s7 =	sld [smem:$0x3FAF]  }
0x2d: {  	s3 =	simm.s32 $0x108;
	s8 =	sld [smem:$0x3FB0]  }
0x2e: {  	s3 =	simm.s32 @!p0 $0x1082;
	s9 =	sld [smem:$0x3FB1]  }
0x2f: {  	lr =	sadd.s32 s0, s3;
	s0 =	sld [smem:$0x3FA8]  }
0x30: {  	s3 =	sld [smem:$0x3FAB]  }
0x31: {  	[smem:$0x3FB4] =	sst s10  }
0x32: {  	s10 =	sld [smem:$0x3FB2];
	_ =	sdelay $0x3  }
0x33: {  	p0 =	seq.s32 s10, $0x1;
	s10 =	sld [smem:$0x3FB4];
	_ =	sdelay $0x3  }
0x34: {  	[smem:$0x3FB4] =	sst s10  }
0x35: {  	s10 =	sld [smem:$0x3FB3];
	_ =	sdelay $0x3  }
0x36: {  	p1 =	seq.s32 s10, $0x1;
	s10 =	sld [smem:$0x3FB4];
	_ =	sdelay $0x3  }
0x37: {  	[smem:$0x3FB4] =	sst s10  }
0x38: {  	s10 =	sld [smem:$0x3FB5]  }
0x39: {  	_ = 	snop;
	(pc) =	sbr.ind lr, $3  }
0x3a: {  	_ = 	snop  }
0x3b: {  	_ = 	snop  }
0x3c: {  	p2 =	seq.s32 s10, $0x1;
	s10 =	sld [smem:$0x3FB4]  }
0x3d: {  	_ =	shalt  }
0x3e: {  	_ =	shalt  }
0x3f: {  	_ =	shalt  }
0x40: {  	_ =	shalt  }
0x41: {  	_ =	shalt  }
0x42: {  	_ =	shalt  }
0x43: {  	_ =	shalt  }
0x44: {  	_ =	shalt  }
0x45: {  	_ =	shalt  }
0x46: {  	_ =	shalt  }
0x47: {  	_ =	shalt  }
0x48: {  	_ =	shalt  }
0x49: {  	_ =	shalt  }
0x4a: {  	_ =	shalt  }
0x4b: {  	_ =	shalt  }
0x4c: {  	_ =	shalt  }
0x4d: {  	_ =	shalt  }
0x4e: {  	_ =	shalt  }
0x4f: {  	_ =	shalt  }
0x50: {  	_ =	shalt  }
0x51: {  	_ =	shalt  }
0x52: {  	_ =	shalt  }
0x53: {  	_ =	shalt  }
0x54: {  	_ =	shalt  }
0x55: {  	_ =	shalt  }
0x56: {  	_ =	shalt  }
0x57: {  	_ =	shalt  }
0x58: {  	_ =	shalt  }
0x59: {  	_ =	shalt  }
0x5a: {  	_ =	shalt  }
0x5b: {  	_ =	shalt  }
0x5c: {  	_ =	shalt  }
0x5d: {  	_ =	shalt  }
0x5e: {  	_ =	shalt  }
0x5f: {  	_ =	shalt  }
0x60: {  	_ =	shalt  }
0x61: {  	_ =	shalt  }
0x62: {  	_ =	shalt  }
0x63: {  	_ =	shalt  }
0x64: {  	_ =	shalt  }
0x65: {  	_ =	shalt  }
0x66: {  	_ =	shalt  }
0x67: {  	_ =	shalt  }
0x68: {  	_ =	shalt  }
0x69: {  	_ =	shalt  }
0x6a: {  	_ =	shalt  }
0x6b: {  	_ =	shalt  }
0x6c: {  	_ =	shalt  }
0x6d: {  	_ =	shalt  }
0x6e: {  	_ =	shalt  }
0x6f: {  	_ =	shalt  }
0x70: {  	_ =	shalt  }
0x71: {  	_ =	shalt  }
0x72: {  	_ =	shalt  }
0x73: {  	_ =	shalt  }
0x74: {  	_ =	shalt  }
0x75: {  	_ =	shalt  }
0x76: {  	_ =	shalt  }
0x77: {  	_ =	shalt  }
0x78: {  	_ =	shalt  }
0x79: {  	_ =	shalt  }
0x7a: {  	_ =	shalt  }
0x7b: {  	_ =	shalt  }
0x7c: {  	_ =	shalt  }
0x7d: {  	_ =	shalt  }
0x7e: {  	_ =	shalt  }
0x7f: {  	_ =	shalt  }
0x80: {  	_ =	shalt  }
0x81: {  	_ =	shalt  }
0x82: {  	_ =	shalt  }
0x83: {  	_ =	shalt  }
0x84: {  	_ =	shalt  }
0x85: {  	_ =	shalt  }
0x86: {  	_ =	shalt  }
0x87: {  	_ =	shalt  }
.Lfunc_end0:
.L_simem_size_0:
called_computation.1_lowered:
.L_overlay_start_0:
0x88: {  	s2 =	sld [smem:$0x3FD9]  }
0x89: {  	s3 =	sld [smem:$0x3FFE];
	_ =	sdelay $0x1  }
0x8a: {  	s1 =	srdreg.scid  }
0x8b: {  	s0 =	sand.u32 $0x1, s1  }
0x8c: {  	s17 =	sshll.u32 s0, $0xA;
	s2 =	sadd.s32 s3, s2  }
0x8d: {  	s2 =	sadd.s32 s2, s17  }
0x8e: {  	[smem:$0x3FC0] =	sst s2  }
0x8f: {  	_ = 	snop  }
0x90: {  	s2 =	sld [smem:$0x3FD0];
	(tm) =	ssettm $0x1  }
0x91: {  	s18 =	sld [smem:$0x3FFB];
	_ =	sdelay $0x3  }
0x92: {  	_ =	strace s18  }
0x93: {  	s3 =	sld [smem:$0x3FFC];
	_ =	sdelay $0x3  }
0x94: {  	_ =	strace s3  }
0x95: {  	s3 =	sld [smem:$0x3FFD];
	_ =	sdelay $0x3  }
0x96: {  	_ =	strace s3  }
0x97: {  	_ =	strace $0x8FFFFFFF  }
0x98: {  	s19 =	sld [smem:$0x3FDB];
	_ =	sdelay $0x1  }
0x99: {  	s4 =	simm.s32 $_scs_section_size  }
0x9a: {  	s5 =	simm.s32 $_size__tile_overlayer_lowered;
	s6 =	simm.s32 $_tile_overlayer_lowered  }
0x9b: {  	s22 =	simm.s32 $0x1BFF;
	s21 =	sshll.u32 s6, $0x1;
	s3 =	sadd.s32 s4, s19  }
0x9c: {  	s7 =	simm.s32 $0x0;
	s20 =	sshll.u32 s5, $0x1;
	s5 =	sadd.s32 s21, s3  }
0x9d: {  	[timem:s7], [sflag:s22] =	dma.local [hbm:s5], s20  }
0x9e: {  	_ =	swait.ge [sflag:s22], s20  }
0x9f: {  	s4 =	ssub.s32 $0x0, s20;
	[sflag:s22] =	ssyncset.done $0x0  }
0xa0: {  	[sflag:s22] =	ssyncadd.s32 s4;
	_ =	sdelay $0x1  }
0xa1: {  	s23 =	simm.s32 $0x1B8B  }
0xa2: {  	_ =	swait.ge [sflag:s23], $0x1  }
0xa3: {  	[sflag:s23] =	ssyncset.done $0x0  }
0xa4: {  	s25 =	simm.s32 $0x1B8E;
	s24 =	sld [smem:$0x3FFE];
	[sflag:s23] =	ssyncadd.s32 $0xFFFFFFFF  }
0xa5: {  	s26 =	simm.s32 $execute0_lowered;
	[smem:$0x3FD2] =	sst s25  }
0xa6: {  	s5 =	sshll.u32 s26, $0x1;
	_ =	strace $0x80000049;
	[dreg:$0x1] =	wrdreg $0xFFFFFFFF  }
0xa7: {  	s28 =	simm.s32 $_size_execute0_lowered;
	s3 =	sadd.s32 s3, s5;
	[dreg:$0x0] =	wrdreg $0x0  }
0xa8: {  	s5 =	sshll.u32 s28, $0x1;
	[dreg:$0x2] =	wrdreg s3  }
0xa9: {  	[dreg:$0x3] =	wrdreg s5  }
0xaa: {  	[dreg:$0x4] =	wrdreg $0xC0  }
0xab: {  	_ =	task [dreg:s7], $0x5FFFF  }
0xac: {  	[dreg:$0x1] =	wrdreg $0xFFFFFFFF  }
0xad: {  	[dreg:$0x0] =	wrdreg $0x60  }
0xae: {  	[dreg:$0x2] =	wrdreg s24  }
0xaf: {  	[dreg:$0x3] =	wrdreg s2  }
0xb0: {  	[dreg:$0x4] =	wrdreg $0x90000  }
0xb1: {  	[dreg:$0x5] =	wrdreg $0x9  }
0xb2: {  	_ =	task.clear_ibuf [dreg:s7], $0x6FFFF;
	_ =	strace $0x90000049  }
0xb3: {  	s29 =	simm.s32 $0x9;
	_ =	strace $0x8000004B  }
0xb4: {  	_ =	swait.ge [sflag:s29], $0x1  }
0xb5: {  	[sflag:s29] =	ssyncadd.s32 $0xFFFFFFFF  }
0xb6: {  	_ =	strace $0x9000004B  }
0xb7: {  	_ =	sfence  }
0xb8: {  	s30 =	sld [smem:$0x0];
	_ =	sdelay $0x2  }
0xb9: {  	s31 =	sshll.u32 s1, $0xD;
	s1 =	sshrl.u32 s1, $0x2  }
0xba: {  	s3 =	sand.u32 $0x4000, s31;
	s1 =	sadd.s32 s1, s30  }
0xbb: {  	s0 =	sor.u32 s3, s0;
	s1 =	sshll.u32 s1, $0x11  }
0xbc: {  	s0 =	sor.u32 s1, s0  }
0xbd: {  	s0 =	sadd.s32 $0x8F2B, s0  }
0xbe: {  	[sflag:s0] =	ssyncadd.remote.s32 $0x1  }
0xbf: {  	_ =	sfence.sel $0xFFFF  }
0xc0: {  	[dreg:$0x0] =	wrdreg $0xFFFFFFFF;
	(pc) =	sbr.abs _section_cstart, $3  }
0xc1: {  	[dreg:$0x1] =	wrdreg $0xFFFFFFFF  }
0xc2: {  	_ =	task.clear_ibuf [dreg:s7], $0x2FFFF;
	_ =	strace $0x9FFFFFFF  }
0xc3: {  	(tm) =	ssettm $0x7FFFFFFF  }
tec
execute0_lowered:
.L_overlay_start_1:
0x0: {  	(tag) =	ssettag $0x1  }
0x1: {  	s0 =	rddreg [dreg:$0x0]  }
0x2: {  	s1 =	rddreg [dreg:$0x1]  }
0x3: {  	s2 =	rddreg [dreg:$0x2]  }
0x4: {  	s3 =	srdreg.scid;
	s5 =	simm.s32 $0x0;
	s10 =	stileid.u32  }
0x5: {  	s28 =	simm.s32 $0x80;
	s29 =	simm.s32 $0x3000;
	s8 =	smul.u32 $0x14000, s10  }
0x6: {  	s30 =	simm.s32 $0x880;
	s3 =	sand.u32 $0x1, s3;
	s16 =	smul.u32 $0x50000, s10  }
0x7: {  	s31 =	simm.s32 $0x7000;
	s11 =	simm.s32 $0xF80;
	s4 =	smul.u32 $0x140000, s3  }
0x8: {  	s12 =	simm.s32 $0x0;
	[smem:$0x7FF] =	sst s5;
	s5 =	sadd.s32 $0x66A00, s0  }
0x9: {  	s9 =	sadd.s32 $0x16200, s0;
	s4 =	sadd.s32 s8, s4;
	s8 =	sshrl.u32 s16, $0x2  }
0xa: {  	_ =	strace $0x8000004A;
	[dreg:$0x4] =	wrdreg s9;
	s9 =	sadd.s32 s8, s2  }
0xb: {  	s6 =	sadd.s32 $0x7AA00, s0;
	s7 =	sadd.s32 $0x16A00, s0;
	s19 =	sadd.s32 $0x2000, s9  }
0xc: {  	s17 =	ssub.s32 $0x2, s3;
	s20 =	sadd.s32 $0x4000, s9;
	[dreg:$0x5] =	wrdreg s19  }
0xd: {  	p0 =	seq.s32 s3, $0x0;
	s8 =	sadd.s32 $0x6000, s9;
	[dreg:$0x6] =	wrdreg s20  }
0xe: {  	s3 =	smul.u32 $0x5000, s10;
	s21 =	sadd.s32 $0x8000, s9;
	[dreg:$0x7] =	wrdreg s8  }
0xf: {  	s18 =	sshrl.u32 s17, $0x1;
	s22 =	sadd.s32 $0xA000, s9;
	[dreg:$0x8] =	wrdreg s21  }
0x10: {  	s4 =	sshrl.u32 s4, $0x3;
	s23 =	sadd.s32 $0xC000, s9;
	[dreg:$0x9] =	wrdreg s22  }
0x11: {  	s0 =	sadd.s32 s4, s0;
	s24 =	sadd.s32 $0xE000, s9;
	[dreg:$0xa] =	wrdreg s23  }
0x12: {  	s4 =	ssub.s32 s17, s18;
	s25 =	sadd.s32 $0x10000, s9;
	[dreg:$0xb] =	wrdreg s24  }
0x13: {  	s17 =	sadd.s32 $0x50000, s3;
	s26 =	sadd.s32 $0x12000, s9;
	[dreg:$0xc] =	wrdreg s25  }
0x14: {  	s10 =	simm.s32 $0xF00;
	[dreg:$0xd] =	wrdreg s26;
	s17 =	smov.u32 @p0 s3  }
0x15: {  	s0 =	sadd.s32 $0x8EA00, s0;
	s21 =	smax.u32 s4, $0x1;
	s22 =	simm.s32 $0x1000  }
0x16: {  	s23 =	simm.s32 $0x5;
	s24 =	simm.s32 $0x800;
	s25 =	simm.s32 $0x40  }
0x17: {  	s26 =	simm.s32 $0x5000;
	s4 =	simm.s32 $0x2;
	s3 =	simm.s32 $0x3  }
0x18: {  	s8 =	simm.s32 $0x4;
	[dreg:$0xe] =	wrdreg s0;
	s0 =	simm.s32 $0x1  }
.LBB2_1:
0x19: {  	s13 =	simm.s32 $0x0;
	s14 =	rddreg [dreg:$0x4]  }
0x1a: {  	[tilespmem:s22], [sflag:$0x5] =	stream.linear.gather [hbm4b:s14+s13], $0x2000, $0x38;
	[tilespmem:$0x1D000] =	vst v63  }
0x1b: {  	_ =	swait.ge [sflag:s23], $0x2000  }
0x1c: {  	[sflag:s23] =	ssyncset.done $0x0  }
0x1d: {  	[sflag:s23] =	ssyncadd.s32 $0xFFFFE000  }
0x1e: {  	[spmem:s9] =	stream.linear.scatter [tilespmem:s22], [sflag:$0x5], $0x2000, $0x38;
	[tilespmem:$0x1D000] =	vst v63  }
0x1f: {  	_ =	swait.ge [sflag:s23], $0x2000  }
0x20: {  	[sflag:s23] =	ssyncset.done $0x0  }
0x21: {  	s18 =	rddreg [dreg:$0x5];
	[sflag:s23] =	ssyncadd.s32 $0xFFFFE000  }
0x22: {  	[spmem:s18] =	stream.linear.scatter [tilespmem:s22], [sflag:$0x5], $0x2000, $0x38;
	[tilespmem:$0x1D000] =	vst v63  }
0x23: {  	_ =	swait.ge [sflag:s23], $0x2000  }
0x24: {  	[sflag:s23] =	ssyncset.done $0x0  }
0x25: {  	s19 =	rddreg [dreg:$0x6];
	[sflag:s23] =	ssyncadd.s32 $0xFFFFE000  }
0x26: {  	[spmem:s19] =	stream.linear.scatter [tilespmem:s22], [sflag:$0x5], $0x2000, $0x38;
	[tilespmem:$0x1D000] =	vst v63  }
0x27: {  	_ =	swait.ge [sflag:s23], $0x2000  }
0x28: {  	[sflag:s23] =	ssyncset.done $0x0  }
0x29: {  	s20 =	rddreg [dreg:$0x7];
	[sflag:s23] =	ssyncadd.s32 $0xFFFFE000  }
0x2a: {  	[spmem:s20] =	stream.linear.scatter [tilespmem:s22], [sflag:$0x5], $0x2000, $0x38;
	[tilespmem:$0x1D000] =	vst v63  }
0x2b: {  	_ =	swait.ge [sflag:s23], $0x2000  }
0x2c: {  	[sflag:s23] =	ssyncset.done $0x0  }
0x2d: {  	s14 =	rddreg [dreg:$0x8];
	[sflag:s23] =	ssyncadd.s32 $0xFFFFE000  }
0x2e: {  	[spmem:s14] =	stream.linear.scatter [tilespmem:s22], [sflag:$0x5], $0x2000, $0x38;
	[tilespmem:$0x1D000] =	vst v63  }
0x2f: {  	_ =	swait.ge [sflag:s23], $0x2000  }
0x30: {  	[sflag:s23] =	ssyncset.done $0x0  }
0x31: {  	s15 =	rddreg [dreg:$0x9];
	[sflag:s23] =	ssyncadd.s32 $0xFFFFE000  }
0x32: {  	[spmem:s15] =	stream.linear.scatter [tilespmem:s22], [sflag:$0x5], $0x2000, $0x38;
	[tilespmem:$0x1D000] =	vst v63  }
0x33: {  	_ =	swait.ge [sflag:s23], $0x2000  }
0x34: {  	[sflag:s23] =	ssyncset.done $0x0  }
0x35: {  	s16 =	rddreg [dreg:$0xa];
	[sflag:s23] =	ssyncadd.s32 $0xFFFFE000  }
0x36: {  	[spmem:s16] =	stream.linear.scatter [tilespmem:s22], [sflag:$0x5], $0x2000, $0x38;
	[tilespmem:$0x1D000] =	vst v63  }
0x37: {  	_ =	swait.ge [sflag:s23], $0x2000  }
0x38: {  	[sflag:s23] =	ssyncset.done $0x0  }
0x39: {  	s18 =	rddreg [dreg:$0xb];
	[sflag:s23] =	ssyncadd.s32 $0xFFFFE000  }
0x3a: {  	[spmem:s18] =	stream.linear.scatter [tilespmem:s22], [sflag:$0x5], $0x2000, $0x38;
	[tilespmem:$0x1D000] =	vst v63  }
0x3b: {  	_ =	swait.ge [sflag:s23], $0x2000  }
0x3c: {  	[sflag:s23] =	ssyncset.done $0x0  }
0x3d: {  	s19 =	rddreg [dreg:$0xc];
	[sflag:s23] =	ssyncadd.s32 $0xFFFFE000  }
0x3e: {  	[spmem:s19] =	stream.linear.scatter [tilespmem:s22], [sflag:$0x5], $0x2000, $0x38;
	[tilespmem:$0x1D000] =	vst v63  }
0x3f: {  	_ =	swait.ge [sflag:s23], $0x2000  }
0x40: {  	[sflag:s23] =	ssyncset.done $0x0  }
0x41: {  	s20 =	rddreg [dreg:$0xd];
	[sflag:s23] =	ssyncadd.s32 $0xFFFFE000  }
0x42: {  	[spmem:s20] =	stream.linear.scatter [tilespmem:s22], [sflag:$0x5], $0x2000, $0x38;
	[tilespmem:$0x1D000] =	vst v63  }
0x43: {  	_ =	swait.ge [sflag:s23], $0x2000  }
0x44: {  	[sflag:s23] =	ssyncset.done $0x0  }
0x45: {  	[sflag:s23] =	ssyncadd.s32 $0xFFFFE000  }
0x46: {  	s13 =	simm.s32 $0x0;
	[bflag:$0x0] =	sbarrier.arrive $0xFFFF  }
.LBB2_2:
0x47: {  	s14 =	sshll.u32 s13, $0xB  }
0x48: {  	s14 =	sadd.s32 s17, s14  }
0x49: {  	s15 =	sshrl.u32 s14, $0x3  }
0x4a: {  	s14 =	simm.s32 $0x0;
	s16 =	sadd.s32 s5, s15  }
0x4b: {  	[tilespmem:s14], [sflag:$0x5] =	stream.linear.gather [hbm4b:s16+s14], $0x800, $0x38;
	[tilespmem:$0x1D000] =	vst v63  }
0x4c: {  	_ =	swait.ge [sflag:s23], $0x800  }
0x4d: {  	[sflag:s23] =	ssyncset.done $0x0  }
0x4e: {  	s15 =	sadd.s32 s6, s15;
	[sflag:s23] =	ssyncadd.s32 $0xFFFFF800  }
0x4f: {  	[tilespmem:s24], [sflag:$0x5] =	stream.linear.gather [hbm4b:s15+s14], $0x800, $0x38;
	[tilespmem:$0x1D000] =	vst v63  }
0x50: {  	_ =	swait.ge [sflag:s23], $0x800  }
0x51: {  	[sflag:s23] =	ssyncset.done $0x0  }
0x52: {  	[sflag:s23] =	ssyncadd.s32 $0xFFFFF800  }
0x53: {  	[tilespmem:s22], [sflag:$0x1] =	stream.indirect.gather [hbm4b:s1+s25], $0x80, s14, s25, $0xb8;
	[tilespmem:$0x1D000] =	vst v63  }
0x54: {  	_ = 	snop  }
0x55: {  	[tilespmem:s26], [sflag:$0x1] =	stream.indirect.gather [hbm4b:s7+s25], $0x80, s24, s25, $0xb8;
	[tilespmem:$0x1D000] =	vst v63  }
0x56: {  	_ = 	snop  }
0x57: {  	[tilespmem:s29], [sflag:$0x2] =	stream.indirect.gather [hbm4b:s1+s25], $0x80, s28, s25, $0xb8;
	[tilespmem:$0x1D000] =	vst v63  }
0x58: {  	_ = 	snop  }
0x59: {  	[tilespmem:s31], [sflag:$0x2] =	stream.indirect.gather [hbm4b:s7+s25], $0x80, s30, s25, $0xb8;
	[tilespmem:$0x1D000] =	vst v63  }
.LBB2_3:
0x5a: {  	_ =	swait.ge [sflag:s0], $0x2000  }
0x5b: {  	[sflag:s0] =	ssyncset.done $0x0  }
0x5c: {  	[sflag:s0] =	ssyncadd.s32 $0xFFFFE000  }
0x5d: {  	_ =	swait.ge [sflag:s0], $0x2000  }
0x5e: {  	[sflag:s0] =	ssyncset.done $0x0  }
0x5f: {  	s18 =	simm.s32 $0x0;
	[sflag:s0] =	ssyncadd.s32 $0xFFFFE000  }
0x60: {  	v6 =	vld [tilespmem:s18+$0x1000]  }
0x61: {  	v11 =	vld [tilespmem:s18+$0x1010]  }
0x62: {  	v5 =	vld [tilespmem:s18+$0x1020]  }
0x63: {  	v4 =	vld [tilespmem:s18+$0x1030]  }
0x64: {  	v3 =	vld [tilespmem:s18+$0x1040]  }
0x65: {  	v2 =	vld [tilespmem:s18+$0x1050]  }
0x66: {  	v1 =	vld [tilespmem:s18+$0x1060]  }
0x67: {  	v0 =	vld [tilespmem:s18+$0x1070]  }
0x68: {  	v12 =	vld [tilespmem:s18+$0x5000]  }
0x69: {  	v13 =	vld [tilespmem:s18+$0x5010]  }
0x6a: {  	v10 =	vld [tilespmem:s18+$0x5020]  }
0x6b: {  	v9 =	vld [tilespmem:s18+$0x5030]  }
0x6c: {  	v8 =	vld [tilespmem:s18+$0x5040]  }
0x6d: {  	v7 =	vld [tilespmem:s18+$0x5050];
	v12 =	vadd.f32 v6, v12  }
0x6e: {  	s15 =	simm.s32 $0x200;
	v11 =	vadd.f32 v11, v13;
	v6 =	vld [tilespmem:s18+$0x5060]  }
.LBB2_4:
0x6f: {  	s16 =	sshra.s32 s15, $0x2;
	p0 =	sne.s32 s15, $0x7E00;
	v12 =	vmax.f32 v12, $0.0e+00;
	v5 =	vadd.f32 v5, v10;
	v10 =	vld [tilespmem:s18+$0x5070]  }
0x70: {  	v13 =	vld [tilespmem:s16+$0x1000];
	[tilespmem:s18+$0x5000] =	vst v12;
	v11 =	vmax.f32 v11, $0.0e+00;
	v4 =	vadd.f32 v4, v9  }
0x71: {  	v14 =	vld [tilespmem:s16+$0x1010];
	[tilespmem:s18+$0x5010] =	vst v11;
	v9 =	vmax.f32 v5, $0.0e+00;
	v3 =	vadd.f32 v3, v8  }
0x72: {  	v5 =	vld [tilespmem:s16+$0x1020];
	[tilespmem:s18+$0x5020] =	vst v9;
	v8 =	vmax.f32 v4, $0.0e+00;
	v2 =	vadd.f32 v2, v7  }
0x73: {  	v4 =	vld [tilespmem:s16+$0x1030];
	[tilespmem:s18+$0x5030] =	vst v8;
	v7 =	vmax.f32 v3, $0.0e+00;
	v1 =	vadd.f32 v1, v6  }
0x74: {  	v3 =	vld [tilespmem:s16+$0x1040];
	[tilespmem:s18+$0x5040] =	vst v7;
	v6 =	vmax.f32 v2, $0.0e+00;
	v0 =	vadd.f32 v0, v10  }
0x75: {  	v2 =	vld [tilespmem:s16+$0x1050];
	[tilespmem:s18+$0x5050] =	vst v6;
	v6 =	vmax.f32 v1, $0.0e+00  }
0x76: {  	v1 =	vld [tilespmem:s16+$0x1060];
	[tilespmem:s18+$0x5060] =	vst v6;
	v6 =	vmax.f32 v0, $0.0e+00  }
0x77: {  	v0 =	vld [tilespmem:s16+$0x1070];
	[tilespmem:s18+$0x5070] =	vst v6;
	s18 =	smov.u32 s16  }
0x78: {  	v6 =	vld [tilespmem:s18+$0x5000]  }
0x79: {  	v11 =	vld [tilespmem:s18+$0x5010]  }
.Ltmp0:
0x7a: {  	v10 =	vld [tilespmem:s18+$0x5020];
	(pc) =	sbr.rel @p0 .LBB2_4-.Ltmp0, $4  }
0x7b: {  	v9 =	vld [tilespmem:s18+$0x5030]  }
0x7c: {  	v8 =	vld [tilespmem:s18+$0x5040]  }
0x7d: {  	v12 =	vadd.f32 v13, v6;
	v7 =	vld [tilespmem:s18+$0x5050]  }
0x7e: {  	s15 =	sadd.s32 $0x200, s15;
	v11 =	vadd.f32 v14, v11;
	v6 =	vld [tilespmem:s18+$0x5060]  }
0x7f: {  	v12 =	vmax.f32 v12, $0.0e+00;
	v5 =	vadd.f32 v5, v10;
	v10 =	vld [tilespmem:s18+$0x5070]  }
0x80: {  	[tilespmem:s18+$0x5000] =	vst v12;
	v11 =	vmax.f32 v11, $0.0e+00;
	v4 =	vadd.f32 v4, v9  }
0x81: {  	[tilespmem:s18+$0x5010] =	vst v11;
	v5 =	vmax.f32 v5, $0.0e+00;
	v3 =	vadd.f32 v3, v8  }
0x82: {  	[tilespmem:s18+$0x5020] =	vst v5;
	v4 =	vmax.f32 v4, $0.0e+00;
	v2 =	vadd.f32 v2, v7  }
0x83: {  	[tilespmem:s18+$0x5030] =	vst v4;
	v3 =	vmax.f32 v3, $0.0e+00;
	v1 =	vadd.f32 v1, v6  }
0x84: {  	[tilespmem:s18+$0x5040] =	vst v3;
	v2 =	vmax.f32 v2, $0.0e+00;
	v0 =	vadd.f32 v0, v10  }
0x85: {  	s15 =	sshll.u32 s14, $0x8;
	[tilespmem:s18+$0x5050] =	vst v2;
	v1 =	vmax.f32 v1, $0.0e+00  }
0x86: {  	s16 =	sand.u32 $0x3FFFFF00, s15;
	[tilespmem:s18+$0x5060] =	vst v1;
	v0 =	vmax.f32 v0, $0.0e+00  }
0x87: {  	s20 =	sadd.s32 $0x800, s16;
	[tilespmem:s18+$0x5070] =	vst v0  }
0x88: {  	[spmem:s2] =	stream.indirect.scatter.add.f32 [tilespmem:s26], [sflag:$0x3], $0x80, s20, s25, $0xb8;
	[tilespmem:$0x1D000] =	vst v63  }
0x89: {  	_ =	swait.ge [sflag:s4], $0x2000  }
0x8a: {  	[sflag:s4] =	ssyncset.done $0x0  }
0x8b: {  	[sflag:s4] =	ssyncadd.s32 $0xFFFFE000  }
0x8c: {  	_ =	swait.ge [sflag:s4], $0x2000  }
0x8d: {  	[sflag:s4] =	ssyncset.done $0x0  }
0x8e: {  	s18 =	simm.s32 $0x0;
	[sflag:s4] =	ssyncadd.s32 $0xFFFFE000  }
0x8f: {  	v6 =	vld [tilespmem:s18+$0x3000]  }
0x90: {  	v11 =	vld [tilespmem:s18+$0x3010]  }
0x91: {  	v5 =	vld [tilespmem:s18+$0x3020]  }
0x92: {  	v4 =	vld [tilespmem:s18+$0x3030]  }
0x93: {  	v3 =	vld [tilespmem:s18+$0x3040]  }
0x94: {  	v2 =	vld [tilespmem:s18+$0x3050]  }
0x95: {  	v1 =	vld [tilespmem:s18+$0x3060]  }
0x96: {  	v0 =	vld [tilespmem:s18+$0x3070]  }
0x97: {  	v12 =	vld [tilespmem:s18+$0x7000]  }
0x98: {  	v13 =	vld [tilespmem:s18+$0x7010]  }
0x99: {  	v10 =	vld [tilespmem:s18+$0x7020]  }
0x9a: {  	v9 =	vld [tilespmem:s18+$0x7030]  }
0x9b: {  	v8 =	vld [tilespmem:s18+$0x7040]  }
0x9c: {  	v7 =	vld [tilespmem:s18+$0x7050];
	v12 =	vadd.f32 v6, v12  }
0x9d: {  	s19 =	simm.s32 $0x200;
	v11 =	vadd.f32 v11, v13;
	v6 =	vld [tilespmem:s18+$0x7060]  }
.LBB2_6:
0x9e: {  	s20 =	sshra.s32 s19, $0x2;
	p0 =	sne.s32 s19, $0x7E00;
	v12 =	vmax.f32 v12, $0.0e+00;
	v5 =	vadd.f32 v5, v10;
	v10 =	vld [tilespmem:s18+$0x7070]  }
0x9f: {  	v13 =	vld [tilespmem:s20+$0x3000];
	[tilespmem:s18+$0x7000] =	vst v12;
	v11 =	vmax.f32 v11, $0.0e+00;
	v4 =	vadd.f32 v4, v9  }
0xa0: {  	v14 =	vld [tilespmem:s20+$0x3010];
	[tilespmem:s18+$0x7010] =	vst v11;
	v9 =	vmax.f32 v5, $0.0e+00;
	v3 =	vadd.f32 v3, v8  }
0xa1: {  	v5 =	vld [tilespmem:s20+$0x3020];
	[tilespmem:s18+$0x7020] =	vst v9;
	v8 =	vmax.f32 v4, $0.0e+00;
	v2 =	vadd.f32 v2, v7  }
0xa2: {  	v4 =	vld [tilespmem:s20+$0x3030];
	[tilespmem:s18+$0x7030] =	vst v8;
	v7 =	vmax.f32 v3, $0.0e+00;
	v1 =	vadd.f32 v1, v6  }
0xa3: {  	v3 =	vld [tilespmem:s20+$0x3040];
	[tilespmem:s18+$0x7040] =	vst v7;
	v6 =	vmax.f32 v2, $0.0e+00;
	v0 =	vadd.f32 v0, v10  }
0xa4: {  	v2 =	vld [tilespmem:s20+$0x3050];
	[tilespmem:s18+$0x7050] =	vst v6;
	v6 =	vmax.f32 v1, $0.0e+00  }
0xa5: {  	v1 =	vld [tilespmem:s20+$0x3060];
	[tilespmem:s18+$0x7060] =	vst v6;
	v6 =	vmax.f32 v0, $0.0e+00  }
0xa6: {  	v0 =	vld [tilespmem:s20+$0x3070];
	[tilespmem:s18+$0x7070] =	vst v6;
	s18 =	smov.u32 s20  }
0xa7: {  	v6 =	vld [tilespmem:s18+$0x7000]  }
0xa8: {  	v11 =	vld [tilespmem:s18+$0x7010]  }
.Ltmp1:
0xa9: {  	v10 =	vld [tilespmem:s18+$0x7020];
	(pc) =	sbr.rel @p0 .LBB2_6-.Ltmp1, $4  }
0xaa: {  	v9 =	vld [tilespmem:s18+$0x7030]  }
0xab: {  	v8 =	vld [tilespmem:s18+$0x7040]  }
0xac: {  	v12 =	vadd.f32 v13, v6;
	v7 =	vld [tilespmem:s18+$0x7050]  }
0xad: {  	s19 =	sadd.s32 $0x200, s19;
	v11 =	vadd.f32 v14, v11;
	v6 =	vld [tilespmem:s18+$0x7060]  }
0xae: {  	v12 =	vmax.f32 v12, $0.0e+00;
	v5 =	vadd.f32 v5, v10;
	v63 =	vld [tilespmem:s18+$0x7070]  }
0xaf: {  	[tilespmem:s18+$0x7000] =	vst v12;
	v11 =	vmax.f32 v11, $0.0e+00;
	v4 =	vadd.f32 v4, v9  }
0xb0: {  	[tilespmem:s18+$0x7010] =	vst v11;
	v5 =	vmax.f32 v5, $0.0e+00;
	v3 =	vadd.f32 v3, v8  }
0xb1: {  	[tilespmem:s18+$0x7020] =	vst v5;
	v4 =	vmax.f32 v4, $0.0e+00;
	v2 =	vadd.f32 v2, v7  }
0xb2: {  	[tilespmem:s18+$0x7030] =	vst v4;
	v3 =	vmax.f32 v3, $0.0e+00;
	v1 =	vadd.f32 v1, v6  }
0xb3: {  	[tilespmem:s18+$0x7040] =	vst v3;
	v2 =	vmax.f32 v2, $0.0e+00;
	v0 =	vadd.f32 v0, v63  }
0xb4: {  	[tilespmem:s18+$0x7050] =	vst v2;
	v1 =	vmax.f32 v1, $0.0e+00  }
0xb5: {  	[tilespmem:s18+$0x7060] =	vst v1;
	v0 =	vmax.f32 v0, $0.0e+00  }
0xb6: {  	s16 =	sadd.s32 $0x880, s16;
	[tilespmem:s18+$0x7070] =	vst v0  }
0xb7: {  	[spmem:s2] =	stream.indirect.scatter.add.f32 [tilespmem:s31], [sflag:$0x4], $0x80, s16, s25, $0xb8;
	[tilespmem:$0x1D000] =	vst v63  }
0xb8: {  	_ =	swait.ge [sflag:s3], $0x2000  }
0xb9: {  	[sflag:s3] =	ssyncset.done $0x0  }
0xba: {  	s20 =	sadd.s32 $0x100, s15;
	[sflag:s3] =	ssyncadd.s32 $0xFFFFE000  }
0xbb: {  	[tilespmem:s22], [sflag:$0x1] =	stream.indirect.gather [hbm4b:s1+s25], $0x80, s20, s25, $0xb8;
	[tilespmem:$0x1D000] =	vst v63  }
0xbc: {  	s14 =	sadd.s32 $0x1, s14;
	s18 =	sadd.s32 $0x900, s15  }
0xbd: {  	[tilespmem:s26], [sflag:$0x1] =	stream.indirect.gather [hbm4b:s7+s25], $0x80, s18, s25, $0xb8;
	[tilespmem:$0x1D000] =	vst v63  }
0xbe: {  	p0 =	sne.s32 s14, $0x7;
	_ =	swait.ge [sflag:s8], $0x2000  }
.Ltmp2:
0xbf: {  	[sflag:s8] =	ssyncset.done $0x0;
	(pc) =	sbr.rel @p0 .LBB2_3-.Ltmp2, $4  }
0xc0: {  	s19 =	sadd.s32 $0x180, s15;
	[sflag:s8] =	ssyncadd.s32 $0xFFFFE000  }
0xc1: {  	[tilespmem:s29], [sflag:$0x2] =	stream.indirect.gather [hbm4b:s1+s25], $0x80, s19, s25, $0xb8;
	[tilespmem:$0x1D000] =	vst v63  }
0xc2: {  	s20 =	sadd.s32 $0x980, s15  }
0xc3: {  	[tilespmem:s31], [sflag:$0x2] =	stream.indirect.gather [hbm4b:s7+s25], $0x80, s20, s25, $0xb8;
	[tilespmem:$0x1D000] =	vst v63  }
0xc4: {  	_ =	swait.ge [sflag:s0], $0x2000  }
0xc5: {  	[sflag:s0] =	ssyncset.done $0x0  }
0xc6: {  	[sflag:s0] =	ssyncadd.s32 $0xFFFFE000  }
0xc7: {  	_ =	swait.ge [sflag:s0], $0x2000  }
0xc8: {  	[sflag:s0] =	ssyncset.done $0x0  }
0xc9: {  	s14 =	simm.s32 $0x0;
	[sflag:s0] =	ssyncadd.s32 $0xFFFFE000  }
0xca: {  	v6 =	vld [tilespmem:s14+$0x1000]  }
0xcb: {  	v11 =	vld [tilespmem:s14+$0x1010]  }
0xcc: {  	v5 =	vld [tilespmem:s14+$0x1020]  }
0xcd: {  	v4 =	vld [tilespmem:s14+$0x1030]  }
0xce: {  	v3 =	vld [tilespmem:s14+$0x1040]  }
0xcf: {  	v2 =	vld [tilespmem:s14+$0x1050]  }
0xd0: {  	v1 =	vld [tilespmem:s14+$0x1060]  }
0xd1: {  	v0 =	vld [tilespmem:s14+$0x1070]  }
0xd2: {  	v12 =	vld [tilespmem:s14+$0x5000]  }
0xd3: {  	v13 =	vld [tilespmem:s14+$0x5010]  }
0xd4: {  	v10 =	vld [tilespmem:s14+$0x5020]  }
0xd5: {  	v9 =	vld [tilespmem:s14+$0x5030]  }
0xd6: {  	v8 =	vld [tilespmem:s14+$0x5040]  }
0xd7: {  	v7 =	vld [tilespmem:s14+$0x5050];
	v12 =	vadd.f32 v6, v12  }
0xd8: {  	s15 =	simm.s32 $0x200;
	v11 =	vadd.f32 v11, v13;
	v6 =	vld [tilespmem:s14+$0x5060]  }
.LBB2_9:
0xd9: {  	s16 =	sshra.s32 s15, $0x2;
	p0 =	sne.s32 s15, $0x7E00;
	v12 =	vmax.f32 v12, $0.0e+00;
	v5 =	vadd.f32 v5, v10;
	v10 =	vld [tilespmem:s14+$0x5070]  }
0xda: {  	v13 =	vld [tilespmem:s16+$0x1000];
	[tilespmem:s14+$0x5000] =	vst v12;
	v11 =	vmax.f32 v11, $0.0e+00;
	v4 =	vadd.f32 v4, v9  }
0xdb: {  	v14 =	vld [tilespmem:s16+$0x1010];
	[tilespmem:s14+$0x5010] =	vst v11;
	v9 =	vmax.f32 v5, $0.0e+00;
	v3 =	vadd.f32 v3, v8  }
0xdc: {  	v5 =	vld [tilespmem:s16+$0x1020];
	[tilespmem:s14+$0x5020] =	vst v9;
	v8 =	vmax.f32 v4, $0.0e+00;
	v2 =	vadd.f32 v2, v7  }
0xdd: {  	v4 =	vld [tilespmem:s16+$0x1030];
	[tilespmem:s14+$0x5030] =	vst v8;
	v7 =	vmax.f32 v3, $0.0e+00;
	v1 =	vadd.f32 v1, v6  }
0xde: {  	v3 =	vld [tilespmem:s16+$0x1040];
	[tilespmem:s14+$0x5040] =	vst v7;
	v6 =	vmax.f32 v2, $0.0e+00;
	v0 =	vadd.f32 v0, v10  }
0xdf: {  	v2 =	vld [tilespmem:s16+$0x1050];
	[tilespmem:s14+$0x5050] =	vst v6;
	v6 =	vmax.f32 v1, $0.0e+00  }
0xe0: {  	v1 =	vld [tilespmem:s16+$0x1060];
	[tilespmem:s14+$0x5060] =	vst v6;
	v6 =	vmax.f32 v0, $0.0e+00  }
0xe1: {  	v0 =	vld [tilespmem:s16+$0x1070];
	[tilespmem:s14+$0x5070] =	vst v6;
	s14 =	smov.u32 s16  }
0xe2: {  	v6 =	vld [tilespmem:s14+$0x5000]  }
0xe3: {  	v11 =	vld [tilespmem:s14+$0x5010]  }
.Ltmp3:
0xe4: {  	v10 =	vld [tilespmem:s14+$0x5020];
	(pc) =	sbr.rel @p0 .LBB2_9-.Ltmp3, $4  }
0xe5: {  	v9 =	vld [tilespmem:s14+$0x5030]  }
0xe6: {  	v8 =	vld [tilespmem:s14+$0x5040]  }
0xe7: {  	v12 =	vadd.f32 v13, v6;
	v7 =	vld [tilespmem:s14+$0x5050]  }
0xe8: {  	s15 =	sadd.s32 $0x200, s15;
	v11 =	vadd.f32 v14, v11;
	v6 =	vld [tilespmem:s14+$0x5060]  }
0xe9: {  	v12 =	vmax.f32 v12, $0.0e+00;
	v5 =	vadd.f32 v5, v10;
	v10 =	vld [tilespmem:s14+$0x5070]  }
0xea: {  	[tilespmem:s14+$0x5000] =	vst v12;
	v11 =	vmax.f32 v11, $0.0e+00;
	v4 =	vadd.f32 v4, v9  }
0xeb: {  	[tilespmem:s14+$0x5010] =	vst v11;
	v5 =	vmax.f32 v5, $0.0e+00;
	v3 =	vadd.f32 v3, v8  }
0xec: {  	[tilespmem:s14+$0x5020] =	vst v5;
	v4 =	vmax.f32 v4, $0.0e+00;
	v2 =	vadd.f32 v2, v7  }
0xed: {  	[tilespmem:s14+$0x5030] =	vst v4;
	v3 =	vmax.f32 v3, $0.0e+00;
	v1 =	vadd.f32 v1, v6  }
0xee: {  	[tilespmem:s14+$0x5040] =	vst v3;
	v2 =	vmax.f32 v2, $0.0e+00;
	v0 =	vadd.f32 v0, v10  }
0xef: {  	[tilespmem:s14+$0x5050] =	vst v2;
	v1 =	vmax.f32 v1, $0.0e+00  }
0xf0: {  	[tilespmem:s14+$0x5060] =	vst v1;
	v0 =	vmax.f32 v0, $0.0e+00  }
0xf1: {  	[tilespmem:s14+$0x5070] =	vst v0  }
0xf2: {  	[spmem:s2] =	stream.indirect.scatter.add.f32 [tilespmem:s26], [sflag:$0x3], $0x80, s10, s25, $0xb8;
	[tilespmem:$0x1D000] =	vst v63  }
0xf3: {  	_ =	swait.ge [sflag:s4], $0x2000  }
0xf4: {  	[sflag:s4] =	ssyncset.done $0x0  }
0xf5: {  	[sflag:s4] =	ssyncadd.s32 $0xFFFFE000  }
0xf6: {  	_ =	swait.ge [sflag:s4], $0x2000  }
0xf7: {  	[sflag:s4] =	ssyncset.done $0x0  }
0xf8: {  	s14 =	simm.s32 $0x0;
	[sflag:s4] =	ssyncadd.s32 $0xFFFFE000  }
0xf9: {  	v6 =	vld [tilespmem:s14+$0x3000]  }
0xfa: {  	v11 =	vld [tilespmem:s14+$0x3010]  }
0xfb: {  	v5 =	vld [tilespmem:s14+$0x3020]  }
0xfc: {  	v4 =	vld [tilespmem:s14+$0x3030]  }
0xfd: {  	v3 =	vld [tilespmem:s14+$0x3040]  }
0xfe: {  	v2 =	vld [tilespmem:s14+$0x3050]  }
0xff: {  	v1 =	vld [tilespmem:s14+$0x3060]  }
0x100: {  	v0 =	vld [tilespmem:s14+$0x3070]  }
0x101: {  	v12 =	vld [tilespmem:s14+$0x7000]  }
0x102: {  	v13 =	vld [tilespmem:s14+$0x7010]  }
0x103: {  	v10 =	vld [tilespmem:s14+$0x7020]  }
0x104: {  	v9 =	vld [tilespmem:s14+$0x7030]  }
0x105: {  	v8 =	vld [tilespmem:s14+$0x7040]  }
0x106: {  	v7 =	vld [tilespmem:s14+$0x7050];
	v12 =	vadd.f32 v6, v12  }
0x107: {  	s15 =	simm.s32 $0x200;
	v11 =	vadd.f32 v11, v13;
	v6 =	vld [tilespmem:s14+$0x7060]  }
.LBB2_11:
0x108: {  	s16 =	sshra.s32 s15, $0x2;
	p0 =	sne.s32 s15, $0x7E00;
	v12 =	vmax.f32 v12, $0.0e+00;
	v5 =	vadd.f32 v5, v10;
	v10 =	vld [tilespmem:s14+$0x7070]  }
0x109: {  	v13 =	vld [tilespmem:s16+$0x3000];
	[tilespmem:s14+$0x7000] =	vst v12;
	v11 =	vmax.f32 v11, $0.0e+00;
	v4 =	vadd.f32 v4, v9  }
0x10a: {  	v14 =	vld [tilespmem:s16+$0x3010];
	[tilespmem:s14+$0x7010] =	vst v11;
	v9 =	vmax.f32 v5, $0.0e+00;
	v3 =	vadd.f32 v3, v8  }
0x10b: {  	v5 =	vld [tilespmem:s16+$0x3020];
	[tilespmem:s14+$0x7020] =	vst v9;
	v8 =	vmax.f32 v4, $0.0e+00;
	v2 =	vadd.f32 v2, v7  }
0x10c: {  	v4 =	vld [tilespmem:s16+$0x3030];
	[tilespmem:s14+$0x7030] =	vst v8;
	v7 =	vmax.f32 v3, $0.0e+00;
	v1 =	vadd.f32 v1, v6  }
0x10d: {  	v3 =	vld [tilespmem:s16+$0x3040];
	[tilespmem:s14+$0x7040] =	vst v7;
	v6 =	vmax.f32 v2, $0.0e+00;
	v0 =	vadd.f32 v0, v10  }
0x10e: {  	v2 =	vld [tilespmem:s16+$0x3050];
	[tilespmem:s14+$0x7050] =	vst v6;
	v6 =	vmax.f32 v1, $0.0e+00  }
0x10f: {  	v1 =	vld [tilespmem:s16+$0x3060];
	[tilespmem:s14+$0x7060] =	vst v6;
	v6 =	vmax.f32 v0, $0.0e+00  }
0x110: {  	v0 =	vld [tilespmem:s16+$0x3070];
	[tilespmem:s14+$0x7070] =	vst v6;
	s14 =	smov.u32 s16  }
0x111: {  	v6 =	vld [tilespmem:s14+$0x7000]  }
0x112: {  	v11 =	vld [tilespmem:s14+$0x7010]  }
.Ltmp4:
0x113: {  	v10 =	vld [tilespmem:s14+$0x7020];
	(pc) =	sbr.rel @p0 .LBB2_11-.Ltmp4, $4  }
0x114: {  	v9 =	vld [tilespmem:s14+$0x7030]  }
0x115: {  	v8 =	vld [tilespmem:s14+$0x7040]  }
0x116: {  	v12 =	vadd.f32 v13, v6;
	v7 =	vld [tilespmem:s14+$0x7050]  }
0x117: {  	s15 =	sadd.s32 $0x200, s15;
	v11 =	vadd.f32 v14, v11;
	v6 =	vld [tilespmem:s14+$0x7060]  }
0x118: {  	v12 =	vmax.f32 v12, $0.0e+00;
	v5 =	vadd.f32 v5, v10;
	v63 =	vld [tilespmem:s14+$0x7070]  }
0x119: {  	[tilespmem:s14+$0x7000] =	vst v12;
	v11 =	vmax.f32 v11, $0.0e+00;
	v4 =	vadd.f32 v4, v9  }
0x11a: {  	[tilespmem:s14+$0x7010] =	vst v11;
	v5 =	vmax.f32 v5, $0.0e+00;
	v3 =	vadd.f32 v3, v8  }
0x11b: {  	[tilespmem:s14+$0x7020] =	vst v5;
	v4 =	vmax.f32 v4, $0.0e+00;
	v2 =	vadd.f32 v2, v7  }
0x11c: {  	[tilespmem:s14+$0x7030] =	vst v4;
	v3 =	vmax.f32 v3, $0.0e+00;
	v1 =	vadd.f32 v1, v6  }
0x11d: {  	[tilespmem:s14+$0x7040] =	vst v3;
	v2 =	vmax.f32 v2, $0.0e+00;
	v0 =	vadd.f32 v0, v63  }
0x11e: {  	[tilespmem:s14+$0x7050] =	vst v2;
	v1 =	vmax.f32 v1, $0.0e+00  }
0x11f: {  	[tilespmem:s14+$0x7060] =	vst v1;
	v0 =	vmax.f32 v0, $0.0e+00  }
0x120: {  	s13 =	sadd.s32 $0x1, s13;
	[tilespmem:s14+$0x7070] =	vst v0  }
0x121: {  	[spmem:s2] =	stream.indirect.scatter.add.f32 [tilespmem:s31], [sflag:$0x4], $0x80, s11, s25, $0xb8;
	[tilespmem:$0x1D000] =	vst v63  }
0x122: {  	p0 =	sne.s32 s13, $0xA;
	_ =	swait.ge [sflag:s3], $0x2000  }
.Ltmp5:
0x123: {  	[sflag:s3] =	ssyncset.done $0x0;
	(pc) =	sbr.rel @p0 .LBB2_2-.Ltmp5, $4  }
0x124: {  	[sflag:s3] =	ssyncadd.s32 $0xFFFFE000  }
0x125: {  	_ =	swait.ge [sflag:s8], $0x2000  }
0x126: {  	[sflag:s8] =	ssyncset.done $0x0  }
0x127: {  	[sflag:s8] =	ssyncadd.s32 $0xFFFFE000  }
0x128: {  	s13 =	stileid.u32;
	[bflag:$0x0] =	sbarrier.arrive $0xFFFF;
	s12 =	sadd.s32 $0x1, s12  }
0x129: {  	s14 =	sshrl.u32 s9, $0x3;
	s13 =	sshll.u32 s13, $0x6;
	p0 =	sne.s32 s12, s21  }
.Ltmp6:
0x12a: {  	s15 =	rddreg [dreg:$0xe];
	s13 =	sor.u32 $0x1C05, s13;
	(pc) =	sbr.rel @p0 .LBB2_1-.Ltmp6, $4  }
0x12b: {  	[hbm:s15], [sflag:s13] =	dma.local [spmem:s14], $0x2800  }
0x12c: {  	_ =	swait.ge [sflag:s23], $0x2800  }
0x12d: {  	[sflag:s23] =	ssyncset.done $0x0  }
0x12e: {  	[sflag:s23] =	ssyncadd.s32 $0xFFFFD800  }
0x12f: {  	_ =	sfence.sel $0x180000  }
0x130: {  	[bflag:$0x0] =	sbarrier.arrive $0xFFFF  }
0x131: {  	_ =	strace $0x9000004A  }
0x132: {  	s0 =	stileid.u32;
	[bflag:$0x2] =	sbarrier.arrive $0xFFFF  }
0x133: {  	p0 =	sne.s32 s0, $0x0;
	s0 =	rddreg [dreg:$0x3]  }
0x134: {  	s0 =	sadd.s32 @!p0 $0x100000, s0  }
0x135: {  	[sflag:s0] =	ssyncadd.tile.s32 @!p0 $0x1;
	_ =	shalt  }
.Lfunc_end2:
_tile_overlayer_lowered:
.L_overlay_start_2:
0x136: {  	(tag) =	ssettag $0x2  }
0x137: {  	s0 =	rddreg [dreg:$0x0];
	s2 =	stileid.u32  }
0x138: {  	s1 =	rddreg [dreg:$0x1];
	p0 =	sne.s32 s2, $0x0  }
0x139: {  	s3 =	rddreg [dreg:$0x2];
	[bflag:$0x3] =	sbarrier.arrive $0xFFFF;
	s2 =	simm.s32 @!p0 $0x1C05  }
0x13a: {  	[timem:s3], [sflag:s2] =	dma.local @!p0 [hbm:s0], s1  }
0x13b: {  	s0 =	simm.s32 @!p0 $0x5  }
0x13c: {  	_ =	swait.ge @!p0 [sflag:s0], s1  }
0x13d: {  	s1 =	ssub.s32 @!p0 $0x0, s1;
	[sflag:s0] =	ssyncset.done @!p0 $0x0  }
0x13e: {  	[sflag:s0] =	ssyncadd.s32 @!p0 s1  }
0x13f: {  	[bflag:$0x3] =	sbarrier.arrive $0xFFFF  }
0x140: {  	_ =	shalt  }

// kernel: kernel.7.cloned.1.call-start
scs
__scs_entry_jumppad:
0x0: {  	(pc) =	sbr.rel $0x88, $3  }
0x1: {  	(tag) =	ssettag $0x0;
	lr =	simm.s32 $0x1  }
0x2: {  	[smem:$0x3F99] =	sst lr;
	_ =	strace $0xD0000000  }
0x3: {  	_ = 	snop  }
0x4: {  	_ = 	snop  }
0x5: {  	_ = 	snop  }
0x6: {  	_ = 	snop  }
0x7: {  	_ = 	snop  }
__scs_overlays_trampoline_lowered:
0x8: {  	[smem:$0x3FA8] =	sst s0  }
0x9: {  	[smem:$0x3FA9] =	sst s1  }
0xa: {  	[smem:$0x3FAA] =	sst s2  }
0xb: {  	[smem:$0x3FAB] =	sst s3  }
0xc: {  	[smem:$0x3FAC] =	sst s4  }
0xd: {  	[smem:$0x3FAD] =	sst s5  }
0xe: {  	[smem:$0x3FAE] =	sst s6  }
0xf: {  	[smem:$0x3FAF] =	sst s7  }
0x10: {  	[smem:$0x3FB0] =	sst s8  }
0x11: {  	[smem:$0x3FB1] =	sst s9;
	s0 =	simm.s32 @!p0 $0x0  }
0x12: {  	s1 =	sld [smem:$0x3F97];
	s0 =	simm.s32 @p0 $0x1  }
0x13: {  	[smem:$0x3FB2] =	sst s0;
	s0 =	simm.s32 @!p1 $0x0  }
0x14: {  	s2 =	sld [smem:$0x3F96];
	s0 =	simm.s32 @p1 $0x1  }
0x15: {  	[smem:$0x3FB3] =	sst s0;
	s0 =	simm.s32 @!p2 $0x0  }
0x16: {  	s3 =	sld [smem:$0x3FDB];
	s0 =	simm.s32 @p2 $0x1  }
0x17: {  	s4 =	simm.s32 $0x1BF5;
	[smem:$0x3FB5] =	sst s0  }
0x18: {  	s0 =	sld [smem:$0x3F98];
	_ =	swait.ge [sflag:s4], $0x0  }
0x19: {  	s7 =	sld [smem:$0x3F99]  }
0x1a: {  	s8 =	sadd.s32 $0xFFFFE003, lr  }
0x1b: {  	s9 =	sadd.s32 $0xFFFFFEF7, lr;
	s5 =	simm.s32 $0xFFFFFFFF;
	p2 =	slt.u32 s8, $0xFFFFF086  }
0x1c: {  	p1 =	slt.u32 s9, $0xF7A;
	s5 =	simm.s32 @!p2 $0x0  }
0x1d: {  	s5 =	simm.s32 @p1 $0x1;
	p0 =	seq.s32 s7, s2  }
0x1e: {  	s7 =	smul.u32 @!p0 $0xF7A, s2;
	p2 =	seq.s32 @!p0 s5, $0x0  }
0x1f: {  	s9 =	smul.u32 $0xF7A, s1;
	s8 =	simm.s32 @!p0 $0x1BF5;
	p2 =	por !p2, p0  }
0x20: {  	[sflag:s8] =	ssyncset.s32 @!p0 $0xFFFFF086;
	s6 =	sadd.s32 @!p0 s3, s7;
	s7 =	simm.s32 @!p0 $0x108  }
0x21: {  	s3 =	sadd.s32 s3, s9;
	s6 =	sadd.s32 @!p0 $0x88, s6;
	s7 =	simm.s32 @p2 $0x1082  }
0x22: {  	[simem:s7], [sflag:s8] =	dma.local @!p0 [hbm:s6], $0xF7A  }
0x23: {  	s9 =	sor.u32 $0xD0000000, s2;
	s6 =	simm.s32 $0x108;
	_ =	swait.ge @!p0 [sflag:s8], $0x0  }
0x24: {  	s3 =	sadd.s32 $0x88, s3;
	s6 =	simm.s32 @!p1 $0x1082;
	[sflag:s4] =	ssyncset.s32 $0xFFFFF086  }
0x25: {  	[simem:s6], [sflag:s4] =	dma.local [hbm:s3], $0xF7A  }
0x26: {  	[smem:$0x3F99] =	sst s1;
	(tag) =	ssettag s2;
	_ =	strace s9  }
0x27: {  	s1 =	sld [smem:$0x3FA9]  }
0x28: {  	s2 =	sld [smem:$0x3FAA]  }
0x29: {  	s4 =	sld [smem:$0x3FAC]  }
0x2a: {  	p0 =	seq.s32 s5, $0x0;
	s5 =	sld [smem:$0x3FAD]  }
0x2b: {  	s6 =	sld [smem:$0x3FAE]  }
0x2c: {  	s7 =	sld [smem:$0x3FAF]  }
0x2d: {  	s3 =	simm.s32 $0x108;
	s8 =	sld [smem:$0x3FB0]  }
0x2e: {  	s3 =	simm.s32 @!p0 $0x1082;
	s9 =	sld [smem:$0x3FB1]  }
0x2f: {  	lr =	sadd.s32 s0, s3;
	s0 =	sld [smem:$0x3FA8]  }
0x30: {  	s3 =	sld [smem:$0x3FAB]  }
0x31: {  	[smem:$0x3FB4] =	sst s10  }
0x32: {  	s10 =	sld [smem:$0x3FB2];
	_ =	sdelay $0x3  }
0x33: {  	p0 =	seq.s32 s10, $0x1;
	s10 =	sld [smem:$0x3FB4];
	_ =	sdelay $0x3  }
0x34: {  	[smem:$0x3FB4] =	sst s10  }
0x35: {  	s10 =	sld [smem:$0x3FB3];
	_ =	sdelay $0x3  }
0x36: {  	p1 =	seq.s32 s10, $0x1;
	s10 =	sld [smem:$0x3FB4];
	_ =	sdelay $0x3  }
0x37: {  	[smem:$0x3FB4] =	sst s10  }
0x38: {  	s10 =	sld [smem:$0x3FB5]  }
0x39: {  	_ = 	snop;
	(pc) =	sbr.ind lr, $3  }
0x3a: {  	_ = 	snop  }
0x3b: {  	_ = 	snop  }
0x3c: {  	p2 =	seq.s32 s10, $0x1;
	s10 =	sld [smem:$0x3FB4]  }
0x3d: {  	_ =	shalt  }
0x3e: {  	_ =	shalt  }
0x3f: {  	_ =	shalt  }
0x40: {  	_ =	shalt  }
0x41: {  	_ =	shalt  }
0x42: {  	_ =	shalt  }
0x43: {  	_ =	shalt  }
0x44: {  	_ =	shalt  }
0x45: {  	_ =	shalt  }
0x46: {  	_ =	shalt  }
0x47: {  	_ =	shalt  }
0x48: {  	_ =	shalt  }
0x49: {  	_ =	shalt  }
0x4a: {  	_ =	shalt  }
0x4b: {  	_ =	shalt  }
0x4c: {  	_ =	shalt  }
0x4d: {  	_ =	shalt  }
0x4e: {  	_ =	shalt  }
0x4f: {  	_ =	shalt  }
0x50: {  	_ =	shalt  }
0x51: {  	_ =	shalt  }
0x52: {  	_ =	shalt  }
0x53: {  	_ =	shalt  }
0x54: {  	_ =	shalt  }
0x55: {  	_ =	shalt  }
0x56: {  	_ =	shalt  }
0x57: {  	_ =	shalt  }
0x58: {  	_ =	shalt  }
0x59: {  	_ =	shalt  }
0x5a: {  	_ =	shalt  }
0x5b: {  	_ =	shalt  }
0x5c: {  	_ =	shalt  }
0x5d: {  	_ =	shalt  }
0x5e: {  	_ =	shalt  }
0x5f: {  	_ =	shalt  }
0x60: {  	_ =	shalt  }
0x61: {  	_ =	shalt  }
0x62: {  	_ =	shalt  }
0x63: {  	_ =	shalt  }
0x64: {  	_ =	shalt  }
0x65: {  	_ =	shalt  }
0x66: {  	_ =	shalt  }
0x67: {  	_ =	shalt  }
0x68: {  	_ =	shalt  }
0x69: {  	_ =	shalt  }
0x6a: {  	_ =	shalt  }
0x6b: {  	_ =	shalt  }
0x6c: {  	_ =	shalt  }
0x6d: {  	_ =	shalt  }
0x6e: {  	_ =	shalt  }
0x6f: {  	_ =	shalt  }
0x70: {  	_ =	shalt  }
0x71: {  	_ =	shalt  }
0x72: {  	_ =	shalt  }
0x73: {  	_ =	shalt  }
0x74: {  	_ =	shalt  }
0x75: {  	_ =	shalt  }
0x76: {  	_ =	shalt  }
0x77: {  	_ =	shalt  }
0x78: {  	_ =	shalt  }
0x79: {  	_ =	shalt  }
0x7a: {  	_ =	shalt  }
0x7b: {  	_ =	shalt  }
0x7c: {  	_ =	shalt  }
0x7d: {  	_ =	shalt  }
0x7e: {  	_ =	shalt  }
0x7f: {  	_ =	shalt  }
0x80: {  	_ =	shalt  }
0x81: {  	_ =	shalt  }
0x82: {  	_ =	shalt  }
0x83: {  	_ =	shalt  }
0x84: {  	_ =	shalt  }
0x85: {  	_ =	shalt  }
0x86: {  	_ =	shalt  }
0x87: {  	_ =	shalt  }
.Lfunc_end0:
.L_simem_size_0:
called_computation_lowered:
.L_overlay_start_0:
0x88: {  	s2 =	sld [smem:$0x3FD9]  }
0x89: {  	s3 =	sld [smem:$0x3FFE];
	_ =	sdelay $0x1  }
0x8a: {  	s1 =	srdreg.scid  }
0x8b: {  	s0 =	sand.u32 $0x1, s1  }
0x8c: {  	s17 =	sshll.u32 s0, $0xA;
	s2 =	sadd.s32 s3, s2  }
0x8d: {  	s2 =	sadd.s32 s2, s17  }
0x8e: {  	[smem:$0x3FC0] =	sst s2  }
0x8f: {  	_ = 	snop  }
0x90: {  	s2 =	sld [smem:$0x3FC9];
	(tm) =	ssettm $0x1  }
0x91: {  	s18 =	sld [smem:$0x3FFB];
	_ =	sdelay $0x3  }
0x92: {  	_ =	strace s18  }
0x93: {  	s3 =	sld [smem:$0x3FFC];
	_ =	sdelay $0x3  }
0x94: {  	_ =	strace s3  }
0x95: {  	s3 =	sld [smem:$0x3FFD];
	_ =	sdelay $0x3  }
0x96: {  	_ =	strace s3  }
0x97: {  	_ =	strace $0x8FFFFFFF  }
0x98: {  	s19 =	sld [smem:$0x3FDB];
	_ =	sdelay $0x1  }
0x99: {  	s4 =	simm.s32 $_scs_section_size  }
0x9a: {  	s5 =	simm.s32 $_size__tile_overlayer_lowered;
	s6 =	simm.s32 $_tile_overlayer_lowered  }
0x9b: {  	s22 =	simm.s32 $0x1BFF;
	s21 =	sshll.u32 s6, $0x1;
	s3 =	sadd.s32 s4, s19  }
0x9c: {  	s7 =	simm.s32 $0x0;
	s20 =	sshll.u32 s5, $0x1;
	s5 =	sadd.s32 s21, s3  }
0x9d: {  	[timem:s7], [sflag:s22] =	dma.local [hbm:s5], s20  }
0x9e: {  	_ =	swait.ge [sflag:s22], s20  }
0x9f: {  	s4 =	ssub.s32 $0x0, s20;
	[sflag:s22] =	ssyncset.done $0x0  }
0xa0: {  	[sflag:s22] =	ssyncadd.s32 s4;
	_ =	sdelay $0x1  }
0xa1: {  	s23 =	simm.s32 $0x1B8B  }
0xa2: {  	_ =	swait.ge [sflag:s23], $0x1  }
0xa3: {  	[sflag:s23] =	ssyncset.done $0x0  }
0xa4: {  	s25 =	simm.s32 $0x1B8E;
	s24 =	sld [smem:$0x3FFE];
	[sflag:s23] =	ssyncadd.s32 $0xFFFFFFFF  }
0xa5: {  	s26 =	simm.s32 $execute0_lowered;
	[smem:$0x3FD2] =	sst s25  }
0xa6: {  	s5 =	sshll.u32 s26, $0x1;
	_ =	strace $0x80000046;
	[dreg:$0x1] =	wrdreg $0xFFFFFFFF  }
0xa7: {  	s28 =	simm.s32 $_size_execute0_lowered;
	s3 =	sadd.s32 s3, s5;
	[dreg:$0x0] =	wrdreg $0x0  }
0xa8: {  	s5 =	sshll.u32 s28, $0x1;
	[dreg:$0x2] =	wrdreg s3  }
0xa9: {  	[dreg:$0x3] =	wrdreg s5  }
0xaa: {  	[dreg:$0x4] =	wrdreg $0xC0  }
0xab: {  	_ =	task [dreg:s7], $0x5FFFF  }
0xac: {  	[dreg:$0x1] =	wrdreg $0xFFFFFFFF  }
0xad: {  	[dreg:$0x0] =	wrdreg $0x60  }
0xae: {  	[dreg:$0x2] =	wrdreg s24  }
0xaf: {  	[dreg:$0x3] =	wrdreg s2  }
0xb0: {  	[dreg:$0x4] =	wrdreg $0x88000  }
0xb1: {  	[dreg:$0x5] =	wrdreg $0x9  }
0xb2: {  	_ =	task.clear_ibuf [dreg:s7], $0x6FFFF;
	_ =	strace $0x90000046  }
0xb3: {  	s29 =	simm.s32 $0x9;
	_ =	strace $0x80000048  }
0xb4: {  	_ =	swait.ge [sflag:s29], $0x1  }
0xb5: {  	[sflag:s29] =	ssyncadd.s32 $0xFFFFFFFF  }
0xb6: {  	_ =	strace $0x90000048  }
0xb7: {  	_ =	sfence  }
0xb8: {  	s30 =	sld [smem:$0x0];
	_ =	sdelay $0x2  }
0xb9: {  	s31 =	sshll.u32 s1, $0xD;
	s1 =	sshrl.u32 s1, $0x2  }
0xba: {  	s3 =	sand.u32 $0x4000, s31;
	s1 =	sadd.s32 s1, s30  }
0xbb: {  	s0 =	sor.u32 s3, s0;
	s1 =	sshll.u32 s1, $0x11  }
0xbc: {  	s0 =	sor.u32 s1, s0  }
0xbd: {  	s0 =	sadd.s32 $0x8F2B, s0  }
0xbe: {  	[sflag:s0] =	ssyncadd.remote.s32 $0x1  }
0xbf: {  	_ =	sfence.sel $0xFFFF  }
0xc0: {  	[dreg:$0x0] =	wrdreg $0xFFFFFFFF;
	(pc) =	sbr.abs _section_cstart, $3  }
0xc1: {  	[dreg:$0x1] =	wrdreg $0xFFFFFFFF  }
0xc2: {  	_ =	task.clear_ibuf [dreg:s7], $0x2FFFF;
	_ =	strace $0x9FFFFFFF  }
0xc3: {  	(tm) =	ssettm $0x7FFFFFFF  }
tec
execute0_lowered:
.L_overlay_start_1:
0x0: {  	(tag) =	ssettag $0x1  }
0x1: {  	s0 =	rddreg [dreg:$0x0]  }
0x2: {  	s2 =	rddreg [dreg:$0x1]  }
0x3: {  	s3 =	rddreg [dreg:$0x2];
	s8 =	stileid.u32  }
0x4: {  	s4 =	simm.s32 $0x0;
	s1 =	srdreg.scid;
	s14 =	simm.s32 $0x800  }
0x5: {  	s15 =	simm.s32 $0x5;
	s16 =	simm.s32 $0x400;
	s28 =	simm.s32 $0x580  }
0x6: {  	s29 =	simm.s32 $0x200;
	s30 =	simm.s32 $0x280;
	s5 =	smul.u32 $0x50, s8  }
0x7: {  	s31 =	simm.s32 $0x600;
	[smem:$0x7FF] =	sst s4;
	s17 =	smul.u32 $0x14000, s8  }
0x8: {  	s1 =	sand.u32 $0x1, s1;
	s8 =	smul.u32 $0x50000, s8;
	s18 =	sadd.s32 $0x16200, s0  }
0x9: {  	p0 =	seq.s32 s1, $0x0;
	s7 =	smul.u32 $0x140000, s1;
	_ =	strace $0x80000047  }
0xa: {  	[dreg:$0x5] =	wrdreg s18;
	s1 =	ssub.s32 $0x2, s1;
	s18 =	simm.s32 $0x4800  }
0xb: {  	s6 =	sadd.s32 $0x500, s5;
	s19 =	sshrl.u32 s8, $0x2;
	s20 =	sshrl.u32 s1, $0x1  }
0xc: {  	s8 =	simm.s32 $0x780;
	s6 =	smov.u32 @p0 s5;
	s5 =	sadd.s32 s17, s7  }
0xd: {  	s10 =	sadd.s32 s19, s3;
	s1 =	ssub.s32 s1, s20;
	s17 =	simm.s32 $0x80  }
0xe: {  	s19 =	simm.s32 $0x1;
	s20 =	simm.s32 $0x2;
	s7 =	simm.s32 $0x700  }
0xf: {  	s6 =	sshll.u32 s6, $0x4;
	s21 =	sadd.s32 $0x4000, s10;
	[dreg:$0x6] =	wrdreg s10  }
0x10: {  	s5 =	sshrl.u32 s5, $0x3;
	s22 =	sadd.s32 $0x8000, s10;
	[dreg:$0x7] =	wrdreg s21  }
0x11: {  	s23 =	sadd.s32 $0xC000, s10;
	s24 =	sadd.s32 $0x10000, s10;
	[dreg:$0x8] =	wrdreg s22  }
0x12: {  	s26 =	smax.u32 s1, $0x1;
	s1 =	simm.s32 $0x300;
	[dreg:$0x9] =	wrdreg s23  }
0x13: {  	s9 =	sadd.s32 s6, s0;
	s0 =	sadd.s32 s5, s0;
	[dreg:$0xa] =	wrdreg s24  }
0x14: {  	[dreg:$0xc] =	wrdreg s26;
	s21 =	simm.s32 $0x480;
	s22 =	simm.s32 $0x3  }
0x15: {  	s23 =	simm.s32 $0x100;
	s24 =	simm.s32 $0x4;
	s26 =	simm.s32 $0x500  }
0x16: {  	s5 =	simm.s32 $0x380;
	s25 =	sadd.s32 $0xC200, s9;
	s0 =	sadd.s32 $0x16A00, s0  }
0x17: {  	s13 =	sadd.s32 $0x2200, s9;
	s9 =	simm.s32 $0x0;
	[dreg:$0xb] =	wrdreg s0  }
0x18: {  	[dreg:$0x4] =	wrdreg s25;
	s25 =	simm.s32 $0x180;
	s0 =	simm.s32 $0x680  }
.LBB2_1:
0x19: {  	[dreg:$0xd] =	wrdreg s9  }
0x1a: {  	s6 =	rddreg [dreg:$0x5]  }
0x1b: {  	[tilespmem:s14], [sflag:$0x5] =	stream.linear.gather [hbm4b:s6+s4], $0x4000, $0x38;
	[tilespmem:$0x1C800] =	vst v63  }
0x1c: {  	_ =	swait.ge [sflag:s15], $0x4000  }
0x1d: {  	[sflag:s15] =	ssyncset.done $0x0  }
0x1e: {  	[sflag:s15] =	ssyncadd.s32 $0xFFFFC000  }
0x1f: {  	[spmem:s10] =	stream.linear.scatter [tilespmem:s14], [sflag:$0x5], $0x4000, $0x38;
	[tilespmem:$0x1C800] =	vst v63  }
0x20: {  	_ =	swait.ge [sflag:s15], $0x4000  }
0x21: {  	[sflag:s15] =	ssyncset.done $0x0  }
0x22: {  	s11 =	rddreg [dreg:$0x7];
	[sflag:s15] =	ssyncadd.s32 $0xFFFFC000  }
0x23: {  	[spmem:s11] =	stream.linear.scatter [tilespmem:s14], [sflag:$0x5], $0x4000, $0x38;
	[tilespmem:$0x1C800] =	vst v63  }
0x24: {  	_ =	swait.ge [sflag:s15], $0x4000  }
0x25: {  	[sflag:s15] =	ssyncset.done $0x0  }
0x26: {  	s12 =	rddreg [dreg:$0x8];
	[sflag:s15] =	ssyncadd.s32 $0xFFFFC000  }
0x27: {  	[spmem:s12] =	stream.linear.scatter [tilespmem:s14], [sflag:$0x5], $0x4000, $0x38;
	[tilespmem:$0x1C800] =	vst v63  }
0x28: {  	_ =	swait.ge [sflag:s15], $0x4000  }
0x29: {  	[sflag:s15] =	ssyncset.done $0x0  }
0x2a: {  	s9 =	rddreg [dreg:$0x9];
	[sflag:s15] =	ssyncadd.s32 $0xFFFFC000  }
0x2b: {  	[spmem:s9] =	stream.linear.scatter [tilespmem:s14], [sflag:$0x5], $0x4000, $0x38;
	[tilespmem:$0x1C800] =	vst v63  }
0x2c: {  	_ =	swait.ge [sflag:s15], $0x4000  }
0x2d: {  	[sflag:s15] =	ssyncset.done $0x0  }
0x2e: {  	s10 =	rddreg [dreg:$0xa];
	[sflag:s15] =	ssyncadd.s32 $0xFFFFC000  }
0x2f: {  	[spmem:s10] =	stream.linear.scatter [tilespmem:s14], [sflag:$0x5], $0x4000, $0x38;
	[tilespmem:$0x1C800] =	vst v63  }
0x30: {  	_ =	swait.ge [sflag:s15], $0x4000  }
0x31: {  	[sflag:s15] =	ssyncset.done $0x0  }
0x32: {  	[sflag:s15] =	ssyncadd.s32 $0xFFFFC000  }
0x33: {  	s11 =	sadd.s32 $0x0, s13;
	[bflag:$0x0] =	sbarrier.arrive $0xFFFF  }
0x34: {  	[tilespmem:s4], [sflag:$0x5] =	stream.linear.gather [hbm4b:s11+s4], $0x400, $0x38;
	[tilespmem:$0x1C800] =	vst v63  }
0x35: {  	_ =	swait.ge [sflag:s15], $0x400  }
0x36: {  	s12 =	rddreg [dreg:$0x4];
	[sflag:s15] =	ssyncset.done $0x0  }
0x37: {  	[sflag:s15] =	ssyncadd.s32 $0xFFFFFC00;
	s10 =	sadd.s32 $0x0, s12  }
0x38: {  	[tilespmem:s16], [sflag:$0x5] =	stream.linear.gather [hbm4b:s10+s4], $0x400, $0x38;
	[tilespmem:$0x1C800] =	vst v63  }
0x39: {  	_ =	swait.ge [sflag:s15], $0x400  }
0x3a: {  	[sflag:s15] =	ssyncset.done $0x0  }
0x3b: {  	[sflag:s15] =	ssyncadd.s32 $0xFFFFFC00  }
0x3c: {  	[tilespmem:s14], [sflag:$0x1] =	stream.indirect.gather [hbm4b:s2+s17], $0x80, s4, s17, $0xb8;
	[tilespmem:$0x1C800] =	vst v63  }
0x3d: {  	_ = 	snop  }
0x3e: {  	[tilespmem:s18], [sflag:$0x2] =	stream.indirect.gather [hbm4b:s2+s17], $0x80, s17, s17, $0xb8;
	[tilespmem:$0x1C800] =	vst v63  }
0x3f: {  	_ =	swait.ge [sflag:s19], $0x4000  }
0x40: {  	[sflag:s19] =	ssyncset.done $0x0  }
0x41: {  	[sflag:s19] =	ssyncadd.s32 $0xFFFFC000  }
0x42: {  	[spmem:s3] =	stream.indirect.scatter.add.f32 [tilespmem:s14], [sflag:$0x3], $0x80, s16, s17, $0xb8;
	[tilespmem:$0x1C800] =	vst v63  }
0x43: {  	_ =	swait.ge [sflag:s20], $0x4000  }
0x44: {  	[sflag:s20] =	ssyncset.done $0x0  }
0x45: {  	[sflag:s20] =	ssyncadd.s32 $0xFFFFC000  }
0x46: {  	[spmem:s3] =	stream.indirect.scatter.add.f32 [tilespmem:s18], [sflag:$0x4], $0x80, s21, s17, $0xb8;
	[tilespmem:$0x1C800] =	vst v63  }
0x47: {  	_ =	swait.ge [sflag:s22], $0x4000  }
0x48: {  	[sflag:s22] =	ssyncset.done $0x0  }
0x49: {  	[sflag:s22] =	ssyncadd.s32 $0xFFFFC000  }
0x4a: {  	[tilespmem:s14], [sflag:$0x1] =	stream.indirect.gather [hbm4b:s2+s17], $0x80, s23, s17, $0xb8;
	[tilespmem:$0x1C800] =	vst v63  }
0x4b: {  	_ =	swait.ge [sflag:s24], $0x4000  }
0x4c: {  	[sflag:s24] =	ssyncset.done $0x0  }
0x4d: {  	[sflag:s24] =	ssyncadd.s32 $0xFFFFC000  }
0x4e: {  	[tilespmem:s18], [sflag:$0x2] =	stream.indirect.gather [hbm4b:s2+s17], $0x80, s25, s17, $0xb8;
	[tilespmem:$0x1C800] =	vst v63  }
0x4f: {  	_ =	swait.ge [sflag:s19], $0x4000  }
0x50: {  	[sflag:s19] =	ssyncset.done $0x0  }
0x51: {  	[sflag:s19] =	ssyncadd.s32 $0xFFFFC000  }
0x52: {  	[spmem:s3] =	stream.indirect.scatter.add.f32 [tilespmem:s14], [sflag:$0x3], $0x80, s26, s17, $0xb8;
	[tilespmem:$0x1C800] =	vst v63  }
0x53: {  	_ =	swait.ge [sflag:s20], $0x4000  }
0x54: {  	[sflag:s20] =	ssyncset.done $0x0  }
0x55: {  	[sflag:s20] =	ssyncadd.s32 $0xFFFFC000  }
0x56: {  	[spmem:s3] =	stream.indirect.scatter.add.f32 [tilespmem:s18], [sflag:$0x4], $0x80, s28, s17, $0xb8;
	[tilespmem:$0x1C800] =	vst v63  }
0x57: {  	_ =	swait.ge [sflag:s22], $0x4000  }
0x58: {  	[sflag:s22] =	ssyncset.done $0x0  }
0x59: {  	[sflag:s22] =	ssyncadd.s32 $0xFFFFC000  }
0x5a: {  	[tilespmem:s14], [sflag:$0x1] =	stream.indirect.gather [hbm4b:s2+s17], $0x80, s29, s17, $0xb8;
	[tilespmem:$0x1C800] =	vst v63  }
0x5b: {  	_ =	swait.ge [sflag:s24], $0x4000  }
0x5c: {  	[sflag:s24] =	ssyncset.done $0x0  }
0x5d: {  	[sflag:s24] =	ssyncadd.s32 $0xFFFFC000  }
0x5e: {  	[tilespmem:s18], [sflag:$0x2] =	stream.indirect.gather [hbm4b:s2+s17], $0x80, s30, s17, $0xb8;
	[tilespmem:$0x1C800] =	vst v63  }
0x5f: {  	_ =	swait.ge [sflag:s19], $0x4000  }
0x60: {  	[sflag:s19] =	ssyncset.done $0x0  }
0x61: {  	[sflag:s19] =	ssyncadd.s32 $0xFFFFC000  }
0x62: {  	[spmem:s3] =	stream.indirect.scatter.add.f32 [tilespmem:s14], [sflag:$0x3], $0x80, s31, s17, $0xb8;
	[tilespmem:$0x1C800] =	vst v63  }
0x63: {  	_ =	swait.ge [sflag:s20], $0x4000  }
0x64: {  	[sflag:s20] =	ssyncset.done $0x0  }
0x65: {  	[sflag:s20] =	ssyncadd.s32 $0xFFFFC000  }
0x66: {  	[spmem:s3] =	stream.indirect.scatter.add.f32 [tilespmem:s18], [sflag:$0x4], $0x80, s0, s17, $0xb8;
	[tilespmem:$0x1C800] =	vst v63  }
0x67: {  	_ =	swait.ge [sflag:s22], $0x4000  }
0x68: {  	[sflag:s22] =	ssyncset.done $0x0  }
0x69: {  	[sflag:s22] =	ssyncadd.s32 $0xFFFFC000  }
0x6a: {  	[tilespmem:s14], [sflag:$0x1] =	stream.indirect.gather [hbm4b:s2+s17], $0x80, s1, s17, $0xb8;
	[tilespmem:$0x1C800] =	vst v63  }
0x6b: {  	_ =	swait.ge [sflag:s24], $0x4000  }
0x6c: {  	[sflag:s24] =	ssyncset.done $0x0  }
0x6d: {  	[sflag:s24] =	ssyncadd.s32 $0xFFFFC000  }
0x6e: {  	[tilespmem:s18], [sflag:$0x2] =	stream.indirect.gather [hbm4b:s2+s17], $0x80, s5, s17, $0xb8;
	[tilespmem:$0x1C800] =	vst v63  }
0x6f: {  	_ =	swait.ge [sflag:s19], $0x4000  }
0x70: {  	[sflag:s19] =	ssyncset.done $0x0  }
0x71: {  	[sflag:s19] =	ssyncadd.s32 $0xFFFFC000  }
0x72: {  	[spmem:s3] =	stream.indirect.scatter.add.f32 [tilespmem:s14], [sflag:$0x3], $0x80, s7, s17, $0xb8;
	[tilespmem:$0x1C800] =	vst v63  }
0x73: {  	_ =	swait.ge [sflag:s20], $0x4000  }
0x74: {  	[sflag:s20] =	ssyncset.done $0x0  }
0x75: {  	[sflag:s20] =	ssyncadd.s32 $0xFFFFC000  }
0x76: {  	[spmem:s3] =	stream.indirect.scatter.add.f32 [tilespmem:s18], [sflag:$0x4], $0x80, s8, s17, $0xb8;
	[tilespmem:$0x1C800] =	vst v63  }
0x77: {  	_ =	swait.ge [sflag:s22], $0x4000  }
0x78: {  	[sflag:s22] =	ssyncset.done $0x0  }
0x79: {  	[sflag:s22] =	ssyncadd.s32 $0xFFFFC000  }
0x7a: {  	_ =	swait.ge [sflag:s24], $0x4000  }
0x7b: {  	s11 =	simm.s32 $0x100;
	s10 =	simm.s32 $0x80;
	[sflag:s24] =	ssyncset.done $0x0  }
.LBB2_2:
0x7c: {  	s6 =	sadd.s32 s10, s13;
	[sflag:s24] =	ssyncadd.s32 $0xFFFFC000  }
0x7d: {  	[tilespmem:s4], [sflag:$0x5] =	stream.linear.gather [hbm4b:s6+s4], $0x400, $0x38;
	[tilespmem:$0x1C800] =	vst v63  }
0x7e: {  	s9 =	smov.u32 s11;
	s12 =	sadd.s32 $0x80, s11;
	_ =	swait.ge [sflag:s15], $0x400  }
0x7f: {  	p0 =	sne.s32 s11, $0x480;
	s11 =	rddreg [dreg:$0x4];
	[sflag:s15] =	ssyncset.done $0x0  }
0x80: {  	[sflag:s15] =	ssyncadd.s32 $0xFFFFFC00;
	s6 =	sadd.s32 s10, s11  }
0x81: {  	[tilespmem:s16], [sflag:$0x5] =	stream.linear.gather [hbm4b:s6+s4], $0x400, $0x38;
	[tilespmem:$0x1C800] =	vst v63  }
0x82: {  	_ =	swait.ge [sflag:s15], $0x400  }
0x83: {  	[sflag:s15] =	ssyncset.done $0x0  }
0x84: {  	[sflag:s15] =	ssyncadd.s32 $0xFFFFFC00  }
0x85: {  	[tilespmem:s14], [sflag:$0x1] =	stream.indirect.gather [hbm4b:s2+s17], $0x80, s4, s17, $0xb8;
	[tilespmem:$0x1C800] =	vst v63  }
0x86: {  	_ = 	snop  }
0x87: {  	[tilespmem:s18], [sflag:$0x2] =	stream.indirect.gather [hbm4b:s2+s17], $0x80, s17, s17, $0xb8;
	[tilespmem:$0x1C800] =	vst v63  }
0x88: {  	_ =	swait.ge [sflag:s19], $0x4000  }
0x89: {  	[sflag:s19] =	ssyncset.done $0x0  }
0x8a: {  	[sflag:s19] =	ssyncadd.s32 $0xFFFFC000  }
0x8b: {  	[spmem:s3] =	stream.indirect.scatter.add.f32 [tilespmem:s14], [sflag:$0x3], $0x80, s16, s17, $0xb8;
	[tilespmem:$0x1C800] =	vst v63  }
0x8c: {  	_ =	swait.ge [sflag:s20], $0x4000  }
0x8d: {  	[sflag:s20] =	ssyncset.done $0x0  }
0x8e: {  	[sflag:s20] =	ssyncadd.s32 $0xFFFFC000  }
0x8f: {  	[spmem:s3] =	stream.indirect.scatter.add.f32 [tilespmem:s18], [sflag:$0x4], $0x80, s21, s17, $0xb8;
	[tilespmem:$0x1C800] =	vst v63  }
0x90: {  	_ =	swait.ge [sflag:s22], $0x4000  }
0x91: {  	[sflag:s22] =	ssyncset.done $0x0  }
0x92: {  	[sflag:s22] =	ssyncadd.s32 $0xFFFFC000  }
0x93: {  	[tilespmem:s14], [sflag:$0x1] =	stream.indirect.gather [hbm4b:s2+s17], $0x80, s23, s17, $0xb8;
	[tilespmem:$0x1C800] =	vst v63  }
0x94: {  	_ =	swait.ge [sflag:s24], $0x4000  }
0x95: {  	[sflag:s24] =	ssyncset.done $0x0  }
0x96: {  	[sflag:s24] =	ssyncadd.s32 $0xFFFFC000  }
0x97: {  	[tilespmem:s18], [sflag:$0x2] =	stream.indirect.gather [hbm4b:s2+s17], $0x80, s25, s17, $0xb8;
	[tilespmem:$0x1C800] =	vst v63  }
0x98: {  	_ =	swait.ge [sflag:s19], $0x4000  }
0x99: {  	[sflag:s19] =	ssyncset.done $0x0  }
0x9a: {  	[sflag:s19] =	ssyncadd.s32 $0xFFFFC000  }
0x9b: {  	[spmem:s3] =	stream.indirect.scatter.add.f32 [tilespmem:s14], [sflag:$0x3], $0x80, s26, s17, $0xb8;
	[tilespmem:$0x1C800] =	vst v63  }
0x9c: {  	_ =	swait.ge [sflag:s20], $0x4000  }
0x9d: {  	[sflag:s20] =	ssyncset.done $0x0  }
0x9e: {  	[sflag:s20] =	ssyncadd.s32 $0xFFFFC000  }
0x9f: {  	[spmem:s3] =	stream.indirect.scatter.add.f32 [tilespmem:s18], [sflag:$0x4], $0x80, s28, s17, $0xb8;
	[tilespmem:$0x1C800] =	vst v63  }
0xa0: {  	_ =	swait.ge [sflag:s22], $0x4000  }
0xa1: {  	[sflag:s22] =	ssyncset.done $0x0  }
0xa2: {  	[sflag:s22] =	ssyncadd.s32 $0xFFFFC000  }
0xa3: {  	[tilespmem:s14], [sflag:$0x1] =	stream.indirect.gather [hbm4b:s2+s17], $0x80, s29, s17, $0xb8;
	[tilespmem:$0x1C800] =	vst v63  }
0xa4: {  	_ =	swait.ge [sflag:s24], $0x4000  }
0xa5: {  	[sflag:s24] =	ssyncset.done $0x0  }
0xa6: {  	[sflag:s24] =	ssyncadd.s32 $0xFFFFC000  }
0xa7: {  	[tilespmem:s18], [sflag:$0x2] =	stream.indirect.gather [hbm4b:s2+s17], $0x80, s30, s17, $0xb8;
	[tilespmem:$0x1C800] =	vst v63  }
0xa8: {  	_ =	swait.ge [sflag:s19], $0x4000  }
0xa9: {  	[sflag:s19] =	ssyncset.done $0x0  }
0xaa: {  	[sflag:s19] =	ssyncadd.s32 $0xFFFFC000  }
0xab: {  	[spmem:s3] =	stream.indirect.scatter.add.f32 [tilespmem:s14], [sflag:$0x3], $0x80, s31, s17, $0xb8;
	[tilespmem:$0x1C800] =	vst v63  }
0xac: {  	_ =	swait.ge [sflag:s20], $0x4000  }
0xad: {  	[sflag:s20] =	ssyncset.done $0x0  }
0xae: {  	[sflag:s20] =	ssyncadd.s32 $0xFFFFC000  }
0xaf: {  	[spmem:s3] =	stream.indirect.scatter.add.f32 [tilespmem:s18], [sflag:$0x4], $0x80, s0, s17, $0xb8;
	[tilespmem:$0x1C800] =	vst v63  }
0xb0: {  	_ =	swait.ge [sflag:s22], $0x4000  }
0xb1: {  	[sflag:s22] =	ssyncset.done $0x0  }
0xb2: {  	[sflag:s22] =	ssyncadd.s32 $0xFFFFC000  }
0xb3: {  	[tilespmem:s14], [sflag:$0x1] =	stream.indirect.gather [hbm4b:s2+s17], $0x80, s1, s17, $0xb8;
	[tilespmem:$0x1C800] =	vst v63  }
0xb4: {  	_ =	swait.ge [sflag:s24], $0x4000  }
0xb5: {  	[sflag:s24] =	ssyncset.done $0x0  }
0xb6: {  	[sflag:s24] =	ssyncadd.s32 $0xFFFFC000  }
0xb7: {  	[tilespmem:s18], [sflag:$0x2] =	stream.indirect.gather [hbm4b:s2+s17], $0x80, s5, s17, $0xb8;
	[tilespmem:$0x1C800] =	vst v63  }
0xb8: {  	_ =	swait.ge [sflag:s19], $0x4000  }
0xb9: {  	[sflag:s19] =	ssyncset.done $0x0  }
0xba: {  	[sflag:s19] =	ssyncadd.s32 $0xFFFFC000  }
0xbb: {  	[spmem:s3] =	stream.indirect.scatter.add.f32 [tilespmem:s14], [sflag:$0x3], $0x80, s7, s17, $0xb8;
	[tilespmem:$0x1C800] =	vst v63  }
0xbc: {  	_ =	swait.ge [sflag:s20], $0x4000  }
0xbd: {  	[sflag:s20] =	ssyncset.done $0x0  }
0xbe: {  	[sflag:s20] =	ssyncadd.s32 $0xFFFFC000  }
0xbf: {  	[spmem:s3] =	stream.indirect.scatter.add.f32 [tilespmem:s18], [sflag:$0x4], $0x80, s8, s17, $0xb8;
	[tilespmem:$0x1C800] =	vst v63  }
.Ltmp0:
0xc0: {  	_ =	swait.ge [sflag:s22], $0x4000;
	(pc) =	sbr.rel @p0 .LBB2_2-.Ltmp0, $4  }
0xc1: {  	[sflag:s22] =	ssyncset.done $0x0  }
0xc2: {  	[sflag:s22] =	ssyncadd.s32 $0xFFFFC000  }
0xc3: {  	_ =	swait.ge [sflag:s24], $0x4000  }
0xc4: {  	s10 =	smov.u32 s9;
	s11 =	smov.u32 s12;
	[sflag:s24] =	ssyncset.done $0x0  }
0xc5: {  	s6 =	sadd.s32 s10, s13;
	[sflag:s24] =	ssyncadd.s32 $0xFFFFC000  }
0xc6: {  	[tilespmem:s4], [sflag:$0x5] =	stream.linear.gather [hbm4b:s6+s4], $0x400, $0x38;
	[tilespmem:$0x1C800] =	vst v63  }
0xc7: {  	_ =	swait.ge [sflag:s15], $0x400  }
0xc8: {  	s9 =	rddreg [dreg:$0x4];
	[sflag:s15] =	ssyncset.done $0x0  }
0xc9: {  	[sflag:s15] =	ssyncadd.s32 $0xFFFFFC00;
	s6 =	sadd.s32 s10, s9  }
0xca: {  	[tilespmem:s16], [sflag:$0x5] =	stream.linear.gather [hbm4b:s6+s4], $0x400, $0x38;
	[tilespmem:$0x1C800] =	vst v63  }
0xcb: {  	_ =	swait.ge [sflag:s15], $0x400  }
0xcc: {  	[sflag:s15] =	ssyncset.done $0x0  }
0xcd: {  	[sflag:s15] =	ssyncadd.s32 $0xFFFFFC00  }
0xce: {  	[tilespmem:s14], [sflag:$0x1] =	stream.indirect.gather [hbm4b:s2+s17], $0x80, s4, s17, $0xb8;
	[tilespmem:$0x1C800] =	vst v63  }
0xcf: {  	_ = 	snop  }
0xd0: {  	[tilespmem:s18], [sflag:$0x2] =	stream.indirect.gather [hbm4b:s2+s17], $0x80, s17, s17, $0xb8;
	[tilespmem:$0x1C800] =	vst v63  }
0xd1: {  	_ =	swait.ge [sflag:s19], $0x4000  }
0xd2: {  	[sflag:s19] =	ssyncset.done $0x0  }
0xd3: {  	[sflag:s19] =	ssyncadd.s32 $0xFFFFC000  }
0xd4: {  	[spmem:s3] =	stream.indirect.scatter.add.f32 [tilespmem:s14], [sflag:$0x3], $0x80, s16, s17, $0xb8;
	[tilespmem:$0x1C800] =	vst v63  }
0xd5: {  	_ =	swait.ge [sflag:s20], $0x4000  }
0xd6: {  	[sflag:s20] =	ssyncset.done $0x0  }
0xd7: {  	[sflag:s20] =	ssyncadd.s32 $0xFFFFC000  }
0xd8: {  	[spmem:s3] =	stream.indirect.scatter.add.f32 [tilespmem:s18], [sflag:$0x4], $0x80, s21, s17, $0xb8;
	[tilespmem:$0x1C800] =	vst v63  }
0xd9: {  	_ =	swait.ge [sflag:s22], $0x4000  }
0xda: {  	[sflag:s22] =	ssyncset.done $0x0  }
0xdb: {  	[sflag:s22] =	ssyncadd.s32 $0xFFFFC000  }
0xdc: {  	[tilespmem:s14], [sflag:$0x1] =	stream.indirect.gather [hbm4b:s2+s17], $0x80, s23, s17, $0xb8;
	[tilespmem:$0x1C800] =	vst v63  }
0xdd: {  	_ =	swait.ge [sflag:s24], $0x4000  }
0xde: {  	[sflag:s24] =	ssyncset.done $0x0  }
0xdf: {  	[sflag:s24] =	ssyncadd.s32 $0xFFFFC000  }
0xe0: {  	[tilespmem:s18], [sflag:$0x2] =	stream.indirect.gather [hbm4b:s2+s17], $0x80, s25, s17, $0xb8;
	[tilespmem:$0x1C800] =	vst v63  }
0xe1: {  	_ =	swait.ge [sflag:s19], $0x4000  }
0xe2: {  	[sflag:s19] =	ssyncset.done $0x0  }
0xe3: {  	[sflag:s19] =	ssyncadd.s32 $0xFFFFC000  }
0xe4: {  	[spmem:s3] =	stream.indirect.scatter.add.f32 [tilespmem:s14], [sflag:$0x3], $0x80, s26, s17, $0xb8;
	[tilespmem:$0x1C800] =	vst v63  }
0xe5: {  	_ =	swait.ge [sflag:s20], $0x4000  }
0xe6: {  	[sflag:s20] =	ssyncset.done $0x0  }
0xe7: {  	[sflag:s20] =	ssyncadd.s32 $0xFFFFC000  }
0xe8: {  	[spmem:s3] =	stream.indirect.scatter.add.f32 [tilespmem:s18], [sflag:$0x4], $0x80, s28, s17, $0xb8;
	[tilespmem:$0x1C800] =	vst v63  }
0xe9: {  	_ =	swait.ge [sflag:s22], $0x4000  }
0xea: {  	[sflag:s22] =	ssyncset.done $0x0  }
0xeb: {  	[sflag:s22] =	ssyncadd.s32 $0xFFFFC000  }
0xec: {  	[tilespmem:s14], [sflag:$0x1] =	stream.indirect.gather [hbm4b:s2+s17], $0x80, s29, s17, $0xb8;
	[tilespmem:$0x1C800] =	vst v63  }
0xed: {  	_ =	swait.ge [sflag:s24], $0x4000  }
0xee: {  	[sflag:s24] =	ssyncset.done $0x0  }
0xef: {  	[sflag:s24] =	ssyncadd.s32 $0xFFFFC000  }
0xf0: {  	[tilespmem:s18], [sflag:$0x2] =	stream.indirect.gather [hbm4b:s2+s17], $0x80, s30, s17, $0xb8;
	[tilespmem:$0x1C800] =	vst v63  }
0xf1: {  	_ =	swait.ge [sflag:s19], $0x4000  }
0xf2: {  	[sflag:s19] =	ssyncset.done $0x0  }
0xf3: {  	[sflag:s19] =	ssyncadd.s32 $0xFFFFC000  }
0xf4: {  	[spmem:s3] =	stream.indirect.scatter.add.f32 [tilespmem:s14], [sflag:$0x3], $0x80, s31, s17, $0xb8;
	[tilespmem:$0x1C800] =	vst v63  }
0xf5: {  	_ =	swait.ge [sflag:s20], $0x4000  }
0xf6: {  	[sflag:s20] =	ssyncset.done $0x0  }
0xf7: {  	[sflag:s20] =	ssyncadd.s32 $0xFFFFC000  }
0xf8: {  	[spmem:s3] =	stream.indirect.scatter.add.f32 [tilespmem:s18], [sflag:$0x4], $0x80, s0, s17, $0xb8;
	[tilespmem:$0x1C800] =	vst v63  }
0xf9: {  	_ =	swait.ge [sflag:s22], $0x4000  }
0xfa: {  	[sflag:s22] =	ssyncset.done $0x0  }
0xfb: {  	[sflag:s22] =	ssyncadd.s32 $0xFFFFC000  }
0xfc: {  	[tilespmem:s14], [sflag:$0x1] =	stream.indirect.gather [hbm4b:s2+s17], $0x80, s1, s17, $0xb8;
	[tilespmem:$0x1C800] =	vst v63  }
0xfd: {  	_ =	swait.ge [sflag:s24], $0x4000  }
0xfe: {  	[sflag:s24] =	ssyncset.done $0x0  }
0xff: {  	[sflag:s24] =	ssyncadd.s32 $0xFFFFC000  }
0x100: {  	[tilespmem:s18], [sflag:$0x2] =	stream.indirect.gather [hbm4b:s2+s17], $0x80, s5, s17, $0xb8;
	[tilespmem:$0x1C800] =	vst v63  }
0x101: {  	_ =	swait.ge [sflag:s19], $0x4000  }
0x102: {  	[sflag:s19] =	ssyncset.done $0x0  }
0x103: {  	[sflag:s19] =	ssyncadd.s32 $0xFFFFC000  }
0x104: {  	[spmem:s3] =	stream.indirect.scatter.add.f32 [tilespmem:s14], [sflag:$0x3], $0x80, s7, s17, $0xb8;
	[tilespmem:$0x1C800] =	vst v63  }
0x105: {  	_ =	swait.ge [sflag:s20], $0x4000  }
0x106: {  	[sflag:s20] =	ssyncset.done $0x0  }
0x107: {  	[sflag:s20] =	ssyncadd.s32 $0xFFFFC000  }
0x108: {  	[spmem:s3] =	stream.indirect.scatter.add.f32 [tilespmem:s18], [sflag:$0x4], $0x80, s8, s17, $0xb8;
	[tilespmem:$0x1C800] =	vst v63  }
0x109: {  	_ =	swait.ge [sflag:s22], $0x4000  }
0x10a: {  	[sflag:s22] =	ssyncset.done $0x0  }
0x10b: {  	[sflag:s22] =	ssyncadd.s32 $0xFFFFC000  }
0x10c: {  	_ =	swait.ge [sflag:s24], $0x4000  }
0x10d: {  	[sflag:s24] =	ssyncset.done $0x0  }
0x10e: {  	[sflag:s24] =	ssyncadd.s32 $0xFFFFC000  }
0x10f: {  	s10 =	stileid.u32;
	[bflag:$0x0] =	sbarrier.arrive $0xFFFF  }
0x110: {  	s6 =	sshll.u32 s10, $0x6;
	s10 =	rddreg [dreg:$0x6]  }
0x111: {  	s6 =	sor.u32 $0x1C05, s6;
	s11 =	rddreg [dreg:$0xb];
	s9 =	sshrl.u32 s10, $0x3  }
0x112: {  	[hbm:s11], [sflag:s6] =	dma.local [spmem:s9], $0x2800  }
0x113: {  	_ =	swait.ge [sflag:s15], $0x2800  }
0x114: {  	s11 =	rddreg [dreg:$0xd]  }
0x115: {  	s12 =	rddreg [dreg:$0xc];
	s9 =	sadd.s32 $0x1, s11  }
0x116: {  	p0 =	sne.s32 s9, s12  }
.Ltmp1:
0x117: {  	_ = 	snop;
	(pc) =	sbr.rel @p0 .LBB2_1-.Ltmp1, $3  }
0x118: {  	_ =	sdelay $0x1  }
0x119: {  	[sflag:s15] =	ssyncset.done $0x0  }
0x11a: {  	[sflag:s15] =	ssyncadd.s32 $0xFFFFD800  }
0x11b: {  	_ =	sfence.sel $0x180000  }
0x11c: {  	[bflag:$0x0] =	sbarrier.arrive $0xFFFF  }
0x11d: {  	_ =	strace $0x90000047  }
0x11e: {  	s0 =	stileid.u32;
	[bflag:$0x2] =	sbarrier.arrive $0xFFFF  }
0x11f: {  	p0 =	sne.s32 s0, $0x0;
	s0 =	rddreg [dreg:$0x3]  }
0x120: {  	s0 =	sadd.s32 @!p0 $0x100000, s0  }
0x121: {  	[sflag:s0] =	ssyncadd.tile.s32 @!p0 $0x1;
	_ =	shalt  }
.Lfunc_end2:
_tile_overlayer_lowered:
.L_overlay_start_2:
0x122: {  	(tag) =	ssettag $0x2  }
0x123: {  	s0 =	rddreg [dreg:$0x0];
	s2 =	stileid.u32  }
0x124: {  	s1 =	rddreg [dreg:$0x1];
	p0 =	sne.s32 s2, $0x0  }
0x125: {  	s3 =	rddreg [dreg:$0x2];
	[bflag:$0x3] =	sbarrier.arrive $0xFFFF;
	s2 =	simm.s32 @!p0 $0x1C05  }
0x126: {  	[timem:s3], [sflag:s2] =	dma.local @!p0 [hbm:s0], s1  }
0x127: {  	s0 =	simm.s32 @!p0 $0x5  }
0x128: {  	_ =	swait.ge @!p0 [sflag:s0], s1  }
0x129: {  	s1 =	ssub.s32 @!p0 $0x0, s1;
	[sflag:s0] =	ssyncset.done @!p0 $0x0  }
0x12a: {  	[sflag:s0] =	ssyncadd.s32 @!p0 s1  }
0x12b: {  	[bflag:$0x3] =	sbarrier.arrive $0xFFFF  }
0x12c: {  	_ =	shalt  }

</sc_bundles>
